<compile_context>
chip_gen: v7x
topology: tpu7x:2x2x1
jax: 0.10.2.dev20260603
libtpu: 0.0.44.dev20260713+nightly
codegen_flags: <defaults>
</compile_context>

<pallas_src>
import dataclasses
import functools

import jax
import jax.numpy as jnp
from jax import lax
from jax.experimental import pallas as pl
from jax.experimental.pallas import tpu as pltpu
from jax.experimental.pallas import tpu_sc as plsc

N = 50000
M = 25000
C = 128
E = 400000
K = 27
G = 8
KN = K * N

BN = 400
BM = 1000
EW = 128
NWINP = 3136
EP = NWINP * EW
BW = 112
EB = BW * EW
EW2 = 64
NWIN2 = EP // EW2
TSUB = NWIN2 // 16
MH = 12800
AR = MH + 64
ASUB = AR // 16
OSUB = MH // 16
DW = 40
NDWIN = M // DW
NB = 2
NBE = 3
_EPS = 1e-5

_SC_MESH = dict(core_axis_name="c", subcore_axis_name="s")


def _sc_params():
    cp = pltpu.CompilerParams()
    return dataclasses.replace(cp, needs_layout_passes=False,
                               use_tc_tiling_on_sc=False)


def _gn_tc(h, gamma, beta, groups):
    n, c = h.shape
    cs = c // groups
    gi = lax.broadcasted_iota(jnp.int32, (c, groups), 0) // cs
    gj = lax.broadcasted_iota(jnp.int32, (c, groups), 1)
    Gm = (gi == gj).astype(jnp.float32)
    ti = lax.broadcasted_iota(jnp.int32, (groups, c), 0)
    tj = lax.broadcasted_iota(jnp.int32, (groups, c), 1) // cs
    GmT = (ti == tj).astype(jnp.float32)
    inv_cs = 1.0 / cs
    mu = jnp.dot(h, Gm, preferred_element_type=jnp.float32) * inv_cs
    ex2 = jnp.dot(h * h, Gm, preferred_element_type=jnp.float32) * inv_cs
    var = ex2 - mu * mu
    rstd = lax.rsqrt(var + _EPS)
    mub = jnp.dot(mu, GmT, preferred_element_type=jnp.float32)
    rstdb = jnp.dot(rstd, GmT, preferred_element_type=jnp.float32)
    return (h - mub) * rstdb * gamma + beta


def _stage_a_body(x_ref, w1_ref, g1_ref, b1_ref, w2_ref, xw_ref):
    h = jnp.dot(x_ref[...], w1_ref[...], preferred_element_type=jnp.float32)
    h = _gn_tc(h, g1_ref[...], b1_ref[...], G)
    h = jnp.where(h >= 0, h, 0.01 * h)
    for k in range(K):
        xw_ref[k] = jnp.dot(h, w2_ref[k], preferred_element_type=jnp.float32)


def _stage_a(x, W1, g1, b1, W2):
    return pl.pallas_call(
        _stage_a_body,
        grid=(N // BN,),
        in_specs=[
            pl.BlockSpec((BN, C), lambda i: (i, 0)),
            pl.BlockSpec((C, C), lambda i: (0, 0)),
            pl.BlockSpec((1, C), lambda i: (0, 0)),
            pl.BlockSpec((1, C), lambda i: (0, 0)),
            pl.BlockSpec((K, C, C), lambda i: (0, 0, 0)),
        ],
        out_specs=pl.BlockSpec((K, BN, C), lambda i: (0, i, 0)),
        out_shape=jax.ShapeDtypeStruct((K, N, C), jnp.float32),
    )(x, W1, g1.reshape(1, C), b1.reshape(1, C), W2)


def _tri_lanes(n):
    a = lax.broadcasted_iota(jnp.int32, (n, n), 0)
    b = lax.broadcasted_iota(jnp.int32, (n, n), 1)
    return (a < b).astype(jnp.float32)


def _tri_rows(n):
    a = lax.broadcasted_iota(jnp.int32, (n, n), 0)
    b = lax.broadcasted_iota(jnp.int32, (n, n), 1)
    return (b < a).astype(jnp.float32)


def _stage_p_body(ii_ref, kf_ref, oi_ref, p_ref, cnt_ref, carry):
    i = pl.program_id(0)

    @pl.when(i == 0)
    def _():
        carry[0] = 0
        carry[1] = 0

    ii = ii_ref[...]
    kf = kf_ref[...]
    oi = oi_ref[...]
    row = lax.broadcasted_iota(jnp.int32, (BW, EW), 0)
    lane = lax.broadcasted_iota(jnp.int32, (BW, EW), 1)
    eidx = i * EB + row * EW + lane
    is_pad = eidx >= E
    gidx = jnp.where(is_pad, lane, kf * jnp.int32(N) + ii)

    c0 = carry[0]
    c1 = carry[1]
    b1r = (oi >= MH).astype(jnp.int32)
    s0_real = jnp.sum(jnp.where(is_pad, 0, 1 - b1r))
    n0_real_total = c0 + s0_real
    padn0 = (-n0_real_total) % jnp.int32(EW)
    pad_rank = eidx - jnp.int32(E)
    b1pad = (pad_rank >= padn0).astype(jnp.int32)
    b1i = jnp.where(is_pad, b1pad, b1r)

    trash = jnp.int32(MH) + (lane & 63)
    li = jnp.where(is_pad, trash,
                   jnp.where(b1i == 1, oi - jnp.int32(MH), oi))

    b1f = b1i.astype(jnp.float32)
    excl1 = jnp.dot(b1f, _tri_lanes(EW), preferred_element_type=jnp.float32)
    rs1 = jnp.dot(b1f, jnp.ones((EW, 1), jnp.float32),
                  preferred_element_type=jnp.float32)
    rp1 = jnp.dot(_tri_rows(BW), rs1, preferred_element_type=jnp.float32)
    pos1 = (rp1 + excl1).astype(jnp.int32)
    iflat = row * EW + lane
    pos0 = iflat - pos1
    dst = jnp.where(b1i == 1, jnp.int32(EP - 1) - (c1 + pos1), c0 + pos0)

    p_ref[0] = gidx
    p_ref[1] = li
    p_ref[2] = dst

    s1 = jnp.sum(b1i)
    s0 = jnp.int32(EB) - s1
    carry[0] = c0 + s0
    carry[1] = c1 + s1

    @pl.when(i == (NWINP // BW) - 1)
    def _():
        nwin0 = (c0 + s0) // jnp.int32(EW2)
        l2 = lax.broadcasted_iota(jnp.int32, (1, C), 1)
        cnt_ref[...] = jnp.where(
            l2 == 0, nwin0,
            jnp.where(l2 == 1, jnp.int32(NWIN2) - nwin0, 0))


def _stage_p(in_idx, koff, out_idx):
    ii = jnp.pad(in_idx, (0, EP - E)).reshape(NWINP, EW)
    kf = jnp.pad(koff, (0, EP - E)).reshape(NWINP, EW)
    oi = jnp.pad(out_idx, (0, EP - E)).reshape(NWINP, EW)
    blk = pl.BlockSpec((BW, EW), lambda i: (i, 0))
    return pl.pallas_call(
        _stage_p_body,
        grid=(NWINP // BW,),
        in_specs=[blk, blk, blk],
        out_specs=[
            pl.BlockSpec((3, BW, EW), lambda i: (0, i, 0)),
            pl.BlockSpec((1, C), lambda i: (0, 0)),
        ],
        out_shape=[
            jax.ShapeDtypeStruct((3, NWINP, EW), jnp.int32),
            jax.ShapeDtypeStruct((1, C), jnp.int32),
        ],
        scratch_shapes=[pltpu.SMEM((2,), jnp.int32)],
    )(ii, kf, oi)


def _reorder_kernel(P):
    mesh = plsc.VectorSubcoreMesh(**_SC_MESH)

    @functools.partial(
        pl.kernel,
        out_type=jax.ShapeDtypeStruct((EP, 16), jnp.int32),
        mesh=mesh,
        compiler_params=_sc_params(),
        scratch_types=[
            pltpu.VMEM((NB, EW), jnp.int32),
            pltpu.VMEM((NB, EW), jnp.int32),
            pltpu.VMEM((NB, EW), jnp.int32),
            pltpu.VMEM((NB, EW, 16), jnp.int32),
        ] + [pltpu.SemaphoreType.DMA] * (2 * NB),
    )
    def body(p_hbm, o_hbm, gi_v, li_v, di_v, pe, *sems):
        isem = sems[:NB]
        ssem = sems[NB:]
        c = lax.axis_index("c")
        s = lax.axis_index("s")
        wid = s * 2 + c
        rows16 = lax.iota(jnp.int32, 16)
        z16 = jnp.zeros((16,), jnp.int32)

        @pl.loop(0, NWINP // 32 // NB)
        def _it(u):
            for j in range(NB):
                @pl.when(u > 0)
                def _():
                    pltpu.make_async_copy(pe.at[j], o_hbm.at[di_v.at[j]],
                                          ssem[j]).wait()
                w = wid + (u * NB + j) * 32
                pltpu.async_copy(p_hbm.at[0].at[w], gi_v.at[j], isem[j])
                pltpu.async_copy(p_hbm.at[1].at[w], li_v.at[j], isem[j])
                pltpu.async_copy(p_hbm.at[2].at[w], di_v.at[j], isem[j])
            for j in range(NB):
                w = wid + (u * NB + j) * 32
                pltpu.make_async_copy(p_hbm.at[0].at[w],
                                      gi_v.at[j], isem[j]).wait()
                pltpu.make_async_copy(p_hbm.at[1].at[w],
                                      li_v.at[j], isem[j]).wait()
                pltpu.make_async_copy(p_hbm.at[2].at[w],
                                      di_v.at[j], isem[j]).wait()
                for t in range(EW // 16):
                    sl = pl.ds(t * 16, 16)
                    plsc.store_scatter(pe.at[j], [rows16 + t * 16, z16],
                                       gi_v[j, sl])
                    plsc.store_scatter(pe.at[j], [rows16 + t * 16, z16 + 1],
                                       li_v[j, sl])
                pltpu.async_copy(pe.at[j], o_hbm.at[di_v.at[j]], ssem[j])

        for j in range(NB):
            pltpu.make_async_copy(pe.at[j], o_hbm.at[di_v.at[j]],
                                  ssem[j]).wait()

    return body(P)


def _edge_kernel(Ppart, counts, xw2, zeros_init):
    mesh = plsc.VectorSubcoreMesh(**_SC_MESH)
    TSUB = NWIN2 // 16

    @functools.partial(
        pl.kernel,
        out_type=jax.ShapeDtypeStruct((2, MH, C), jnp.float32),
        mesh=mesh,
        compiler_params=_sc_params(),
        scratch_types=[
            pltpu.VMEM((16,), jnp.int32),
            pltpu.VMEM((NBE, EW2, 16), jnp.int32),
            pltpu.VMEM((NBE, EW2), jnp.int32),
            pltpu.VMEM((NBE, EW2), jnp.int32),
            pltpu.VMEM((NBE, EW2, C), jnp.float32),
            pltpu.VMEM_SHARED((AR, C), jnp.float32),
        ] + [pltpu.SemaphoreType.DMA] * (3 * NBE),
    )
    def body(pp_hbm, cnt_hbm, xw_hbm, z_hbm, out_hbm,
             cnt_v, pb, gi_v, li_v, rows, acc, *sems):
        isem = sems[:NBE]
        gsem = sems[NBE:2 * NBE]
        ssem = sems[2 * NBE:]
        c = lax.axis_index("c")
        s = lax.axis_index("s")
        pltpu.sync_copy(z_hbm, acc.at[pl.ds(s * ASUB, ASUB)])
        pltpu.sync_copy(cnt_hbm.at[0].at[pl.ds(0, 16)], cnt_v)
        lane16 = lax.iota(jnp.int32, 16)
        nwin = jnp.sum(jnp.where(lane16 == c, cnt_v[...], 0))
        plsc.subcore_barrier()
        rows16 = lax.iota(jnp.int32, 16)
        z16 = jnp.zeros((16,), jnp.int32)

        @pl.loop(0, 131)
        def _it(u):
            for j in range(NBE):
                w = s + (u * NBE + j) * 16

                @pl.when(w < nwin)
                def _():
                    @pl.when(u > 0)
                    def _():
                        pltpu.make_async_copy(
                            rows.at[j], acc.at[li_v.at[j]], ssem[j]).wait()
                    base = jnp.where(c == 0, w * EW2,
                                     jnp.int32(EP) - (w + 1) * EW2)
                    pltpu.async_copy(pp_hbm.at[pl.ds(base, EW2)], pb.at[j],
                                     isem[j])
            for j in range(NBE):
                w = s + (u * NBE + j) * 16

                @pl.when(w < nwin)
                def _():
                    pltpu.make_async_copy(pp_hbm.at[pl.ds(0, EW2)], pb.at[j],
                                          isem[j]).wait()
                    for t in range(EW2 // 16):
                        sl = pl.ds(t * 16, 16)
                        gi_v[j, sl] = plsc.load_gather(
                            pb.at[j], [rows16 + t * 16, z16])
                        li_v[j, sl] = plsc.load_gather(
                            pb.at[j], [rows16 + t * 16, z16 + 1])
                    pltpu.async_copy(xw_hbm.at[gi_v.at[j]], rows.at[j],
                                     gsem[j])
            for j in range(NBE):
                w = s + (u * NBE + j) * 16

                @pl.when(w < nwin)
                def _():
                    pltpu.make_async_copy(xw_hbm.at[gi_v.at[j]], rows.at[j],
                                          gsem[j]).wait()
                    pltpu.async_copy(rows.at[j], acc.at[li_v.at[j]], ssem[j],
                                     add=True)

        for j in range(NBE):
            @pl.when((s + j * 16) < nwin)
            def _():
                pltpu.make_async_copy(rows.at[j], acc.at[li_v.at[j]],
                                      ssem[j]).wait()

        plsc.subcore_barrier()
        pltpu.sync_copy(acc.at[pl.ds(s * OSUB, OSUB)],
                        out_hbm.at[c].at[pl.ds(s * OSUB, OSUB)])

    return body(Ppart, counts, xw2, zeros_init)


def _ds_kernel(ds_idx, x):
    mesh = plsc.VectorSubcoreMesh(**_SC_MESH)

    @functools.partial(
        pl.kernel,
        out_type=jax.ShapeDtypeStruct((M, C), jnp.float32),
        mesh=mesh,
        scratch_types=[
            pltpu.VMEM((DW,), jnp.int32),
            pltpu.VMEM((DW, C), jnp.float32),
        ],
    )
    def body(di_hbm, x_hbm, out_hbm, di_v, rows_v):
        c = lax.axis_index("c")
        s = lax.axis_index("s")
        wid = s * 2 + c

        @pl.loop(0, 20)
        def _win(t):
            w = wid + t * 32

            @pl.when(w < NDWIN)
            def _():
                base = w * DW
                pltpu.sync_copy(di_hbm.at[pl.ds(base, DW)], di_v)
                pltpu.sync_copy(x_hbm.at[di_v], rows_v)
                pltpu.sync_copy(rows_v, out_hbm.at[pl.ds(base, DW)])

    return body(ds_idx, x)


def _stage_c_body(s_ref, dpre_ref, w3_ref, g2_ref, b2_ref, g3_ref, b3_ref,
                  wd_ref, gd_ref, bd_ref, out_ref):
    t = _gn_tc(s_ref[...], g2_ref[...], b2_ref[...], G)
    u = jnp.dot(t, w3_ref[...], preferred_element_type=jnp.float32)
    u = _gn_tc(u, g3_ref[...], b3_ref[...], G)
    d = jnp.dot(dpre_ref[...], wd_ref[...], preferred_element_type=jnp.float32)
    d = _gn_tc(d, gd_ref[...], bd_ref[...], G)
    out_ref[...] = u + d


def _stage_c(S, dpre, W3, g2, b2, g3, b3, Wd, gd, bd):
    S = S.reshape(2 * MH, C)
    vec = pl.BlockSpec((1, C), lambda i: (0, 0))
    return pl.pallas_call(
        _stage_c_body,
        grid=(M // BM,),
        in_specs=[
            pl.BlockSpec((BM, C), lambda i: (i, 0)),
            pl.BlockSpec((BM, C), lambda i: (i, 0)),
            pl.BlockSpec((C, C), lambda i: (0, 0)),
            vec, vec, vec, vec,
            pl.BlockSpec((C, C), lambda i: (0, 0)),
            vec, vec,
        ],
        out_specs=pl.BlockSpec((BM, C), lambda i: (i, 0)),
        out_shape=jax.ShapeDtypeStruct((M, C), jnp.float32),
    )(S, dpre, W3, g2.reshape(1, C), b2.reshape(1, C), g3.reshape(1, C),
      b3.reshape(1, C), Wd, gd.reshape(1, C), bd.reshape(1, C))


def kernel(x, W1, g1, b1, W2, g2, b2, W3, g3, b3, Wd, gd, bd,
           in_idx, out_idx, koff, ds_idx):
    in_idx = in_idx.astype(jnp.int32)
    out_idx = out_idx.astype(jnp.int32)
    koff = koff.astype(jnp.int32)
    ds_idx = ds_idx.astype(jnp.int32)

    P, counts = _stage_p(in_idx, koff, out_idx)
    Ppart = _reorder_kernel(P)
    dpre = _ds_kernel(ds_idx, x)
    xw = _stage_a(x, W1, g1, b1, W2)
    xw2 = xw.reshape(KN, C)
    zeros_init = jnp.zeros((ASUB, C), jnp.float32)
    S = _edge_kernel(Ppart, counts, xw2, zeros_init)
    return _stage_c(S, dpre, W3, g2, b2, g3, b3, Wd, gd, bd)

# --- scband reference (transcript-rebuilt; emitter-appended) ---
"""Pipeline reference for scband-bottleneck-2001454760192 (READ-ONLY COPY).

The authoritative reference and input builder live on the scoring server;
editing this copy changes nothing except your own understanding.
"""

import jax, jax.numpy as jnp
import numpy as np

N = 50000   # input sparse points
M = 25000   # output points after stride-2
C = 128     # channels (inc)
E = 400000  # kernel-map entries for the k=3 stride-2 sparse conv
K = 27      # 3x3x3 kernel offsets
G = 8       # GroupNorm groups


def group_norm(x, gamma, beta, groups=G, eps=1e-5):
    # torchsparse applies nn.GroupNorm on feats [N, C]: per-point, per-group normalization
    n, c = x.shape
    xg = x.reshape(n, groups, c // groups)
    mu = jnp.mean(xg, axis=2, keepdims=True)
    var = jnp.var(xg, axis=2, keepdims=True)
    xn = (xg - mu) / jnp.sqrt(var + eps)
    return xn.reshape(n, c) * gamma + beta


def sparse_conv3(x, W2, in_idx, out_idx, koff, m_out):
    # sparse Conv3d k=3 stride=2: gather -> per-offset linear -> scatter-add via kernel maps
    out = jnp.zeros((m_out, x.shape[1]), dtype=x.dtype)
    for k in range(W2.shape[0]):
        xw = x @ W2[k]                       # transform all points with offset-k weight
        mask = (koff == k).astype(x.dtype)
        contrib = xw[in_idx] * mask[:, None]  # gather only edges belonging to offset k
        out = out.at[out_idx].add(contrib)    # scatter-add into output points
    return out


def setup_inputs(seed: int = 0) -> dict:
    key = jax.random.key(seed)
    ks = jax.random.split(key, 12)
    s = 0.05
    x = jax.random.normal(ks[0], (N, C), dtype=jnp.float32)
    in_idx = jax.random.randint(ks[1], (E,), 0, N, dtype=jnp.int64) if jax.config.jax_enable_x64 else jax.random.randint(ks[1], (E,), 0, N)
    out_idx = jax.random.randint(ks[2], (E,), 0, M)
    koff = jax.random.randint(ks[3], (E,), 0, K)
    ds_idx = jax.random.randint(ks[4], (M,), 0, N)
    W1 = jax.random.normal(ks[5], (C, C), dtype=jnp.float32) * s
    W2 = jax.random.normal(ks[6], (K, C, C), dtype=jnp.float32) * s
    W3 = jax.random.normal(ks[7], (C, C), dtype=jnp.float32) * s
    Wd = jax.random.normal(ks[8], (C, C), dtype=jnp.float32) * s
    g1 = jnp.ones((C,), jnp.float32); b1 = jnp.zeros((C,), jnp.float32)
    g2 = jnp.ones((C,), jnp.float32); b2 = jnp.zeros((C,), jnp.float32)
    g3 = jnp.ones((C,), jnp.float32); b3 = jnp.zeros((C,), jnp.float32)
    gd = jnp.ones((C,), jnp.float32); bd = jnp.zeros((C,), jnp.float32)
    return {"x": x, "W1": W1, "g1": g1, "b1": b1, "W2": W2, "g2": g2, "b2": b2,
            "W3": W3, "g3": g3, "b3": b3, "Wd": Wd, "gd": gd, "bd": bd,
            "in_idx": in_idx, "out_idx": out_idx, "koff": koff, "ds_idx": ds_idx}


def reference(x, W1, g1, b1, W2, g2, b2, W3, g3, b3, Wd, gd, bd,
              in_idx, out_idx, koff, ds_idx):
    # net branch
    h = x @ W1                       # Conv3d k=1 s=1 (pointwise linear, bias=False)
    h = group_norm(h, g1, b1)
    h = jnp.where(h >= 0, h, 0.01 * h)  # LeakyReLU (slope 0.01)
    h = sparse_conv3(h, W2, in_idx, out_idx, koff, M)  # Conv3d k=3 s=2
    h = group_norm(h, g2, b2)
    h = h @ W3                       # Conv3d k=1 s=1
    h = group_norm(h, g3, b3)
    # downsample branch: Conv3d k=1 s=2 picks the input point mapped to each output point
    d = x[ds_idx] @ Wd
    d = group_norm(d, gd, bd)
    return h + d

if __name__ == "__main__":
    import jax
    _d = setup_inputs()
    print(jax.jit(kernel)(*tuple(_d.values())))

</pallas_src>

<mosaic_0001>
#map = affine_map<(d0, d1) -> (0)>
#map1 = affine_map<(d0, d1) -> (0, 0)>
module attributes {stable_mosaic.version = 14 : i64} {
  func.func @body(%arg0: i32, %arg1: i32, %arg2: memref<25000xi32, #tpu.memory_space<hbm>>, %arg3: memref<50000x128xf32, #tpu.memory_space<hbm>>, %arg4: memref<25000x128xf32, #tpu.memory_space<hbm>>, %arg5: memref<40xi32, #tpu.memory_space<vmem>>, %arg6: memref<40x128xf32, #tpu.memory_space<vmem>>) attributes {dimension_semantics = [#tpu.dimension_semantics<core_parallel>, #tpu.dimension_semantics<subcore_parallel>], iteration_bounds = array<i64: 2, 16>, scalar_prefetch = 0 : i64, scratch_operands = 2 : i64, tpu.core_type = #tpu.core_type<sc_vector_subcore>, window_params = [{transform_indices = #map}, {transform_indices = #map1}, {transform_indices = #map1}]} {
    %mul3A = arith.constant 2 : i32
    %mul3A_0 = arith.muli %arg1, %mul3A : i32
    %add3A = arith.addi %mul3A_0, %arg0 : i32
    %scan3A = arith.constant 0 : i32
    %scan3A_1 = arith.constant 20 : i32
    %scan3A_2 = arith.addi %scan3A, %scan3A_1 : i32
    %scan3A_3 = arith.constant 1 : i32
    scf.for %scan3A_5 = %scan3A to %scan3A_2 step %scan3A_3  : i32 {
      %mul3A_6 = arith.constant 1 : i32
      %mul3A_7 = arith.muli %scan3A_5, %mul3A_6 : i32
      %add3A_8 = arith.constant 0 : i32
      %add3A_9 = arith.addi %add3A_8, %mul3A_7 : i32
      %mul3A_10 = arith.constant 32 : i32
      %mul3A_11 = arith.muli %add3A_9, %mul3A_10 : i32
      %add3A_12 = arith.addi %add3A, %mul3A_11 : i32
      %lt3A = arith.constant 625 : i32
      %lt3A_13 = arith.cmpi slt, %add3A_12, %lt3A : i32
      %convert_element_type3A = arith.extui %lt3A_13 : i1 to i32
      %cond3A = arith.constant 0 : i32
      %cond3A_14 = arith.cmpi ne, %convert_element_type3A, %cond3A : i32
      scf.if %cond3A_14 {
        %mul3A_15 = arith.constant 40 : i32
        %mul3A_16 = arith.muli %add3A_12, %mul3A_15 : i32
        "tpu.region"() ({
          %run_scoped3A = tpu.sem_alloc : memref<!tpu.dma_semaphore, #tpu.memory_space<semaphore_mem>>
          %dma_start3A = tpu.memref_slice %arg2[%mul3A_16] : memref<25000xi32, #tpu.memory_space<hbm>> -> memref<40xi32, #tpu.memory_space<hbm>>
          %dma_start3A_17 = tpu.memref_slice %arg2[%mul3A_16] : memref<25000xi32, #tpu.memory_space<hbm>> -> memref<40xi32, #tpu.memory_space<hbm>>
          tpu.enqueue_dma source(%dma_start3A_17 : memref<40xi32, #tpu.memory_space<hbm>>) target(%arg5 : memref<40xi32, #tpu.memory_space<vmem>>) target_semaphore(%run_scoped3A : memref<!tpu.dma_semaphore, #tpu.memory_space<semaphore_mem>>)
          %dma_wait3A = tpu.memref_slice %arg2[%mul3A_16] : memref<25000xi32, #tpu.memory_space<hbm>> -> memref<40xi32, #tpu.memory_space<hbm>>
          %dma_wait3A_18 = tpu.memref_slice %arg2[%mul3A_16] : memref<25000xi32, #tpu.memory_space<hbm>> -> memref<40xi32, #tpu.memory_space<hbm>>
          tpu.wait_dma2 semaphore(%run_scoped3A : memref<!tpu.dma_semaphore, #tpu.memory_space<semaphore_mem>>) src(%dma_wait3A_18 : memref<40xi32, #tpu.memory_space<hbm>>) dst(%arg5 : memref<40xi32, #tpu.memory_space<vmem>>)
          tpu.yield
        }) : () -> ()
        "tpu.region"() ({
          %run_scoped3A = tpu.sem_alloc : memref<!tpu.dma_semaphore, #tpu.memory_space<semaphore_mem>>
          %dma_start3A = arith.constant 0 : i32
          %dma_start3A_17 = arith.constant 0 : i32
          %dma_start3A_18 = tpu.memref_slice %arg3[%dma_start3A, %dma_start3A_17] : memref<50000x128xf32, #tpu.memory_space<hbm>> -> memref<50000x128xf32, #tpu.memory_space<hbm>>
          tpu.enqueue_indirect_dma source(%dma_start3A_18 : memref<50000x128xf32, #tpu.memory_space<hbm>>) target(%arg6 : memref<40x128xf32, #tpu.memory_space<vmem>>) offsets(%arg5 : memref<40xi32, #tpu.memory_space<vmem>>) semaphore(%run_scoped3A : memref<!tpu.dma_semaphore, #tpu.memory_space<semaphore_mem>>)
          %dma_wait3A = arith.constant 0 : i32
          %dma_wait3A_19 = arith.constant 0 : i32
          %dma_wait3A_20 = tpu.memref_slice %arg3[%dma_wait3A, %dma_wait3A_19] : memref<50000x128xf32, #tpu.memory_space<hbm>> -> memref<50000x128xf32, #tpu.memory_space<hbm>>
          tpu.wait_indirect_dma semaphore(%run_scoped3A : memref<!tpu.dma_semaphore, #tpu.memory_space<semaphore_mem>>) src(%dma_wait3A_20 : memref<50000x128xf32, #tpu.memory_space<hbm>>) dst(%arg6 : memref<40x128xf32, #tpu.memory_space<vmem>>)
          tpu.yield
        }) : () -> ()
        "tpu.region"() ({
          %run_scoped3A = tpu.sem_alloc : memref<!tpu.dma_semaphore, #tpu.memory_space<semaphore_mem>>
          %dma_start3A = arith.constant 0 : i32
          %dma_start3A_17 = tpu.memref_slice %arg4[%mul3A_16, %dma_start3A] : memref<25000x128xf32, #tpu.memory_space<hbm>> -> memref<40x128xf32, #tpu.memory_space<hbm>>
          %dma_start3A_18 = arith.constant 0 : i32
          %dma_start3A_19 = tpu.memref_slice %arg4[%mul3A_16, %dma_start3A_18] : memref<25000x128xf32, #tpu.memory_space<hbm>> -> memref<40x128xf32, #tpu.memory_space<hbm>>
          tpu.enqueue_dma source(%arg6 : memref<40x128xf32, #tpu.memory_space<vmem>>) target(%dma_start3A_19 : memref<40x128xf32, #tpu.memory_space<hbm>>) target_semaphore(%run_scoped3A : memref<!tpu.dma_semaphore, #tpu.memory_space<semaphore_mem>>)
          %dma_wait3A = arith.constant 0 : i32
          %dma_wait3A_20 = tpu.memref_slice %arg4[%mul3A_16, %dma_wait3A] : memref<25000x128xf32, #tpu.memory_space<hbm>> -> memref<40x128xf32, #tpu.memory_space<hbm>>
          %dma_wait3A_21 = arith.constant 0 : i32
          %dma_wait3A_22 = tpu.memref_slice %arg4[%mul3A_16, %dma_wait3A_21] : memref<25000x128xf32, #tpu.memory_space<hbm>> -> memref<40x128xf32, #tpu.memory_space<hbm>>
          tpu.wait_dma2 semaphore(%run_scoped3A : memref<!tpu.dma_semaphore, #tpu.memory_space<semaphore_mem>>) src(%arg6 : memref<40x128xf32, #tpu.memory_space<vmem>>) dst(%dma_wait3A_22 : memref<40x128xf32, #tpu.memory_space<hbm>>)
          tpu.yield
        }) : () -> ()
      } else {
      }
    }
    %scan3A_4 = arith.constant 20 : i32
    return
  }
}

#map = affine_map<(d0, d1) -> (0, 0)>
#map1 = affine_map<(d0, d1) -> (0, 0, 0)>
module attributes {stable_mosaic.version = 14 : i64} {
  func.func @body(%arg0: i32, %arg1: i32, %arg2: memref<401408x16xi32, #tpu.memory_space<hbm>>, %arg3: memref<1x128xi32, #tpu.memory_space<hbm>>, %arg4: memref<1350000x128xf32, #tpu.memory_space<hbm>>, %arg5: memref<804x128xf32, #tpu.memory_space<hbm>>, %arg6: memref<2x12800x128xf32, #tpu.memory_space<hbm>>, %arg7: memref<16xi32, #tpu.memory_space<vmem>>, %arg8: memref<3x64x16xi32, #tpu.memory_space<vmem>>, %arg9: memref<3x64xi32, #tpu.memory_space<vmem>>, %arg10: memref<3x64xi32, #tpu.memory_space<vmem>>, %arg11: memref<3x64x128xf32, #tpu.memory_space<vmem>>, %arg12: memref<12864x128xf32, #tpu.memory_space<vmem_shared>>, %arg13: memref<!tpu.dma_semaphore, #tpu.memory_space<semaphore_mem>>, %arg14: memref<!tpu.dma_semaphore, #tpu.memory_space<semaphore_mem>>, %arg15: memref<!tpu.dma_semaphore, #tpu.memory_space<semaphore_mem>>, %arg16: memref<!tpu.dma_semaphore, #tpu.memory_space<semaphore_mem>>, %arg17: memref<!tpu.dma_semaphore, #tpu.memory_space<semaphore_mem>>, %arg18: memref<!tpu.dma_semaphore, #tpu.memory_space<semaphore_mem>>, %arg19: memref<!tpu.dma_semaphore, #tpu.memory_space<semaphore_mem>>, %arg20: memref<!tpu.dma_semaphore, #tpu.memory_space<semaphore_mem>>, %arg21: memref<!tpu.dma_semaphore, #tpu.memory_space<semaphore_mem>>) attributes {dimension_semantics = [#tpu.dimension_semantics<core_parallel>, #tpu.dimension_semantics<subcore_parallel>], iteration_bounds = array<i64: 2, 16>, scalar_prefetch = 0 : i64, scratch_operands = 15 : i64, tpu.core_type = #tpu.core_type<sc_vector_subcore>, window_params = [{transform_indices = #map}, {transform_indices = #map}, {transform_indices = #map}, {transform_indices = #map}, {transform_indices = #map1}]} {
    %mul3A = arith.constant 804 : i32
    %mul3A_0 = arith.muli %arg1, %mul3A : i32
    "tpu.region"() ({
      %run_scoped3A_32 = tpu.sem_alloc : memref<!tpu.dma_semaphore, #tpu.memory_space<semaphore_mem>>
      %dma_start3A = arith.constant 0 : i32
      %dma_start3A_33 = tpu.memref_slice %arg12[%mul3A_0, %dma_start3A] : memref<12864x128xf32, #tpu.memory_space<vmem_shared>> -> memref<804x128xf32, #tpu.memory_space<vmem_shared>>
      tpu.enqueue_dma source(%arg5 : memref<804x128xf32, #tpu.memory_space<hbm>>) target(%dma_start3A_33 : memref<804x128xf32, #tpu.memory_space<vmem_shared>>) target_semaphore(%run_scoped3A_32 : memref<!tpu.dma_semaphore, #tpu.memory_space<semaphore_mem>>)
      %dma_wait3A = arith.constant 0 : i32
      %dma_wait3A_34 = tpu.memref_slice %arg12[%mul3A_0, %dma_wait3A] : memref<12864x128xf32, #tpu.memory_space<vmem_shared>> -> memref<804x128xf32, #tpu.memory_space<vmem_shared>>
      tpu.wait_dma2 semaphore(%run_scoped3A_32 : memref<!tpu.dma_semaphore, #tpu.memory_space<semaphore_mem>>) src(%arg5 : memref<804x128xf32, #tpu.memory_space<hbm>>) dst(%dma_wait3A_34 : memref<804x128xf32, #tpu.memory_space<vmem_shared>>)
      tpu.yield
    }) : () -> ()
    %run_scoped3A = arith.constant 0 : i32
    "tpu.region"() ({
      %run_scoped3A_32 = tpu.sem_alloc : memref<!tpu.dma_semaphore, #tpu.memory_space<semaphore_mem>>
      %dma_start3A = arith.constant 0 : i32
      %dma_start3A_33 = tpu.memref_slice %arg3[%run_scoped3A, %dma_start3A] : memref<1x128xi32, #tpu.memory_space<hbm>> -> memref<1x128xi32, #tpu.memory_space<hbm>>
      %dma_start3A_34 = tpu.memref_squeeze %dma_start3A_33 : memref<1x128xi32, #tpu.memory_space<hbm>> -> memref<128xi32, #tpu.memory_space<hbm>>
      %dma_start3A_35 = arith.constant 0 : i32
      %dma_start3A_36 = tpu.memref_slice %dma_start3A_34[%dma_start3A_35] : memref<128xi32, #tpu.memory_space<hbm>> -> memref<16xi32, #tpu.memory_space<hbm>>
      %dma_start3A_37 = arith.constant 0 : i32
      %dma_start3A_38 = tpu.memref_slice %arg3[%run_scoped3A, %dma_start3A_37] : memref<1x128xi32, #tpu.memory_space<hbm>> -> memref<1x128xi32, #tpu.memory_space<hbm>>
      %dma_start3A_39 = tpu.memref_squeeze %dma_start3A_38 : memref<1x128xi32, #tpu.memory_space<hbm>> -> memref<128xi32, #tpu.memory_space<hbm>>
      %dma_start3A_40 = arith.constant 0 : i32
      %dma_start3A_41 = tpu.memref_slice %dma_start3A_39[%dma_start3A_40] : memref<128xi32, #tpu.memory_space<hbm>> -> memref<16xi32, #tpu.memory_space<hbm>>
      tpu.enqueue_dma source(%dma_start3A_41 : memref<16xi32, #tpu.memory_space<hbm>>) target(%arg7 : memref<16xi32, #tpu.memory_space<vmem>>) target_semaphore(%run_scoped3A_32 : memref<!tpu.dma_semaphore, #tpu.memory_space<semaphore_mem>>)
      %dma_wait3A = arith.constant 0 : i32
      %dma_wait3A_42 = tpu.memref_slice %arg3[%run_scoped3A, %dma_wait3A] : memref<1x128xi32, #tpu.memory_space<hbm>> -> memref<1x128xi32, #tpu.memory_space<hbm>>
      %dma_wait3A_43 = tpu.memref_squeeze %dma_wait3A_42 : memref<1x128xi32, #tpu.memory_space<hbm>> -> memref<128xi32, #tpu.memory_space<hbm>>
      %dma_wait3A_44 = arith.constant 0 : i32
      %dma_wait3A_45 = tpu.memref_slice %dma_wait3A_43[%dma_wait3A_44] : memref<128xi32, #tpu.memory_space<hbm>> -> memref<16xi32, #tpu.memory_space<hbm>>
      %dma_wait3A_46 = arith.constant 0 : i32
      %dma_wait3A_47 = tpu.memref_slice %arg3[%run_scoped3A, %dma_wait3A_46] : memref<1x128xi32, #tpu.memory_space<hbm>> -> memref<1x128xi32, #tpu.memory_space<hbm>>
      %dma_wait3A_48 = tpu.memref_squeeze %dma_wait3A_47 : memref<1x128xi32, #tpu.memory_space<hbm>> -> memref<128xi32, #tpu.memory_space<hbm>>
      %dma_wait3A_49 = arith.constant 0 : i32
      %dma_wait3A_50 = tpu.memref_slice %dma_wait3A_48[%dma_wait3A_49] : memref<128xi32, #tpu.memory_space<hbm>> -> memref<16xi32, #tpu.memory_space<hbm>>
      tpu.wait_dma2 semaphore(%run_scoped3A_32 : memref<!tpu.dma_semaphore, #tpu.memory_space<semaphore_mem>>) src(%dma_wait3A_50 : memref<16xi32, #tpu.memory_space<hbm>>) dst(%arg7 : memref<16xi32, #tpu.memory_space<vmem>>)
      tpu.yield
    }) : () -> ()
    %iota3A = tpu.iota {dimensions = array<i32: 0>} : vector<16xi32>
    %eq3A = vector.broadcast %arg0 : i32 to vector<16xi32>
    %eq3A_1 = arith.cmpi eq, %iota3A, %eq3A : vector<16xi32>
    %get3A = arith.constant 0 : index
    %get3A_2 = tpu.vector_load %arg7[%get3A] {strides = array<i32>} : memref<16xi32, #tpu.memory_space<vmem>>, vector<16xi32>,
    %jit3A = arith.constant 0 : i32
    %broadcast_in_dim3A = vector.broadcast %jit3A : i32 to vector<16xi32>
    %select_n3A = arith.select %eq3A_1, %get3A_2, %broadcast_in_dim3A : vector<16xi1>, vector<16xi32>
    %reduce_sum3A = arith.constant true
    %reduce_sum3A_3 = vector.broadcast %reduce_sum3A : i1 to vector<16xi1>
    %reduce_sum3A_4 = tpu.scan <sum>, %select_n3A masked %reduce_sum3A_3 : vector<16xi32>, vector<16xi1> -> vector<16xi32>
    %reduce_sum3A_5 = vector.extract %reduce_sum3A_4[15] : i32 from vector<16xi32>
    %barrier3A = arith.constant 0 : index
    tpu.barrier barrier_id(%barrier3A)
    %iota3A_6 = tpu.iota {dimensions = array<i32: 0>} : vector<16xi32>
    %broadcast_in_dim3A_7 = arith.constant 0 : i32
    %broadcast_in_dim3A_8 = vector.broadcast %broadcast_in_dim3A_7 : i32 to vector<16xi32>
    %scan3A = arith.constant 0 : i32
    %scan3A_9 = arith.constant 131 : i32
    %scan3A_10 = arith.addi %scan3A, %scan3A_9 : i32
    %scan3A_11 = arith.constant 1 : i32
    scf.for %scan3A_32 = %scan3A to %scan3A_10 step %scan3A_11  : i32 {
      %mul3A_33 = arith.constant 1 : i32
      %mul3A_34 = arith.muli %scan3A_32, %mul3A_33 : i32
      %add3A_35 = arith.constant 0 : i32
      %add3A_36 = arith.addi %add3A_35, %mul3A_34 : i32
      %mul3A_37 = arith.constant 3 : i32
      %mul3A_38 = arith.muli %add3A_36, %mul3A_37 : i32
      %add3A_39 = arith.constant 0 : i32
      %add3A_40 = arith.addi %mul3A_38, %add3A_39 : i32
      %mul3A_41 = arith.constant 16 : i32
      %mul3A_42 = arith.muli %add3A_40, %mul3A_41 : i32
      %add3A_43 = arith.addi %arg1, %mul3A_42 : i32
      %lt3A_44 = arith.cmpi slt, %add3A_43, %reduce_sum3A_5 : i32
      %convert_element_type3A_45 = arith.extui %lt3A_44 : i1 to i32
      %cond3A_46 = arith.constant 0 : i32
      %cond3A_47 = arith.cmpi ne, %convert_element_type3A_45, %cond3A_46 : i32
      scf.if %cond3A_47 {
        %gt3A = arith.constant 0 : i32
        %gt3A_136 = arith.cmpi sgt, %add3A_36, %gt3A : i32
        %convert_element_type3A_137 = arith.extui %gt3A_136 : i1 to i32
        %cond3A_138 = arith.constant 0 : i32
        %cond3A_139 = arith.cmpi ne, %convert_element_type3A_137, %cond3A_138 : i32
        scf.if %cond3A_139 {
          %dma_wait3A = arith.constant 0 : i32
          %dma_wait3A_162 = arith.constant 0 : i32
          %dma_wait3A_163 = arith.constant 0 : i32
          %dma_wait3A_164 = arith.constant 0 : i32
          %dma_wait3A_165 = tpu.memref_slice %arg11[%dma_wait3A, %dma_wait3A_163, %dma_wait3A_164] : memref<3x64x128xf32, #tpu.memory_space<vmem>> -> memref<1x64x128xf32, #tpu.memory_space<vmem>>
          %dma_wait3A_166 = tpu.memref_squeeze %dma_wait3A_165 : memref<1x64x128xf32, #tpu.memory_space<vmem>> -> memref<64x128xf32, #tpu.memory_space<vmem>>
          %dma_wait3A_167 = arith.constant 0 : i32
          %dma_wait3A_168 = tpu.memref_slice %arg10[%dma_wait3A_162, %dma_wait3A_167] : memref<3x64xi32, #tpu.memory_space<vmem>> -> memref<1x64xi32, #tpu.memory_space<vmem>>
          %dma_wait3A_169 = tpu.memref_squeeze %dma_wait3A_168 : memref<1x64xi32, #tpu.memory_space<vmem>> -> memref<64xi32, #tpu.memory_space<vmem>>
          %dma_wait3A_170 = arith.constant 0 : i32
          %dma_wait3A_171 = arith.constant 0 : i32
          %dma_wait3A_172 = tpu.memref_slice %arg12[%dma_wait3A_170, %dma_wait3A_171] : memref<12864x128xf32, #tpu.memory_space<vmem_shared>> -> memref<12864x128xf32, #tpu.memory_space<vmem_shared>>
          tpu.wait_indirect_dma semaphore(%arg19 : memref<!tpu.dma_semaphore, #tpu.memory_space<semaphore_mem>>) src(%dma_wait3A_166 : memref<64x128xf32, #tpu.memory_space<vmem>>) dst(%dma_wait3A_172 : memref<12864x128xf32, #tpu.memory_space<vmem_shared>>)
        } else {
        }
        %eq3A_140 = arith.constant 0 : i32
        %eq3A_141 = arith.cmpi eq, %arg0, %eq3A_140 : i32
        %mul3A_142 = arith.constant 64 : i32
        %mul3A_143 = arith.muli %add3A_43, %mul3A_142 : i32
        %add3A_144 = arith.constant 1 : i32
        %add3A_145 = arith.addi %add3A_43, %add3A_144 : i32
        %mul3A_146 = arith.constant 64 : i32
        %mul3A_147 = arith.muli %add3A_145, %mul3A_146 : i32
        %sub3A = arith.constant 401408 : i32
        %sub3A_148 = arith.subi %sub3A, %mul3A_147 : i32
        %select_n3A_149 = arith.select %eq3A_141, %mul3A_143, %sub3A_148 : i32
        %dma_start3A = arith.constant 0 : i32
        %dma_start3A_150 = arith.constant 0 : i32
        %dma_start3A_151 = arith.constant 0 : i32
        %dma_start3A_152 = tpu.memref_slice %arg8[%dma_start3A, %dma_start3A_150, %dma_start3A_151] : memref<3x64x16xi32, #tpu.memory_space<vmem>> -> memref<1x64x16xi32, #tpu.memory_space<vmem>>
        %dma_start3A_153 = tpu.memref_squeeze %dma_start3A_152 : memref<1x64x16xi32, #tpu.memory_space<vmem>> -> memref<64x16xi32, #tpu.memory_space<vmem>>
        %dma_start3A_154 = arith.constant 0 : i32
        %dma_start3A_155 = tpu.memref_slice %arg2[%select_n3A_149, %dma_start3A_154] : memref<401408x16xi32, #tpu.memory_space<hbm>> -> memref<64x16xi32, #tpu.memory_space<hbm>>
        %dma_start3A_156 = arith.constant 0 : i32
        %dma_start3A_157 = arith.constant 0 : i32
        %dma_start3A_158 = tpu.memref_slice %arg8[%dma_start3A, %dma_start3A_156, %dma_start3A_157] : memref<3x64x16xi32, #tpu.memory_space<vmem>> -> memref<1x64x16xi32, #tpu.memory_space<vmem>>
        %dma_start3A_159 = tpu.memref_squeeze %dma_start3A_158 : memref<1x64x16xi32, #tpu.memory_space<vmem>> -> memref<64x16xi32, #tpu.memory_space<vmem>>
        %dma_start3A_160 = arith.constant 0 : i32
        %dma_start3A_161 = tpu.memref_slice %arg2[%select_n3A_149, %dma_start3A_160] : memref<401408x16xi32, #tpu.memory_space<hbm>> -> memref<64x16xi32, #tpu.memory_space<hbm>>
        tpu.enqueue_dma source(%dma_start3A_161 : memref<64x16xi32, #tpu.memory_space<hbm>>) target(%dma_start3A_159 : memref<64x16xi32, #tpu.memory_space<vmem>>) target_semaphore(%arg13 : memref<!tpu.dma_semaphore, #tpu.memory_space<semaphore_mem>>)
      } else {
      }
      %mul3A_48 = arith.constant 3 : i32
      %mul3A_49 = arith.muli %add3A_36, %mul3A_48 : i32
      %add3A_50 = arith.constant 1 : i32
      %add3A_51 = arith.addi %mul3A_49, %add3A_50 : i32
      %mul3A_52 = arith.constant 16 : i32
      %mul3A_53 = arith.muli %add3A_51, %mul3A_52 : i32
      %add3A_54 = arith.addi %arg1, %mul3A_53 : i32
      %lt3A_55 = arith.cmpi slt, %add3A_54, %reduce_sum3A_5 : i32
      %convert_element_type3A_56 = arith.extui %lt3A_55 : i1 to i32
      %cond3A_57 = arith.constant 0 : i32
      %cond3A_58 = arith.cmpi ne, %convert_element_type3A_56, %cond3A_57 : i32
      scf.if %cond3A_58 {
        %gt3A = arith.constant 0 : i32
        %gt3A_136 = arith.cmpi sgt, %add3A_36, %gt3A : i32
        %convert_element_type3A_137 = arith.extui %gt3A_136 : i1 to i32
        %cond3A_138 = arith.constant 0 : i32
        %cond3A_139 = arith.cmpi ne, %convert_element_type3A_137, %cond3A_138 : i32
        scf.if %cond3A_139 {
          %dma_wait3A = arith.constant 1 : i32
          %dma_wait3A_162 = arith.constant 1 : i32
          %dma_wait3A_163 = arith.constant 0 : i32
          %dma_wait3A_164 = arith.constant 0 : i32
          %dma_wait3A_165 = tpu.memref_slice %arg11[%dma_wait3A, %dma_wait3A_163, %dma_wait3A_164] : memref<3x64x128xf32, #tpu.memory_space<vmem>> -> memref<1x64x128xf32, #tpu.memory_space<vmem>>
          %dma_wait3A_166 = tpu.memref_squeeze %dma_wait3A_165 : memref<1x64x128xf32, #tpu.memory_space<vmem>> -> memref<64x128xf32, #tpu.memory_space<vmem>>
          %dma_wait3A_167 = arith.constant 0 : i32
          %dma_wait3A_168 = tpu.memref_slice %arg10[%dma_wait3A_162, %dma_wait3A_167] : memref<3x64xi32, #tpu.memory_space<vmem>> -> memref<1x64xi32, #tpu.memory_space<vmem>>
          %dma_wait3A_169 = tpu.memref_squeeze %dma_wait3A_168 : memref<1x64xi32, #tpu.memory_space<vmem>> -> memref<64xi32, #tpu.memory_space<vmem>>
          %dma_wait3A_170 = arith.constant 0 : i32
          %dma_wait3A_171 = arith.constant 0 : i32
          %dma_wait3A_172 = tpu.memref_slice %arg12[%dma_wait3A_170, %dma_wait3A_171] : memref<12864x128xf32, #tpu.memory_space<vmem_shared>> -> memref<12864x128xf32, #tpu.memory_space<vmem_shared>>
          tpu.wait_indirect_dma semaphore(%arg20 : memref<!tpu.dma_semaphore, #tpu.memory_space<semaphore_mem>>) src(%dma_wait3A_166 : memref<64x128xf32, #tpu.memory_space<vmem>>) dst(%dma_wait3A_172 : memref<12864x128xf32, #tpu.memory_space<vmem_shared>>)
        } else {
        }
        %eq3A_140 = arith.constant 0 : i32
        %eq3A_141 = arith.cmpi eq, %arg0, %eq3A_140 : i32
        %mul3A_142 = arith.constant 64 : i32
        %mul3A_143 = arith.muli %add3A_54, %mul3A_142 : i32
        %add3A_144 = arith.constant 1 : i32
        %add3A_145 = arith.addi %add3A_54, %add3A_144 : i32
        %mul3A_146 = arith.constant 64 : i32
        %mul3A_147 = arith.muli %add3A_145, %mul3A_146 : i32
        %sub3A = arith.constant 401408 : i32
        %sub3A_148 = arith.subi %sub3A, %mul3A_147 : i32
        %select_n3A_149 = arith.select %eq3A_141, %mul3A_143, %sub3A_148 : i32
        %dma_start3A = arith.constant 1 : i32
        %dma_start3A_150 = arith.constant 0 : i32
        %dma_start3A_151 = arith.constant 0 : i32
        %dma_start3A_152 = tpu.memref_slice %arg8[%dma_start3A, %dma_start3A_150, %dma_start3A_151] : memref<3x64x16xi32, #tpu.memory_space<vmem>> -> memref<1x64x16xi32, #tpu.memory_space<vmem>>
        %dma_start3A_153 = tpu.memref_squeeze %dma_start3A_152 : memref<1x64x16xi32, #tpu.memory_space<vmem>> -> memref<64x16xi32, #tpu.memory_space<vmem>>
        %dma_start3A_154 = arith.constant 0 : i32
        %dma_start3A_155 = tpu.memref_slice %arg2[%select_n3A_149, %dma_start3A_154] : memref<401408x16xi32, #tpu.memory_space<hbm>> -> memref<64x16xi32, #tpu.memory_space<hbm>>
        %dma_start3A_156 = arith.constant 0 : i32
        %dma_start3A_157 = arith.constant 0 : i32
        %dma_start3A_158 = tpu.memref_slice %arg8[%dma_start3A, %dma_start3A_156, %dma_start3A_157] : memref<3x64x16xi32, #tpu.memory_space<vmem>> -> memref<1x64x16xi32, #tpu.memory_space<vmem>>
        %dma_start3A_159 = tpu.memref_squeeze %dma_start3A_158 : memref<1x64x16xi32, #tpu.memory_space<vmem>> -> memref<64x16xi32, #tpu.memory_space<vmem>>
        %dma_start3A_160 = arith.constant 0 : i32
        %dma_start3A_161 = tpu.memref_slice %arg2[%select_n3A_149, %dma_start3A_160] : memref<401408x16xi32, #tpu.memory_space<hbm>> -> memref<64x16xi32, #tpu.memory_space<hbm>>
        tpu.enqueue_dma source(%dma_start3A_161 : memref<64x16xi32, #tpu.memory_space<hbm>>) target(%dma_start3A_159 : memref<64x16xi32, #tpu.memory_space<vmem>>) target_semaphore(%arg14 : memref<!tpu.dma_semaphore, #tpu.memory_space<semaphore_mem>>)
      } else {
      }
      %mul3A_59 = arith.constant 3 : i32
      %mul3A_60 = arith.muli %add3A_36, %mul3A_59 : i32
      %add3A_61 = arith.constant 2 : i32
      %add3A_62 = arith.addi %mul3A_60, %add3A_61 : i32
      %mul3A_63 = arith.constant 16 : i32
      %mul3A_64 = arith.muli %add3A_62, %mul3A_63 : i32
      %add3A_65 = arith.addi %arg1, %mul3A_64 : i32
      %lt3A_66 = arith.cmpi slt, %add3A_65, %reduce_sum3A_5 : i32
      %convert_element_type3A_67 = arith.extui %lt3A_66 : i1 to i32
      %cond3A_68 = arith.constant 0 : i32
      %cond3A_69 = arith.cmpi ne, %convert_element_type3A_67, %cond3A_68 : i32
      scf.if %cond3A_69 {
        %gt3A = arith.constant 0 : i32
        %gt3A_136 = arith.cmpi sgt, %add3A_36, %gt3A : i32
        %convert_element_type3A_137 = arith.extui %gt3A_136 : i1 to i32
        %cond3A_138 = arith.constant 0 : i32
        %cond3A_139 = arith.cmpi ne, %convert_element_type3A_137, %cond3A_138 : i32
        scf.if %cond3A_139 {
          %dma_wait3A = arith.constant 2 : i32
          %dma_wait3A_162 = arith.constant 2 : i32
          %dma_wait3A_163 = arith.constant 0 : i32
          %dma_wait3A_164 = arith.constant 0 : i32
          %dma_wait3A_165 = tpu.memref_slice %arg11[%dma_wait3A, %dma_wait3A_163, %dma_wait3A_164] : memref<3x64x128xf32, #tpu.memory_space<vmem>> -> memref<1x64x128xf32, #tpu.memory_space<vmem>>
          %dma_wait3A_166 = tpu.memref_squeeze %dma_wait3A_165 : memref<1x64x128xf32, #tpu.memory_space<vmem>> -> memref<64x128xf32, #tpu.memory_space<vmem>>
          %dma_wait3A_167 = arith.constant 0 : i32
          %dma_wait3A_168 = tpu.memref_slice %arg10[%dma_wait3A_162, %dma_wait3A_167] : memref<3x64xi32, #tpu.memory_space<vmem>> -> memref<1x64xi32, #tpu.memory_space<vmem>>
          %dma_wait3A_169 = tpu.memref_squeeze %dma_wait3A_168 : memref<1x64xi32, #tpu.memory_space<vmem>> -> memref<64xi32, #tpu.memory_space<vmem>>
          %dma_wait3A_170 = arith.constant 0 : i32
          %dma_wait3A_171 = arith.constant 0 : i32
          %dma_wait3A_172 = tpu.memref_slice %arg12[%dma_wait3A_170, %dma_wait3A_171] : memref<12864x128xf32, #tpu.memory_space<vmem_shared>> -> memref<12864x128xf32, #tpu.memory_space<vmem_shared>>
          tpu.wait_indirect_dma semaphore(%arg21 : memref<!tpu.dma_semaphore, #tpu.memory_space<semaphore_mem>>) src(%dma_wait3A_166 : memref<64x128xf32, #tpu.memory_space<vmem>>) dst(%dma_wait3A_172 : memref<12864x128xf32, #tpu.memory_space<vmem_shared>>)
        } else {
        }
        %eq3A_140 = arith.constant 0 : i32
        %eq3A_141 = arith.cmpi eq, %arg0, %eq3A_140 : i32
        %mul3A_142 = arith.constant 64 : i32
        %mul3A_143 = arith.muli %add3A_65, %mul3A_142 : i32
        %add3A_144 = arith.constant 1 : i32
        %add3A_145 = arith.addi %add3A_65, %add3A_144 : i32
        %mul3A_146 = arith.constant 64 : i32
        %mul3A_147 = arith.muli %add3A_145, %mul3A_146 : i32
        %sub3A = arith.constant 401408 : i32
        %sub3A_148 = arith.subi %sub3A, %mul3A_147 : i32
        %select_n3A_149 = arith.select %eq3A_141, %mul3A_143, %sub3A_148 : i32
        %dma_start3A = arith.constant 2 : i32
        %dma_start3A_150 = arith.constant 0 : i32
        %dma_start3A_151 = arith.constant 0 : i32
        %dma_start3A_152 = tpu.memref_slice %arg8[%dma_start3A, %dma_start3A_150, %dma_start3A_151] : memref<3x64x16xi32, #tpu.memory_space<vmem>> -> memref<1x64x16xi32, #tpu.memory_space<vmem>>
        %dma_start3A_153 = tpu.memref_squeeze %dma_start3A_152 : memref<1x64x16xi32, #tpu.memory_space<vmem>> -> memref<64x16xi32, #tpu.memory_space<vmem>>
        %dma_start3A_154 = arith.constant 0 : i32
        %dma_start3A_155 = tpu.memref_slice %arg2[%select_n3A_149, %dma_start3A_154] : memref<401408x16xi32, #tpu.memory_space<hbm>> -> memref<64x16xi32, #tpu.memory_space<hbm>>
        %dma_start3A_156 = arith.constant 0 : i32
        %dma_start3A_157 = arith.constant 0 : i32
        %dma_start3A_158 = tpu.memref_slice %arg8[%dma_start3A, %dma_start3A_156, %dma_start3A_157] : memref<3x64x16xi32, #tpu.memory_space<vmem>> -> memref<1x64x16xi32, #tpu.memory_space<vmem>>
        %dma_start3A_159 = tpu.memref_squeeze %dma_start3A_158 : memref<1x64x16xi32, #tpu.memory_space<vmem>> -> memref<64x16xi32, #tpu.memory_space<vmem>>
        %dma_start3A_160 = arith.constant 0 : i32
        %dma_start3A_161 = tpu.memref_slice %arg2[%select_n3A_149, %dma_start3A_160] : memref<401408x16xi32, #tpu.memory_space<hbm>> -> memref<64x16xi32, #tpu.memory_space<hbm>>
        tpu.enqueue_dma source(%dma_start3A_161 : memref<64x16xi32, #tpu.memory_space<hbm>>) target(%dma_start3A_159 : memref<64x16xi32, #tpu.memory_space<vmem>>) target_semaphore(%arg15 : memref<!tpu.dma_semaphore, #tpu.memory_space<semaphore_mem>>)
      } else {
      }
      %mul3A_70 = arith.constant 3 : i32
      %mul3A_71 = arith.muli %add3A_36, %mul3A_70 : i32
      %add3A_72 = arith.constant 0 : i32
      %add3A_73 = arith.addi %mul3A_71, %add3A_72 : i32
      %mul3A_74 = arith.constant 16 : i32
      %mul3A_75 = arith.muli %add3A_73, %mul3A_74 : i32
      %add3A_76 = arith.addi %arg1, %mul3A_75 : i32
      %lt3A_77 = arith.cmpi slt, %add3A_76, %reduce_sum3A_5 : i32
      %convert_element_type3A_78 = arith.extui %lt3A_77 : i1 to i32
      %cond3A_79 = arith.constant 0 : i32
      %cond3A_80 = arith.cmpi ne, %convert_element_type3A_78, %cond3A_79 : i32
      scf.if %cond3A_80 {
        %dma_wait3A = arith.constant 0 : i32
        %dma_wait3A_136 = arith.constant 0 : i32
        %dma_wait3A_137 = arith.constant 0 : i32
        %dma_wait3A_138 = tpu.memref_slice %arg8[%dma_wait3A, %dma_wait3A_136, %dma_wait3A_137] : memref<3x64x16xi32, #tpu.memory_space<vmem>> -> memref<1x64x16xi32, #tpu.memory_space<vmem>>
        %dma_wait3A_139 = tpu.memref_squeeze %dma_wait3A_138 : memref<1x64x16xi32, #tpu.memory_space<vmem>> -> memref<64x16xi32, #tpu.memory_space<vmem>>
        %dma_wait3A_140 = arith.constant 0 : i32
        %dma_wait3A_141 = arith.constant 0 : i32
        %dma_wait3A_142 = tpu.memref_slice %arg2[%dma_wait3A_140, %dma_wait3A_141] : memref<401408x16xi32, #tpu.memory_space<hbm>> -> memref<64x16xi32, #tpu.memory_space<hbm>>
        %dma_wait3A_143 = arith.constant 0 : i32
        %dma_wait3A_144 = arith.constant 0 : i32
        %dma_wait3A_145 = tpu.memref_slice %arg8[%dma_wait3A, %dma_wait3A_143, %dma_wait3A_144] : memref<3x64x16xi32, #tpu.memory_space<vmem>> -> memref<1x64x16xi32, #tpu.memory_space<vmem>>
        %dma_wait3A_146 = tpu.memref_squeeze %dma_wait3A_145 : memref<1x64x16xi32, #tpu.memory_space<vmem>> -> memref<64x16xi32, #tpu.memory_space<vmem>>
        %dma_wait3A_147 = arith.constant 0 : i32
        %dma_wait3A_148 = arith.constant 0 : i32
        %dma_wait3A_149 = tpu.memref_slice %arg2[%dma_wait3A_147, %dma_wait3A_148] : memref<401408x16xi32, #tpu.memory_space<hbm>> -> memref<64x16xi32, #tpu.memory_space<hbm>>
        tpu.wait_dma2 semaphore(%arg13 : memref<!tpu.dma_semaphore, #tpu.memory_space<semaphore_mem>>) src(%dma_wait3A_149 : memref<64x16xi32, #tpu.memory_space<hbm>>) dst(%dma_wait3A_146 : memref<64x16xi32, #tpu.memory_space<vmem>>)
        %add3A_150 = arith.constant 0 : i32
        %add3A_151 = vector.broadcast %add3A_150 : i32 to vector<16xi32>
        %add3A_152 = arith.addi %iota3A_6, %add3A_151 : vector<16xi32>
        %gather3A = arith.constant 0 : i32
        %gather3A_153 = arith.constant 0 : i32
        %gather3A_154 = arith.constant 0 : i32
        %gather3A_155 = tpu.memref_slice %arg8[%gather3A, %gather3A_153, %gather3A_154] : memref<3x64x16xi32, #tpu.memory_space<vmem>> -> memref<1x64x16xi32, #tpu.memory_space<vmem>>
        %gather3A_156 = tpu.memref_squeeze %gather3A_155 : memref<1x64x16xi32, #tpu.memory_space<vmem>> -> memref<64x16xi32, #tpu.memory_space<vmem>>
        %gather3A_157 = tpu.vector_load_idx %gather3A_156[%add3A_152, %broadcast_in_dim3A_8] : memref<64x16xi32, #tpu.memory_space<vmem>>[vector<16xi32>, vector<16xi32>], vector<16xi32>,
        %swap3A = arith.constant 0 : i32
        %swap3A_158 = arith.index_cast %swap3A : i32 to index
        %swap3A_159 = arith.constant 0 : index
        %swap3A_160 = tpu.vector_load %arg9[%swap3A_158, %swap3A_159] {strides = array<i32>} : memref<3x64xi32, #tpu.memory_space<vmem>>, vector<16xi32>,
        tpu.vector_store %arg9[%swap3A_158, %swap3A_159], %gather3A_157 {strides = array<i32>} : memref<3x64xi32, #tpu.memory_space<vmem>>, vector<16xi32>,
        %add3A_161 = arith.constant 0 : i32
        %add3A_162 = vector.broadcast %add3A_161 : i32 to vector<16xi32>
        %add3A_163 = arith.addi %iota3A_6, %add3A_162 : vector<16xi32>
        %add3A_164 = arith.constant 1 : i32
        %add3A_165 = vector.broadcast %add3A_164 : i32 to vector<16xi32>
        %add3A_166 = arith.addi %broadcast_in_dim3A_8, %add3A_165 : vector<16xi32>
        %gather3A_167 = arith.constant 0 : i32
        %gather3A_168 = arith.constant 0 : i32
        %gather3A_169 = arith.constant 0 : i32
        %gather3A_170 = tpu.memref_slice %arg8[%gather3A_167, %gather3A_168, %gather3A_169] : memref<3x64x16xi32, #tpu.memory_space<vmem>> -> memref<1x64x16xi32, #tpu.memory_space<vmem>>
        %gather3A_171 = tpu.memref_squeeze %gather3A_170 : memref<1x64x16xi32, #tpu.memory_space<vmem>> -> memref<64x16xi32, #tpu.memory_space<vmem>>
        %gather3A_172 = tpu.vector_load_idx %gather3A_171[%add3A_163, %add3A_166] : memref<64x16xi32, #tpu.memory_space<vmem>>[vector<16xi32>, vector<16xi32>], vector<16xi32>,
        %swap3A_173 = arith.constant 0 : i32
        %swap3A_174 = arith.index_cast %swap3A_173 : i32 to index
        %swap3A_175 = arith.constant 0 : index
        %swap3A_176 = tpu.vector_load %arg10[%swap3A_174, %swap3A_175] {strides = array<i32>} : memref<3x64xi32, #tpu.memory_space<vmem>>, vector<16xi32>,
        tpu.vector_store %arg10[%swap3A_174, %swap3A_175], %gather3A_172 {strides = array<i32>} : memref<3x64xi32, #tpu.memory_space<vmem>>, vector<16xi32>,
        %add3A_177 = arith.constant 16 : i32
        %add3A_178 = vector.broadcast %add3A_177 : i32 to vector<16xi32>
        %add3A_179 = arith.addi %iota3A_6, %add3A_178 : vector<16xi32>
        %gather3A_180 = arith.constant 0 : i32
        %gather3A_181 = arith.constant 0 : i32
        %gather3A_182 = arith.constant 0 : i32
        %gather3A_183 = tpu.memref_slice %arg8[%gather3A_180, %gather3A_181, %gather3A_182] : memref<3x64x16xi32, #tpu.memory_space<vmem>> -> memref<1x64x16xi32, #tpu.memory_space<vmem>>
        %gather3A_184 = tpu.memref_squeeze %gather3A_183 : memref<1x64x16xi32, #tpu.memory_space<vmem>> -> memref<64x16xi32, #tpu.memory_space<vmem>>
        %gather3A_185 = tpu.vector_load_idx %gather3A_184[%add3A_179, %broadcast_in_dim3A_8] : memref<64x16xi32, #tpu.memory_space<vmem>>[vector<16xi32>, vector<16xi32>], vector<16xi32>,
        %swap3A_186 = arith.constant 0 : i32
        %swap3A_187 = arith.index_cast %swap3A_186 : i32 to index
        %swap3A_188 = arith.constant 16 : index
        %swap3A_189 = tpu.vector_load %arg9[%swap3A_187, %swap3A_188] {strides = array<i32>} : memref<3x64xi32, #tpu.memory_space<vmem>>, vector<16xi32>,
        tpu.vector_store %arg9[%swap3A_187, %swap3A_188], %gather3A_185 {strides = array<i32>} : memref<3x64xi32, #tpu.memory_space<vmem>>, vector<16xi32>,
        %add3A_190 = arith.constant 16 : i32
        %add3A_191 = vector.broadcast %add3A_190 : i32 to vector<16xi32>
        %add3A_192 = arith.addi %iota3A_6, %add3A_191 : vector<16xi32>
        %add3A_193 = arith.constant 1 : i32
        %add3A_194 = vector.broadcast %add3A_193 : i32 to vector<16xi32>
        %add3A_195 = arith.addi %broadcast_in_dim3A_8, %add3A_194 : vector<16xi32>
        %gather3A_196 = arith.constant 0 : i32
        %gather3A_197 = arith.constant 0 : i32
        %gather3A_198 = arith.constant 0 : i32
        %gather3A_199 = tpu.memref_slice %arg8[%gather3A_196, %gather3A_197, %gather3A_198] : memref<3x64x16xi32, #tpu.memory_space<vmem>> -> memref<1x64x16xi32, #tpu.memory_space<vmem>>
        %gather3A_200 = tpu.memref_squeeze %gather3A_199 : memref<1x64x16xi32, #tpu.memory_space<vmem>> -> memref<64x16xi32, #tpu.memory_space<vmem>>
        %gather3A_201 = tpu.vector_load_idx %gather3A_200[%add3A_192, %add3A_195] : memref<64x16xi32, #tpu.memory_space<vmem>>[vector<16xi32>, vector<16xi32>], vector<16xi32>,
        %swap3A_202 = arith.constant 0 : i32
        %swap3A_203 = arith.index_cast %swap3A_202 : i32 to index
        %swap3A_204 = arith.constant 16 : index
        %swap3A_205 = tpu.vector_load %arg10[%swap3A_203, %swap3A_204] {strides = array<i32>} : memref<3x64xi32, #tpu.memory_space<vmem>>, vector<16xi32>,
        tpu.vector_store %arg10[%swap3A_203, %swap3A_204], %gather3A_201 {strides = array<i32>} : memref<3x64xi32, #tpu.memory_space<vmem>>, vector<16xi32>,
        %add3A_206 = arith.constant 32 : i32
        %add3A_207 = vector.broadcast %add3A_206 : i32 to vector<16xi32>
        %add3A_208 = arith.addi %iota3A_6, %add3A_207 : vector<16xi32>
        %gather3A_209 = arith.constant 0 : i32
        %gather3A_210 = arith.constant 0 : i32
        %gather3A_211 = arith.constant 0 : i32
        %gather3A_212 = tpu.memref_slice %arg8[%gather3A_209, %gather3A_210, %gather3A_211] : memref<3x64x16xi32, #tpu.memory_space<vmem>> -> memref<1x64x16xi32, #tpu.memory_space<vmem>>
        %gather3A_213 = tpu.memref_squeeze %gather3A_212 : memref<1x64x16xi32, #tpu.memory_space<vmem>> -> memref<64x16xi32, #tpu.memory_space<vmem>>
        %gather3A_214 = tpu.vector_load_idx %gather3A_213[%add3A_208, %broadcast_in_dim3A_8] : memref<64x16xi32, #tpu.memory_space<vmem>>[vector<16xi32>, vector<16xi32>], vector<16xi32>,
        %swap3A_215 = arith.constant 0 : i32
        %swap3A_216 = arith.index_cast %swap3A_215 : i32 to index
        %swap3A_217 = arith.constant 32 : index
        %swap3A_218 = tpu.vector_load %arg9[%swap3A_216, %swap3A_217] {strides = array<i32>} : memref<3x64xi32, #tpu.memory_space<vmem>>, vector<16xi32>,
        tpu.vector_store %arg9[%swap3A_216, %swap3A_217], %gather3A_214 {strides = array<i32>} : memref<3x64xi32, #tpu.memory_space<vmem>>, vector<16xi32>,
        %add3A_219 = arith.constant 32 : i32
        %add3A_220 = vector.broadcast %add3A_219 : i32 to vector<16xi32>
        %add3A_221 = arith.addi %iota3A_6, %add3A_220 : vector<16xi32>
        %add3A_222 = arith.constant 1 : i32
        %add3A_223 = vector.broadcast %add3A_222 : i32 to vector<16xi32>
        %add3A_224 = arith.addi %broadcast_in_dim3A_8, %add3A_223 : vector<16xi32>
        %gather3A_225 = arith.constant 0 : i32
        %gather3A_226 = arith.constant 0 : i32
        %gather3A_227 = arith.constant 0 : i32
        %gather3A_228 = tpu.memref_slice %arg8[%gather3A_225, %gather3A_226, %gather3A_227] : memref<3x64x16xi32, #tpu.memory_space<vmem>> -> memref<1x64x16xi32, #tpu.memory_space<vmem>>
        %gather3A_229 = tpu.memref_squeeze %gather3A_228 : memref<1x64x16xi32, #tpu.memory_space<vmem>> -> memref<64x16xi32, #tpu.memory_space<vmem>>
        %gather3A_230 = tpu.vector_load_idx %gather3A_229[%add3A_221, %add3A_224] : memref<64x16xi32, #tpu.memory_space<vmem>>[vector<16xi32>, vector<16xi32>], vector<16xi32>,
        %swap3A_231 = arith.constant 0 : i32
        %swap3A_232 = arith.index_cast %swap3A_231 : i32 to index
        %swap3A_233 = arith.constant 32 : index
        %swap3A_234 = tpu.vector_load %arg10[%swap3A_232, %swap3A_233] {strides = array<i32>} : memref<3x64xi32, #tpu.memory_space<vmem>>, vector<16xi32>,
        tpu.vector_store %arg10[%swap3A_232, %swap3A_233], %gather3A_230 {strides = array<i32>} : memref<3x64xi32, #tpu.memory_space<vmem>>, vector<16xi32>,
        %add3A_235 = arith.constant 48 : i32
        %add3A_236 = vector.broadcast %add3A_235 : i32 to vector<16xi32>
        %add3A_237 = arith.addi %iota3A_6, %add3A_236 : vector<16xi32>
        %gather3A_238 = arith.constant 0 : i32
        %gather3A_239 = arith.constant 0 : i32
        %gather3A_240 = arith.constant 0 : i32
        %gather3A_241 = tpu.memref_slice %arg8[%gather3A_238, %gather3A_239, %gather3A_240] : memref<3x64x16xi32, #tpu.memory_space<vmem>> -> memref<1x64x16xi32, #tpu.memory_space<vmem>>
        %gather3A_242 = tpu.memref_squeeze %gather3A_241 : memref<1x64x16xi32, #tpu.memory_space<vmem>> -> memref<64x16xi32, #tpu.memory_space<vmem>>
        %gather3A_243 = tpu.vector_load_idx %gather3A_242[%add3A_237, %broadcast_in_dim3A_8] : memref<64x16xi32, #tpu.memory_space<vmem>>[vector<16xi32>, vector<16xi32>], vector<16xi32>,
        %swap3A_244 = arith.constant 0 : i32
        %swap3A_245 = arith.index_cast %swap3A_244 : i32 to index
        %swap3A_246 = arith.constant 48 : index
        %swap3A_247 = tpu.vector_load %arg9[%swap3A_245, %swap3A_246] {strides = array<i32>} : memref<3x64xi32, #tpu.memory_space<vmem>>, vector<16xi32>,
        tpu.vector_store %arg9[%swap3A_245, %swap3A_246], %gather3A_243 {strides = array<i32>} : memref<3x64xi32, #tpu.memory_space<vmem>>, vector<16xi32>,
        %add3A_248 = arith.constant 48 : i32
        %add3A_249 = vector.broadcast %add3A_248 : i32 to vector<16xi32>
        %add3A_250 = arith.addi %iota3A_6, %add3A_249 : vector<16xi32>
        %add3A_251 = arith.constant 1 : i32
        %add3A_252 = vector.broadcast %add3A_251 : i32 to vector<16xi32>
        %add3A_253 = arith.addi %broadcast_in_dim3A_8, %add3A_252 : vector<16xi32>
        %gather3A_254 = arith.constant 0 : i32
        %gather3A_255 = arith.constant 0 : i32
        %gather3A_256 = arith.constant 0 : i32
        %gather3A_257 = tpu.memref_slice %arg8[%gather3A_254, %gather3A_255, %gather3A_256] : memref<3x64x16xi32, #tpu.memory_space<vmem>> -> memref<1x64x16xi32, #tpu.memory_space<vmem>>
        %gather3A_258 = tpu.memref_squeeze %gather3A_257 : memref<1x64x16xi32, #tpu.memory_space<vmem>> -> memref<64x16xi32, #tpu.memory_space<vmem>>
        %gather3A_259 = tpu.vector_load_idx %gather3A_258[%add3A_250, %add3A_253] : memref<64x16xi32, #tpu.memory_space<vmem>>[vector<16xi32>, vector<16xi32>], vector<16xi32>,
        %swap3A_260 = arith.constant 0 : i32
        %swap3A_261 = arith.index_cast %swap3A_260 : i32 to index
        %swap3A_262 = arith.constant 48 : index
        %swap3A_263 = tpu.vector_load %arg10[%swap3A_261, %swap3A_262] {strides = array<i32>} : memref<3x64xi32, #tpu.memory_space<vmem>>, vector<16xi32>,
        tpu.vector_store %arg10[%swap3A_261, %swap3A_262], %gather3A_259 {strides = array<i32>} : memref<3x64xi32, #tpu.memory_space<vmem>>, vector<16xi32>,
        %dma_start3A = arith.constant 0 : i32
        %dma_start3A_264 = arith.constant 0 : i32
        %dma_start3A_265 = arith.constant 0 : i32
        %dma_start3A_266 = arith.constant 0 : i32
        %dma_start3A_267 = tpu.memref_slice %arg11[%dma_start3A_264, %dma_start3A_265, %dma_start3A_266] : memref<3x64x128xf32, #tpu.memory_space<vmem>> -> memref<1x64x128xf32, #tpu.memory_space<vmem>>
        %dma_start3A_268 = tpu.memref_squeeze %dma_start3A_267 : memref<1x64x128xf32, #tpu.memory_space<vmem>> -> memref<64x128xf32, #tpu.memory_space<vmem>>
        %dma_start3A_269 = arith.constant 0 : i32
        %dma_start3A_270 = tpu.memref_slice %arg9[%dma_start3A, %dma_start3A_269] : memref<3x64xi32, #tpu.memory_space<vmem>> -> memref<1x64xi32, #tpu.memory_space<vmem>>
        %dma_start3A_271 = tpu.memref_squeeze %dma_start3A_270 : memref<1x64xi32, #tpu.memory_space<vmem>> -> memref<64xi32, #tpu.memory_space<vmem>>
        %dma_start3A_272 = arith.constant 0 : i32
        %dma_start3A_273 = arith.constant 0 : i32
        %dma_start3A_274 = tpu.memref_slice %arg4[%dma_start3A_272, %dma_start3A_273] : memref<1350000x128xf32, #tpu.memory_space<hbm>> -> memref<1350000x128xf32, #tpu.memory_space<hbm>>
        tpu.enqueue_indirect_dma source(%dma_start3A_274 : memref<1350000x128xf32, #tpu.memory_space<hbm>>) target(%dma_start3A_268 : memref<64x128xf32, #tpu.memory_space<vmem>>) offsets(%dma_start3A_271 : memref<64xi32, #tpu.memory_space<vmem>>) semaphore(%arg16 : memref<!tpu.dma_semaphore, #tpu.memory_space<semaphore_mem>>)
      } else {
      }
      %mul3A_81 = arith.constant 3 : i32
      %mul3A_82 = arith.muli %add3A_36, %mul3A_81 : i32
      %add3A_83 = arith.constant 1 : i32
      %add3A_84 = arith.addi %mul3A_82, %add3A_83 : i32
      %mul3A_85 = arith.constant 16 : i32
      %mul3A_86 = arith.muli %add3A_84, %mul3A_85 : i32
      %add3A_87 = arith.addi %arg1, %mul3A_86 : i32
      %lt3A_88 = arith.cmpi slt, %add3A_87, %reduce_sum3A_5 : i32
      %convert_element_type3A_89 = arith.extui %lt3A_88 : i1 to i32
      %cond3A_90 = arith.constant 0 : i32
      %cond3A_91 = arith.cmpi ne, %convert_element_type3A_89, %cond3A_90 : i32
      scf.if %cond3A_91 {
        %dma_wait3A = arith.constant 1 : i32
        %dma_wait3A_136 = arith.constant 0 : i32
        %dma_wait3A_137 = arith.constant 0 : i32
        %dma_wait3A_138 = tpu.memref_slice %arg8[%dma_wait3A, %dma_wait3A_136, %dma_wait3A_137] : memref<3x64x16xi32, #tpu.memory_space<vmem>> -> memref<1x64x16xi32, #tpu.memory_space<vmem>>
        %dma_wait3A_139 = tpu.memref_squeeze %dma_wait3A_138 : memref<1x64x16xi32, #tpu.memory_space<vmem>> -> memref<64x16xi32, #tpu.memory_space<vmem>>
        %dma_wait3A_140 = arith.constant 0 : i32
        %dma_wait3A_141 = arith.constant 0 : i32
        %dma_wait3A_142 = tpu.memref_slice %arg2[%dma_wait3A_140, %dma_wait3A_141] : memref<401408x16xi32, #tpu.memory_space<hbm>> -> memref<64x16xi32, #tpu.memory_space<hbm>>
        %dma_wait3A_143 = arith.constant 0 : i32
        %dma_wait3A_144 = arith.constant 0 : i32
        %dma_wait3A_145 = tpu.memref_slice %arg8[%dma_wait3A, %dma_wait3A_143, %dma_wait3A_144] : memref<3x64x16xi32, #tpu.memory_space<vmem>> -> memref<1x64x16xi32, #tpu.memory_space<vmem>>
        %dma_wait3A_146 = tpu.memref_squeeze %dma_wait3A_145 : memref<1x64x16xi32, #tpu.memory_space<vmem>> -> memref<64x16xi32, #tpu.memory_space<vmem>>
        %dma_wait3A_147 = arith.constant 0 : i32
        %dma_wait3A_148 = arith.constant 0 : i32
        %dma_wait3A_149 = tpu.memref_slice %arg2[%dma_wait3A_147, %dma_wait3A_148] : memref<401408x16xi32, #tpu.memory_space<hbm>> -> memref<64x16xi32, #tpu.memory_space<hbm>>
        tpu.wait_dma2 semaphore(%arg14 : memref<!tpu.dma_semaphore, #tpu.memory_space<semaphore_mem>>) src(%dma_wait3A_149 : memref<64x16xi32, #tpu.memory_space<hbm>>) dst(%dma_wait3A_146 : memref<64x16xi32, #tpu.memory_space<vmem>>)
        %add3A_150 = arith.constant 0 : i32
        %add3A_151 = vector.broadcast %add3A_150 : i32 to vector<16xi32>
        %add3A_152 = arith.addi %iota3A_6, %add3A_151 : vector<16xi32>
        %gather3A = arith.constant 1 : i32
        %gather3A_153 = arith.constant 0 : i32
        %gather3A_154 = arith.constant 0 : i32
        %gather3A_155 = tpu.memref_slice %arg8[%gather3A, %gather3A_153, %gather3A_154] : memref<3x64x16xi32, #tpu.memory_space<vmem>> -> memref<1x64x16xi32, #tpu.memory_space<vmem>>
        %gather3A_156 = tpu.memref_squeeze %gather3A_155 : memref<1x64x16xi32, #tpu.memory_space<vmem>> -> memref<64x16xi32, #tpu.memory_space<vmem>>
        %gather3A_157 = tpu.vector_load_idx %gather3A_156[%add3A_152, %broadcast_in_dim3A_8] : memref<64x16xi32, #tpu.memory_space<vmem>>[vector<16xi32>, vector<16xi32>], vector<16xi32>,
        %swap3A = arith.constant 1 : i32
        %swap3A_158 = arith.index_cast %swap3A : i32 to index
        %swap3A_159 = arith.constant 0 : index
        %swap3A_160 = tpu.vector_load %arg9[%swap3A_158, %swap3A_159] {strides = array<i32>} : memref<3x64xi32, #tpu.memory_space<vmem>>, vector<16xi32>,
        tpu.vector_store %arg9[%swap3A_158, %swap3A_159], %gather3A_157 {strides = array<i32>} : memref<3x64xi32, #tpu.memory_space<vmem>>, vector<16xi32>,
        %add3A_161 = arith.constant 0 : i32
        %add3A_162 = vector.broadcast %add3A_161 : i32 to vector<16xi32>
        %add3A_163 = arith.addi %iota3A_6, %add3A_162 : vector<16xi32>
        %add3A_164 = arith.constant 1 : i32
        %add3A_165 = vector.broadcast %add3A_164 : i32 to vector<16xi32>
        %add3A_166 = arith.addi %broadcast_in_dim3A_8, %add3A_165 : vector<16xi32>
        %gather3A_167 = arith.constant 1 : i32
        %gather3A_168 = arith.constant 0 : i32
        %gather3A_169 = arith.constant 0 : i32
        %gather3A_170 = tpu.memref_slice %arg8[%gather3A_167, %gather3A_168, %gather3A_169] : memref<3x64x16xi32, #tpu.memory_space<vmem>> -> memref<1x64x16xi32, #tpu.memory_space<vmem>>
        %gather3A_171 = tpu.memref_squeeze %gather3A_170 : memref<1x64x16xi32, #tpu.memory_space<vmem>> -> memref<64x16xi32, #tpu.memory_space<vmem>>
        %gather3A_172 = tpu.vector_load_idx %gather3A_171[%add3A_163, %add3A_166] : memref<64x16xi32, #tpu.memory_space<vmem>>[vector<16xi32>, vector<16xi32>], vector<16xi32>,
        %swap3A_173 = arith.constant 1 : i32
        %swap3A_174 = arith.index_cast %swap3A_173 : i32 to index
        %swap3A_175 = arith.constant 0 : index
        %swap3A_176 = tpu.vector_load %arg10[%swap3A_174, %swap3A_175] {strides = array<i32>} : memref<3x64xi32, #tpu.memory_space<vmem>>, vector<16xi32>,
        tpu.vector_store %arg10[%swap3A_174, %swap3A_175], %gather3A_172 {strides = array<i32>} : memref<3x64xi32, #tpu.memory_space<vmem>>, vector<16xi32>,
        %add3A_177 = arith.constant 16 : i32
        %add3A_178 = vector.broadcast %add3A_177 : i32 to vector<16xi32>
        %add3A_179 = arith.addi %iota3A_6, %add3A_178 : vector<16xi32>
        %gather3A_180 = arith.constant 1 : i32
        %gather3A_181 = arith.constant 0 : i32
        %gather3A_182 = arith.constant 0 : i32
        %gather3A_183 = tpu.memref_slice %arg8[%gather3A_180, %gather3A_181, %gather3A_182] : memref<3x64x16xi32, #tpu.memory_space<vmem>> -> memref<1x64x16xi32, #tpu.memory_space<vmem>>
        %gather3A_184 = tpu.memref_squeeze %gather3A_183 : memref<1x64x16xi32, #tpu.memory_space<vmem>> -> memref<64x16xi32, #tpu.memory_space<vmem>>
        %gather3A_185 = tpu.vector_load_idx %gather3A_184[%add3A_179, %broadcast_in_dim3A_8] : memref<64x16xi32, #tpu.memory_space<vmem>>[vector<16xi32>, vector<16xi32>], vector<16xi32>,
        %swap3A_186 = arith.constant 1 : i32
        %swap3A_187 = arith.index_cast %swap3A_186 : i32 to index
        %swap3A_188 = arith.constant 16 : index
        %swap3A_189 = tpu.vector_load %arg9[%swap3A_187, %swap3A_188] {strides = array<i32>} : memref<3x64xi32, #tpu.memory_space<vmem>>, vector<16xi32>,
        tpu.vector_store %arg9[%swap3A_187, %swap3A_188], %gather3A_185 {strides = array<i32>} : memref<3x64xi32, #tpu.memory_space<vmem>>, vector<16xi32>,
        %add3A_190 = arith.constant 16 : i32
        %add3A_191 = vector.broadcast %add3A_190 : i32 to vector<16xi32>
        %add3A_192 = arith.addi %iota3A_6, %add3A_191 : vector<16xi32>
        %add3A_193 = arith.constant 1 : i32
        %add3A_194 = vector.broadcast %add3A_193 : i32 to vector<16xi32>
        %add3A_195 = arith.addi %broadcast_in_dim3A_8, %add3A_194 : vector<16xi32>
        %gather3A_196 = arith.constant 1 : i32
        %gather3A_197 = arith.constant 0 : i32
        %gather3A_198 = arith.constant 0 : i32
        %gather3A_199 = tpu.memref_slice %arg8[%gather3A_196, %gather3A_197, %gather3A_198] : memref<3x64x16xi32, #tpu.memory_space<vmem>> -> memref<1x64x16xi32, #tpu.memory_space<vmem>>
        %gather3A_200 = tpu.memref_squeeze %gather3A_199 : memref<1x64x16xi32, #tpu.memory_space<vmem>> -> memref<64x16xi32, #tpu.memory_space<vmem>>
        %gather3A_201 = tpu.vector_load_idx %gather3A_200[%add3A_192, %add3A_195] : memref<64x16xi32, #tpu.memory_space<vmem>>[vector<16xi32>, vector<16xi32>], vector<16xi32>,
        %swap3A_202 = arith.constant 1 : i32
        %swap3A_203 = arith.index_cast %swap3A_202 : i32 to index
        %swap3A_204 = arith.constant 16 : index
        %swap3A_205 = tpu.vector_load %arg10[%swap3A_203, %swap3A_204] {strides = array<i32>} : memref<3x64xi32, #tpu.memory_space<vmem>>, vector<16xi32>,
        tpu.vector_store %arg10[%swap3A_203, %swap3A_204], %gather3A_201 {strides = array<i32>} : memref<3x64xi32, #tpu.memory_space<vmem>>, vector<16xi32>,
        %add3A_206 = arith.constant 32 : i32
        %add3A_207 = vector.broadcast %add3A_206 : i32 to vector<16xi32>
        %add3A_208 = arith.addi %iota3A_6, %add3A_207 : vector<16xi32>
        %gather3A_209 = arith.constant 1 : i32
        %gather3A_210 = arith.constant 0 : i32
        %gather3A_211 = arith.constant 0 : i32
        %gather3A_212 = tpu.memref_slice %arg8[%gather3A_209, %gather3A_210, %gather3A_211] : memref<3x64x16xi32, #tpu.memory_space<vmem>> -> memref<1x64x16xi32, #tpu.memory_space<vmem>>
        %gather3A_213 = tpu.memref_squeeze %gather3A_212 : memref<1x64x16xi32, #tpu.memory_space<vmem>> -> memref<64x16xi32, #tpu.memory_space<vmem>>
        %gather3A_214 = tpu.vector_load_idx %gather3A_213[%add3A_208, %broadcast_in_dim3A_8] : memref<64x16xi32, #tpu.memory_space<vmem>>[vector<16xi32>, vector<16xi32>], vector<16xi32>,
        %swap3A_215 = arith.constant 1 : i32
        %swap3A_216 = arith.index_cast %swap3A_215 : i32 to index
        %swap3A_217 = arith.constant 32 : index
        %swap3A_218 = tpu.vector_load %arg9[%swap3A_216, %swap3A_217] {strides = array<i32>} : memref<3x64xi32, #tpu.memory_space<vmem>>, vector<16xi32>,
        tpu.vector_store %arg9[%swap3A_216, %swap3A_217], %gather3A_214 {strides = array<i32>} : memref<3x64xi32, #tpu.memory_space<vmem>>, vector<16xi32>,
        %add3A_219 = arith.constant 32 : i32
        %add3A_220 = vector.broadcast %add3A_219 : i32 to vector<16xi32>
        %add3A_221 = arith.addi %iota3A_6, %add3A_220 : vector<16xi32>
        %add3A_222 = arith.constant 1 : i32
        %add3A_223 = vector.broadcast %add3A_222 : i32 to vector<16xi32>
        %add3A_224 = arith.addi %broadcast_in_dim3A_8, %add3A_223 : vector<16xi32>
        %gather3A_225 = arith.constant 1 : i32
        %gather3A_226 = arith.constant 0 : i32
        %gather3A_227 = arith.constant 0 : i32
        %gather3A_228 = tpu.memref_slice %arg8[%gather3A_225, %gather3A_226, %gather3A_227] : memref<3x64x16xi32, #tpu.memory_space<vmem>> -> memref<1x64x16xi32, #tpu.memory_space<vmem>>
        %gather3A_229 = tpu.memref_squeeze %gather3A_228 : memref<1x64x16xi32, #tpu.memory_space<vmem>> -> memref<64x16xi32, #tpu.memory_space<vmem>>
        %gather3A_230 = tpu.vector_load_idx %gather3A_229[%add3A_221, %add3A_224] : memref<64x16xi32, #tpu.memory_space<vmem>>[vector<16xi32>, vector<16xi32>], vector<16xi32>,
        %swap3A_231 = arith.constant 1 : i32
        %swap3A_232 = arith.index_cast %swap3A_231 : i32 to index
        %swap3A_233 = arith.constant 32 : index
        %swap3A_234 = tpu.vector_load %arg10[%swap3A_232, %swap3A_233] {strides = array<i32>} : memref<3x64xi32, #tpu.memory_space<vmem>>, vector<16xi32>,
        tpu.vector_store %arg10[%swap3A_232, %swap3A_233], %gather3A_230 {strides = array<i32>} : memref<3x64xi32, #tpu.memory_space<vmem>>, vector<16xi32>,
        %add3A_235 = arith.constant 48 : i32
        %add3A_236 = vector.broadcast %add3A_235 : i32 to vector<16xi32>
        %add3A_237 = arith.addi %iota3A_6, %add3A_236 : vector<16xi32>
        %gather3A_238 = arith.constant 1 : i32
        %gather3A_239 = arith.constant 0 : i32
        %gather3A_240 = arith.constant 0 : i32
        %gather3A_241 = tpu.memref_slice %arg8[%gather3A_238, %gather3A_239, %gather3A_240] : memref<3x64x16xi32, #tpu.memory_space<vmem>> -> memref<1x64x16xi32, #tpu.memory_space<vmem>>
        %gather3A_242 = tpu.memref_squeeze %gather3A_241 : memref<1x64x16xi32, #tpu.memory_space<vmem>> -> memref<64x16xi32, #tpu.memory_space<vmem>>
        %gather3A_243 = tpu.vector_load_idx %gather3A_242[%add3A_237, %broadcast_in_dim3A_8] : memref<64x16xi32, #tpu.memory_space<vmem>>[vector<16xi32>, vector<16xi32>], vector<16xi32>,
        %swap3A_244 = arith.constant 1 : i32
        %swap3A_245 = arith.index_cast %swap3A_244 : i32 to index
        %swap3A_246 = arith.constant 48 : index
        %swap3A_247 = tpu.vector_load %arg9[%swap3A_245, %swap3A_246] {strides = array<i32>} : memref<3x64xi32, #tpu.memory_space<vmem>>, vector<16xi32>,
        tpu.vector_store %arg9[%swap3A_245, %swap3A_246], %gather3A_243 {strides = array<i32>} : memref<3x64xi32, #tpu.memory_space<vmem>>, vector<16xi32>,
        %add3A_248 = arith.constant 48 : i32
        %add3A_249 = vector.broadcast %add3A_248 : i32 to vector<16xi32>
        %add3A_250 = arith.addi %iota3A_6, %add3A_249 : vector<16xi32>
        %add3A_251 = arith.constant 1 : i32
        %add3A_252 = vector.broadcast %add3A_251 : i32 to vector<16xi32>
        %add3A_253 = arith.addi %broadcast_in_dim3A_8, %add3A_252 : vector<16xi32>
        %gather3A_254 = arith.constant 1 : i32
        %gather3A_255 = arith.constant 0 : i32
        %gather3A_256 = arith.constant 0 : i32
        %gather3A_257 = tpu.memref_slice %arg8[%gather3A_254, %gather3A_255, %gather3A_256] : memref<3x64x16xi32, #tpu.memory_space<vmem>> -> memref<1x64x16xi32, #tpu.memory_space<vmem>>
        %gather3A_258 = tpu.memref_squeeze %gather3A_257 : memref<1x64x16xi32, #tpu.memory_space<vmem>> -> memref<64x16xi32, #tpu.memory_space<vmem>>
        %gather3A_259 = tpu.vector_load_idx %gather3A_258[%add3A_250, %add3A_253] : memref<64x16xi32, #tpu.memory_space<vmem>>[vector<16xi32>, vector<16xi32>], vector<16xi32>,
        %swap3A_260 = arith.constant 1 : i32
        %swap3A_261 = arith.index_cast %swap3A_260 : i32 to index
        %swap3A_262 = arith.constant 48 : index
        %swap3A_263 = tpu.vector_load %arg10[%swap3A_261, %swap3A_262] {strides = array<i32>} : memref<3x64xi32, #tpu.memory_space<vmem>>, vector<16xi32>,
        tpu.vector_store %arg10[%swap3A_261, %swap3A_262], %gather3A_259 {strides = array<i32>} : memref<3x64xi32, #tpu.memory_space<vmem>>, vector<16xi32>,
        %dma_start3A = arith.constant 1 : i32
        %dma_start3A_264 = arith.constant 1 : i32
        %dma_start3A_265 = arith.constant 0 : i32
        %dma_start3A_266 = arith.constant 0 : i32
        %dma_start3A_267 = tpu.memref_slice %arg11[%dma_start3A_264, %dma_start3A_265, %dma_start3A_266] : memref<3x64x128xf32, #tpu.memory_space<vmem>> -> memref<1x64x128xf32, #tpu.memory_space<vmem>>
        %dma_start3A_268 = tpu.memref_squeeze %dma_start3A_267 : memref<1x64x128xf32, #tpu.memory_space<vmem>> -> memref<64x128xf32, #tpu.memory_space<vmem>>
        %dma_start3A_269 = arith.constant 0 : i32
        %dma_start3A_270 = tpu.memref_slice %arg9[%dma_start3A, %dma_start3A_269] : memref<3x64xi32, #tpu.memory_space<vmem>> -> memref<1x64xi32, #tpu.memory_space<vmem>>
        %dma_start3A_271 = tpu.memref_squeeze %dma_start3A_270 : memref<1x64xi32, #tpu.memory_space<vmem>> -> memref<64xi32, #tpu.memory_space<vmem>>
        %dma_start3A_272 = arith.constant 0 : i32
        %dma_start3A_273 = arith.constant 0 : i32
        %dma_start3A_274 = tpu.memref_slice %arg4[%dma_start3A_272, %dma_start3A_273] : memref<1350000x128xf32, #tpu.memory_space<hbm>> -> memref<1350000x128xf32, #tpu.memory_space<hbm>>
        tpu.enqueue_indirect_dma source(%dma_start3A_274 : memref<1350000x128xf32, #tpu.memory_space<hbm>>) target(%dma_start3A_268 : memref<64x128xf32, #tpu.memory_space<vmem>>) offsets(%dma_start3A_271 : memref<64xi32, #tpu.memory_space<vmem>>) semaphore(%arg17 : memref<!tpu.dma_semaphore, #tpu.memory_space<semaphore_mem>>)
      } else {
      }
      %mul3A_92 = arith.constant 3 : i32
      %mul3A_93 = arith.muli %add3A_36, %mul3A_92 : i32
      %add3A_94 = arith.constant 2 : i32
      %add3A_95 = arith.addi %mul3A_93, %add3A_94 : i32
      %mul3A_96 = arith.constant 16 : i32
      %mul3A_97 = arith.muli %add3A_95, %mul3A_96 : i32
      %add3A_98 = arith.addi %arg1, %mul3A_97 : i32
      %lt3A_99 = arith.cmpi slt, %add3A_98, %reduce_sum3A_5 : i32
      %convert_element_type3A_100 = arith.extui %lt3A_99 : i1 to i32
      %cond3A_101 = arith.constant 0 : i32
      %cond3A_102 = arith.cmpi ne, %convert_element_type3A_100, %cond3A_101 : i32
      scf.if %cond3A_102 {
        %dma_wait3A = arith.constant 2 : i32
        %dma_wait3A_136 = arith.constant 0 : i32
        %dma_wait3A_137 = arith.constant 0 : i32
        %dma_wait3A_138 = tpu.memref_slice %arg8[%dma_wait3A, %dma_wait3A_136, %dma_wait3A_137] : memref<3x64x16xi32, #tpu.memory_space<vmem>> -> memref<1x64x16xi32, #tpu.memory_space<vmem>>
        %dma_wait3A_139 = tpu.memref_squeeze %dma_wait3A_138 : memref<1x64x16xi32, #tpu.memory_space<vmem>> -> memref<64x16xi32, #tpu.memory_space<vmem>>
        %dma_wait3A_140 = arith.constant 0 : i32
        %dma_wait3A_141 = arith.constant 0 : i32
        %dma_wait3A_142 = tpu.memref_slice %arg2[%dma_wait3A_140, %dma_wait3A_141] : memref<401408x16xi32, #tpu.memory_space<hbm>> -> memref<64x16xi32, #tpu.memory_space<hbm>>
        %dma_wait3A_143 = arith.constant 0 : i32
        %dma_wait3A_144 = arith.constant 0 : i32
        %dma_wait3A_145 = tpu.memref_slice %arg8[%dma_wait3A, %dma_wait3A_143, %dma_wait3A_144] : memref<3x64x16xi32, #tpu.memory_space<vmem>> -> memref<1x64x16xi32, #tpu.memory_space<vmem>>
        %dma_wait3A_146 = tpu.memref_squeeze %dma_wait3A_145 : memref<1x64x16xi32, #tpu.memory_space<vmem>> -> memref<64x16xi32, #tpu.memory_space<vmem>>
        %dma_wait3A_147 = arith.constant 0 : i32
        %dma_wait3A_148 = arith.constant 0 : i32
        %dma_wait3A_149 = tpu.memref_slice %arg2[%dma_wait3A_147, %dma_wait3A_148] : memref<401408x16xi32, #tpu.memory_space<hbm>> -> memref<64x16xi32, #tpu.memory_space<hbm>>
        tpu.wait_dma2 semaphore(%arg15 : memref<!tpu.dma_semaphore, #tpu.memory_space<semaphore_mem>>) src(%dma_wait3A_149 : memref<64x16xi32, #tpu.memory_space<hbm>>) dst(%dma_wait3A_146 : memref<64x16xi32, #tpu.memory_space<vmem>>)
        %add3A_150 = arith.constant 0 : i32
        %add3A_151 = vector.broadcast %add3A_150 : i32 to vector<16xi32>
        %add3A_152 = arith.addi %iota3A_6, %add3A_151 : vector<16xi32>
        %gather3A = arith.constant 2 : i32
        %gather3A_153 = arith.constant 0 : i32
        %gather3A_154 = arith.constant 0 : i32
        %gather3A_155 = tpu.memref_slice %arg8[%gather3A, %gather3A_153, %gather3A_154] : memref<3x64x16xi32, #tpu.memory_space<vmem>> -> memref<1x64x16xi32, #tpu.memory_space<vmem>>
        %gather3A_156 = tpu.memref_squeeze %gather3A_155 : memref<1x64x16xi32, #tpu.memory_space<vmem>> -> memref<64x16xi32, #tpu.memory_space<vmem>>
        %gather3A_157 = tpu.vector_load_idx %gather3A_156[%add3A_152, %broadcast_in_dim3A_8] : memref<64x16xi32, #tpu.memory_space<vmem>>[vector<16xi32>, vector<16xi32>], vector<16xi32>,
        %swap3A = arith.constant 2 : i32
        %swap3A_158 = arith.index_cast %swap3A : i32 to index
        %swap3A_159 = arith.constant 0 : index
        %swap3A_160 = tpu.vector_load %arg9[%swap3A_158, %swap3A_159] {strides = array<i32>} : memref<3x64xi32, #tpu.memory_space<vmem>>, vector<16xi32>,
        tpu.vector_store %arg9[%swap3A_158, %swap3A_159], %gather3A_157 {strides = array<i32>} : memref<3x64xi32, #tpu.memory_space<vmem>>, vector<16xi32>,
        %add3A_161 = arith.constant 0 : i32
        %add3A_162 = vector.broadcast %add3A_161 : i32 to vector<16xi32>
        %add3A_163 = arith.addi %iota3A_6, %add3A_162 : vector<16xi32>
        %add3A_164 = arith.constant 1 : i32
        %add3A_165 = vector.broadcast %add3A_164 : i32 to vector<16xi32>
        %add3A_166 = arith.addi %broadcast_in_dim3A_8, %add3A_165 : vector<16xi32>
        %gather3A_167 = arith.constant 2 : i32
        %gather3A_168 = arith.constant 0 : i32
        %gather3A_169 = arith.constant 0 : i32
        %gather3A_170 = tpu.memref_slice %arg8[%gather3A_167, %gather3A_168, %gather3A_169] : memref<3x64x16xi32, #tpu.memory_space<vmem>> -> memref<1x64x16xi32, #tpu.memory_space<vmem>>
        %gather3A_171 = tpu.memref_squeeze %gather3A_170 : memref<1x64x16xi32, #tpu.memory_space<vmem>> -> memref<64x16xi32, #tpu.memory_space<vmem>>
        %gather3A_172 = tpu.vector_load_idx %gather3A_171[%add3A_163, %add3A_166] : memref<64x16xi32, #tpu.memory_space<vmem>>[vector<16xi32>, vector<16xi32>], vector<16xi32>,
        %swap3A_173 = arith.constant 2 : i32
        %swap3A_174 = arith.index_cast %swap3A_173 : i32 to index
        %swap3A_175 = arith.constant 0 : index
        %swap3A_176 = tpu.vector_load %arg10[%swap3A_174, %swap3A_175] {strides = array<i32>} : memref<3x64xi32, #tpu.memory_space<vmem>>, vector<16xi32>,
        tpu.vector_store %arg10[%swap3A_174, %swap3A_175], %gather3A_172 {strides = array<i32>} : memref<3x64xi32, #tpu.memory_space<vmem>>, vector<16xi32>,
        %add3A_177 = arith.constant 16 : i32
        %add3A_178 = vector.broadcast %add3A_177 : i32 to vector<16xi32>
        %add3A_179 = arith.addi %iota3A_6, %add3A_178 : vector<16xi32>
        %gather3A_180 = arith.constant 2 : i32
        %gather3A_181 = arith.constant 0 : i32
        %gather3A_182 = arith.constant 0 : i32
        %gather3A_183 = tpu.memref_slice %arg8[%gather3A_180, %gather3A_181, %gather3A_182] : memref<3x64x16xi32, #tpu.memory_space<vmem>> -> memref<1x64x16xi32, #tpu.memory_space<vmem>>
        %gather3A_184 = tpu.memref_squeeze %gather3A_183 : memref<1x64x16xi32, #tpu.memory_space<vmem>> -> memref<64x16xi32, #tpu.memory_space<vmem>>
        %gather3A_185 = tpu.vector_load_idx %gather3A_184[%add3A_179, %broadcast_in_dim3A_8] : memref<64x16xi32, #tpu.memory_space<vmem>>[vector<16xi32>, vector<16xi32>], vector<16xi32>,
        %swap3A_186 = arith.constant 2 : i32
        %swap3A_187 = arith.index_cast %swap3A_186 : i32 to index
        %swap3A_188 = arith.constant 16 : index
        %swap3A_189 = tpu.vector_load %arg9[%swap3A_187, %swap3A_188] {strides = array<i32>} : memref<3x64xi32, #tpu.memory_space<vmem>>, vector<16xi32>,
        tpu.vector_store %arg9[%swap3A_187, %swap3A_188], %gather3A_185 {strides = array<i32>} : memref<3x64xi32, #tpu.memory_space<vmem>>, vector<16xi32>,
        %add3A_190 = arith.constant 16 : i32
        %add3A_191 = vector.broadcast %add3A_190 : i32 to vector<16xi32>
        %add3A_192 = arith.addi %iota3A_6, %add3A_191 : vector<16xi32>
        %add3A_193 = arith.constant 1 : i32
        %add3A_194 = vector.broadcast %add3A_193 : i32 to vector<16xi32>
        %add3A_195 = arith.addi %broadcast_in_dim3A_8, %add3A_194 : vector<16xi32>
        %gather3A_196 = arith.constant 2 : i32
        %gather3A_197 = arith.constant 0 : i32
        %gather3A_198 = arith.constant 0 : i32
        %gather3A_199 = tpu.memref_slice %arg8[%gather3A_196, %gather3A_197, %gather3A_198] : memref<3x64x16xi32, #tpu.memory_space<vmem>> -> memref<1x64x16xi32, #tpu.memory_space<vmem>>
        %gather3A_200 = tpu.memref_squeeze %gather3A_199 : memref<1x64x16xi32, #tpu.memory_space<vmem>> -> memref<64x16xi32, #tpu.memory_space<vmem>>
        %gather3A_201 = tpu.vector_load_idx %gather3A_200[%add3A_192, %add3A_195] : memref<64x16xi32, #tpu.memory_space<vmem>>[vector<16xi32>, vector<16xi32>], vector<16xi32>,
        %swap3A_202 = arith.constant 2 : i32
        %swap3A_203 = arith.index_cast %swap3A_202 : i32 to index
        %swap3A_204 = arith.constant 16 : index
        %swap3A_205 = tpu.vector_load %arg10[%swap3A_203, %swap3A_204] {strides = array<i32>} : memref<3x64xi32, #tpu.memory_space<vmem>>, vector<16xi32>,
        tpu.vector_store %arg10[%swap3A_203, %swap3A_204], %gather3A_201 {strides = array<i32>} : memref<3x64xi32, #tpu.memory_space<vmem>>, vector<16xi32>,
        %add3A_206 = arith.constant 32 : i32
        %add3A_207 = vector.broadcast %add3A_206 : i32 to vector<16xi32>
        %add3A_208 = arith.addi %iota3A_6, %add3A_207 : vector<16xi32>
        %gather3A_209 = arith.constant 2 : i32
        %gather3A_210 = arith.constant 0 : i32
        %gather3A_211 = arith.constant 0 : i32
        %gather3A_212 = tpu.memref_slice %arg8[%gather3A_209, %gather3A_210, %gather3A_211] : memref<3x64x16xi32, #tpu.memory_space<vmem>> -> memref<1x64x16xi32, #tpu.memory_space<vmem>>
        %gather3A_213 = tpu.memref_squeeze %gather3A_212 : memref<1x64x16xi32, #tpu.memory_space<vmem>> -> memref<64x16xi32, #tpu.memory_space<vmem>>
        %gather3A_214 = tpu.vector_load_idx %gather3A_213[%add3A_208, %broadcast_in_dim3A_8] : memref<64x16xi32, #tpu.memory_space<vmem>>[vector<16xi32>, vector<16xi32>], vector<16xi32>,
        %swap3A_215 = arith.constant 2 : i32
        %swap3A_216 = arith.index_cast %swap3A_215 : i32 to index
        %swap3A_217 = arith.constant 32 : index
        %swap3A_218 = tpu.vector_load %arg9[%swap3A_216, %swap3A_217] {strides = array<i32>} : memref<3x64xi32, #tpu.memory_space<vmem>>, vector<16xi32>,
        tpu.vector_store %arg9[%swap3A_216, %swap3A_217], %gather3A_214 {strides = array<i32>} : memref<3x64xi32, #tpu.memory_space<vmem>>, vector<16xi32>,
        %add3A_219 = arith.constant 32 : i32
        %add3A_220 = vector.broadcast %add3A_219 : i32 to vector<16xi32>
        %add3A_221 = arith.addi %iota3A_6, %add3A_220 : vector<16xi32>
        %add3A_222 = arith.constant 1 : i32
        %add3A_223 = vector.broadcast %add3A_222 : i32 to vector<16xi32>
        %add3A_224 = arith.addi %broadcast_in_dim3A_8, %add3A_223 : vector<16xi32>
        %gather3A_225 = arith.constant 2 : i32
        %gather3A_226 = arith.constant 0 : i32
        %gather3A_227 = arith.constant 0 : i32
        %gather3A_228 = tpu.memref_slice %arg8[%gather3A_225, %gather3A_226, %gather3A_227] : memref<3x64x16xi32, #tpu.memory_space<vmem>> -> memref<1x64x16xi32, #tpu.memory_space<vmem>>
        %gather3A_229 = tpu.memref_squeeze %gather3A_228 : memref<1x64x16xi32, #tpu.memory_space<vmem>> -> memref<64x16xi32, #tpu.memory_space<vmem>>
        %gather3A_230 = tpu.vector_load_idx %gather3A_229[%add3A_221, %add3A_224] : memref<64x16xi32, #tpu.memory_space<vmem>>[vector<16xi32>, vector<16xi32>], vector<16xi32>,
        %swap3A_231 = arith.constant 2 : i32
        %swap3A_232 = arith.index_cast %swap3A_231 : i32 to index
        %swap3A_233 = arith.constant 32 : index
        %swap3A_234 = tpu.vector_load %arg10[%swap3A_232, %swap3A_233] {strides = array<i32>} : memref<3x64xi32, #tpu.memory_space<vmem>>, vector<16xi32>,
        tpu.vector_store %arg10[%swap3A_232, %swap3A_233], %gather3A_230 {strides = array<i32>} : memref<3x64xi32, #tpu.memory_space<vmem>>, vector<16xi32>,
        %add3A_235 = arith.constant 48 : i32
        %add3A_236 = vector.broadcast %add3A_235 : i32 to vector<16xi32>
        %add3A_237 = arith.addi %iota3A_6, %add3A_236 : vector<16xi32>
        %gather3A_238 = arith.constant 2 : i32
        %gather3A_239 = arith.constant 0 : i32
        %gather3A_240 = arith.constant 0 : i32
        %gather3A_241 = tpu.memref_slice %arg8[%gather3A_238, %gather3A_239, %gather3A_240] : memref<3x64x16xi32, #tpu.memory_space<vmem>> -> memref<1x64x16xi32, #tpu.memory_space<vmem>>
        %gather3A_242 = tpu.memref_squeeze %gather3A_241 : memref<1x64x16xi32, #tpu.memory_space<vmem>> -> memref<64x16xi32, #tpu.memory_space<vmem>>
        %gather3A_243 = tpu.vector_load_idx %gather3A_242[%add3A_237, %broadcast_in_dim3A_8] : memref<64x16xi32, #tpu.memory_space<vmem>>[vector<16xi32>, vector<16xi32>], vector<16xi32>,
        %swap3A_244 = arith.constant 2 : i32
        %swap3A_245 = arith.index_cast %swap3A_244 : i32 to index
        %swap3A_246 = arith.constant 48 : index
        %swap3A_247 = tpu.vector_load %arg9[%swap3A_245, %swap3A_246] {strides = array<i32>} : memref<3x64xi32, #tpu.memory_space<vmem>>, vector<16xi32>,
        tpu.vector_store %arg9[%swap3A_245, %swap3A_246], %gather3A_243 {strides = array<i32>} : memref<3x64xi32, #tpu.memory_space<vmem>>, vector<16xi32>,
        %add3A_248 = arith.constant 48 : i32
        %add3A_249 = vector.broadcast %add3A_248 : i32 to vector<16xi32>
        %add3A_250 = arith.addi %iota3A_6, %add3A_249 : vector<16xi32>
        %add3A_251 = arith.constant 1 : i32
        %add3A_252 = vector.broadcast %add3A_251 : i32 to vector<16xi32>
        %add3A_253 = arith.addi %broadcast_in_dim3A_8, %add3A_252 : vector<16xi32>
        %gather3A_254 = arith.constant 2 : i32
        %gather3A_255 = arith.constant 0 : i32
        %gather3A_256 = arith.constant 0 : i32
        %gather3A_257 = tpu.memref_slice %arg8[%gather3A_254, %gather3A_255, %gather3A_256] : memref<3x64x16xi32, #tpu.memory_space<vmem>> -> memref<1x64x16xi32, #tpu.memory_space<vmem>>
        %gather3A_258 = tpu.memref_squeeze %gather3A_257 : memref<1x64x16xi32, #tpu.memory_space<vmem>> -> memref<64x16xi32, #tpu.memory_space<vmem>>
        %gather3A_259 = tpu.vector_load_idx %gather3A_258[%add3A_250, %add3A_253] : memref<64x16xi32, #tpu.memory_space<vmem>>[vector<16xi32>, vector<16xi32>], vector<16xi32>,
        %swap3A_260 = arith.constant 2 : i32
        %swap3A_261 = arith.index_cast %swap3A_260 : i32 to index
        %swap3A_262 = arith.constant 48 : index
        %swap3A_263 = tpu.vector_load %arg10[%swap3A_261, %swap3A_262] {strides = array<i32>} : memref<3x64xi32, #tpu.memory_space<vmem>>, vector<16xi32>,
        tpu.vector_store %arg10[%swap3A_261, %swap3A_262], %gather3A_259 {strides = array<i32>} : memref<3x64xi32, #tpu.memory_space<vmem>>, vector<16xi32>,
        %dma_start3A = arith.constant 2 : i32
        %dma_start3A_264 = arith.constant 2 : i32
        %dma_start3A_265 = arith.constant 0 : i32
        %dma_start3A_266 = arith.constant 0 : i32
        %dma_start3A_267 = tpu.memref_slice %arg11[%dma_start3A_264, %dma_start3A_265, %dma_start3A_266] : memref<3x64x128xf32, #tpu.memory_space<vmem>> -> memref<1x64x128xf32, #tpu.memory_space<vmem>>
        %dma_start3A_268 = tpu.memref_squeeze %dma_start3A_267 : memref<1x64x128xf32, #tpu.memory_space<vmem>> -> memref<64x128xf32, #tpu.memory_space<vmem>>
        %dma_start3A_269 = arith.constant 0 : i32
        %dma_start3A_270 = tpu.memref_slice %arg9[%dma_start3A, %dma_start3A_269] : memref<3x64xi32, #tpu.memory_space<vmem>> -> memref<1x64xi32, #tpu.memory_space<vmem>>
        %dma_start3A_271 = tpu.memref_squeeze %dma_start3A_270 : memref<1x64xi32, #tpu.memory_space<vmem>> -> memref<64xi32, #tpu.memory_space<vmem>>
        %dma_start3A_272 = arith.constant 0 : i32
        %dma_start3A_273 = arith.constant 0 : i32
        %dma_start3A_274 = tpu.memref_slice %arg4[%dma_start3A_272, %dma_start3A_273] : memref<1350000x128xf32, #tpu.memory_space<hbm>> -> memref<1350000x128xf32, #tpu.memory_space<hbm>>
        tpu.enqueue_indirect_dma source(%dma_start3A_274 : memref<1350000x128xf32, #tpu.memory_space<hbm>>) target(%dma_start3A_268 : memref<64x128xf32, #tpu.memory_space<vmem>>) offsets(%dma_start3A_271 : memref<64xi32, #tpu.memory_space<vmem>>) semaphore(%arg18 : memref<!tpu.dma_semaphore, #tpu.memory_space<semaphore_mem>>)
      } else {
      }
      %mul3A_103 = arith.constant 3 : i32
      %mul3A_104 = arith.muli %add3A_36, %mul3A_103 : i32
      %add3A_105 = arith.constant 0 : i32
      %add3A_106 = arith.addi %mul3A_104, %add3A_105 : i32
      %mul3A_107 = arith.constant 16 : i32
      %mul3A_108 = arith.muli %add3A_106, %mul3A_107 : i32
      %add3A_109 = arith.addi %arg1, %mul3A_108 : i32
      %lt3A_110 = arith.cmpi slt, %add3A_109, %reduce_sum3A_5 : i32
      %convert_element_type3A_111 = arith.extui %lt3A_110 : i1 to i32
      %cond3A_112 = arith.constant 0 : i32
      %cond3A_113 = arith.cmpi ne, %convert_element_type3A_111, %cond3A_112 : i32
      scf.if %cond3A_113 {
        %dma_wait3A = arith.constant 0 : i32
        %dma_wait3A_136 = arith.constant 0 : i32
        %dma_wait3A_137 = arith.constant 0 : i32
        %dma_wait3A_138 = arith.constant 0 : i32
        %dma_wait3A_139 = tpu.memref_slice %arg11[%dma_wait3A_136, %dma_wait3A_137, %dma_wait3A_138] : memref<3x64x128xf32, #tpu.memory_space<vmem>> -> memref<1x64x128xf32, #tpu.memory_space<vmem>>
        %dma_wait3A_140 = tpu.memref_squeeze %dma_wait3A_139 : memref<1x64x128xf32, #tpu.memory_space<vmem>> -> memref<64x128xf32, #tpu.memory_space<vmem>>
        %dma_wait3A_141 = arith.constant 0 : i32
        %dma_wait3A_142 = tpu.memref_slice %arg9[%dma_wait3A, %dma_wait3A_141] : memref<3x64xi32, #tpu.memory_space<vmem>> -> memref<1x64xi32, #tpu.memory_space<vmem>>
        %dma_wait3A_143 = tpu.memref_squeeze %dma_wait3A_142 : memref<1x64xi32, #tpu.memory_space<vmem>> -> memref<64xi32, #tpu.memory_space<vmem>>
        %dma_wait3A_144 = arith.constant 0 : i32
        %dma_wait3A_145 = arith.constant 0 : i32
        %dma_wait3A_146 = tpu.memref_slice %arg4[%dma_wait3A_144, %dma_wait3A_145] : memref<1350000x128xf32, #tpu.memory_space<hbm>> -> memref<1350000x128xf32, #tpu.memory_space<hbm>>
        tpu.wait_indirect_dma semaphore(%arg16 : memref<!tpu.dma_semaphore, #tpu.memory_space<semaphore_mem>>) src(%dma_wait3A_146 : memref<1350000x128xf32, #tpu.memory_space<hbm>>) dst(%dma_wait3A_140 : memref<64x128xf32, #tpu.memory_space<vmem>>)
        %dma_start3A = arith.constant 0 : i32
        %dma_start3A_147 = arith.constant 0 : i32
        %dma_start3A_148 = arith.constant 0 : i32
        %dma_start3A_149 = arith.constant 0 : i32
        %dma_start3A_150 = tpu.memref_slice %arg11[%dma_start3A, %dma_start3A_148, %dma_start3A_149] : memref<3x64x128xf32, #tpu.memory_space<vmem>> -> memref<1x64x128xf32, #tpu.memory_space<vmem>>
        %dma_start3A_151 = tpu.memref_squeeze %dma_start3A_150 : memref<1x64x128xf32, #tpu.memory_space<vmem>> -> memref<64x128xf32, #tpu.memory_space<vmem>>
        %dma_start3A_152 = arith.constant 0 : i32
        %dma_start3A_153 = tpu.memref_slice %arg10[%dma_start3A_147, %dma_start3A_152] : memref<3x64xi32, #tpu.memory_space<vmem>> -> memref<1x64xi32, #tpu.memory_space<vmem>>
        %dma_start3A_154 = tpu.memref_squeeze %dma_start3A_153 : memref<1x64xi32, #tpu.memory_space<vmem>> -> memref<64xi32, #tpu.memory_space<vmem>>
        %dma_start3A_155 = arith.constant 0 : i32
        %dma_start3A_156 = arith.constant 0 : i32
        %dma_start3A_157 = tpu.memref_slice %arg12[%dma_start3A_155, %dma_start3A_156] : memref<12864x128xf32, #tpu.memory_space<vmem_shared>> -> memref<12864x128xf32, #tpu.memory_space<vmem_shared>>
        tpu.enqueue_indirect_dma source(%dma_start3A_151 : memref<64x128xf32, #tpu.memory_space<vmem>>) target(%dma_start3A_157 : memref<12864x128xf32, #tpu.memory_space<vmem_shared>>) offsets(%dma_start3A_154 : memref<64xi32, #tpu.memory_space<vmem>>) semaphore(%arg19 : memref<!tpu.dma_semaphore, #tpu.memory_space<semaphore_mem>>) {add = true}
      } else {
      }
      %mul3A_114 = arith.constant 3 : i32
      %mul3A_115 = arith.muli %add3A_36, %mul3A_114 : i32
      %add3A_116 = arith.constant 1 : i32
      %add3A_117 = arith.addi %mul3A_115, %add3A_116 : i32
      %mul3A_118 = arith.constant 16 : i32
      %mul3A_119 = arith.muli %add3A_117, %mul3A_118 : i32
      %add3A_120 = arith.addi %arg1, %mul3A_119 : i32
      %lt3A_121 = arith.cmpi slt, %add3A_120, %reduce_sum3A_5 : i32
      %convert_element_type3A_122 = arith.extui %lt3A_121 : i1 to i32
      %cond3A_123 = arith.constant 0 : i32
      %cond3A_124 = arith.cmpi ne, %convert_element_type3A_122, %cond3A_123 : i32
      scf.if %cond3A_124 {
        %dma_wait3A = arith.constant 1 : i32
        %dma_wait3A_136 = arith.constant 1 : i32
        %dma_wait3A_137 = arith.constant 0 : i32
        %dma_wait3A_138 = arith.constant 0 : i32
        %dma_wait3A_139 = tpu.memref_slice %arg11[%dma_wait3A_136, %dma_wait3A_137, %dma_wait3A_138] : memref<3x64x128xf32, #tpu.memory_space<vmem>> -> memref<1x64x128xf32, #tpu.memory_space<vmem>>
        %dma_wait3A_140 = tpu.memref_squeeze %dma_wait3A_139 : memref<1x64x128xf32, #tpu.memory_space<vmem>> -> memref<64x128xf32, #tpu.memory_space<vmem>>
        %dma_wait3A_141 = arith.constant 0 : i32
        %dma_wait3A_142 = tpu.memref_slice %arg9[%dma_wait3A, %dma_wait3A_141] : memref<3x64xi32, #tpu.memory_space<vmem>> -> memref<1x64xi32, #tpu.memory_space<vmem>>
        %dma_wait3A_143 = tpu.memref_squeeze %dma_wait3A_142 : memref<1x64xi32, #tpu.memory_space<vmem>> -> memref<64xi32, #tpu.memory_space<vmem>>
        %dma_wait3A_144 = arith.constant 0 : i32
        %dma_wait3A_145 = arith.constant 0 : i32
        %dma_wait3A_146 = tpu.memref_slice %arg4[%dma_wait3A_144, %dma_wait3A_145] : memref<1350000x128xf32, #tpu.memory_space<hbm>> -> memref<1350000x128xf32, #tpu.memory_space<hbm>>
        tpu.wait_indirect_dma semaphore(%arg17 : memref<!tpu.dma_semaphore, #tpu.memory_space<semaphore_mem>>) src(%dma_wait3A_146 : memref<1350000x128xf32, #tpu.memory_space<hbm>>) dst(%dma_wait3A_140 : memref<64x128xf32, #tpu.memory_space<vmem>>)
        %dma_start3A = arith.constant 1 : i32
        %dma_start3A_147 = arith.constant 1 : i32
        %dma_start3A_148 = arith.constant 0 : i32
        %dma_start3A_149 = arith.constant 0 : i32
        %dma_start3A_150 = tpu.memref_slice %arg11[%dma_start3A, %dma_start3A_148, %dma_start3A_149] : memref<3x64x128xf32, #tpu.memory_space<vmem>> -> memref<1x64x128xf32, #tpu.memory_space<vmem>>
        %dma_start3A_151 = tpu.memref_squeeze %dma_start3A_150 : memref<1x64x128xf32, #tpu.memory_space<vmem>> -> memref<64x128xf32, #tpu.memory_space<vmem>>
        %dma_start3A_152 = arith.constant 0 : i32
        %dma_start3A_153 = tpu.memref_slice %arg10[%dma_start3A_147, %dma_start3A_152] : memref<3x64xi32, #tpu.memory_space<vmem>> -> memref<1x64xi32, #tpu.memory_space<vmem>>
        %dma_start3A_154 = tpu.memref_squeeze %dma_start3A_153 : memref<1x64xi32, #tpu.memory_space<vmem>> -> memref<64xi32, #tpu.memory_space<vmem>>
        %dma_start3A_155 = arith.constant 0 : i32
        %dma_start3A_156 = arith.constant 0 : i32
        %dma_start3A_157 = tpu.memref_slice %arg12[%dma_start3A_155, %dma_start3A_156] : memref<12864x128xf32, #tpu.memory_space<vmem_shared>> -> memref<12864x128xf32, #tpu.memory_space<vmem_shared>>
        tpu.enqueue_indirect_dma source(%dma_start3A_151 : memref<64x128xf32, #tpu.memory_space<vmem>>) target(%dma_start3A_157 : memref<12864x128xf32, #tpu.memory_space<vmem_shared>>) offsets(%dma_start3A_154 : memref<64xi32, #tpu.memory_space<vmem>>) semaphore(%arg20 : memref<!tpu.dma_semaphore, #tpu.memory_space<semaphore_mem>>) {add = true}
      } else {
      }
      %mul3A_125 = arith.constant 3 : i32
      %mul3A_126 = arith.muli %add3A_36, %mul3A_125 : i32
      %add3A_127 = arith.constant 2 : i32
      %add3A_128 = arith.addi %mul3A_126, %add3A_127 : i32
      %mul3A_129 = arith.constant 16 : i32
      %mul3A_130 = arith.muli %add3A_128, %mul3A_129 : i32
      %add3A_131 = arith.addi %arg1, %mul3A_130 : i32
      %lt3A_132 = arith.cmpi slt, %add3A_131, %reduce_sum3A_5 : i32
      %convert_element_type3A_133 = arith.extui %lt3A_132 : i1 to i32
      %cond3A_134 = arith.constant 0 : i32
      %cond3A_135 = arith.cmpi ne, %convert_element_type3A_133, %cond3A_134 : i32
      scf.if %cond3A_135 {
        %dma_wait3A = arith.constant 2 : i32
        %dma_wait3A_136 = arith.constant 2 : i32
        %dma_wait3A_137 = arith.constant 0 : i32
        %dma_wait3A_138 = arith.constant 0 : i32
        %dma_wait3A_139 = tpu.memref_slice %arg11[%dma_wait3A_136, %dma_wait3A_137, %dma_wait3A_138] : memref<3x64x128xf32, #tpu.memory_space<vmem>> -> memref<1x64x128xf32, #tpu.memory_space<vmem>>
        %dma_wait3A_140 = tpu.memref_squeeze %dma_wait3A_139 : memref<1x64x128xf32, #tpu.memory_space<vmem>> -> memref<64x128xf32, #tpu.memory_space<vmem>>
        %dma_wait3A_141 = arith.constant 0 : i32
        %dma_wait3A_142 = tpu.memref_slice %arg9[%dma_wait3A, %dma_wait3A_141] : memref<3x64xi32, #tpu.memory_space<vmem>> -> memref<1x64xi32, #tpu.memory_space<vmem>>
        %dma_wait3A_143 = tpu.memref_squeeze %dma_wait3A_142 : memref<1x64xi32, #tpu.memory_space<vmem>> -> memref<64xi32, #tpu.memory_space<vmem>>
        %dma_wait3A_144 = arith.constant 0 : i32
        %dma_wait3A_145 = arith.constant 0 : i32
        %dma_wait3A_146 = tpu.memref_slice %arg4[%dma_wait3A_144, %dma_wait3A_145] : memref<1350000x128xf32, #tpu.memory_space<hbm>> -> memref<1350000x128xf32, #tpu.memory_space<hbm>>
        tpu.wait_indirect_dma semaphore(%arg18 : memref<!tpu.dma_semaphore, #tpu.memory_space<semaphore_mem>>) src(%dma_wait3A_146 : memref<1350000x128xf32, #tpu.memory_space<hbm>>) dst(%dma_wait3A_140 : memref<64x128xf32, #tpu.memory_space<vmem>>)
        %dma_start3A = arith.constant 2 : i32
        %dma_start3A_147 = arith.constant 2 : i32
        %dma_start3A_148 = arith.constant 0 : i32
        %dma_start3A_149 = arith.constant 0 : i32
        %dma_start3A_150 = tpu.memref_slice %arg11[%dma_start3A, %dma_start3A_148, %dma_start3A_149] : memref<3x64x128xf32, #tpu.memory_space<vmem>> -> memref<1x64x128xf32, #tpu.memory_space<vmem>>
        %dma_start3A_151 = tpu.memref_squeeze %dma_start3A_150 : memref<1x64x128xf32, #tpu.memory_space<vmem>> -> memref<64x128xf32, #tpu.memory_space<vmem>>
        %dma_start3A_152 = arith.constant 0 : i32
        %dma_start3A_153 = tpu.memref_slice %arg10[%dma_start3A_147, %dma_start3A_152] : memref<3x64xi32, #tpu.memory_space<vmem>> -> memref<1x64xi32, #tpu.memory_space<vmem>>
        %dma_start3A_154 = tpu.memref_squeeze %dma_start3A_153 : memref<1x64xi32, #tpu.memory_space<vmem>> -> memref<64xi32, #tpu.memory_space<vmem>>
        %dma_start3A_155 = arith.constant 0 : i32
        %dma_start3A_156 = arith.constant 0 : i32
        %dma_start3A_157 = tpu.memref_slice %arg12[%dma_start3A_155, %dma_start3A_156] : memref<12864x128xf32, #tpu.memory_space<vmem_shared>> -> memref<12864x128xf32, #tpu.memory_space<vmem_shared>>
        tpu.enqueue_indirect_dma source(%dma_start3A_151 : memref<64x128xf32, #tpu.memory_space<vmem>>) target(%dma_start3A_157 : memref<12864x128xf32, #tpu.memory_space<vmem_shared>>) offsets(%dma_start3A_154 : memref<64xi32, #tpu.memory_space<vmem>>) semaphore(%arg21 : memref<!tpu.dma_semaphore, #tpu.memory_space<semaphore_mem>>) {add = true}
      } else {
      }
    }
    %scan3A_12 = arith.constant 131 : i32
    %add3A = arith.constant 0 : i32
    %add3A_13 = arith.addi %arg1, %add3A : i32
    %lt3A = arith.cmpi slt, %add3A_13, %reduce_sum3A_5 : i32
    %convert_element_type3A = arith.extui %lt3A : i1 to i32
    %cond3A = arith.constant 0 : i32
    %cond3A_14 = arith.cmpi ne, %convert_element_type3A, %cond3A : i32
    scf.if %cond3A_14 {
      %dma_wait3A = arith.constant 0 : i32
      %dma_wait3A_32 = arith.constant 0 : i32
      %dma_wait3A_33 = arith.constant 0 : i32
      %dma_wait3A_34 = arith.constant 0 : i32
      %dma_wait3A_35 = tpu.memref_slice %arg11[%dma_wait3A, %dma_wait3A_33, %dma_wait3A_34] : memref<3x64x128xf32, #tpu.memory_space<vmem>> -> memref<1x64x128xf32, #tpu.memory_space<vmem>>
      %dma_wait3A_36 = tpu.memref_squeeze %dma_wait3A_35 : memref<1x64x128xf32, #tpu.memory_space<vmem>> -> memref<64x128xf32, #tpu.memory_space<vmem>>
      %dma_wait3A_37 = arith.constant 0 : i32
      %dma_wait3A_38 = tpu.memref_slice %arg10[%dma_wait3A_32, %dma_wait3A_37] : memref<3x64xi32, #tpu.memory_space<vmem>> -> memref<1x64xi32, #tpu.memory_space<vmem>>
      %dma_wait3A_39 = tpu.memref_squeeze %dma_wait3A_38 : memref<1x64xi32, #tpu.memory_space<vmem>> -> memref<64xi32, #tpu.memory_space<vmem>>
      %dma_wait3A_40 = arith.constant 0 : i32
      %dma_wait3A_41 = arith.constant 0 : i32
      %dma_wait3A_42 = tpu.memref_slice %arg12[%dma_wait3A_40, %dma_wait3A_41] : memref<12864x128xf32, #tpu.memory_space<vmem_shared>> -> memref<12864x128xf32, #tpu.memory_space<vmem_shared>>
      tpu.wait_indirect_dma semaphore(%arg19 : memref<!tpu.dma_semaphore, #tpu.memory_space<semaphore_mem>>) src(%dma_wait3A_36 : memref<64x128xf32, #tpu.memory_space<vmem>>) dst(%dma_wait3A_42 : memref<12864x128xf32, #tpu.memory_space<vmem_shared>>)
    } else {
    }
    %add3A_15 = arith.constant 16 : i32
    %add3A_16 = arith.addi %arg1, %add3A_15 : i32
    %lt3A_17 = arith.cmpi slt, %add3A_16, %reduce_sum3A_5 : i32
    %convert_element_type3A_18 = arith.extui %lt3A_17 : i1 to i32
    %cond3A_19 = arith.constant 0 : i32
    %cond3A_20 = arith.cmpi ne, %convert_element_type3A_18, %cond3A_19 : i32
    scf.if %cond3A_20 {
      %dma_wait3A = arith.constant 1 : i32
      %dma_wait3A_32 = arith.constant 1 : i32
      %dma_wait3A_33 = arith.constant 0 : i32
      %dma_wait3A_34 = arith.constant 0 : i32
      %dma_wait3A_35 = tpu.memref_slice %arg11[%dma_wait3A, %dma_wait3A_33, %dma_wait3A_34] : memref<3x64x128xf32, #tpu.memory_space<vmem>> -> memref<1x64x128xf32, #tpu.memory_space<vmem>>
      %dma_wait3A_36 = tpu.memref_squeeze %dma_wait3A_35 : memref<1x64x128xf32, #tpu.memory_space<vmem>> -> memref<64x128xf32, #tpu.memory_space<vmem>>
      %dma_wait3A_37 = arith.constant 0 : i32
      %dma_wait3A_38 = tpu.memref_slice %arg10[%dma_wait3A_32, %dma_wait3A_37] : memref<3x64xi32, #tpu.memory_space<vmem>> -> memref<1x64xi32, #tpu.memory_space<vmem>>
      %dma_wait3A_39 = tpu.memref_squeeze %dma_wait3A_38 : memref<1x64xi32, #tpu.memory_space<vmem>> -> memref<64xi32, #tpu.memory_space<vmem>>
      %dma_wait3A_40 = arith.constant 0 : i32
      %dma_wait3A_41 = arith.constant 0 : i32
      %dma_wait3A_42 = tpu.memref_slice %arg12[%dma_wait3A_40, %dma_wait3A_41] : memref<12864x128xf32, #tpu.memory_space<vmem_shared>> -> memref<12864x128xf32, #tpu.memory_space<vmem_shared>>
      tpu.wait_indirect_dma semaphore(%arg20 : memref<!tpu.dma_semaphore, #tpu.memory_space<semaphore_mem>>) src(%dma_wait3A_36 : memref<64x128xf32, #tpu.memory_space<vmem>>) dst(%dma_wait3A_42 : memref<12864x128xf32, #tpu.memory_space<vmem_shared>>)
    } else {
    }
    %add3A_21 = arith.constant 32 : i32
    %add3A_22 = arith.addi %arg1, %add3A_21 : i32
    %lt3A_23 = arith.cmpi slt, %add3A_22, %reduce_sum3A_5 : i32
    %convert_element_type3A_24 = arith.extui %lt3A_23 : i1 to i32
    %cond3A_25 = arith.constant 0 : i32
    %cond3A_26 = arith.cmpi ne, %convert_element_type3A_24, %cond3A_25 : i32
    scf.if %cond3A_26 {
      %dma_wait3A = arith.constant 2 : i32
      %dma_wait3A_32 = arith.constant 2 : i32
      %dma_wait3A_33 = arith.constant 0 : i32
      %dma_wait3A_34 = arith.constant 0 : i32
      %dma_wait3A_35 = tpu.memref_slice %arg11[%dma_wait3A, %dma_wait3A_33, %dma_wait3A_34] : memref<3x64x128xf32, #tpu.memory_space<vmem>> -> memref<1x64x128xf32, #tpu.memory_space<vmem>>
      %dma_wait3A_36 = tpu.memref_squeeze %dma_wait3A_35 : memref<1x64x128xf32, #tpu.memory_space<vmem>> -> memref<64x128xf32, #tpu.memory_space<vmem>>
      %dma_wait3A_37 = arith.constant 0 : i32
      %dma_wait3A_38 = tpu.memref_slice %arg10[%dma_wait3A_32, %dma_wait3A_37] : memref<3x64xi32, #tpu.memory_space<vmem>> -> memref<1x64xi32, #tpu.memory_space<vmem>>
      %dma_wait3A_39 = tpu.memref_squeeze %dma_wait3A_38 : memref<1x64xi32, #tpu.memory_space<vmem>> -> memref<64xi32, #tpu.memory_space<vmem>>
      %dma_wait3A_40 = arith.constant 0 : i32
      %dma_wait3A_41 = arith.constant 0 : i32
      %dma_wait3A_42 = tpu.memref_slice %arg12[%dma_wait3A_40, %dma_wait3A_41] : memref<12864x128xf32, #tpu.memory_space<vmem_shared>> -> memref<12864x128xf32, #tpu.memory_space<vmem_shared>>
      tpu.wait_indirect_dma semaphore(%arg21 : memref<!tpu.dma_semaphore, #tpu.memory_space<semaphore_mem>>) src(%dma_wait3A_36 : memref<64x128xf32, #tpu.memory_space<vmem>>) dst(%dma_wait3A_42 : memref<12864x128xf32, #tpu.memory_space<vmem_shared>>)
    } else {
    }
    %barrier3A_27 = arith.constant 0 : index
    tpu.barrier barrier_id(%barrier3A_27)
    %mul3A_28 = arith.constant 800 : i32
    %mul3A_29 = arith.muli %arg1, %mul3A_28 : i32
    %mul3A_30 = arith.constant 800 : i32
    %mul3A_31 = arith.muli %arg1, %mul3A_30 : i32
    "tpu.region"() ({
      %run_scoped3A_32 = tpu.sem_alloc : memref<!tpu.dma_semaphore, #tpu.memory_space<semaphore_mem>>
      %dma_start3A = arith.constant 0 : i32
      %dma_start3A_33 = arith.constant 0 : i32
      %dma_start3A_34 = tpu.memref_slice %arg6[%arg0, %dma_start3A, %dma_start3A_33] : memref<2x12800x128xf32, #tpu.memory_space<hbm>> -> memref<1x12800x128xf32, #tpu.memory_space<hbm>>
      %dma_start3A_35 = tpu.memref_squeeze %dma_start3A_34 : memref<1x12800x128xf32, #tpu.memory_space<hbm>> -> memref<12800x128xf32, #tpu.memory_space<hbm>>
      %dma_start3A_36 = arith.constant 0 : i32
      %dma_start3A_37 = tpu.memref_slice %dma_start3A_35[%mul3A_31, %dma_start3A_36] : memref<12800x128xf32, #tpu.memory_space<hbm>> -> memref<800x128xf32, #tpu.memory_space<hbm>>
      %dma_start3A_38 = arith.constant 0 : i32
      %dma_start3A_39 = tpu.memref_slice %arg12[%mul3A_29, %dma_start3A_38] : memref<12864x128xf32, #tpu.memory_space<vmem_shared>> -> memref<800x128xf32, #tpu.memory_space<vmem_shared>>
      tpu.enqueue_dma source(%dma_start3A_39 : memref<800x128xf32, #tpu.memory_space<vmem_shared>>) target(%dma_start3A_37 : memref<800x128xf32, #tpu.memory_space<hbm>>) target_semaphore(%run_scoped3A_32 : memref<!tpu.dma_semaphore, #tpu.memory_space<semaphore_mem>>)
      %dma_wait3A = arith.constant 0 : i32
      %dma_wait3A_40 = arith.constant 0 : i32
      %dma_wait3A_41 = tpu.memref_slice %arg6[%arg0, %dma_wait3A, %dma_wait3A_40] : memref<2x12800x128xf32, #tpu.memory_space<hbm>> -> memref<1x12800x128xf32, #tpu.memory_space<hbm>>
      %dma_wait3A_42 = tpu.memref_squeeze %dma_wait3A_41 : memref<1x12800x128xf32, #tpu.memory_space<hbm>> -> memref<12800x128xf32, #tpu.memory_space<hbm>>
      %dma_wait3A_43 = arith.constant 0 : i32
      %dma_wait3A_44 = tpu.memref_slice %dma_wait3A_42[%mul3A_31, %dma_wait3A_43] : memref<12800x128xf32, #tpu.memory_space<hbm>> -> memref<800x128xf32, #tpu.memory_space<hbm>>
      %dma_wait3A_45 = arith.constant 0 : i32
      %dma_wait3A_46 = tpu.memref_slice %arg12[%mul3A_29, %dma_wait3A_45] : memref<12864x128xf32, #tpu.memory_space<vmem_shared>> -> memref<800x128xf32, #tpu.memory_space<vmem_shared>>
      tpu.wait_dma2 semaphore(%run_scoped3A_32 : memref<!tpu.dma_semaphore, #tpu.memory_space<semaphore_mem>>) src(%dma_wait3A_46 : memref<800x128xf32, #tpu.memory_space<vmem_shared>>) dst(%dma_wait3A_44 : memref<800x128xf32, #tpu.memory_space<hbm>>)
      tpu.yield
    }) : () -> ()
    return
  }
}

#map = affine_map<(d0, d1) -> (0, 0, 0)>
#map1 = affine_map<(d0, d1) -> (0, 0)>
module attributes {stable_mosaic.version = 14 : i64} {
  func.func @body(%arg0: i32, %arg1: i32, %arg2: memref<3x3136x128xi32, #tpu.memory_space<hbm>>, %arg3: memref<401408x16xi32, #tpu.memory_space<hbm>>, %arg4: memref<2x128xi32, #tpu.memory_space<vmem>>, %arg5: memref<2x128xi32, #tpu.memory_space<vmem>>, %arg6: memref<2x128xi32, #tpu.memory_space<vmem>>, %arg7: memref<2x128x16xi32, #tpu.memory_space<vmem>>, %arg8: memref<!tpu.dma_semaphore, #tpu.memory_space<semaphore_mem>>, %arg9: memref<!tpu.dma_semaphore, #tpu.memory_space<semaphore_mem>>, %arg10: memref<!tpu.dma_semaphore, #tpu.memory_space<semaphore_mem>>, %arg11: memref<!tpu.dma_semaphore, #tpu.memory_space<semaphore_mem>>) attributes {dimension_semantics = [#tpu.dimension_semantics<core_parallel>, #tpu.dimension_semantics<subcore_parallel>], iteration_bounds = array<i64: 2, 16>, scalar_prefetch = 0 : i64, scratch_operands = 8 : i64, tpu.core_type = #tpu.core_type<sc_vector_subcore>, window_params = [{transform_indices = #map}, {transform_indices = #map1}]} {
    %mul3A = arith.constant 2 : i32
    %mul3A_0 = arith.muli %arg1, %mul3A : i32
    %add3A = arith.addi %mul3A_0, %arg0 : i32
    %iota3A = tpu.iota {dimensions = array<i32: 0>} : vector<16xi32>
    %broadcast_in_dim3A = arith.constant 0 : i32
    %broadcast_in_dim3A_1 = vector.broadcast %broadcast_in_dim3A : i32 to vector<16xi32>
    %scan3A = arith.constant 0 : i32
    %scan3A_2 = arith.constant 49 : i32
    %scan3A_3 = arith.addi %scan3A, %scan3A_2 : i32
    %scan3A_4 = arith.constant 1 : i32
    scf.for %scan3A_29 = %scan3A to %scan3A_3 step %scan3A_4  : i32 {
      %mul3A_30 = arith.constant 1 : i32
      %mul3A_31 = arith.muli %scan3A_29, %mul3A_30 : i32
      %add3A_32 = arith.constant 0 : i32
      %add3A_33 = arith.addi %add3A_32, %mul3A_31 : i32
      %gt3A = arith.constant 0 : i32
      %gt3A_34 = arith.cmpi sgt, %add3A_33, %gt3A : i32
      %convert_element_type3A = arith.extui %gt3A_34 : i1 to i32
      %cond3A = arith.constant 0 : i32
      %cond3A_35 = arith.cmpi ne, %convert_element_type3A, %cond3A : i32
      scf.if %cond3A_35 {
        %dma_wait3A_786 = arith.constant 0 : i32
        %dma_wait3A_787 = arith.constant 0 : i32
        %dma_wait3A_788 = arith.constant 0 : i32
        %dma_wait3A_789 = arith.constant 0 : i32
        %dma_wait3A_790 = tpu.memref_slice %arg7[%dma_wait3A_786, %dma_wait3A_788, %dma_wait3A_789] : memref<2x128x16xi32, #tpu.memory_space<vmem>> -> memref<1x128x16xi32, #tpu.memory_space<vmem>>
        %dma_wait3A_791 = tpu.memref_squeeze %dma_wait3A_790 : memref<1x128x16xi32, #tpu.memory_space<vmem>> -> memref<128x16xi32, #tpu.memory_space<vmem>>
        %dma_wait3A_792 = arith.constant 0 : i32
        %dma_wait3A_793 = tpu.memref_slice %arg6[%dma_wait3A_787, %dma_wait3A_792] : memref<2x128xi32, #tpu.memory_space<vmem>> -> memref<1x128xi32, #tpu.memory_space<vmem>>
        %dma_wait3A_794 = tpu.memref_squeeze %dma_wait3A_793 : memref<1x128xi32, #tpu.memory_space<vmem>> -> memref<128xi32, #tpu.memory_space<vmem>>
        %dma_wait3A_795 = arith.constant 0 : i32
        %dma_wait3A_796 = arith.constant 0 : i32
        %dma_wait3A_797 = tpu.memref_slice %arg3[%dma_wait3A_795, %dma_wait3A_796] : memref<401408x16xi32, #tpu.memory_space<hbm>> -> memref<401408x16xi32, #tpu.memory_space<hbm>>
        tpu.wait_indirect_dma semaphore(%arg10 : memref<!tpu.dma_semaphore, #tpu.memory_space<semaphore_mem>>) src(%dma_wait3A_791 : memref<128x16xi32, #tpu.memory_space<vmem>>) dst(%dma_wait3A_797 : memref<401408x16xi32, #tpu.memory_space<hbm>>)
      } else {
      }
      %mul3A_36 = arith.constant 2 : i32
      %mul3A_37 = arith.muli %add3A_33, %mul3A_36 : i32
      %add3A_38 = arith.constant 0 : i32
      %add3A_39 = arith.addi %mul3A_37, %add3A_38 : i32
      %mul3A_40 = arith.constant 32 : i32
      %mul3A_41 = arith.muli %add3A_39, %mul3A_40 : i32
      %add3A_42 = arith.addi %add3A, %mul3A_41 : i32
      %dma_start3A = arith.constant 0 : i32
      %dma_start3A_43 = arith.constant 0 : i32
      %dma_start3A_44 = arith.constant 0 : i32
      %dma_start3A_45 = tpu.memref_slice %arg4[%dma_start3A_43, %dma_start3A_44] : memref<2x128xi32, #tpu.memory_space<vmem>> -> memref<1x128xi32, #tpu.memory_space<vmem>>
      %dma_start3A_46 = tpu.memref_squeeze %dma_start3A_45 : memref<1x128xi32, #tpu.memory_space<vmem>> -> memref<128xi32, #tpu.memory_space<vmem>>
      %dma_start3A_47 = arith.constant 0 : i32
      %dma_start3A_48 = arith.constant 0 : i32
      %dma_start3A_49 = tpu.memref_slice %arg2[%dma_start3A, %dma_start3A_47, %dma_start3A_48] : memref<3x3136x128xi32, #tpu.memory_space<hbm>> -> memref<1x3136x128xi32, #tpu.memory_space<hbm>>
      %dma_start3A_50 = tpu.memref_squeeze %dma_start3A_49 : memref<1x3136x128xi32, #tpu.memory_space<hbm>> -> memref<3136x128xi32, #tpu.memory_space<hbm>>
      %dma_start3A_51 = arith.constant 0 : i32
      %dma_start3A_52 = tpu.memref_slice %dma_start3A_50[%add3A_42, %dma_start3A_51] : memref<3136x128xi32, #tpu.memory_space<hbm>> -> memref<1x128xi32, #tpu.memory_space<hbm>>
      %dma_start3A_53 = tpu.memref_squeeze %dma_start3A_52 : memref<1x128xi32, #tpu.memory_space<hbm>> -> memref<128xi32, #tpu.memory_space<hbm>>
      %dma_start3A_54 = arith.constant 0 : i32
      %dma_start3A_55 = tpu.memref_slice %arg4[%dma_start3A_43, %dma_start3A_54] : memref<2x128xi32, #tpu.memory_space<vmem>> -> memref<1x128xi32, #tpu.memory_space<vmem>>
      %dma_start3A_56 = tpu.memref_squeeze %dma_start3A_55 : memref<1x128xi32, #tpu.memory_space<vmem>> -> memref<128xi32, #tpu.memory_space<vmem>>
      %dma_start3A_57 = arith.constant 0 : i32
      %dma_start3A_58 = arith.constant 0 : i32
      %dma_start3A_59 = tpu.memref_slice %arg2[%dma_start3A, %dma_start3A_57, %dma_start3A_58] : memref<3x3136x128xi32, #tpu.memory_space<hbm>> -> memref<1x3136x128xi32, #tpu.memory_space<hbm>>
      %dma_start3A_60 = tpu.memref_squeeze %dma_start3A_59 : memref<1x3136x128xi32, #tpu.memory_space<hbm>> -> memref<3136x128xi32, #tpu.memory_space<hbm>>
      %dma_start3A_61 = arith.constant 0 : i32
      %dma_start3A_62 = tpu.memref_slice %dma_start3A_60[%add3A_42, %dma_start3A_61] : memref<3136x128xi32, #tpu.memory_space<hbm>> -> memref<1x128xi32, #tpu.memory_space<hbm>>
      %dma_start3A_63 = tpu.memref_squeeze %dma_start3A_62 : memref<1x128xi32, #tpu.memory_space<hbm>> -> memref<128xi32, #tpu.memory_space<hbm>>
      tpu.enqueue_dma source(%dma_start3A_63 : memref<128xi32, #tpu.memory_space<hbm>>) target(%dma_start3A_56 : memref<128xi32, #tpu.memory_space<vmem>>) target_semaphore(%arg8 : memref<!tpu.dma_semaphore, #tpu.memory_space<semaphore_mem>>)
      %dma_start3A_64 = arith.constant 1 : i32
      %dma_start3A_65 = arith.constant 0 : i32
      %dma_start3A_66 = arith.constant 0 : i32
      %dma_start3A_67 = tpu.memref_slice %arg5[%dma_start3A_65, %dma_start3A_66] : memref<2x128xi32, #tpu.memory_space<vmem>> -> memref<1x128xi32, #tpu.memory_space<vmem>>
      %dma_start3A_68 = tpu.memref_squeeze %dma_start3A_67 : memref<1x128xi32, #tpu.memory_space<vmem>> -> memref<128xi32, #tpu.memory_space<vmem>>
      %dma_start3A_69 = arith.constant 0 : i32
      %dma_start3A_70 = arith.constant 0 : i32
      %dma_start3A_71 = tpu.memref_slice %arg2[%dma_start3A_64, %dma_start3A_69, %dma_start3A_70] : memref<3x3136x128xi32, #tpu.memory_space<hbm>> -> memref<1x3136x128xi32, #tpu.memory_space<hbm>>
      %dma_start3A_72 = tpu.memref_squeeze %dma_start3A_71 : memref<1x3136x128xi32, #tpu.memory_space<hbm>> -> memref<3136x128xi32, #tpu.memory_space<hbm>>
      %dma_start3A_73 = arith.constant 0 : i32
      %dma_start3A_74 = tpu.memref_slice %dma_start3A_72[%add3A_42, %dma_start3A_73] : memref<3136x128xi32, #tpu.memory_space<hbm>> -> memref<1x128xi32, #tpu.memory_space<hbm>>
      %dma_start3A_75 = tpu.memref_squeeze %dma_start3A_74 : memref<1x128xi32, #tpu.memory_space<hbm>> -> memref<128xi32, #tpu.memory_space<hbm>>
      %dma_start3A_76 = arith.constant 0 : i32
      %dma_start3A_77 = tpu.memref_slice %arg5[%dma_start3A_65, %dma_start3A_76] : memref<2x128xi32, #tpu.memory_space<vmem>> -> memref<1x128xi32, #tpu.memory_space<vmem>>
      %dma_start3A_78 = tpu.memref_squeeze %dma_start3A_77 : memref<1x128xi32, #tpu.memory_space<vmem>> -> memref<128xi32, #tpu.memory_space<vmem>>
      %dma_start3A_79 = arith.constant 0 : i32
      %dma_start3A_80 = arith.constant 0 : i32
      %dma_start3A_81 = tpu.memref_slice %arg2[%dma_start3A_64, %dma_start3A_79, %dma_start3A_80] : memref<3x3136x128xi32, #tpu.memory_space<hbm>> -> memref<1x3136x128xi32, #tpu.memory_space<hbm>>
      %dma_start3A_82 = tpu.memref_squeeze %dma_start3A_81 : memref<1x3136x128xi32, #tpu.memory_space<hbm>> -> memref<3136x128xi32, #tpu.memory_space<hbm>>
      %dma_start3A_83 = arith.constant 0 : i32
      %dma_start3A_84 = tpu.memref_slice %dma_start3A_82[%add3A_42, %dma_start3A_83] : memref<3136x128xi32, #tpu.memory_space<hbm>> -> memref<1x128xi32, #tpu.memory_space<hbm>>
      %dma_start3A_85 = tpu.memref_squeeze %dma_start3A_84 : memref<1x128xi32, #tpu.memory_space<hbm>> -> memref<128xi32, #tpu.memory_space<hbm>>
      tpu.enqueue_dma source(%dma_start3A_85 : memref<128xi32, #tpu.memory_space<hbm>>) target(%dma_start3A_78 : memref<128xi32, #tpu.memory_space<vmem>>) target_semaphore(%arg8 : memref<!tpu.dma_semaphore, #tpu.memory_space<semaphore_mem>>)
      %dma_start3A_86 = arith.constant 2 : i32
      %dma_start3A_87 = arith.constant 0 : i32
      %dma_start3A_88 = arith.constant 0 : i32
      %dma_start3A_89 = tpu.memref_slice %arg6[%dma_start3A_87, %dma_start3A_88] : memref<2x128xi32, #tpu.memory_space<vmem>> -> memref<1x128xi32, #tpu.memory_space<vmem>>
      %dma_start3A_90 = tpu.memref_squeeze %dma_start3A_89 : memref<1x128xi32, #tpu.memory_space<vmem>> -> memref<128xi32, #tpu.memory_space<vmem>>
      %dma_start3A_91 = arith.constant 0 : i32
      %dma_start3A_92 = arith.constant 0 : i32
      %dma_start3A_93 = tpu.memref_slice %arg2[%dma_start3A_86, %dma_start3A_91, %dma_start3A_92] : memref<3x3136x128xi32, #tpu.memory_space<hbm>> -> memref<1x3136x128xi32, #tpu.memory_space<hbm>>
      %dma_start3A_94 = tpu.memref_squeeze %dma_start3A_93 : memref<1x3136x128xi32, #tpu.memory_space<hbm>> -> memref<3136x128xi32, #tpu.memory_space<hbm>>
      %dma_start3A_95 = arith.constant 0 : i32
      %dma_start3A_96 = tpu.memref_slice %dma_start3A_94[%add3A_42, %dma_start3A_95] : memref<3136x128xi32, #tpu.memory_space<hbm>> -> memref<1x128xi32, #tpu.memory_space<hbm>>
      %dma_start3A_97 = tpu.memref_squeeze %dma_start3A_96 : memref<1x128xi32, #tpu.memory_space<hbm>> -> memref<128xi32, #tpu.memory_space<hbm>>
      %dma_start3A_98 = arith.constant 0 : i32
      %dma_start3A_99 = tpu.memref_slice %arg6[%dma_start3A_87, %dma_start3A_98] : memref<2x128xi32, #tpu.memory_space<vmem>> -> memref<1x128xi32, #tpu.memory_space<vmem>>
      %dma_start3A_100 = tpu.memref_squeeze %dma_start3A_99 : memref<1x128xi32, #tpu.memory_space<vmem>> -> memref<128xi32, #tpu.memory_space<vmem>>
      %dma_start3A_101 = arith.constant 0 : i32
      %dma_start3A_102 = arith.constant 0 : i32
      %dma_start3A_103 = tpu.memref_slice %arg2[%dma_start3A_86, %dma_start3A_101, %dma_start3A_102] : memref<3x3136x128xi32, #tpu.memory_space<hbm>> -> memref<1x3136x128xi32, #tpu.memory_space<hbm>>
      %dma_start3A_104 = tpu.memref_squeeze %dma_start3A_103 : memref<1x3136x128xi32, #tpu.memory_space<hbm>> -> memref<3136x128xi32, #tpu.memory_space<hbm>>
      %dma_start3A_105 = arith.constant 0 : i32
      %dma_start3A_106 = tpu.memref_slice %dma_start3A_104[%add3A_42, %dma_start3A_105] : memref<3136x128xi32, #tpu.memory_space<hbm>> -> memref<1x128xi32, #tpu.memory_space<hbm>>
      %dma_start3A_107 = tpu.memref_squeeze %dma_start3A_106 : memref<1x128xi32, #tpu.memory_space<hbm>> -> memref<128xi32, #tpu.memory_space<hbm>>
      tpu.enqueue_dma source(%dma_start3A_107 : memref<128xi32, #tpu.memory_space<hbm>>) target(%dma_start3A_100 : memref<128xi32, #tpu.memory_space<vmem>>) target_semaphore(%arg8 : memref<!tpu.dma_semaphore, #tpu.memory_space<semaphore_mem>>)
      %gt3A_108 = arith.constant 0 : i32
      %gt3A_109 = arith.cmpi sgt, %add3A_33, %gt3A_108 : i32
      %convert_element_type3A_110 = arith.extui %gt3A_109 : i1 to i32
      %cond3A_111 = arith.constant 0 : i32
      %cond3A_112 = arith.cmpi ne, %convert_element_type3A_110, %cond3A_111 : i32
      scf.if %cond3A_112 {
        %dma_wait3A_786 = arith.constant 1 : i32
        %dma_wait3A_787 = arith.constant 1 : i32
        %dma_wait3A_788 = arith.constant 0 : i32
        %dma_wait3A_789 = arith.constant 0 : i32
        %dma_wait3A_790 = tpu.memref_slice %arg7[%dma_wait3A_786, %dma_wait3A_788, %dma_wait3A_789] : memref<2x128x16xi32, #tpu.memory_space<vmem>> -> memref<1x128x16xi32, #tpu.memory_space<vmem>>
        %dma_wait3A_791 = tpu.memref_squeeze %dma_wait3A_790 : memref<1x128x16xi32, #tpu.memory_space<vmem>> -> memref<128x16xi32, #tpu.memory_space<vmem>>
        %dma_wait3A_792 = arith.constant 0 : i32
        %dma_wait3A_793 = tpu.memref_slice %arg6[%dma_wait3A_787, %dma_wait3A_792] : memref<2x128xi32, #tpu.memory_space<vmem>> -> memref<1x128xi32, #tpu.memory_space<vmem>>
        %dma_wait3A_794 = tpu.memref_squeeze %dma_wait3A_793 : memref<1x128xi32, #tpu.memory_space<vmem>> -> memref<128xi32, #tpu.memory_space<vmem>>
        %dma_wait3A_795 = arith.constant 0 : i32
        %dma_wait3A_796 = arith.constant 0 : i32
        %dma_wait3A_797 = tpu.memref_slice %arg3[%dma_wait3A_795, %dma_wait3A_796] : memref<401408x16xi32, #tpu.memory_space<hbm>> -> memref<401408x16xi32, #tpu.memory_space<hbm>>
        tpu.wait_indirect_dma semaphore(%arg11 : memref<!tpu.dma_semaphore, #tpu.memory_space<semaphore_mem>>) src(%dma_wait3A_791 : memref<128x16xi32, #tpu.memory_space<vmem>>) dst(%dma_wait3A_797 : memref<401408x16xi32, #tpu.memory_space<hbm>>)
      } else {
      }
      %mul3A_113 = arith.constant 2 : i32
      %mul3A_114 = arith.muli %add3A_33, %mul3A_113 : i32
      %add3A_115 = arith.constant 1 : i32
      %add3A_116 = arith.addi %mul3A_114, %add3A_115 : i32
      %mul3A_117 = arith.constant 32 : i32
      %mul3A_118 = arith.muli %add3A_116, %mul3A_117 : i32
      %add3A_119 = arith.addi %add3A, %mul3A_118 : i32
      %dma_start3A_120 = arith.constant 0 : i32
      %dma_start3A_121 = arith.constant 1 : i32
      %dma_start3A_122 = arith.constant 0 : i32
      %dma_start3A_123 = tpu.memref_slice %arg4[%dma_start3A_121, %dma_start3A_122] : memref<2x128xi32, #tpu.memory_space<vmem>> -> memref<1x128xi32, #tpu.memory_space<vmem>>
      %dma_start3A_124 = tpu.memref_squeeze %dma_start3A_123 : memref<1x128xi32, #tpu.memory_space<vmem>> -> memref<128xi32, #tpu.memory_space<vmem>>
      %dma_start3A_125 = arith.constant 0 : i32
      %dma_start3A_126 = arith.constant 0 : i32
      %dma_start3A_127 = tpu.memref_slice %arg2[%dma_start3A_120, %dma_start3A_125, %dma_start3A_126] : memref<3x3136x128xi32, #tpu.memory_space<hbm>> -> memref<1x3136x128xi32, #tpu.memory_space<hbm>>
      %dma_start3A_128 = tpu.memref_squeeze %dma_start3A_127 : memref<1x3136x128xi32, #tpu.memory_space<hbm>> -> memref<3136x128xi32, #tpu.memory_space<hbm>>
      %dma_start3A_129 = arith.constant 0 : i32
      %dma_start3A_130 = tpu.memref_slice %dma_start3A_128[%add3A_119, %dma_start3A_129] : memref<3136x128xi32, #tpu.memory_space<hbm>> -> memref<1x128xi32, #tpu.memory_space<hbm>>
      %dma_start3A_131 = tpu.memref_squeeze %dma_start3A_130 : memref<1x128xi32, #tpu.memory_space<hbm>> -> memref<128xi32, #tpu.memory_space<hbm>>
      %dma_start3A_132 = arith.constant 0 : i32
      %dma_start3A_133 = tpu.memref_slice %arg4[%dma_start3A_121, %dma_start3A_132] : memref<2x128xi32, #tpu.memory_space<vmem>> -> memref<1x128xi32, #tpu.memory_space<vmem>>
      %dma_start3A_134 = tpu.memref_squeeze %dma_start3A_133 : memref<1x128xi32, #tpu.memory_space<vmem>> -> memref<128xi32, #tpu.memory_space<vmem>>
      %dma_start3A_135 = arith.constant 0 : i32
      %dma_start3A_136 = arith.constant 0 : i32
      %dma_start3A_137 = tpu.memref_slice %arg2[%dma_start3A_120, %dma_start3A_135, %dma_start3A_136] : memref<3x3136x128xi32, #tpu.memory_space<hbm>> -> memref<1x3136x128xi32, #tpu.memory_space<hbm>>
      %dma_start3A_138 = tpu.memref_squeeze %dma_start3A_137 : memref<1x3136x128xi32, #tpu.memory_space<hbm>> -> memref<3136x128xi32, #tpu.memory_space<hbm>>
      %dma_start3A_139 = arith.constant 0 : i32
      %dma_start3A_140 = tpu.memref_slice %dma_start3A_138[%add3A_119, %dma_start3A_139] : memref<3136x128xi32, #tpu.memory_space<hbm>> -> memref<1x128xi32, #tpu.memory_space<hbm>>
      %dma_start3A_141 = tpu.memref_squeeze %dma_start3A_140 : memref<1x128xi32, #tpu.memory_space<hbm>> -> memref<128xi32, #tpu.memory_space<hbm>>
      tpu.enqueue_dma source(%dma_start3A_141 : memref<128xi32, #tpu.memory_space<hbm>>) target(%dma_start3A_134 : memref<128xi32, #tpu.memory_space<vmem>>) target_semaphore(%arg9 : memref<!tpu.dma_semaphore, #tpu.memory_space<semaphore_mem>>)
      %dma_start3A_142 = arith.constant 1 : i32
      %dma_start3A_143 = arith.constant 1 : i32
      %dma_start3A_144 = arith.constant 0 : i32
      %dma_start3A_145 = tpu.memref_slice %arg5[%dma_start3A_143, %dma_start3A_144] : memref<2x128xi32, #tpu.memory_space<vmem>> -> memref<1x128xi32, #tpu.memory_space<vmem>>
      %dma_start3A_146 = tpu.memref_squeeze %dma_start3A_145 : memref<1x128xi32, #tpu.memory_space<vmem>> -> memref<128xi32, #tpu.memory_space<vmem>>
      %dma_start3A_147 = arith.constant 0 : i32
      %dma_start3A_148 = arith.constant 0 : i32
      %dma_start3A_149 = tpu.memref_slice %arg2[%dma_start3A_142, %dma_start3A_147, %dma_start3A_148] : memref<3x3136x128xi32, #tpu.memory_space<hbm>> -> memref<1x3136x128xi32, #tpu.memory_space<hbm>>
      %dma_start3A_150 = tpu.memref_squeeze %dma_start3A_149 : memref<1x3136x128xi32, #tpu.memory_space<hbm>> -> memref<3136x128xi32, #tpu.memory_space<hbm>>
      %dma_start3A_151 = arith.constant 0 : i32
      %dma_start3A_152 = tpu.memref_slice %dma_start3A_150[%add3A_119, %dma_start3A_151] : memref<3136x128xi32, #tpu.memory_space<hbm>> -> memref<1x128xi32, #tpu.memory_space<hbm>>
      %dma_start3A_153 = tpu.memref_squeeze %dma_start3A_152 : memref<1x128xi32, #tpu.memory_space<hbm>> -> memref<128xi32, #tpu.memory_space<hbm>>
      %dma_start3A_154 = arith.constant 0 : i32
      %dma_start3A_155 = tpu.memref_slice %arg5[%dma_start3A_143, %dma_start3A_154] : memref<2x128xi32, #tpu.memory_space<vmem>> -> memref<1x128xi32, #tpu.memory_space<vmem>>
      %dma_start3A_156 = tpu.memref_squeeze %dma_start3A_155 : memref<1x128xi32, #tpu.memory_space<vmem>> -> memref<128xi32, #tpu.memory_space<vmem>>
      %dma_start3A_157 = arith.constant 0 : i32
      %dma_start3A_158 = arith.constant 0 : i32
      %dma_start3A_159 = tpu.memref_slice %arg2[%dma_start3A_142, %dma_start3A_157, %dma_start3A_158] : memref<3x3136x128xi32, #tpu.memory_space<hbm>> -> memref<1x3136x128xi32, #tpu.memory_space<hbm>>
      %dma_start3A_160 = tpu.memref_squeeze %dma_start3A_159 : memref<1x3136x128xi32, #tpu.memory_space<hbm>> -> memref<3136x128xi32, #tpu.memory_space<hbm>>
      %dma_start3A_161 = arith.constant 0 : i32
      %dma_start3A_162 = tpu.memref_slice %dma_start3A_160[%add3A_119, %dma_start3A_161] : memref<3136x128xi32, #tpu.memory_space<hbm>> -> memref<1x128xi32, #tpu.memory_space<hbm>>
      %dma_start3A_163 = tpu.memref_squeeze %dma_start3A_162 : memref<1x128xi32, #tpu.memory_space<hbm>> -> memref<128xi32, #tpu.memory_space<hbm>>
      tpu.enqueue_dma source(%dma_start3A_163 : memref<128xi32, #tpu.memory_space<hbm>>) target(%dma_start3A_156 : memref<128xi32, #tpu.memory_space<vmem>>) target_semaphore(%arg9 : memref<!tpu.dma_semaphore, #tpu.memory_space<semaphore_mem>>)
      %dma_start3A_164 = arith.constant 2 : i32
      %dma_start3A_165 = arith.constant 1 : i32
      %dma_start3A_166 = arith.constant 0 : i32
      %dma_start3A_167 = tpu.memref_slice %arg6[%dma_start3A_165, %dma_start3A_166] : memref<2x128xi32, #tpu.memory_space<vmem>> -> memref<1x128xi32, #tpu.memory_space<vmem>>
      %dma_start3A_168 = tpu.memref_squeeze %dma_start3A_167 : memref<1x128xi32, #tpu.memory_space<vmem>> -> memref<128xi32, #tpu.memory_space<vmem>>
      %dma_start3A_169 = arith.constant 0 : i32
      %dma_start3A_170 = arith.constant 0 : i32
      %dma_start3A_171 = tpu.memref_slice %arg2[%dma_start3A_164, %dma_start3A_169, %dma_start3A_170] : memref<3x3136x128xi32, #tpu.memory_space<hbm>> -> memref<1x3136x128xi32, #tpu.memory_space<hbm>>
      %dma_start3A_172 = tpu.memref_squeeze %dma_start3A_171 : memref<1x3136x128xi32, #tpu.memory_space<hbm>> -> memref<3136x128xi32, #tpu.memory_space<hbm>>
      %dma_start3A_173 = arith.constant 0 : i32
      %dma_start3A_174 = tpu.memref_slice %dma_start3A_172[%add3A_119, %dma_start3A_173] : memref<3136x128xi32, #tpu.memory_space<hbm>> -> memref<1x128xi32, #tpu.memory_space<hbm>>
      %dma_start3A_175 = tpu.memref_squeeze %dma_start3A_174 : memref<1x128xi32, #tpu.memory_space<hbm>> -> memref<128xi32, #tpu.memory_space<hbm>>
      %dma_start3A_176 = arith.constant 0 : i32
      %dma_start3A_177 = tpu.memref_slice %arg6[%dma_start3A_165, %dma_start3A_176] : memref<2x128xi32, #tpu.memory_space<vmem>> -> memref<1x128xi32, #tpu.memory_space<vmem>>
      %dma_start3A_178 = tpu.memref_squeeze %dma_start3A_177 : memref<1x128xi32, #tpu.memory_space<vmem>> -> memref<128xi32, #tpu.memory_space<vmem>>
      %dma_start3A_179 = arith.constant 0 : i32
      %dma_start3A_180 = arith.constant 0 : i32
      %dma_start3A_181 = tpu.memref_slice %arg2[%dma_start3A_164, %dma_start3A_179, %dma_start3A_180] : memref<3x3136x128xi32, #tpu.memory_space<hbm>> -> memref<1x3136x128xi32, #tpu.memory_space<hbm>>
      %dma_start3A_182 = tpu.memref_squeeze %dma_start3A_181 : memref<1x3136x128xi32, #tpu.memory_space<hbm>> -> memref<3136x128xi32, #tpu.memory_space<hbm>>
      %dma_start3A_183 = arith.constant 0 : i32
      %dma_start3A_184 = tpu.memref_slice %dma_start3A_182[%add3A_119, %dma_start3A_183] : memref<3136x128xi32, #tpu.memory_space<hbm>> -> memref<1x128xi32, #tpu.memory_space<hbm>>
      %dma_start3A_185 = tpu.memref_squeeze %dma_start3A_184 : memref<1x128xi32, #tpu.memory_space<hbm>> -> memref<128xi32, #tpu.memory_space<hbm>>
      tpu.enqueue_dma source(%dma_start3A_185 : memref<128xi32, #tpu.memory_space<hbm>>) target(%dma_start3A_178 : memref<128xi32, #tpu.memory_space<vmem>>) target_semaphore(%arg9 : memref<!tpu.dma_semaphore, #tpu.memory_space<semaphore_mem>>)
      %mul3A_186 = arith.constant 2 : i32
      %mul3A_187 = arith.muli %add3A_33, %mul3A_186 : i32
      %add3A_188 = arith.constant 0 : i32
      %add3A_189 = arith.addi %mul3A_187, %add3A_188 : i32
      %mul3A_190 = arith.constant 32 : i32
      %mul3A_191 = arith.muli %add3A_189, %mul3A_190 : i32
      %add3A_192 = arith.addi %add3A, %mul3A_191 : i32
      %dma_wait3A_193 = arith.constant 0 : i32
      %dma_wait3A_194 = arith.constant 0 : i32
      %dma_wait3A_195 = arith.constant 0 : i32
      %dma_wait3A_196 = tpu.memref_slice %arg4[%dma_wait3A_194, %dma_wait3A_195] : memref<2x128xi32, #tpu.memory_space<vmem>> -> memref<1x128xi32, #tpu.memory_space<vmem>>
      %dma_wait3A_197 = tpu.memref_squeeze %dma_wait3A_196 : memref<1x128xi32, #tpu.memory_space<vmem>> -> memref<128xi32, #tpu.memory_space<vmem>>
      %dma_wait3A_198 = arith.constant 0 : i32
      %dma_wait3A_199 = arith.constant 0 : i32
      %dma_wait3A_200 = tpu.memref_slice %arg2[%dma_wait3A_193, %dma_wait3A_198, %dma_wait3A_199] : memref<3x3136x128xi32, #tpu.memory_space<hbm>> -> memref<1x3136x128xi32, #tpu.memory_space<hbm>>
      %dma_wait3A_201 = tpu.memref_squeeze %dma_wait3A_200 : memref<1x3136x128xi32, #tpu.memory_space<hbm>> -> memref<3136x128xi32, #tpu.memory_space<hbm>>
      %dma_wait3A_202 = arith.constant 0 : i32
      %dma_wait3A_203 = tpu.memref_slice %dma_wait3A_201[%add3A_192, %dma_wait3A_202] : memref<3136x128xi32, #tpu.memory_space<hbm>> -> memref<1x128xi32, #tpu.memory_space<hbm>>
      %dma_wait3A_204 = tpu.memref_squeeze %dma_wait3A_203 : memref<1x128xi32, #tpu.memory_space<hbm>> -> memref<128xi32, #tpu.memory_space<hbm>>
      %dma_wait3A_205 = arith.constant 0 : i32
      %dma_wait3A_206 = tpu.memref_slice %arg4[%dma_wait3A_194, %dma_wait3A_205] : memref<2x128xi32, #tpu.memory_space<vmem>> -> memref<1x128xi32, #tpu.memory_space<vmem>>
      %dma_wait3A_207 = tpu.memref_squeeze %dma_wait3A_206 : memref<1x128xi32, #tpu.memory_space<vmem>> -> memref<128xi32, #tpu.memory_space<vmem>>
      %dma_wait3A_208 = arith.constant 0 : i32
      %dma_wait3A_209 = arith.constant 0 : i32
      %dma_wait3A_210 = tpu.memref_slice %arg2[%dma_wait3A_193, %dma_wait3A_208, %dma_wait3A_209] : memref<3x3136x128xi32, #tpu.memory_space<hbm>> -> memref<1x3136x128xi32, #tpu.memory_space<hbm>>
      %dma_wait3A_211 = tpu.memref_squeeze %dma_wait3A_210 : memref<1x3136x128xi32, #tpu.memory_space<hbm>> -> memref<3136x128xi32, #tpu.memory_space<hbm>>
      %dma_wait3A_212 = arith.constant 0 : i32
      %dma_wait3A_213 = tpu.memref_slice %dma_wait3A_211[%add3A_192, %dma_wait3A_212] : memref<3136x128xi32, #tpu.memory_space<hbm>> -> memref<1x128xi32, #tpu.memory_space<hbm>>
      %dma_wait3A_214 = tpu.memref_squeeze %dma_wait3A_213 : memref<1x128xi32, #tpu.memory_space<hbm>> -> memref<128xi32, #tpu.memory_space<hbm>>
      tpu.wait_dma2 semaphore(%arg8 : memref<!tpu.dma_semaphore, #tpu.memory_space<semaphore_mem>>) src(%dma_wait3A_214 : memref<128xi32, #tpu.memory_space<hbm>>) dst(%dma_wait3A_207 : memref<128xi32, #tpu.memory_space<vmem>>)
      %dma_wait3A_215 = arith.constant 1 : i32
      %dma_wait3A_216 = arith.constant 0 : i32
      %dma_wait3A_217 = arith.constant 0 : i32
      %dma_wait3A_218 = tpu.memref_slice %arg5[%dma_wait3A_216, %dma_wait3A_217] : memref<2x128xi32, #tpu.memory_space<vmem>> -> memref<1x128xi32, #tpu.memory_space<vmem>>
      %dma_wait3A_219 = tpu.memref_squeeze %dma_wait3A_218 : memref<1x128xi32, #tpu.memory_space<vmem>> -> memref<128xi32, #tpu.memory_space<vmem>>
      %dma_wait3A_220 = arith.constant 0 : i32
      %dma_wait3A_221 = arith.constant 0 : i32
      %dma_wait3A_222 = tpu.memref_slice %arg2[%dma_wait3A_215, %dma_wait3A_220, %dma_wait3A_221] : memref<3x3136x128xi32, #tpu.memory_space<hbm>> -> memref<1x3136x128xi32, #tpu.memory_space<hbm>>
      %dma_wait3A_223 = tpu.memref_squeeze %dma_wait3A_222 : memref<1x3136x128xi32, #tpu.memory_space<hbm>> -> memref<3136x128xi32, #tpu.memory_space<hbm>>
      %dma_wait3A_224 = arith.constant 0 : i32
      %dma_wait3A_225 = tpu.memref_slice %dma_wait3A_223[%add3A_192, %dma_wait3A_224] : memref<3136x128xi32, #tpu.memory_space<hbm>> -> memref<1x128xi32, #tpu.memory_space<hbm>>
      %dma_wait3A_226 = tpu.memref_squeeze %dma_wait3A_225 : memref<1x128xi32, #tpu.memory_space<hbm>> -> memref<128xi32, #tpu.memory_space<hbm>>
      %dma_wait3A_227 = arith.constant 0 : i32
      %dma_wait3A_228 = tpu.memref_slice %arg5[%dma_wait3A_216, %dma_wait3A_227] : memref<2x128xi32, #tpu.memory_space<vmem>> -> memref<1x128xi32, #tpu.memory_space<vmem>>
      %dma_wait3A_229 = tpu.memref_squeeze %dma_wait3A_228 : memref<1x128xi32, #tpu.memory_space<vmem>> -> memref<128xi32, #tpu.memory_space<vmem>>
      %dma_wait3A_230 = arith.constant 0 : i32
      %dma_wait3A_231 = arith.constant 0 : i32
      %dma_wait3A_232 = tpu.memref_slice %arg2[%dma_wait3A_215, %dma_wait3A_230, %dma_wait3A_231] : memref<3x3136x128xi32, #tpu.memory_space<hbm>> -> memref<1x3136x128xi32, #tpu.memory_space<hbm>>
      %dma_wait3A_233 = tpu.memref_squeeze %dma_wait3A_232 : memref<1x3136x128xi32, #tpu.memory_space<hbm>> -> memref<3136x128xi32, #tpu.memory_space<hbm>>
      %dma_wait3A_234 = arith.constant 0 : i32
      %dma_wait3A_235 = tpu.memref_slice %dma_wait3A_233[%add3A_192, %dma_wait3A_234] : memref<3136x128xi32, #tpu.memory_space<hbm>> -> memref<1x128xi32, #tpu.memory_space<hbm>>
      %dma_wait3A_236 = tpu.memref_squeeze %dma_wait3A_235 : memref<1x128xi32, #tpu.memory_space<hbm>> -> memref<128xi32, #tpu.memory_space<hbm>>
      tpu.wait_dma2 semaphore(%arg8 : memref<!tpu.dma_semaphore, #tpu.memory_space<semaphore_mem>>) src(%dma_wait3A_236 : memref<128xi32, #tpu.memory_space<hbm>>) dst(%dma_wait3A_229 : memref<128xi32, #tpu.memory_space<vmem>>)
      %dma_wait3A_237 = arith.constant 2 : i32
      %dma_wait3A_238 = arith.constant 0 : i32
      %dma_wait3A_239 = arith.constant 0 : i32
      %dma_wait3A_240 = tpu.memref_slice %arg6[%dma_wait3A_238, %dma_wait3A_239] : memref<2x128xi32, #tpu.memory_space<vmem>> -> memref<1x128xi32, #tpu.memory_space<vmem>>
      %dma_wait3A_241 = tpu.memref_squeeze %dma_wait3A_240 : memref<1x128xi32, #tpu.memory_space<vmem>> -> memref<128xi32, #tpu.memory_space<vmem>>
      %dma_wait3A_242 = arith.constant 0 : i32
      %dma_wait3A_243 = arith.constant 0 : i32
      %dma_wait3A_244 = tpu.memref_slice %arg2[%dma_wait3A_237, %dma_wait3A_242, %dma_wait3A_243] : memref<3x3136x128xi32, #tpu.memory_space<hbm>> -> memref<1x3136x128xi32, #tpu.memory_space<hbm>>
      %dma_wait3A_245 = tpu.memref_squeeze %dma_wait3A_244 : memref<1x3136x128xi32, #tpu.memory_space<hbm>> -> memref<3136x128xi32, #tpu.memory_space<hbm>>
      %dma_wait3A_246 = arith.constant 0 : i32
      %dma_wait3A_247 = tpu.memref_slice %dma_wait3A_245[%add3A_192, %dma_wait3A_246] : memref<3136x128xi32, #tpu.memory_space<hbm>> -> memref<1x128xi32, #tpu.memory_space<hbm>>
      %dma_wait3A_248 = tpu.memref_squeeze %dma_wait3A_247 : memref<1x128xi32, #tpu.memory_space<hbm>> -> memref<128xi32, #tpu.memory_space<hbm>>
      %dma_wait3A_249 = arith.constant 0 : i32
      %dma_wait3A_250 = tpu.memref_slice %arg6[%dma_wait3A_238, %dma_wait3A_249] : memref<2x128xi32, #tpu.memory_space<vmem>> -> memref<1x128xi32, #tpu.memory_space<vmem>>
      %dma_wait3A_251 = tpu.memref_squeeze %dma_wait3A_250 : memref<1x128xi32, #tpu.memory_space<vmem>> -> memref<128xi32, #tpu.memory_space<vmem>>
      %dma_wait3A_252 = arith.constant 0 : i32
      %dma_wait3A_253 = arith.constant 0 : i32
      %dma_wait3A_254 = tpu.memref_slice %arg2[%dma_wait3A_237, %dma_wait3A_252, %dma_wait3A_253] : memref<3x3136x128xi32, #tpu.memory_space<hbm>> -> memref<1x3136x128xi32, #tpu.memory_space<hbm>>
      %dma_wait3A_255 = tpu.memref_squeeze %dma_wait3A_254 : memref<1x3136x128xi32, #tpu.memory_space<hbm>> -> memref<3136x128xi32, #tpu.memory_space<hbm>>
      %dma_wait3A_256 = arith.constant 0 : i32
      %dma_wait3A_257 = tpu.memref_slice %dma_wait3A_255[%add3A_192, %dma_wait3A_256] : memref<3136x128xi32, #tpu.memory_space<hbm>> -> memref<1x128xi32, #tpu.memory_space<hbm>>
      %dma_wait3A_258 = tpu.memref_squeeze %dma_wait3A_257 : memref<1x128xi32, #tpu.memory_space<hbm>> -> memref<128xi32, #tpu.memory_space<hbm>>
      tpu.wait_dma2 semaphore(%arg8 : memref<!tpu.dma_semaphore, #tpu.memory_space<semaphore_mem>>) src(%dma_wait3A_258 : memref<128xi32, #tpu.memory_space<hbm>>) dst(%dma_wait3A_251 : memref<128xi32, #tpu.memory_space<vmem>>)
      %add3A_259 = arith.constant 0 : i32
      %add3A_260 = vector.broadcast %add3A_259 : i32 to vector<16xi32>
      %add3A_261 = arith.addi %iota3A, %add3A_260 : vector<16xi32>
      %get3A = arith.constant 0 : i32
      %get3A_262 = arith.index_cast %get3A : i32 to index
      %get3A_263 = arith.constant 0 : index
      %get3A_264 = tpu.vector_load %arg4[%get3A_262, %get3A_263] {strides = array<i32>} : memref<2x128xi32, #tpu.memory_space<vmem>>, vector<16xi32>,
      %scatter3A = arith.constant 0 : i32
      %scatter3A_265 = arith.constant 0 : i32
      %scatter3A_266 = arith.constant 0 : i32
      %scatter3A_267 = tpu.memref_slice %arg7[%scatter3A, %scatter3A_265, %scatter3A_266] : memref<2x128x16xi32, #tpu.memory_space<vmem>> -> memref<1x128x16xi32, #tpu.memory_space<vmem>>
      %scatter3A_268 = tpu.memref_squeeze %scatter3A_267 : memref<1x128x16xi32, #tpu.memory_space<vmem>> -> memref<128x16xi32, #tpu.memory_space<vmem>>
      tpu.vector_store_idx %scatter3A_268[%add3A_261, %broadcast_in_dim3A_1], %get3A_264 : memref<128x16xi32, #tpu.memory_space<vmem>>[vector<16xi32>, vector<16xi32>], vector<16xi32>,
      %add3A_269 = arith.constant 0 : i32
      %add3A_270 = vector.broadcast %add3A_269 : i32 to vector<16xi32>
      %add3A_271 = arith.addi %iota3A, %add3A_270 : vector<16xi32>
      %add3A_272 = arith.constant 1 : i32
      %add3A_273 = vector.broadcast %add3A_272 : i32 to vector<16xi32>
      %add3A_274 = arith.addi %broadcast_in_dim3A_1, %add3A_273 : vector<16xi32>
      %get3A_275 = arith.constant 0 : i32
      %get3A_276 = arith.index_cast %get3A_275 : i32 to index
      %get3A_277 = arith.constant 0 : index
      %get3A_278 = tpu.vector_load %arg5[%get3A_276, %get3A_277] {strides = array<i32>} : memref<2x128xi32, #tpu.memory_space<vmem>>, vector<16xi32>,
      %scatter3A_279 = arith.constant 0 : i32
      %scatter3A_280 = arith.constant 0 : i32
      %scatter3A_281 = arith.constant 0 : i32
      %scatter3A_282 = tpu.memref_slice %arg7[%scatter3A_279, %scatter3A_280, %scatter3A_281] : memref<2x128x16xi32, #tpu.memory_space<vmem>> -> memref<1x128x16xi32, #tpu.memory_space<vmem>>
      %scatter3A_283 = tpu.memref_squeeze %scatter3A_282 : memref<1x128x16xi32, #tpu.memory_space<vmem>> -> memref<128x16xi32, #tpu.memory_space<vmem>>
      tpu.vector_store_idx %scatter3A_283[%add3A_271, %add3A_274], %get3A_278 : memref<128x16xi32, #tpu.memory_space<vmem>>[vector<16xi32>, vector<16xi32>], vector<16xi32>,
      %add3A_284 = arith.constant 16 : i32
      %add3A_285 = vector.broadcast %add3A_284 : i32 to vector<16xi32>
      %add3A_286 = arith.addi %iota3A, %add3A_285 : vector<16xi32>
      %get3A_287 = arith.constant 0 : i32
      %get3A_288 = arith.index_cast %get3A_287 : i32 to index
      %get3A_289 = arith.constant 16 : index
      %get3A_290 = tpu.vector_load %arg4[%get3A_288, %get3A_289] {strides = array<i32>} : memref<2x128xi32, #tpu.memory_space<vmem>>, vector<16xi32>,
      %scatter3A_291 = arith.constant 0 : i32
      %scatter3A_292 = arith.constant 0 : i32
      %scatter3A_293 = arith.constant 0 : i32
      %scatter3A_294 = tpu.memref_slice %arg7[%scatter3A_291, %scatter3A_292, %scatter3A_293] : memref<2x128x16xi32, #tpu.memory_space<vmem>> -> memref<1x128x16xi32, #tpu.memory_space<vmem>>
      %scatter3A_295 = tpu.memref_squeeze %scatter3A_294 : memref<1x128x16xi32, #tpu.memory_space<vmem>> -> memref<128x16xi32, #tpu.memory_space<vmem>>
      tpu.vector_store_idx %scatter3A_295[%add3A_286, %broadcast_in_dim3A_1], %get3A_290 : memref<128x16xi32, #tpu.memory_space<vmem>>[vector<16xi32>, vector<16xi32>], vector<16xi32>,
      %add3A_296 = arith.constant 16 : i32
      %add3A_297 = vector.broadcast %add3A_296 : i32 to vector<16xi32>
      %add3A_298 = arith.addi %iota3A, %add3A_297 : vector<16xi32>
      %add3A_299 = arith.constant 1 : i32
      %add3A_300 = vector.broadcast %add3A_299 : i32 to vector<16xi32>
      %add3A_301 = arith.addi %broadcast_in_dim3A_1, %add3A_300 : vector<16xi32>
      %get3A_302 = arith.constant 0 : i32
      %get3A_303 = arith.index_cast %get3A_302 : i32 to index
      %get3A_304 = arith.constant 16 : index
      %get3A_305 = tpu.vector_load %arg5[%get3A_303, %get3A_304] {strides = array<i32>} : memref<2x128xi32, #tpu.memory_space<vmem>>, vector<16xi32>,
      %scatter3A_306 = arith.constant 0 : i32
      %scatter3A_307 = arith.constant 0 : i32
      %scatter3A_308 = arith.constant 0 : i32
      %scatter3A_309 = tpu.memref_slice %arg7[%scatter3A_306, %scatter3A_307, %scatter3A_308] : memref<2x128x16xi32, #tpu.memory_space<vmem>> -> memref<1x128x16xi32, #tpu.memory_space<vmem>>
      %scatter3A_310 = tpu.memref_squeeze %scatter3A_309 : memref<1x128x16xi32, #tpu.memory_space<vmem>> -> memref<128x16xi32, #tpu.memory_space<vmem>>
      tpu.vector_store_idx %scatter3A_310[%add3A_298, %add3A_301], %get3A_305 : memref<128x16xi32, #tpu.memory_space<vmem>>[vector<16xi32>, vector<16xi32>], vector<16xi32>,
      %add3A_311 = arith.constant 32 : i32
      %add3A_312 = vector.broadcast %add3A_311 : i32 to vector<16xi32>
      %add3A_313 = arith.addi %iota3A, %add3A_312 : vector<16xi32>
      %get3A_314 = arith.constant 0 : i32
      %get3A_315 = arith.index_cast %get3A_314 : i32 to index
      %get3A_316 = arith.constant 32 : index
      %get3A_317 = tpu.vector_load %arg4[%get3A_315, %get3A_316] {strides = array<i32>} : memref<2x128xi32, #tpu.memory_space<vmem>>, vector<16xi32>,
      %scatter3A_318 = arith.constant 0 : i32
      %scatter3A_319 = arith.constant 0 : i32
      %scatter3A_320 = arith.constant 0 : i32
      %scatter3A_321 = tpu.memref_slice %arg7[%scatter3A_318, %scatter3A_319, %scatter3A_320] : memref<2x128x16xi32, #tpu.memory_space<vmem>> -> memref<1x128x16xi32, #tpu.memory_space<vmem>>
      %scatter3A_322 = tpu.memref_squeeze %scatter3A_321 : memref<1x128x16xi32, #tpu.memory_space<vmem>> -> memref<128x16xi32, #tpu.memory_space<vmem>>
      tpu.vector_store_idx %scatter3A_322[%add3A_313, %broadcast_in_dim3A_1], %get3A_317 : memref<128x16xi32, #tpu.memory_space<vmem>>[vector<16xi32>, vector<16xi32>], vector<16xi32>,
      %add3A_323 = arith.constant 32 : i32
      %add3A_324 = vector.broadcast %add3A_323 : i32 to vector<16xi32>
      %add3A_325 = arith.addi %iota3A, %add3A_324 : vector<16xi32>
      %add3A_326 = arith.constant 1 : i32
      %add3A_327 = vector.broadcast %add3A_326 : i32 to vector<16xi32>
      %add3A_328 = arith.addi %broadcast_in_dim3A_1, %add3A_327 : vector<16xi32>
      %get3A_329 = arith.constant 0 : i32
      %get3A_330 = arith.index_cast %get3A_329 : i32 to index
      %get3A_331 = arith.constant 32 : index
      %get3A_332 = tpu.vector_load %arg5[%get3A_330, %get3A_331] {strides = array<i32>} : memref<2x128xi32, #tpu.memory_space<vmem>>, vector<16xi32>,
      %scatter3A_333 = arith.constant 0 : i32
      %scatter3A_334 = arith.constant 0 : i32
      %scatter3A_335 = arith.constant 0 : i32
      %scatter3A_336 = tpu.memref_slice %arg7[%scatter3A_333, %scatter3A_334, %scatter3A_335] : memref<2x128x16xi32, #tpu.memory_space<vmem>> -> memref<1x128x16xi32, #tpu.memory_space<vmem>>
      %scatter3A_337 = tpu.memref_squeeze %scatter3A_336 : memref<1x128x16xi32, #tpu.memory_space<vmem>> -> memref<128x16xi32, #tpu.memory_space<vmem>>
      tpu.vector_store_idx %scatter3A_337[%add3A_325, %add3A_328], %get3A_332 : memref<128x16xi32, #tpu.memory_space<vmem>>[vector<16xi32>, vector<16xi32>], vector<16xi32>,
      %add3A_338 = arith.constant 48 : i32
      %add3A_339 = vector.broadcast %add3A_338 : i32 to vector<16xi32>
      %add3A_340 = arith.addi %iota3A, %add3A_339 : vector<16xi32>
      %get3A_341 = arith.constant 0 : i32
      %get3A_342 = arith.index_cast %get3A_341 : i32 to index
      %get3A_343 = arith.constant 48 : index
      %get3A_344 = tpu.vector_load %arg4[%get3A_342, %get3A_343] {strides = array<i32>} : memref<2x128xi32, #tpu.memory_space<vmem>>, vector<16xi32>,
      %scatter3A_345 = arith.constant 0 : i32
      %scatter3A_346 = arith.constant 0 : i32
      %scatter3A_347 = arith.constant 0 : i32
      %scatter3A_348 = tpu.memref_slice %arg7[%scatter3A_345, %scatter3A_346, %scatter3A_347] : memref<2x128x16xi32, #tpu.memory_space<vmem>> -> memref<1x128x16xi32, #tpu.memory_space<vmem>>
      %scatter3A_349 = tpu.memref_squeeze %scatter3A_348 : memref<1x128x16xi32, #tpu.memory_space<vmem>> -> memref<128x16xi32, #tpu.memory_space<vmem>>
      tpu.vector_store_idx %scatter3A_349[%add3A_340, %broadcast_in_dim3A_1], %get3A_344 : memref<128x16xi32, #tpu.memory_space<vmem>>[vector<16xi32>, vector<16xi32>], vector<16xi32>,
      %add3A_350 = arith.constant 48 : i32
      %add3A_351 = vector.broadcast %add3A_350 : i32 to vector<16xi32>
      %add3A_352 = arith.addi %iota3A, %add3A_351 : vector<16xi32>
      %add3A_353 = arith.constant 1 : i32
      %add3A_354 = vector.broadcast %add3A_353 : i32 to vector<16xi32>
      %add3A_355 = arith.addi %broadcast_in_dim3A_1, %add3A_354 : vector<16xi32>
      %get3A_356 = arith.constant 0 : i32
      %get3A_357 = arith.index_cast %get3A_356 : i32 to index
      %get3A_358 = arith.constant 48 : index
      %get3A_359 = tpu.vector_load %arg5[%get3A_357, %get3A_358] {strides = array<i32>} : memref<2x128xi32, #tpu.memory_space<vmem>>, vector<16xi32>,
      %scatter3A_360 = arith.constant 0 : i32
      %scatter3A_361 = arith.constant 0 : i32
      %scatter3A_362 = arith.constant 0 : i32
      %scatter3A_363 = tpu.memref_slice %arg7[%scatter3A_360, %scatter3A_361, %scatter3A_362] : memref<2x128x16xi32, #tpu.memory_space<vmem>> -> memref<1x128x16xi32, #tpu.memory_space<vmem>>
      %scatter3A_364 = tpu.memref_squeeze %scatter3A_363 : memref<1x128x16xi32, #tpu.memory_space<vmem>> -> memref<128x16xi32, #tpu.memory_space<vmem>>
      tpu.vector_store_idx %scatter3A_364[%add3A_352, %add3A_355], %get3A_359 : memref<128x16xi32, #tpu.memory_space<vmem>>[vector<16xi32>, vector<16xi32>], vector<16xi32>,
      %add3A_365 = arith.constant 64 : i32
      %add3A_366 = vector.broadcast %add3A_365 : i32 to vector<16xi32>
      %add3A_367 = arith.addi %iota3A, %add3A_366 : vector<16xi32>
      %get3A_368 = arith.constant 0 : i32
      %get3A_369 = arith.index_cast %get3A_368 : i32 to index
      %get3A_370 = arith.constant 64 : index
      %get3A_371 = tpu.vector_load %arg4[%get3A_369, %get3A_370] {strides = array<i32>} : memref<2x128xi32, #tpu.memory_space<vmem>>, vector<16xi32>,
      %scatter3A_372 = arith.constant 0 : i32
      %scatter3A_373 = arith.constant 0 : i32
      %scatter3A_374 = arith.constant 0 : i32
      %scatter3A_375 = tpu.memref_slice %arg7[%scatter3A_372, %scatter3A_373, %scatter3A_374] : memref<2x128x16xi32, #tpu.memory_space<vmem>> -> memref<1x128x16xi32, #tpu.memory_space<vmem>>
      %scatter3A_376 = tpu.memref_squeeze %scatter3A_375 : memref<1x128x16xi32, #tpu.memory_space<vmem>> -> memref<128x16xi32, #tpu.memory_space<vmem>>
      tpu.vector_store_idx %scatter3A_376[%add3A_367, %broadcast_in_dim3A_1], %get3A_371 : memref<128x16xi32, #tpu.memory_space<vmem>>[vector<16xi32>, vector<16xi32>], vector<16xi32>,
      %add3A_377 = arith.constant 64 : i32
      %add3A_378 = vector.broadcast %add3A_377 : i32 to vector<16xi32>
      %add3A_379 = arith.addi %iota3A, %add3A_378 : vector<16xi32>
      %add3A_380 = arith.constant 1 : i32
      %add3A_381 = vector.broadcast %add3A_380 : i32 to vector<16xi32>
      %add3A_382 = arith.addi %broadcast_in_dim3A_1, %add3A_381 : vector<16xi32>
      %get3A_383 = arith.constant 0 : i32
      %get3A_384 = arith.index_cast %get3A_383 : i32 to index
      %get3A_385 = arith.constant 64 : index
      %get3A_386 = tpu.vector_load %arg5[%get3A_384, %get3A_385] {strides = array<i32>} : memref<2x128xi32, #tpu.memory_space<vmem>>, vector<16xi32>,
      %scatter3A_387 = arith.constant 0 : i32
      %scatter3A_388 = arith.constant 0 : i32
      %scatter3A_389 = arith.constant 0 : i32
      %scatter3A_390 = tpu.memref_slice %arg7[%scatter3A_387, %scatter3A_388, %scatter3A_389] : memref<2x128x16xi32, #tpu.memory_space<vmem>> -> memref<1x128x16xi32, #tpu.memory_space<vmem>>
      %scatter3A_391 = tpu.memref_squeeze %scatter3A_390 : memref<1x128x16xi32, #tpu.memory_space<vmem>> -> memref<128x16xi32, #tpu.memory_space<vmem>>
      tpu.vector_store_idx %scatter3A_391[%add3A_379, %add3A_382], %get3A_386 : memref<128x16xi32, #tpu.memory_space<vmem>>[vector<16xi32>, vector<16xi32>], vector<16xi32>,
      %add3A_392 = arith.constant 80 : i32
      %add3A_393 = vector.broadcast %add3A_392 : i32 to vector<16xi32>
      %add3A_394 = arith.addi %iota3A, %add3A_393 : vector<16xi32>
      %get3A_395 = arith.constant 0 : i32
      %get3A_396 = arith.index_cast %get3A_395 : i32 to index
      %get3A_397 = arith.constant 80 : index
      %get3A_398 = tpu.vector_load %arg4[%get3A_396, %get3A_397] {strides = array<i32>} : memref<2x128xi32, #tpu.memory_space<vmem>>, vector<16xi32>,
      %scatter3A_399 = arith.constant 0 : i32
      %scatter3A_400 = arith.constant 0 : i32
      %scatter3A_401 = arith.constant 0 : i32
      %scatter3A_402 = tpu.memref_slice %arg7[%scatter3A_399, %scatter3A_400, %scatter3A_401] : memref<2x128x16xi32, #tpu.memory_space<vmem>> -> memref<1x128x16xi32, #tpu.memory_space<vmem>>
      %scatter3A_403 = tpu.memref_squeeze %scatter3A_402 : memref<1x128x16xi32, #tpu.memory_space<vmem>> -> memref<128x16xi32, #tpu.memory_space<vmem>>
      tpu.vector_store_idx %scatter3A_403[%add3A_394, %broadcast_in_dim3A_1], %get3A_398 : memref<128x16xi32, #tpu.memory_space<vmem>>[vector<16xi32>, vector<16xi32>], vector<16xi32>,
      %add3A_404 = arith.constant 80 : i32
      %add3A_405 = vector.broadcast %add3A_404 : i32 to vector<16xi32>
      %add3A_406 = arith.addi %iota3A, %add3A_405 : vector<16xi32>
      %add3A_407 = arith.constant 1 : i32
      %add3A_408 = vector.broadcast %add3A_407 : i32 to vector<16xi32>
      %add3A_409 = arith.addi %broadcast_in_dim3A_1, %add3A_408 : vector<16xi32>
      %get3A_410 = arith.constant 0 : i32
      %get3A_411 = arith.index_cast %get3A_410 : i32 to index
      %get3A_412 = arith.constant 80 : index
      %get3A_413 = tpu.vector_load %arg5[%get3A_411, %get3A_412] {strides = array<i32>} : memref<2x128xi32, #tpu.memory_space<vmem>>, vector<16xi32>,
      %scatter3A_414 = arith.constant 0 : i32
      %scatter3A_415 = arith.constant 0 : i32
      %scatter3A_416 = arith.constant 0 : i32
      %scatter3A_417 = tpu.memref_slice %arg7[%scatter3A_414, %scatter3A_415, %scatter3A_416] : memref<2x128x16xi32, #tpu.memory_space<vmem>> -> memref<1x128x16xi32, #tpu.memory_space<vmem>>
      %scatter3A_418 = tpu.memref_squeeze %scatter3A_417 : memref<1x128x16xi32, #tpu.memory_space<vmem>> -> memref<128x16xi32, #tpu.memory_space<vmem>>
      tpu.vector_store_idx %scatter3A_418[%add3A_406, %add3A_409], %get3A_413 : memref<128x16xi32, #tpu.memory_space<vmem>>[vector<16xi32>, vector<16xi32>], vector<16xi32>,
      %add3A_419 = arith.constant 96 : i32
      %add3A_420 = vector.broadcast %add3A_419 : i32 to vector<16xi32>
      %add3A_421 = arith.addi %iota3A, %add3A_420 : vector<16xi32>
      %get3A_422 = arith.constant 0 : i32
      %get3A_423 = arith.index_cast %get3A_422 : i32 to index
      %get3A_424 = arith.constant 96 : index
      %get3A_425 = tpu.vector_load %arg4[%get3A_423, %get3A_424] {strides = array<i32>} : memref<2x128xi32, #tpu.memory_space<vmem>>, vector<16xi32>,
      %scatter3A_426 = arith.constant 0 : i32
      %scatter3A_427 = arith.constant 0 : i32
      %scatter3A_428 = arith.constant 0 : i32
      %scatter3A_429 = tpu.memref_slice %arg7[%scatter3A_426, %scatter3A_427, %scatter3A_428] : memref<2x128x16xi32, #tpu.memory_space<vmem>> -> memref<1x128x16xi32, #tpu.memory_space<vmem>>
      %scatter3A_430 = tpu.memref_squeeze %scatter3A_429 : memref<1x128x16xi32, #tpu.memory_space<vmem>> -> memref<128x16xi32, #tpu.memory_space<vmem>>
      tpu.vector_store_idx %scatter3A_430[%add3A_421, %broadcast_in_dim3A_1], %get3A_425 : memref<128x16xi32, #tpu.memory_space<vmem>>[vector<16xi32>, vector<16xi32>], vector<16xi32>,
      %add3A_431 = arith.constant 96 : i32
      %add3A_432 = vector.broadcast %add3A_431 : i32 to vector<16xi32>
      %add3A_433 = arith.addi %iota3A, %add3A_432 : vector<16xi32>
      %add3A_434 = arith.constant 1 : i32
      %add3A_435 = vector.broadcast %add3A_434 : i32 to vector<16xi32>
      %add3A_436 = arith.addi %broadcast_in_dim3A_1, %add3A_435 : vector<16xi32>
      %get3A_437 = arith.constant 0 : i32
      %get3A_438 = arith.index_cast %get3A_437 : i32 to index
      %get3A_439 = arith.constant 96 : index
      %get3A_440 = tpu.vector_load %arg5[%get3A_438, %get3A_439] {strides = array<i32>} : memref<2x128xi32, #tpu.memory_space<vmem>>, vector<16xi32>,
      %scatter3A_441 = arith.constant 0 : i32
      %scatter3A_442 = arith.constant 0 : i32
      %scatter3A_443 = arith.constant 0 : i32
      %scatter3A_444 = tpu.memref_slice %arg7[%scatter3A_441, %scatter3A_442, %scatter3A_443] : memref<2x128x16xi32, #tpu.memory_space<vmem>> -> memref<1x128x16xi32, #tpu.memory_space<vmem>>
      %scatter3A_445 = tpu.memref_squeeze %scatter3A_444 : memref<1x128x16xi32, #tpu.memory_space<vmem>> -> memref<128x16xi32, #tpu.memory_space<vmem>>
      tpu.vector_store_idx %scatter3A_445[%add3A_433, %add3A_436], %get3A_440 : memref<128x16xi32, #tpu.memory_space<vmem>>[vector<16xi32>, vector<16xi32>], vector<16xi32>,
      %add3A_446 = arith.constant 112 : i32
      %add3A_447 = vector.broadcast %add3A_446 : i32 to vector<16xi32>
      %add3A_448 = arith.addi %iota3A, %add3A_447 : vector<16xi32>
      %get3A_449 = arith.constant 0 : i32
      %get3A_450 = arith.index_cast %get3A_449 : i32 to index
      %get3A_451 = arith.constant 112 : index
      %get3A_452 = tpu.vector_load %arg4[%get3A_450, %get3A_451] {strides = array<i32>} : memref<2x128xi32, #tpu.memory_space<vmem>>, vector<16xi32>,
      %scatter3A_453 = arith.constant 0 : i32
      %scatter3A_454 = arith.constant 0 : i32
      %scatter3A_455 = arith.constant 0 : i32
      %scatter3A_456 = tpu.memref_slice %arg7[%scatter3A_453, %scatter3A_454, %scatter3A_455] : memref<2x128x16xi32, #tpu.memory_space<vmem>> -> memref<1x128x16xi32, #tpu.memory_space<vmem>>
      %scatter3A_457 = tpu.memref_squeeze %scatter3A_456 : memref<1x128x16xi32, #tpu.memory_space<vmem>> -> memref<128x16xi32, #tpu.memory_space<vmem>>
      tpu.vector_store_idx %scatter3A_457[%add3A_448, %broadcast_in_dim3A_1], %get3A_452 : memref<128x16xi32, #tpu.memory_space<vmem>>[vector<16xi32>, vector<16xi32>], vector<16xi32>,
      %add3A_458 = arith.constant 112 : i32
      %add3A_459 = vector.broadcast %add3A_458 : i32 to vector<16xi32>
      %add3A_460 = arith.addi %iota3A, %add3A_459 : vector<16xi32>
      %add3A_461 = arith.constant 1 : i32
      %add3A_462 = vector.broadcast %add3A_461 : i32 to vector<16xi32>
      %add3A_463 = arith.addi %broadcast_in_dim3A_1, %add3A_462 : vector<16xi32>
      %get3A_464 = arith.constant 0 : i32
      %get3A_465 = arith.index_cast %get3A_464 : i32 to index
      %get3A_466 = arith.constant 112 : index
      %get3A_467 = tpu.vector_load %arg5[%get3A_465, %get3A_466] {strides = array<i32>} : memref<2x128xi32, #tpu.memory_space<vmem>>, vector<16xi32>,
      %scatter3A_468 = arith.constant 0 : i32
      %scatter3A_469 = arith.constant 0 : i32
      %scatter3A_470 = arith.constant 0 : i32
      %scatter3A_471 = tpu.memref_slice %arg7[%scatter3A_468, %scatter3A_469, %scatter3A_470] : memref<2x128x16xi32, #tpu.memory_space<vmem>> -> memref<1x128x16xi32, #tpu.memory_space<vmem>>
      %scatter3A_472 = tpu.memref_squeeze %scatter3A_471 : memref<1x128x16xi32, #tpu.memory_space<vmem>> -> memref<128x16xi32, #tpu.memory_space<vmem>>
      tpu.vector_store_idx %scatter3A_472[%add3A_460, %add3A_463], %get3A_467 : memref<128x16xi32, #tpu.memory_space<vmem>>[vector<16xi32>, vector<16xi32>], vector<16xi32>,
      %dma_start3A_473 = arith.constant 0 : i32
      %dma_start3A_474 = arith.constant 0 : i32
      %dma_start3A_475 = arith.constant 0 : i32
      %dma_start3A_476 = arith.constant 0 : i32
      %dma_start3A_477 = tpu.memref_slice %arg7[%dma_start3A_473, %dma_start3A_475, %dma_start3A_476] : memref<2x128x16xi32, #tpu.memory_space<vmem>> -> memref<1x128x16xi32, #tpu.memory_space<vmem>>
      %dma_start3A_478 = tpu.memref_squeeze %dma_start3A_477 : memref<1x128x16xi32, #tpu.memory_space<vmem>> -> memref<128x16xi32, #tpu.memory_space<vmem>>
      %dma_start3A_479 = arith.constant 0 : i32
      %dma_start3A_480 = tpu.memref_slice %arg6[%dma_start3A_474, %dma_start3A_479] : memref<2x128xi32, #tpu.memory_space<vmem>> -> memref<1x128xi32, #tpu.memory_space<vmem>>
      %dma_start3A_481 = tpu.memref_squeeze %dma_start3A_480 : memref<1x128xi32, #tpu.memory_space<vmem>> -> memref<128xi32, #tpu.memory_space<vmem>>
      %dma_start3A_482 = arith.constant 0 : i32
      %dma_start3A_483 = arith.constant 0 : i32
      %dma_start3A_484 = tpu.memref_slice %arg3[%dma_start3A_482, %dma_start3A_483] : memref<401408x16xi32, #tpu.memory_space<hbm>> -> memref<401408x16xi32, #tpu.memory_space<hbm>>
      tpu.enqueue_indirect_dma source(%dma_start3A_478 : memref<128x16xi32, #tpu.memory_space<vmem>>) target(%dma_start3A_484 : memref<401408x16xi32, #tpu.memory_space<hbm>>) offsets(%dma_start3A_481 : memref<128xi32, #tpu.memory_space<vmem>>) semaphore(%arg10 : memref<!tpu.dma_semaphore, #tpu.memory_space<semaphore_mem>>)
      %mul3A_485 = arith.constant 2 : i32
      %mul3A_486 = arith.muli %add3A_33, %mul3A_485 : i32
      %add3A_487 = arith.constant 1 : i32
      %add3A_488 = arith.addi %mul3A_486, %add3A_487 : i32
      %mul3A_489 = arith.constant 32 : i32
      %mul3A_490 = arith.muli %add3A_488, %mul3A_489 : i32
      %add3A_491 = arith.addi %add3A, %mul3A_490 : i32
      %dma_wait3A_492 = arith.constant 0 : i32
      %dma_wait3A_493 = arith.constant 1 : i32
      %dma_wait3A_494 = arith.constant 0 : i32
      %dma_wait3A_495 = tpu.memref_slice %arg4[%dma_wait3A_493, %dma_wait3A_494] : memref<2x128xi32, #tpu.memory_space<vmem>> -> memref<1x128xi32, #tpu.memory_space<vmem>>
      %dma_wait3A_496 = tpu.memref_squeeze %dma_wait3A_495 : memref<1x128xi32, #tpu.memory_space<vmem>> -> memref<128xi32, #tpu.memory_space<vmem>>
      %dma_wait3A_497 = arith.constant 0 : i32
      %dma_wait3A_498 = arith.constant 0 : i32
      %dma_wait3A_499 = tpu.memref_slice %arg2[%dma_wait3A_492, %dma_wait3A_497, %dma_wait3A_498] : memref<3x3136x128xi32, #tpu.memory_space<hbm>> -> memref<1x3136x128xi32, #tpu.memory_space<hbm>>
      %dma_wait3A_500 = tpu.memref_squeeze %dma_wait3A_499 : memref<1x3136x128xi32, #tpu.memory_space<hbm>> -> memref<3136x128xi32, #tpu.memory_space<hbm>>
      %dma_wait3A_501 = arith.constant 0 : i32
      %dma_wait3A_502 = tpu.memref_slice %dma_wait3A_500[%add3A_491, %dma_wait3A_501] : memref<3136x128xi32, #tpu.memory_space<hbm>> -> memref<1x128xi32, #tpu.memory_space<hbm>>
      %dma_wait3A_503 = tpu.memref_squeeze %dma_wait3A_502 : memref<1x128xi32, #tpu.memory_space<hbm>> -> memref<128xi32, #tpu.memory_space<hbm>>
      %dma_wait3A_504 = arith.constant 0 : i32
      %dma_wait3A_505 = tpu.memref_slice %arg4[%dma_wait3A_493, %dma_wait3A_504] : memref<2x128xi32, #tpu.memory_space<vmem>> -> memref<1x128xi32, #tpu.memory_space<vmem>>
      %dma_wait3A_506 = tpu.memref_squeeze %dma_wait3A_505 : memref<1x128xi32, #tpu.memory_space<vmem>> -> memref<128xi32, #tpu.memory_space<vmem>>
      %dma_wait3A_507 = arith.constant 0 : i32
      %dma_wait3A_508 = arith.constant 0 : i32
      %dma_wait3A_509 = tpu.memref_slice %arg2[%dma_wait3A_492, %dma_wait3A_507, %dma_wait3A_508] : memref<3x3136x128xi32, #tpu.memory_space<hbm>> -> memref<1x3136x128xi32, #tpu.memory_space<hbm>>
      %dma_wait3A_510 = tpu.memref_squeeze %dma_wait3A_509 : memref<1x3136x128xi32, #tpu.memory_space<hbm>> -> memref<3136x128xi32, #tpu.memory_space<hbm>>
      %dma_wait3A_511 = arith.constant 0 : i32
      %dma_wait3A_512 = tpu.memref_slice %dma_wait3A_510[%add3A_491, %dma_wait3A_511] : memref<3136x128xi32, #tpu.memory_space<hbm>> -> memref<1x128xi32, #tpu.memory_space<hbm>>
      %dma_wait3A_513 = tpu.memref_squeeze %dma_wait3A_512 : memref<1x128xi32, #tpu.memory_space<hbm>> -> memref<128xi32, #tpu.memory_space<hbm>>
      tpu.wait_dma2 semaphore(%arg9 : memref<!tpu.dma_semaphore, #tpu.memory_space<semaphore_mem>>) src(%dma_wait3A_513 : memref<128xi32, #tpu.memory_space<hbm>>) dst(%dma_wait3A_506 : memref<128xi32, #tpu.memory_space<vmem>>)
      %dma_wait3A_514 = arith.constant 1 : i32
      %dma_wait3A_515 = arith.constant 1 : i32
      %dma_wait3A_516 = arith.constant 0 : i32
      %dma_wait3A_517 = tpu.memref_slice %arg5[%dma_wait3A_515, %dma_wait3A_516] : memref<2x128xi32, #tpu.memory_space<vmem>> -> memref<1x128xi32, #tpu.memory_space<vmem>>
      %dma_wait3A_518 = tpu.memref_squeeze %dma_wait3A_517 : memref<1x128xi32, #tpu.memory_space<vmem>> -> memref<128xi32, #tpu.memory_space<vmem>>
      %dma_wait3A_519 = arith.constant 0 : i32
      %dma_wait3A_520 = arith.constant 0 : i32
      %dma_wait3A_521 = tpu.memref_slice %arg2[%dma_wait3A_514, %dma_wait3A_519, %dma_wait3A_520] : memref<3x3136x128xi32, #tpu.memory_space<hbm>> -> memref<1x3136x128xi32, #tpu.memory_space<hbm>>
      %dma_wait3A_522 = tpu.memref_squeeze %dma_wait3A_521 : memref<1x3136x128xi32, #tpu.memory_space<hbm>> -> memref<3136x128xi32, #tpu.memory_space<hbm>>
      %dma_wait3A_523 = arith.constant 0 : i32
      %dma_wait3A_524 = tpu.memref_slice %dma_wait3A_522[%add3A_491, %dma_wait3A_523] : memref<3136x128xi32, #tpu.memory_space<hbm>> -> memref<1x128xi32, #tpu.memory_space<hbm>>
      %dma_wait3A_525 = tpu.memref_squeeze %dma_wait3A_524 : memref<1x128xi32, #tpu.memory_space<hbm>> -> memref<128xi32, #tpu.memory_space<hbm>>
      %dma_wait3A_526 = arith.constant 0 : i32
      %dma_wait3A_527 = tpu.memref_slice %arg5[%dma_wait3A_515, %dma_wait3A_526] : memref<2x128xi32, #tpu.memory_space<vmem>> -> memref<1x128xi32, #tpu.memory_space<vmem>>
      %dma_wait3A_528 = tpu.memref_squeeze %dma_wait3A_527 : memref<1x128xi32, #tpu.memory_space<vmem>> -> memref<128xi32, #tpu.memory_space<vmem>>
      %dma_wait3A_529 = arith.constant 0 : i32
      %dma_wait3A_530 = arith.constant 0 : i32
      %dma_wait3A_531 = tpu.memref_slice %arg2[%dma_wait3A_514, %dma_wait3A_529, %dma_wait3A_530] : memref<3x3136x128xi32, #tpu.memory_space<hbm>> -> memref<1x3136x128xi32, #tpu.memory_space<hbm>>
      %dma_wait3A_532 = tpu.memref_squeeze %dma_wait3A_531 : memref<1x3136x128xi32, #tpu.memory_space<hbm>> -> memref<3136x128xi32, #tpu.memory_space<hbm>>
      %dma_wait3A_533 = arith.constant 0 : i32
      %dma_wait3A_534 = tpu.memref_slice %dma_wait3A_532[%add3A_491, %dma_wait3A_533] : memref<3136x128xi32, #tpu.memory_space<hbm>> -> memref<1x128xi32, #tpu.memory_space<hbm>>
      %dma_wait3A_535 = tpu.memref_squeeze %dma_wait3A_534 : memref<1x128xi32, #tpu.memory_space<hbm>> -> memref<128xi32, #tpu.memory_space<hbm>>
      tpu.wait_dma2 semaphore(%arg9 : memref<!tpu.dma_semaphore, #tpu.memory_space<semaphore_mem>>) src(%dma_wait3A_535 : memref<128xi32, #tpu.memory_space<hbm>>) dst(%dma_wait3A_528 : memref<128xi32, #tpu.memory_space<vmem>>)
      %dma_wait3A_536 = arith.constant 2 : i32
      %dma_wait3A_537 = arith.constant 1 : i32
      %dma_wait3A_538 = arith.constant 0 : i32
      %dma_wait3A_539 = tpu.memref_slice %arg6[%dma_wait3A_537, %dma_wait3A_538] : memref<2x128xi32, #tpu.memory_space<vmem>> -> memref<1x128xi32, #tpu.memory_space<vmem>>
      %dma_wait3A_540 = tpu.memref_squeeze %dma_wait3A_539 : memref<1x128xi32, #tpu.memory_space<vmem>> -> memref<128xi32, #tpu.memory_space<vmem>>
      %dma_wait3A_541 = arith.constant 0 : i32
      %dma_wait3A_542 = arith.constant 0 : i32
      %dma_wait3A_543 = tpu.memref_slice %arg2[%dma_wait3A_536, %dma_wait3A_541, %dma_wait3A_542] : memref<3x3136x128xi32, #tpu.memory_space<hbm>> -> memref<1x3136x128xi32, #tpu.memory_space<hbm>>
      %dma_wait3A_544 = tpu.memref_squeeze %dma_wait3A_543 : memref<1x3136x128xi32, #tpu.memory_space<hbm>> -> memref<3136x128xi32, #tpu.memory_space<hbm>>
      %dma_wait3A_545 = arith.constant 0 : i32
      %dma_wait3A_546 = tpu.memref_slice %dma_wait3A_544[%add3A_491, %dma_wait3A_545] : memref<3136x128xi32, #tpu.memory_space<hbm>> -> memref<1x128xi32, #tpu.memory_space<hbm>>
      %dma_wait3A_547 = tpu.memref_squeeze %dma_wait3A_546 : memref<1x128xi32, #tpu.memory_space<hbm>> -> memref<128xi32, #tpu.memory_space<hbm>>
      %dma_wait3A_548 = arith.constant 0 : i32
      %dma_wait3A_549 = tpu.memref_slice %arg6[%dma_wait3A_537, %dma_wait3A_548] : memref<2x128xi32, #tpu.memory_space<vmem>> -> memref<1x128xi32, #tpu.memory_space<vmem>>
      %dma_wait3A_550 = tpu.memref_squeeze %dma_wait3A_549 : memref<1x128xi32, #tpu.memory_space<vmem>> -> memref<128xi32, #tpu.memory_space<vmem>>
      %dma_wait3A_551 = arith.constant 0 : i32
      %dma_wait3A_552 = arith.constant 0 : i32
      %dma_wait3A_553 = tpu.memref_slice %arg2[%dma_wait3A_536, %dma_wait3A_551, %dma_wait3A_552] : memref<3x3136x128xi32, #tpu.memory_space<hbm>> -> memref<1x3136x128xi32, #tpu.memory_space<hbm>>
      %dma_wait3A_554 = tpu.memref_squeeze %dma_wait3A_553 : memref<1x3136x128xi32, #tpu.memory_space<hbm>> -> memref<3136x128xi32, #tpu.memory_space<hbm>>
      %dma_wait3A_555 = arith.constant 0 : i32
      %dma_wait3A_556 = tpu.memref_slice %dma_wait3A_554[%add3A_491, %dma_wait3A_555] : memref<3136x128xi32, #tpu.memory_space<hbm>> -> memref<1x128xi32, #tpu.memory_space<hbm>>
      %dma_wait3A_557 = tpu.memref_squeeze %dma_wait3A_556 : memref<1x128xi32, #tpu.memory_space<hbm>> -> memref<128xi32, #tpu.memory_space<hbm>>
      tpu.wait_dma2 semaphore(%arg9 : memref<!tpu.dma_semaphore, #tpu.memory_space<semaphore_mem>>) src(%dma_wait3A_557 : memref<128xi32, #tpu.memory_space<hbm>>) dst(%dma_wait3A_550 : memref<128xi32, #tpu.memory_space<vmem>>)
      %add3A_558 = arith.constant 0 : i32
      %add3A_559 = vector.broadcast %add3A_558 : i32 to vector<16xi32>
      %add3A_560 = arith.addi %iota3A, %add3A_559 : vector<16xi32>
      %get3A_561 = arith.constant 1 : i32
      %get3A_562 = arith.index_cast %get3A_561 : i32 to index
      %get3A_563 = arith.constant 0 : index
      %get3A_564 = tpu.vector_load %arg4[%get3A_562, %get3A_563] {strides = array<i32>} : memref<2x128xi32, #tpu.memory_space<vmem>>, vector<16xi32>,
      %scatter3A_565 = arith.constant 1 : i32
      %scatter3A_566 = arith.constant 0 : i32
      %scatter3A_567 = arith.constant 0 : i32
      %scatter3A_568 = tpu.memref_slice %arg7[%scatter3A_565, %scatter3A_566, %scatter3A_567] : memref<2x128x16xi32, #tpu.memory_space<vmem>> -> memref<1x128x16xi32, #tpu.memory_space<vmem>>
      %scatter3A_569 = tpu.memref_squeeze %scatter3A_568 : memref<1x128x16xi32, #tpu.memory_space<vmem>> -> memref<128x16xi32, #tpu.memory_space<vmem>>
      tpu.vector_store_idx %scatter3A_569[%add3A_560, %broadcast_in_dim3A_1], %get3A_564 : memref<128x16xi32, #tpu.memory_space<vmem>>[vector<16xi32>, vector<16xi32>], vector<16xi32>,
      %add3A_570 = arith.constant 0 : i32
      %add3A_571 = vector.broadcast %add3A_570 : i32 to vector<16xi32>
      %add3A_572 = arith.addi %iota3A, %add3A_571 : vector<16xi32>
      %add3A_573 = arith.constant 1 : i32
      %add3A_574 = vector.broadcast %add3A_573 : i32 to vector<16xi32>
      %add3A_575 = arith.addi %broadcast_in_dim3A_1, %add3A_574 : vector<16xi32>
      %get3A_576 = arith.constant 1 : i32
      %get3A_577 = arith.index_cast %get3A_576 : i32 to index
      %get3A_578 = arith.constant 0 : index
      %get3A_579 = tpu.vector_load %arg5[%get3A_577, %get3A_578] {strides = array<i32>} : memref<2x128xi32, #tpu.memory_space<vmem>>, vector<16xi32>,
      %scatter3A_580 = arith.constant 1 : i32
      %scatter3A_581 = arith.constant 0 : i32
      %scatter3A_582 = arith.constant 0 : i32
      %scatter3A_583 = tpu.memref_slice %arg7[%scatter3A_580, %scatter3A_581, %scatter3A_582] : memref<2x128x16xi32, #tpu.memory_space<vmem>> -> memref<1x128x16xi32, #tpu.memory_space<vmem>>
      %scatter3A_584 = tpu.memref_squeeze %scatter3A_583 : memref<1x128x16xi32, #tpu.memory_space<vmem>> -> memref<128x16xi32, #tpu.memory_space<vmem>>
      tpu.vector_store_idx %scatter3A_584[%add3A_572, %add3A_575], %get3A_579 : memref<128x16xi32, #tpu.memory_space<vmem>>[vector<16xi32>, vector<16xi32>], vector<16xi32>,
      %add3A_585 = arith.constant 16 : i32
      %add3A_586 = vector.broadcast %add3A_585 : i32 to vector<16xi32>
      %add3A_587 = arith.addi %iota3A, %add3A_586 : vector<16xi32>
      %get3A_588 = arith.constant 1 : i32
      %get3A_589 = arith.index_cast %get3A_588 : i32 to index
      %get3A_590 = arith.constant 16 : index
      %get3A_591 = tpu.vector_load %arg4[%get3A_589, %get3A_590] {strides = array<i32>} : memref<2x128xi32, #tpu.memory_space<vmem>>, vector<16xi32>,
      %scatter3A_592 = arith.constant 1 : i32
      %scatter3A_593 = arith.constant 0 : i32
      %scatter3A_594 = arith.constant 0 : i32
      %scatter3A_595 = tpu.memref_slice %arg7[%scatter3A_592, %scatter3A_593, %scatter3A_594] : memref<2x128x16xi32, #tpu.memory_space<vmem>> -> memref<1x128x16xi32, #tpu.memory_space<vmem>>
      %scatter3A_596 = tpu.memref_squeeze %scatter3A_595 : memref<1x128x16xi32, #tpu.memory_space<vmem>> -> memref<128x16xi32, #tpu.memory_space<vmem>>
      tpu.vector_store_idx %scatter3A_596[%add3A_587, %broadcast_in_dim3A_1], %get3A_591 : memref<128x16xi32, #tpu.memory_space<vmem>>[vector<16xi32>, vector<16xi32>], vector<16xi32>,
      %add3A_597 = arith.constant 16 : i32
      %add3A_598 = vector.broadcast %add3A_597 : i32 to vector<16xi32>
      %add3A_599 = arith.addi %iota3A, %add3A_598 : vector<16xi32>
      %add3A_600 = arith.constant 1 : i32
      %add3A_601 = vector.broadcast %add3A_600 : i32 to vector<16xi32>
      %add3A_602 = arith.addi %broadcast_in_dim3A_1, %add3A_601 : vector<16xi32>
      %get3A_603 = arith.constant 1 : i32
      %get3A_604 = arith.index_cast %get3A_603 : i32 to index
      %get3A_605 = arith.constant 16 : index
      %get3A_606 = tpu.vector_load %arg5[%get3A_604, %get3A_605] {strides = array<i32>} : memref<2x128xi32, #tpu.memory_space<vmem>>, vector<16xi32>,
      %scatter3A_607 = arith.constant 1 : i32
      %scatter3A_608 = arith.constant 0 : i32
      %scatter3A_609 = arith.constant 0 : i32
      %scatter3A_610 = tpu.memref_slice %arg7[%scatter3A_607, %scatter3A_608, %scatter3A_609] : memref<2x128x16xi32, #tpu.memory_space<vmem>> -> memref<1x128x16xi32, #tpu.memory_space<vmem>>
      %scatter3A_611 = tpu.memref_squeeze %scatter3A_610 : memref<1x128x16xi32, #tpu.memory_space<vmem>> -> memref<128x16xi32, #tpu.memory_space<vmem>>
      tpu.vector_store_idx %scatter3A_611[%add3A_599, %add3A_602], %get3A_606 : memref<128x16xi32, #tpu.memory_space<vmem>>[vector<16xi32>, vector<16xi32>], vector<16xi32>,
      %add3A_612 = arith.constant 32 : i32
      %add3A_613 = vector.broadcast %add3A_612 : i32 to vector<16xi32>
      %add3A_614 = arith.addi %iota3A, %add3A_613 : vector<16xi32>
      %get3A_615 = arith.constant 1 : i32
      %get3A_616 = arith.index_cast %get3A_615 : i32 to index
      %get3A_617 = arith.constant 32 : index
      %get3A_618 = tpu.vector_load %arg4[%get3A_616, %get3A_617] {strides = array<i32>} : memref<2x128xi32, #tpu.memory_space<vmem>>, vector<16xi32>,
      %scatter3A_619 = arith.constant 1 : i32
      %scatter3A_620 = arith.constant 0 : i32
      %scatter3A_621 = arith.constant 0 : i32
      %scatter3A_622 = tpu.memref_slice %arg7[%scatter3A_619, %scatter3A_620, %scatter3A_621] : memref<2x128x16xi32, #tpu.memory_space<vmem>> -> memref<1x128x16xi32, #tpu.memory_space<vmem>>
      %scatter3A_623 = tpu.memref_squeeze %scatter3A_622 : memref<1x128x16xi32, #tpu.memory_space<vmem>> -> memref<128x16xi32, #tpu.memory_space<vmem>>
      tpu.vector_store_idx %scatter3A_623[%add3A_614, %broadcast_in_dim3A_1], %get3A_618 : memref<128x16xi32, #tpu.memory_space<vmem>>[vector<16xi32>, vector<16xi32>], vector<16xi32>,
      %add3A_624 = arith.constant 32 : i32
      %add3A_625 = vector.broadcast %add3A_624 : i32 to vector<16xi32>
      %add3A_626 = arith.addi %iota3A, %add3A_625 : vector<16xi32>
      %add3A_627 = arith.constant 1 : i32
      %add3A_628 = vector.broadcast %add3A_627 : i32 to vector<16xi32>
      %add3A_629 = arith.addi %broadcast_in_dim3A_1, %add3A_628 : vector<16xi32>
      %get3A_630 = arith.constant 1 : i32
      %get3A_631 = arith.index_cast %get3A_630 : i32 to index
      %get3A_632 = arith.constant 32 : index
      %get3A_633 = tpu.vector_load %arg5[%get3A_631, %get3A_632] {strides = array<i32>} : memref<2x128xi32, #tpu.memory_space<vmem>>, vector<16xi32>,
      %scatter3A_634 = arith.constant 1 : i32
      %scatter3A_635 = arith.constant 0 : i32
      %scatter3A_636 = arith.constant 0 : i32
      %scatter3A_637 = tpu.memref_slice %arg7[%scatter3A_634, %scatter3A_635, %scatter3A_636] : memref<2x128x16xi32, #tpu.memory_space<vmem>> -> memref<1x128x16xi32, #tpu.memory_space<vmem>>
      %scatter3A_638 = tpu.memref_squeeze %scatter3A_637 : memref<1x128x16xi32, #tpu.memory_space<vmem>> -> memref<128x16xi32, #tpu.memory_space<vmem>>
      tpu.vector_store_idx %scatter3A_638[%add3A_626, %add3A_629], %get3A_633 : memref<128x16xi32, #tpu.memory_space<vmem>>[vector<16xi32>, vector<16xi32>], vector<16xi32>,
      %add3A_639 = arith.constant 48 : i32
      %add3A_640 = vector.broadcast %add3A_639 : i32 to vector<16xi32>
      %add3A_641 = arith.addi %iota3A, %add3A_640 : vector<16xi32>
      %get3A_642 = arith.constant 1 : i32
      %get3A_643 = arith.index_cast %get3A_642 : i32 to index
      %get3A_644 = arith.constant 48 : index
      %get3A_645 = tpu.vector_load %arg4[%get3A_643, %get3A_644] {strides = array<i32>} : memref<2x128xi32, #tpu.memory_space<vmem>>, vector<16xi32>,
      %scatter3A_646 = arith.constant 1 : i32
      %scatter3A_647 = arith.constant 0 : i32
      %scatter3A_648 = arith.constant 0 : i32
      %scatter3A_649 = tpu.memref_slice %arg7[%scatter3A_646, %scatter3A_647, %scatter3A_648] : memref<2x128x16xi32, #tpu.memory_space<vmem>> -> memref<1x128x16xi32, #tpu.memory_space<vmem>>
      %scatter3A_650 = tpu.memref_squeeze %scatter3A_649 : memref<1x128x16xi32, #tpu.memory_space<vmem>> -> memref<128x16xi32, #tpu.memory_space<vmem>>
      tpu.vector_store_idx %scatter3A_650[%add3A_641, %broadcast_in_dim3A_1], %get3A_645 : memref<128x16xi32, #tpu.memory_space<vmem>>[vector<16xi32>, vector<16xi32>], vector<16xi32>,
      %add3A_651 = arith.constant 48 : i32
      %add3A_652 = vector.broadcast %add3A_651 : i32 to vector<16xi32>
      %add3A_653 = arith.addi %iota3A, %add3A_652 : vector<16xi32>
      %add3A_654 = arith.constant 1 : i32
      %add3A_655 = vector.broadcast %add3A_654 : i32 to vector<16xi32>
      %add3A_656 = arith.addi %broadcast_in_dim3A_1, %add3A_655 : vector<16xi32>
      %get3A_657 = arith.constant 1 : i32
      %get3A_658 = arith.index_cast %get3A_657 : i32 to index
      %get3A_659 = arith.constant 48 : index
      %get3A_660 = tpu.vector_load %arg5[%get3A_658, %get3A_659] {strides = array<i32>} : memref<2x128xi32, #tpu.memory_space<vmem>>, vector<16xi32>,
      %scatter3A_661 = arith.constant 1 : i32
      %scatter3A_662 = arith.constant 0 : i32
      %scatter3A_663 = arith.constant 0 : i32
      %scatter3A_664 = tpu.memref_slice %arg7[%scatter3A_661, %scatter3A_662, %scatter3A_663] : memref<2x128x16xi32, #tpu.memory_space<vmem>> -> memref<1x128x16xi32, #tpu.memory_space<vmem>>
      %scatter3A_665 = tpu.memref_squeeze %scatter3A_664 : memref<1x128x16xi32, #tpu.memory_space<vmem>> -> memref<128x16xi32, #tpu.memory_space<vmem>>
      tpu.vector_store_idx %scatter3A_665[%add3A_653, %add3A_656], %get3A_660 : memref<128x16xi32, #tpu.memory_space<vmem>>[vector<16xi32>, vector<16xi32>], vector<16xi32>,
      %add3A_666 = arith.constant 64 : i32
      %add3A_667 = vector.broadcast %add3A_666 : i32 to vector<16xi32>
      %add3A_668 = arith.addi %iota3A, %add3A_667 : vector<16xi32>
      %get3A_669 = arith.constant 1 : i32
      %get3A_670 = arith.index_cast %get3A_669 : i32 to index
      %get3A_671 = arith.constant 64 : index
      %get3A_672 = tpu.vector_load %arg4[%get3A_670, %get3A_671] {strides = array<i32>} : memref<2x128xi32, #tpu.memory_space<vmem>>, vector<16xi32>,
      %scatter3A_673 = arith.constant 1 : i32
      %scatter3A_674 = arith.constant 0 : i32
      %scatter3A_675 = arith.constant 0 : i32
      %scatter3A_676 = tpu.memref_slice %arg7[%scatter3A_673, %scatter3A_674, %scatter3A_675] : memref<2x128x16xi32, #tpu.memory_space<vmem>> -> memref<1x128x16xi32, #tpu.memory_space<vmem>>
      %scatter3A_677 = tpu.memref_squeeze %scatter3A_676 : memref<1x128x16xi32, #tpu.memory_space<vmem>> -> memref<128x16xi32, #tpu.memory_space<vmem>>
      tpu.vector_store_idx %scatter3A_677[%add3A_668, %broadcast_in_dim3A_1], %get3A_672 : memref<128x16xi32, #tpu.memory_space<vmem>>[vector<16xi32>, vector<16xi32>], vector<16xi32>,
      %add3A_678 = arith.constant 64 : i32
      %add3A_679 = vector.broadcast %add3A_678 : i32 to vector<16xi32>
      %add3A_680 = arith.addi %iota3A, %add3A_679 : vector<16xi32>
      %add3A_681 = arith.constant 1 : i32
      %add3A_682 = vector.broadcast %add3A_681 : i32 to vector<16xi32>
      %add3A_683 = arith.addi %broadcast_in_dim3A_1, %add3A_682 : vector<16xi32>
      %get3A_684 = arith.constant 1 : i32
      %get3A_685 = arith.index_cast %get3A_684 : i32 to index
      %get3A_686 = arith.constant 64 : index
      %get3A_687 = tpu.vector_load %arg5[%get3A_685, %get3A_686] {strides = array<i32>} : memref<2x128xi32, #tpu.memory_space<vmem>>, vector<16xi32>,
      %scatter3A_688 = arith.constant 1 : i32
      %scatter3A_689 = arith.constant 0 : i32
      %scatter3A_690 = arith.constant 0 : i32
      %scatter3A_691 = tpu.memref_slice %arg7[%scatter3A_688, %scatter3A_689, %scatter3A_690] : memref<2x128x16xi32, #tpu.memory_space<vmem>> -> memref<1x128x16xi32, #tpu.memory_space<vmem>>
      %scatter3A_692 = tpu.memref_squeeze %scatter3A_691 : memref<1x128x16xi32, #tpu.memory_space<vmem>> -> memref<128x16xi32, #tpu.memory_space<vmem>>
      tpu.vector_store_idx %scatter3A_692[%add3A_680, %add3A_683], %get3A_687 : memref<128x16xi32, #tpu.memory_space<vmem>>[vector<16xi32>, vector<16xi32>], vector<16xi32>,
      %add3A_693 = arith.constant 80 : i32
      %add3A_694 = vector.broadcast %add3A_693 : i32 to vector<16xi32>
      %add3A_695 = arith.addi %iota3A, %add3A_694 : vector<16xi32>
      %get3A_696 = arith.constant 1 : i32
      %get3A_697 = arith.index_cast %get3A_696 : i32 to index
      %get3A_698 = arith.constant 80 : index
      %get3A_699 = tpu.vector_load %arg4[%get3A_697, %get3A_698] {strides = array<i32>} : memref<2x128xi32, #tpu.memory_space<vmem>>, vector<16xi32>,
      %scatter3A_700 = arith.constant 1 : i32
      %scatter3A_701 = arith.constant 0 : i32
      %scatter3A_702 = arith.constant 0 : i32
      %scatter3A_703 = tpu.memref_slice %arg7[%scatter3A_700, %scatter3A_701, %scatter3A_702] : memref<2x128x16xi32, #tpu.memory_space<vmem>> -> memref<1x128x16xi32, #tpu.memory_space<vmem>>
      %scatter3A_704 = tpu.memref_squeeze %scatter3A_703 : memref<1x128x16xi32, #tpu.memory_space<vmem>> -> memref<128x16xi32, #tpu.memory_space<vmem>>
      tpu.vector_store_idx %scatter3A_704[%add3A_695, %broadcast_in_dim3A_1], %get3A_699 : memref<128x16xi32, #tpu.memory_space<vmem>>[vector<16xi32>, vector<16xi32>], vector<16xi32>,
      %add3A_705 = arith.constant 80 : i32
      %add3A_706 = vector.broadcast %add3A_705 : i32 to vector<16xi32>
      %add3A_707 = arith.addi %iota3A, %add3A_706 : vector<16xi32>
      %add3A_708 = arith.constant 1 : i32
      %add3A_709 = vector.broadcast %add3A_708 : i32 to vector<16xi32>
      %add3A_710 = arith.addi %broadcast_in_dim3A_1, %add3A_709 : vector<16xi32>
      %get3A_711 = arith.constant 1 : i32
      %get3A_712 = arith.index_cast %get3A_711 : i32 to index
      %get3A_713 = arith.constant 80 : index
      %get3A_714 = tpu.vector_load %arg5[%get3A_712, %get3A_713] {strides = array<i32>} : memref<2x128xi32, #tpu.memory_space<vmem>>, vector<16xi32>,
      %scatter3A_715 = arith.constant 1 : i32
      %scatter3A_716 = arith.constant 0 : i32
      %scatter3A_717 = arith.constant 0 : i32
      %scatter3A_718 = tpu.memref_slice %arg7[%scatter3A_715, %scatter3A_716, %scatter3A_717] : memref<2x128x16xi32, #tpu.memory_space<vmem>> -> memref<1x128x16xi32, #tpu.memory_space<vmem>>
      %scatter3A_719 = tpu.memref_squeeze %scatter3A_718 : memref<1x128x16xi32, #tpu.memory_space<vmem>> -> memref<128x16xi32, #tpu.memory_space<vmem>>
      tpu.vector_store_idx %scatter3A_719[%add3A_707, %add3A_710], %get3A_714 : memref<128x16xi32, #tpu.memory_space<vmem>>[vector<16xi32>, vector<16xi32>], vector<16xi32>,
      %add3A_720 = arith.constant 96 : i32
      %add3A_721 = vector.broadcast %add3A_720 : i32 to vector<16xi32>
      %add3A_722 = arith.addi %iota3A, %add3A_721 : vector<16xi32>
      %get3A_723 = arith.constant 1 : i32
      %get3A_724 = arith.index_cast %get3A_723 : i32 to index
      %get3A_725 = arith.constant 96 : index
      %get3A_726 = tpu.vector_load %arg4[%get3A_724, %get3A_725] {strides = array<i32>} : memref<2x128xi32, #tpu.memory_space<vmem>>, vector<16xi32>,
      %scatter3A_727 = arith.constant 1 : i32
      %scatter3A_728 = arith.constant 0 : i32
      %scatter3A_729 = arith.constant 0 : i32
      %scatter3A_730 = tpu.memref_slice %arg7[%scatter3A_727, %scatter3A_728, %scatter3A_729] : memref<2x128x16xi32, #tpu.memory_space<vmem>> -> memref<1x128x16xi32, #tpu.memory_space<vmem>>
      %scatter3A_731 = tpu.memref_squeeze %scatter3A_730 : memref<1x128x16xi32, #tpu.memory_space<vmem>> -> memref<128x16xi32, #tpu.memory_space<vmem>>
      tpu.vector_store_idx %scatter3A_731[%add3A_722, %broadcast_in_dim3A_1], %get3A_726 : memref<128x16xi32, #tpu.memory_space<vmem>>[vector<16xi32>, vector<16xi32>], vector<16xi32>,
      %add3A_732 = arith.constant 96 : i32
      %add3A_733 = vector.broadcast %add3A_732 : i32 to vector<16xi32>
      %add3A_734 = arith.addi %iota3A, %add3A_733 : vector<16xi32>
      %add3A_735 = arith.constant 1 : i32
      %add3A_736 = vector.broadcast %add3A_735 : i32 to vector<16xi32>
      %add3A_737 = arith.addi %broadcast_in_dim3A_1, %add3A_736 : vector<16xi32>
      %get3A_738 = arith.constant 1 : i32
      %get3A_739 = arith.index_cast %get3A_738 : i32 to index
      %get3A_740 = arith.constant 96 : index
      %get3A_741 = tpu.vector_load %arg5[%get3A_739, %get3A_740] {strides = array<i32>} : memref<2x128xi32, #tpu.memory_space<vmem>>, vector<16xi32>,
      %scatter3A_742 = arith.constant 1 : i32
      %scatter3A_743 = arith.constant 0 : i32
      %scatter3A_744 = arith.constant 0 : i32
      %scatter3A_745 = tpu.memref_slice %arg7[%scatter3A_742, %scatter3A_743, %scatter3A_744] : memref<2x128x16xi32, #tpu.memory_space<vmem>> -> memref<1x128x16xi32, #tpu.memory_space<vmem>>
      %scatter3A_746 = tpu.memref_squeeze %scatter3A_745 : memref<1x128x16xi32, #tpu.memory_space<vmem>> -> memref<128x16xi32, #tpu.memory_space<vmem>>
      tpu.vector_store_idx %scatter3A_746[%add3A_734, %add3A_737], %get3A_741 : memref<128x16xi32, #tpu.memory_space<vmem>>[vector<16xi32>, vector<16xi32>], vector<16xi32>,
      %add3A_747 = arith.constant 112 : i32
      %add3A_748 = vector.broadcast %add3A_747 : i32 to vector<16xi32>
      %add3A_749 = arith.addi %iota3A, %add3A_748 : vector<16xi32>
      %get3A_750 = arith.constant 1 : i32
      %get3A_751 = arith.index_cast %get3A_750 : i32 to index
      %get3A_752 = arith.constant 112 : index
      %get3A_753 = tpu.vector_load %arg4[%get3A_751, %get3A_752] {strides = array<i32>} : memref<2x128xi32, #tpu.memory_space<vmem>>, vector<16xi32>,
      %scatter3A_754 = arith.constant 1 : i32
      %scatter3A_755 = arith.constant 0 : i32
      %scatter3A_756 = arith.constant 0 : i32
      %scatter3A_757 = tpu.memref_slice %arg7[%scatter3A_754, %scatter3A_755, %scatter3A_756] : memref<2x128x16xi32, #tpu.memory_space<vmem>> -> memref<1x128x16xi32, #tpu.memory_space<vmem>>
      %scatter3A_758 = tpu.memref_squeeze %scatter3A_757 : memref<1x128x16xi32, #tpu.memory_space<vmem>> -> memref<128x16xi32, #tpu.memory_space<vmem>>
      tpu.vector_store_idx %scatter3A_758[%add3A_749, %broadcast_in_dim3A_1], %get3A_753 : memref<128x16xi32, #tpu.memory_space<vmem>>[vector<16xi32>, vector<16xi32>], vector<16xi32>,
      %add3A_759 = arith.constant 112 : i32
      %add3A_760 = vector.broadcast %add3A_759 : i32 to vector<16xi32>
      %add3A_761 = arith.addi %iota3A, %add3A_760 : vector<16xi32>
      %add3A_762 = arith.constant 1 : i32
      %add3A_763 = vector.broadcast %add3A_762 : i32 to vector<16xi32>
      %add3A_764 = arith.addi %broadcast_in_dim3A_1, %add3A_763 : vector<16xi32>
      %get3A_765 = arith.constant 1 : i32
      %get3A_766 = arith.index_cast %get3A_765 : i32 to index
      %get3A_767 = arith.constant 112 : index
      %get3A_768 = tpu.vector_load %arg5[%get3A_766, %get3A_767] {strides = array<i32>} : memref<2x128xi32, #tpu.memory_space<vmem>>, vector<16xi32>,
      %scatter3A_769 = arith.constant 1 : i32
      %scatter3A_770 = arith.constant 0 : i32
      %scatter3A_771 = arith.constant 0 : i32
      %scatter3A_772 = tpu.memref_slice %arg7[%scatter3A_769, %scatter3A_770, %scatter3A_771] : memref<2x128x16xi32, #tpu.memory_space<vmem>> -> memref<1x128x16xi32, #tpu.memory_space<vmem>>
      %scatter3A_773 = tpu.memref_squeeze %scatter3A_772 : memref<1x128x16xi32, #tpu.memory_space<vmem>> -> memref<128x16xi32, #tpu.memory_space<vmem>>
      tpu.vector_store_idx %scatter3A_773[%add3A_761, %add3A_764], %get3A_768 : memref<128x16xi32, #tpu.memory_space<vmem>>[vector<16xi32>, vector<16xi32>], vector<16xi32>,
      %dma_start3A_774 = arith.constant 1 : i32
      %dma_start3A_775 = arith.constant 1 : i32
      %dma_start3A_776 = arith.constant 0 : i32
      %dma_start3A_777 = arith.constant 0 : i32
      %dma_start3A_778 = tpu.memref_slice %arg7[%dma_start3A_774, %dma_start3A_776, %dma_start3A_777] : memref<2x128x16xi32, #tpu.memory_space<vmem>> -> memref<1x128x16xi32, #tpu.memory_space<vmem>>
      %dma_start3A_779 = tpu.memref_squeeze %dma_start3A_778 : memref<1x128x16xi32, #tpu.memory_space<vmem>> -> memref<128x16xi32, #tpu.memory_space<vmem>>
      %dma_start3A_780 = arith.constant 0 : i32
      %dma_start3A_781 = tpu.memref_slice %arg6[%dma_start3A_775, %dma_start3A_780] : memref<2x128xi32, #tpu.memory_space<vmem>> -> memref<1x128xi32, #tpu.memory_space<vmem>>
      %dma_start3A_782 = tpu.memref_squeeze %dma_start3A_781 : memref<1x128xi32, #tpu.memory_space<vmem>> -> memref<128xi32, #tpu.memory_space<vmem>>
      %dma_start3A_783 = arith.constant 0 : i32
      %dma_start3A_784 = arith.constant 0 : i32
      %dma_start3A_785 = tpu.memref_slice %arg3[%dma_start3A_783, %dma_start3A_784] : memref<401408x16xi32, #tpu.memory_space<hbm>> -> memref<401408x16xi32, #tpu.memory_space<hbm>>
      tpu.enqueue_indirect_dma source(%dma_start3A_779 : memref<128x16xi32, #tpu.memory_space<vmem>>) target(%dma_start3A_785 : memref<401408x16xi32, #tpu.memory_space<hbm>>) offsets(%dma_start3A_782 : memref<128xi32, #tpu.memory_space<vmem>>) semaphore(%arg11 : memref<!tpu.dma_semaphore, #tpu.memory_space<semaphore_mem>>)
    }
    %scan3A_5 = arith.constant 49 : i32
    %dma_wait3A = arith.constant 0 : i32
    %dma_wait3A_6 = arith.constant 0 : i32
    %dma_wait3A_7 = arith.constant 0 : i32
    %dma_wait3A_8 = arith.constant 0 : i32
    %dma_wait3A_9 = tpu.memref_slice %arg7[%dma_wait3A, %dma_wait3A_7, %dma_wait3A_8] : memref<2x128x16xi32, #tpu.memory_space<vmem>> -> memref<1x128x16xi32, #tpu.memory_space<vmem>>
    %dma_wait3A_10 = tpu.memref_squeeze %dma_wait3A_9 : memref<1x128x16xi32, #tpu.memory_space<vmem>> -> memref<128x16xi32, #tpu.memory_space<vmem>>
    %dma_wait3A_11 = arith.constant 0 : i32
    %dma_wait3A_12 = tpu.memref_slice %arg6[%dma_wait3A_6, %dma_wait3A_11] : memref<2x128xi32, #tpu.memory_space<vmem>> -> memref<1x128xi32, #tpu.memory_space<vmem>>
    %dma_wait3A_13 = tpu.memref_squeeze %dma_wait3A_12 : memref<1x128xi32, #tpu.memory_space<vmem>> -> memref<128xi32, #tpu.memory_space<vmem>>
    %dma_wait3A_14 = arith.constant 0 : i32
    %dma_wait3A_15 = arith.constant 0 : i32
    %dma_wait3A_16 = tpu.memref_slice %arg3[%dma_wait3A_14, %dma_wait3A_15] : memref<401408x16xi32, #tpu.memory_space<hbm>> -> memref<401408x16xi32, #tpu.memory_space<hbm>>
    tpu.wait_indirect_dma semaphore(%arg10 : memref<!tpu.dma_semaphore, #tpu.memory_space<semaphore_mem>>) src(%dma_wait3A_10 : memref<128x16xi32, #tpu.memory_space<vmem>>) dst(%dma_wait3A_16 : memref<401408x16xi32, #tpu.memory_space<hbm>>)
    %dma_wait3A_17 = arith.constant 1 : i32
    %dma_wait3A_18 = arith.constant 1 : i32
    %dma_wait3A_19 = arith.constant 0 : i32
    %dma_wait3A_20 = arith.constant 0 : i32
    %dma_wait3A_21 = tpu.memref_slice %arg7[%dma_wait3A_17, %dma_wait3A_19, %dma_wait3A_20] : memref<2x128x16xi32, #tpu.memory_space<vmem>> -> memref<1x128x16xi32, #tpu.memory_space<vmem>>
    %dma_wait3A_22 = tpu.memref_squeeze %dma_wait3A_21 : memref<1x128x16xi32, #tpu.memory_space<vmem>> -> memref<128x16xi32, #tpu.memory_space<vmem>>
    %dma_wait3A_23 = arith.constant 0 : i32
    %dma_wait3A_24 = tpu.memref_slice %arg6[%dma_wait3A_18, %dma_wait3A_23] : memref<2x128xi32, #tpu.memory_space<vmem>> -> memref<1x128xi32, #tpu.memory_space<vmem>>
    %dma_wait3A_25 = tpu.memref_squeeze %dma_wait3A_24 : memref<1x128xi32, #tpu.memory_space<vmem>> -> memref<128xi32, #tpu.memory_space<vmem>>
    %dma_wait3A_26 = arith.constant 0 : i32
    %dma_wait3A_27 = arith.constant 0 : i32
    %dma_wait3A_28 = tpu.memref_slice %arg3[%dma_wait3A_26, %dma_wait3A_27] : memref<401408x16xi32, #tpu.memory_space<hbm>> -> memref<401408x16xi32, #tpu.memory_space<hbm>>
    tpu.wait_indirect_dma semaphore(%arg11 : memref<!tpu.dma_semaphore, #tpu.memory_space<semaphore_mem>>) src(%dma_wait3A_22 : memref<128x16xi32, #tpu.memory_space<vmem>>) dst(%dma_wait3A_28 : memref<401408x16xi32, #tpu.memory_space<hbm>>)
    return
  }
}

module attributes {stable_mosaic.version = 14 : i64} {
  func.func @_stage_p_body(%arg0: i32, %arg1: memref<112x128xi32, #tpu.memory_space<vmem>>, %arg2: memref<112x128xi32, #tpu.memory_space<vmem>>, %arg3: memref<112x128xi32, #tpu.memory_space<vmem>>, %arg4: memref<3x112x128xi32, #tpu.memory_space<vmem>>, %arg5: memref<1x128xi32, #tpu.memory_space<vmem>>, %arg6: memref<2xi32, #tpu.memory_space<smem>>) attributes {dimension_semantics = [#tpu.dimension_semantics<arbitrary>], iteration_bounds = array<i64: 28>, scalar_prefetch = 0 : i64, scratch_operands = 1 : i64, tpu.core_type = #tpu.core_type<tc>, window_params = [{transform_indices = @transform_0, window_bounds = array<i64: 112, 128>}, {transform_indices = @transform_1, window_bounds = array<i64: 112, 128>}, {transform_indices = @transform_2, window_bounds = array<i64: 112, 128>}, {transform_indices = @transform_3, window_bounds = array<i64: 3, 112, 128>}, {pipeline_mode = #tpu.pipeline_mode<synchronous>, transform_indices = @transform_4, window_bounds = array<i64: 1, 128>}]} {
    %eq3A = arith.constant 0 : i32
    %eq3A_0 = arith.cmpi eq, %arg0, %eq3A : i32
    %convert_element_type3A = arith.extui %eq3A_0 : i1 to i32
    %cond3A = arith.constant 0 : i32
    %cond3A_1 = arith.cmpi ne, %convert_element_type3A, %cond3A : i32
    scf.if %cond3A_1 {
      %swap3A_145 = arith.constant 0 : i32
      %swap3A_146 = arith.constant 0 : index
      %swap3A_147 = memref.load %arg6[%swap3A_146] : memref<2xi32, #tpu.memory_space<smem>>
      memref.store %swap3A_145, %arg6[%swap3A_146] : memref<2xi32, #tpu.memory_space<smem>>
      %swap3A_148 = arith.constant 0 : i32
      %swap3A_149 = arith.constant 1 : index
      %swap3A_150 = memref.load %arg6[%swap3A_149] : memref<2xi32, #tpu.memory_space<smem>>
      memref.store %swap3A_148, %arg6[%swap3A_149] : memref<2xi32, #tpu.memory_space<smem>>
    } else {
    }
    %get3A = arith.constant 0 : index
    %get3A_2 = arith.constant 0 : index
    %get3A_3 = vector.load %arg1[%get3A, %get3A_2] : memref<112x128xi32, #tpu.memory_space<vmem>>, vector<112x128xi32>
    %get3A_4 = arith.constant 0 : index
    %get3A_5 = arith.constant 0 : index
    %get3A_6 = vector.load %arg2[%get3A_4, %get3A_5] : memref<112x128xi32, #tpu.memory_space<vmem>>, vector<112x128xi32>
    %get3A_7 = arith.constant 0 : index
    %get3A_8 = arith.constant 0 : index
    %get3A_9 = vector.load %arg3[%get3A_7, %get3A_8] : memref<112x128xi32, #tpu.memory_space<vmem>>, vector<112x128xi32>
    %iota3A = tpu.iota {dimensions = array<i32: 0>} : vector<112x128xi32>
    %iota3A_10 = tpu.iota {dimensions = array<i32: 1>} : vector<112x128xi32>
    %mul3A = arith.constant 14336 : i32
    %mul3A_11 = arith.muli %arg0, %mul3A : i32
    %mul3A_12 = arith.constant 128 : i32
    %mul3A_13 = vector.broadcast %mul3A_12 : i32 to vector<112x128xi32>
    %mul3A_14 = arith.muli %iota3A, %mul3A_13 : vector<112x128xi32>
    %add3A = vector.broadcast %mul3A_11 : i32 to vector<112x128xi32>
    %add3A_15 = arith.addi %add3A, %mul3A_14 : vector<112x128xi32>
    %add3A_16 = arith.addi %add3A_15, %iota3A_10 : vector<112x128xi32>
    %ge3A = arith.constant 400000 : i32
    %ge3A_17 = vector.broadcast %ge3A : i32 to vector<112x128xi32>
    %ge3A_18 = arith.cmpi sge, %add3A_16, %ge3A_17 : vector<112x128xi32>
    %mul3A_19 = arith.constant 50000 : i32
    %mul3A_20 = vector.broadcast %mul3A_19 : i32 to vector<112x128xi32>
    %mul3A_21 = arith.muli %get3A_6, %mul3A_20 : vector<112x128xi32>
    %add3A_22 = arith.addi %mul3A_21, %get3A_3 : vector<112x128xi32>
    %select_n3A = arith.select %ge3A_18, %iota3A_10, %add3A_22 : vector<112x128xi1>, vector<112x128xi32>
    %get3A_23 = arith.constant 0 : index
    %get3A_24 = memref.load %arg6[%get3A_23] : memref<2xi32, #tpu.memory_space<smem>>
    %get3A_25 = arith.constant 1 : index
    %get3A_26 = memref.load %arg6[%get3A_25] : memref<2xi32, #tpu.memory_space<smem>>
    %ge3A_27 = arith.constant 12800 : i32
    %ge3A_28 = vector.broadcast %ge3A_27 : i32 to vector<112x128xi32>
    %ge3A_29 = arith.cmpi sge, %get3A_9, %ge3A_28 : vector<112x128xi32>
    %convert_element_type3A_30 = arith.extui %ge3A_29 : vector<112x128xi1> to vector<112x128xi32>
    %sub3A = arith.constant 1 : i32
    %sub3A_31 = vector.broadcast %sub3A : i32 to vector<112x128xi32>
    %sub3A_32 = arith.subi %sub3A_31, %convert_element_type3A_30 : vector<112x128xi32>
    %jit3A = arith.constant 0 : i32
    %broadcast_in_dim3A = vector.broadcast %jit3A : i32 to vector<112x128xi32>
    %select_n3A_33 = arith.select %ge3A_18, %broadcast_in_dim3A, %sub3A_32 : vector<112x128xi1>, vector<112x128xi32>
    %reduce_sum3A = vector.shape_cast %select_n3A_33 : vector<112x128xi32> to vector<1x112x128xi32>
    %reduce_sum3A_34 = arith.constant dense<0> : vector<1xi32>
    %reduce_sum3A_35 = vector.multi_reduction <add>, %reduce_sum3A, %reduce_sum3A_34 [1, 2] : vector<1x112x128xi32> to vector<1xi32>
    %reduce_sum3A_36 = vector.shape_cast %reduce_sum3A_35 : vector<1xi32> to vector<1x1x1xi32>
    %reduce_sum3A_37 = vector.extract %reduce_sum3A_36[0, 0, 0] : i32 from vector<1x1x1xi32>
    %add3A_38 = arith.addi %get3A_24, %reduce_sum3A_37 : i32
    %neg3A = arith.constant 0 : i32
    %neg3A_39 = arith.subi %neg3A, %add3A_38 : i32
    %jit3A_40 = arith.constant 128 : i32
    %eq3A_41 = arith.constant 0 : i32
    %eq3A_42 = arith.cmpi eq, %jit3A_40, %eq3A_41 : i32
    %jit3A_43 = arith.constant 1 : i32
    %select_n3A_44 = arith.select %eq3A_42, %jit3A_43, %jit3A_40 : i32
    %rem3A = arith.remsi %neg3A_39, %select_n3A_44 : i32
    %ne3A = arith.constant 0 : i32
    %ne3A_45 = arith.cmpi ne, %rem3A, %ne3A : i32
    %lt3A = arith.constant 0 : i32
    %lt3A_46 = arith.cmpi slt, %rem3A, %lt3A : i32
    %lt3A_47 = arith.constant 0 : i32
    %lt3A_48 = arith.cmpi slt, %select_n3A_44, %lt3A_47 : i32
    %ne3A_49 = arith.xori %lt3A_46, %lt3A_48 : i1
    %and3A = arith.andi %ne3A_49, %ne3A_45 : i1
    %add3A_50 = arith.addi %rem3A, %select_n3A_44 : i32
    %select_n3A_51 = arith.select %and3A, %add3A_50, %rem3A : i32
    %sub3A_52 = arith.constant 400000 : i32
    %sub3A_53 = vector.broadcast %sub3A_52 : i32 to vector<112x128xi32>
    %sub3A_54 = arith.subi %add3A_16, %sub3A_53 : vector<112x128xi32>
    %ge3A_55 = vector.broadcast %select_n3A_51 : i32 to vector<112x128xi32>
    %ge3A_56 = arith.cmpi sge, %sub3A_54, %ge3A_55 : vector<112x128xi32>
    %convert_element_type3A_57 = arith.extui %ge3A_56 : vector<112x128xi1> to vector<112x128xi32>
    %select_n3A_58 = arith.select %ge3A_18, %convert_element_type3A_57, %convert_element_type3A_30 : vector<112x128xi1>, vector<112x128xi32>
    %and3A_59 = arith.constant 63 : i32
    %and3A_60 = vector.broadcast %and3A_59 : i32 to vector<112x128xi32>
    %and3A_61 = arith.andi %iota3A_10, %and3A_60 : vector<112x128xi32>
    %add3A_62 = arith.constant 12800 : i32
    %add3A_63 = vector.broadcast %add3A_62 : i32 to vector<112x128xi32>
    %add3A_64 = arith.addi %add3A_63, %and3A_61 : vector<112x128xi32>
    %eq3A_65 = arith.constant 1 : i32
    %eq3A_66 = vector.broadcast %eq3A_65 : i32 to vector<112x128xi32>
    %eq3A_67 = arith.cmpi eq, %select_n3A_58, %eq3A_66 : vector<112x128xi32>
    %sub3A_68 = arith.constant 12800 : i32
    %sub3A_69 = vector.broadcast %sub3A_68 : i32 to vector<112x128xi32>
    %sub3A_70 = arith.subi %get3A_9, %sub3A_69 : vector<112x128xi32>
    %select_n3A_71 = arith.select %eq3A_67, %sub3A_70, %get3A_9 : vector<112x128xi1>, vector<112x128xi32>
    %select_n3A_72 = arith.select %ge3A_18, %add3A_64, %select_n3A_71 : vector<112x128xi1>, vector<112x128xi32>
    %convert_element_type3A_73 = arith.sitofp %select_n3A_58 : vector<112x128xi32> to vector<112x128xf32>
    %iota3A_74 = tpu.iota {dimensions = array<i32: 0>} : vector<128x128xi32>
    %iota3A_75 = tpu.iota {dimensions = array<i32: 1>} : vector<128x128xi32>
    %lt3A_76 = arith.cmpi slt, %iota3A_74, %iota3A_75 : vector<128x128xi32>
    %convert_element_type3A_77 = arith.extui %lt3A_76 : vector<128x128xi1> to vector<128x128xi32>
    %convert_element_type3A_78 = arith.sitofp %convert_element_type3A_77 : vector<128x128xi32> to vector<128x128xf32>
    %dot_general3A = arith.constant dense<0.000000e+00> : vector<112x128xf32>
    %dot_general3A_79 = tpu.matmul %convert_element_type3A_73, %convert_element_type3A_78, %dot_general3A {dimension_numbers = #tpu.dot_dimension_numbers<[1], [0], [0], [1], [0, 0, 1, 1], [], []>, transpose_lhs_hint = false} : vector<112x128xf32>, vector<128x128xf32>, vector<112x128xf32> -> vector<112x128xf32>
    %broadcast_in_dim3A_80 = arith.constant 1.000000e+00 : f32
    %broadcast_in_dim3A_81 = vector.broadcast %broadcast_in_dim3A_80 : f32 to vector<128x1xf32>
    %dot_general3A_82 = arith.constant dense<0.000000e+00> : vector<112x1xf32>
    %dot_general3A_83 = tpu.matmul %convert_element_type3A_73, %broadcast_in_dim3A_81, %dot_general3A_82 {dimension_numbers = #tpu.dot_dimension_numbers<[1], [0], [0], [1], [0, 0, 1, 1], [], []>, transpose_lhs_hint = false} : vector<112x128xf32>, vector<128x1xf32>, vector<112x1xf32> -> vector<112x1xf32>
    %iota3A_84 = tpu.iota {dimensions = array<i32: 0>} : vector<112x112xi32>
    %iota3A_85 = tpu.iota {dimensions = array<i32: 1>} : vector<112x112xi32>
    %lt3A_86 = arith.cmpi slt, %iota3A_85, %iota3A_84 : vector<112x112xi32>
    %convert_element_type3A_87 = arith.extui %lt3A_86 : vector<112x112xi1> to vector<112x112xi32>
    %convert_element_type3A_88 = arith.sitofp %convert_element_type3A_87 : vector<112x112xi32> to vector<112x112xf32>
    %dot_general3A_89 = arith.constant dense<0.000000e+00> : vector<112x1xf32>
    %dot_general3A_90 = tpu.matmul %convert_element_type3A_88, %dot_general3A_83, %dot_general3A_89 {dimension_numbers = #tpu.dot_dimension_numbers<[1], [0], [0], [1], [0, 0, 1, 1], [], []>, transpose_lhs_hint = false} : vector<112x112xf32>, vector<112x1xf32>, vector<112x1xf32> -> vector<112x1xf32>
    %add3A_91 = vector.broadcast %dot_general3A_90 : vector<112x1xf32> to vector<112x128xf32>
    %add3A_92 = arith.addf %add3A_91, %dot_general3A_79 : vector<112x128xf32>
    %convert_element_type3A_93 = arith.fptosi %add3A_92 : vector<112x128xf32> to vector<112x128xi32>
    %mul3A_94 = arith.constant 128 : i32
    %mul3A_95 = vector.broadcast %mul3A_94 : i32 to vector<112x128xi32>
    %mul3A_96 = arith.muli %iota3A, %mul3A_95 : vector<112x128xi32>
    %add3A_97 = arith.addi %mul3A_96, %iota3A_10 : vector<112x128xi32>
    %sub3A_98 = arith.subi %add3A_97, %convert_element_type3A_93 : vector<112x128xi32>
    %eq3A_99 = arith.constant 1 : i32
    %eq3A_100 = vector.broadcast %eq3A_99 : i32 to vector<112x128xi32>
    %eq3A_101 = arith.cmpi eq, %select_n3A_58, %eq3A_100 : vector<112x128xi32>
    %add3A_102 = vector.broadcast %get3A_26 : i32 to vector<112x128xi32>
    %add3A_103 = arith.addi %add3A_102, %convert_element_type3A_93 : vector<112x128xi32>
    %sub3A_104 = arith.constant 401407 : i32
    %sub3A_105 = vector.broadcast %sub3A_104 : i32 to vector<112x128xi32>
    %sub3A_106 = arith.subi %sub3A_105, %add3A_103 : vector<112x128xi32>
    %add3A_107 = vector.broadcast %get3A_24 : i32 to vector<112x128xi32>
    %add3A_108 = arith.addi %add3A_107, %sub3A_98 : vector<112x128xi32>
    %select_n3A_109 = arith.select %eq3A_101, %sub3A_106, %add3A_108 : vector<112x128xi1>, vector<112x128xi32>
    %swap3A = arith.constant 0 : index
    %swap3A_110 = arith.constant 0 : index
    %swap3A_111 = arith.constant 0 : index
    %swap3A_112 = vector.load %arg4[%swap3A, %swap3A_110, %swap3A_111] : memref<3x112x128xi32, #tpu.memory_space<vmem>>, vector<1x112x128xi32>
    %swap3A_113 = vector.shape_cast %swap3A_112 : vector<1x112x128xi32> to vector<112x128xi32>
    %swap3A_114 = vector.shape_cast %select_n3A : vector<112x128xi32> to vector<1x112x128xi32>
    tpu.vector_store %arg4[%swap3A, %swap3A_110, %swap3A_111], %swap3A_114 {strides = array<i32>} : memref<3x112x128xi32, #tpu.memory_space<vmem>>, vector<1x112x128xi32>,
    %swap3A_115 = arith.constant 1 : index
    %swap3A_116 = arith.constant 0 : index
    %swap3A_117 = arith.constant 0 : index
    %swap3A_118 = vector.load %arg4[%swap3A_115, %swap3A_116, %swap3A_117] : memref<3x112x128xi32, #tpu.memory_space<vmem>>, vector<1x112x128xi32>
    %swap3A_119 = vector.shape_cast %swap3A_118 : vector<1x112x128xi32> to vector<112x128xi32>
    %swap3A_120 = vector.shape_cast %select_n3A_72 : vector<112x128xi32> to vector<1x112x128xi32>
    tpu.vector_store %arg4[%swap3A_115, %swap3A_116, %swap3A_117], %swap3A_120 {strides = array<i32>} : memref<3x112x128xi32, #tpu.memory_space<vmem>>, vector<1x112x128xi32>,
    %swap3A_121 = arith.constant 2 : index
    %swap3A_122 = arith.constant 0 : index
    %swap3A_123 = arith.constant 0 : index
    %swap3A_124 = vector.load %arg4[%swap3A_121, %swap3A_122, %swap3A_123] : memref<3x112x128xi32, #tpu.memory_space<vmem>>, vector<1x112x128xi32>
    %swap3A_125 = vector.shape_cast %swap3A_124 : vector<1x112x128xi32> to vector<112x128xi32>
    %swap3A_126 = vector.shape_cast %select_n3A_109 : vector<112x128xi32> to vector<1x112x128xi32>
    tpu.vector_store %arg4[%swap3A_121, %swap3A_122, %swap3A_123], %swap3A_126 {strides = array<i32>} : memref<3x112x128xi32, #tpu.memory_space<vmem>>, vector<1x112x128xi32>,
    %reduce_sum3A_127 = vector.shape_cast %select_n3A_58 : vector<112x128xi32> to vector<1x112x128xi32>
    %reduce_sum3A_128 = arith.constant dense<0> : vector<1xi32>
    %reduce_sum3A_129 = vector.multi_reduction <add>, %reduce_sum3A_127, %reduce_sum3A_128 [1, 2] : vector<1x112x128xi32> to vector<1xi32>
    %reduce_sum3A_130 = vector.shape_cast %reduce_sum3A_129 : vector<1xi32> to vector<1x1x1xi32>
    %reduce_sum3A_131 = vector.extract %reduce_sum3A_130[0, 0, 0] : i32 from vector<1x1x1xi32>
    %sub3A_132 = arith.constant 14336 : i32
    %sub3A_133 = arith.subi %sub3A_132, %reduce_sum3A_131 : i32
    %add3A_134 = arith.addi %get3A_24, %sub3A_133 : i32
    %swap3A_135 = arith.constant 0 : index
    %swap3A_136 = memref.load %arg6[%swap3A_135] : memref<2xi32, #tpu.memory_space<smem>>
    memref.store %add3A_134, %arg6[%swap3A_135] : memref<2xi32, #tpu.memory_space<smem>>
    %add3A_137 = arith.addi %get3A_26, %reduce_sum3A_131 : i32
    %swap3A_138 = arith.constant 1 : index
    %swap3A_139 = memref.load %arg6[%swap3A_138] : memref<2xi32, #tpu.memory_space<smem>>
    memref.store %add3A_137, %arg6[%swap3A_138] : memref<2xi32, #tpu.memory_space<smem>>
    %eq3A_140 = arith.constant 27 : i32
    %eq3A_141 = arith.cmpi eq, %arg0, %eq3A_140 : i32
    %convert_element_type3A_142 = arith.extui %eq3A_141 : i1 to i32
    %cond3A_143 = arith.constant 0 : i32
    %cond3A_144 = arith.cmpi ne, %convert_element_type3A_142, %cond3A_143 : i32
    scf.if %cond3A_144 {
      %add3A_145 = arith.addi %get3A_24, %sub3A_133 : i32
      %jit3A_146 = arith.constant 64 : i32
      %div3A = arith.divsi %add3A_145, %jit3A_146 : i32
      %sign3A = arith.constant 0 : i32
      %sign3A_147 = arith.cmpi sgt, %add3A_145, %sign3A : i32
      %sign3A_148 = arith.extui %sign3A_147 : i1 to i32
      %sign3A_149 = arith.constant 0 : i32
      %sign3A_150 = arith.cmpi slt, %add3A_145, %sign3A_149 : i32
      %sign3A_151 = arith.extui %sign3A_150 : i1 to i32
      %sign3A_152 = arith.subi %sign3A_148, %sign3A_151 : i32
      %sign3A_153 = arith.constant 0 : i32
      %sign3A_154 = arith.cmpi sgt, %jit3A_146, %sign3A_153 : i32
      %sign3A_155 = arith.extui %sign3A_154 : i1 to i32
      %sign3A_156 = arith.constant 0 : i32
      %sign3A_157 = arith.cmpi slt, %jit3A_146, %sign3A_156 : i32
      %sign3A_158 = arith.extui %sign3A_157 : i1 to i32
      %sign3A_159 = arith.subi %sign3A_155, %sign3A_158 : i32
      %ne3A_160 = arith.cmpi ne, %sign3A_152, %sign3A_159 : i32
      %rem3A_161 = arith.remsi %add3A_145, %jit3A_146 : i32
      %ne3A_162 = arith.constant 0 : i32
      %ne3A_163 = arith.cmpi ne, %rem3A_161, %ne3A_162 : i32
      %and3A_164 = arith.andi %ne3A_160, %ne3A_163 : i1
      %sub3A_165 = arith.constant 1 : i32
      %sub3A_166 = arith.subi %div3A, %sub3A_165 : i32
      %select_n3A_167 = arith.select %and3A_164, %sub3A_166, %div3A : i32
      %iota3A_168 = tpu.iota {dimensions = array<i32: 1>} : vector<1x128xi32>
      %eq3A_169 = arith.constant 0 : i32
      %eq3A_170 = vector.broadcast %eq3A_169 : i32 to vector<1x128xi32>
      %eq3A_171 = arith.cmpi eq, %iota3A_168, %eq3A_170 : vector<1x128xi32>
      %eq3A_172 = arith.constant 1 : i32
      %eq3A_173 = vector.broadcast %eq3A_172 : i32 to vector<1x128xi32>
      %eq3A_174 = arith.cmpi eq, %iota3A_168, %eq3A_173 : vector<1x128xi32>
      %sub3A_175 = arith.constant 6272 : i32
      %sub3A_176 = arith.subi %sub3A_175, %select_n3A_167 : i32
      %jit3A_177 = arith.constant 0 : i32
      %broadcast_in_dim3A_178 = vector.broadcast %sub3A_176 : i32 to vector<1x128xi32>
      %broadcast_in_dim3A_179 = vector.broadcast %jit3A_177 : i32 to vector<1x128xi32>
      %select_n3A_180 = arith.select %eq3A_174, %broadcast_in_dim3A_178, %broadcast_in_dim3A_179 : vector<1x128xi1>, vector<1x128xi32>
      %broadcast_in_dim3A_181 = vector.broadcast %select_n3A_167 : i32 to vector<1x128xi32>
      %select_n3A_182 = arith.select %eq3A_171, %broadcast_in_dim3A_181, %select_n3A_180 : vector<1x128xi1>, vector<1x128xi32>
      %swap3A_183 = arith.constant 0 : index
      %swap3A_184 = arith.constant 0 : index
      %swap3A_185 = vector.load %arg5[%swap3A_183, %swap3A_184] : memref<1x128xi32, #tpu.memory_space<vmem>>, vector<1x128xi32>
      tpu.vector_store %arg5[%swap3A_183, %swap3A_184], %select_n3A_182 {strides = array<i32>} : memref<1x128xi32, #tpu.memory_space<vmem>>, vector<1x128xi32>,
    } else {
    }
    return
  }
  func.func @transform_0(%arg0: i32) -> (i32, i32) {
    %c0_i32 = arith.constant 0 : i32
    %c0_i32_0 = arith.constant 0 : i32
    return %arg0, %c0_i32 : i32, i32
  }
  func.func @transform_1(%arg0: i32) -> (i32, i32) {
    %c0_i32 = arith.constant 0 : i32
    %c0_i32_0 = arith.constant 0 : i32
    return %arg0, %c0_i32 : i32, i32
  }
  func.func @transform_2(%arg0: i32) -> (i32, i32) {
    %c0_i32 = arith.constant 0 : i32
    %c0_i32_0 = arith.constant 0 : i32
    return %arg0, %c0_i32 : i32, i32
  }
  func.func @transform_3(%arg0: i32) -> (i32, i32, i32) {
    %c0_i32 = arith.constant 0 : i32
    %c0_i32_0 = arith.constant 0 : i32
    %c0_i32_1 = arith.constant 0 : i32
    return %c0_i32, %arg0, %c0_i32_0 : i32, i32, i32
  }
  func.func @transform_4(%arg0: i32) -> (i32, i32) {
    %c0_i32 = arith.constant 0 : i32
    %c0_i32_0 = arith.constant 0 : i32
    %c0_i32_1 = arith.constant 0 : i32
    return %c0_i32, %c0_i32_0 : i32, i32
  }
}

module attributes {stable_mosaic.version = 14 : i64} {
  func.func @_stage_a_body(%arg0: i32, %arg1: memref<400x128xf32, #tpu.memory_space<vmem>>, %arg2: memref<128x128xf32, #tpu.memory_space<vmem>>, %arg3: memref<1x128xf32, #tpu.memory_space<vmem>>, %arg4: memref<1x128xf32, #tpu.memory_space<vmem>>, %arg5: memref<27x128x128xf32, #tpu.memory_space<vmem>>, %arg6: memref<27x400x128xf32, #tpu.memory_space<vmem>>) attributes {dimension_semantics = [#tpu.dimension_semantics<arbitrary>], iteration_bounds = array<i64: 125>, scalar_prefetch = 0 : i64, scratch_operands = 0 : i64, tpu.core_type = #tpu.core_type<tc>, window_params = [{transform_indices = @transform_0, window_bounds = array<i64: 400, 128>}, {pipeline_mode = #tpu.pipeline_mode<synchronous>, transform_indices = @transform_1, window_bounds = array<i64: 128, 128>}, {pipeline_mode = #tpu.pipeline_mode<synchronous>, transform_indices = @transform_2, window_bounds = array<i64: 1, 128>}, {pipeline_mode = #tpu.pipeline_mode<synchronous>, transform_indices = @transform_3, window_bounds = array<i64: 1, 128>}, {pipeline_mode = #tpu.pipeline_mode<synchronous>, transform_indices = @transform_4, window_bounds = array<i64: 27, 128, 128>}, {transform_indices = @transform_5, window_bounds = array<i64: 27, 400, 128>}]} {
    %get3A = arith.constant 0 : index
    %get3A_0 = arith.constant 0 : index
    %get3A_1 = vector.load %arg1[%get3A, %get3A_0] : memref<400x128xf32, #tpu.memory_space<vmem>>, vector<400x128xf32>
    %get3A_2 = arith.constant 0 : index
    %get3A_3 = arith.constant 0 : index
    %get3A_4 = vector.load %arg2[%get3A_2, %get3A_3] : memref<128x128xf32, #tpu.memory_space<vmem>>, vector<128x128xf32>
    %dot_general3A = arith.constant dense<0.000000e+00> : vector<400x128xf32>
    %dot_general3A_5 = tpu.matmul %get3A_1, %get3A_4, %dot_general3A {dimension_numbers = #tpu.dot_dimension_numbers<[1], [0], [0], [1], [0, 0, 1, 1], [], []>, transpose_lhs_hint = false} : vector<400x128xf32>, vector<128x128xf32>, vector<400x128xf32> -> vector<400x128xf32>
    %get3A_6 = arith.constant 0 : index
    %get3A_7 = arith.constant 0 : index
    %get3A_8 = vector.load %arg3[%get3A_6, %get3A_7] : memref<1x128xf32, #tpu.memory_space<vmem>>, vector<1x128xf32>
    %get3A_9 = arith.constant 0 : index
    %get3A_10 = arith.constant 0 : index
    %get3A_11 = vector.load %arg4[%get3A_9, %get3A_10] : memref<1x128xf32, #tpu.memory_space<vmem>>, vector<1x128xf32>
    %iota3A = tpu.iota {dimensions = array<i32: 0>} : vector<128x8xi32>
    %jit3A = arith.constant 16 : i32
    %div3A = vector.broadcast %jit3A : i32 to vector<128x8xi32>
    %div3A_12 = arith.divsi %iota3A, %div3A : vector<128x8xi32>
    %sign3A = arith.constant 0 : i32
    %sign3A_13 = vector.broadcast %sign3A : i32 to vector<128x8xi32>
    %sign3A_14 = arith.cmpi sgt, %iota3A, %sign3A_13 : vector<128x8xi32>
    %sign3A_15 = arith.extui %sign3A_14 : vector<128x8xi1> to vector<128x8xi32>
    %sign3A_16 = arith.constant 0 : i32
    %sign3A_17 = vector.broadcast %sign3A_16 : i32 to vector<128x8xi32>
    %sign3A_18 = arith.cmpi slt, %iota3A, %sign3A_17 : vector<128x8xi32>
    %sign3A_19 = arith.extui %sign3A_18 : vector<128x8xi1> to vector<128x8xi32>
    %sign3A_20 = arith.subi %sign3A_15, %sign3A_19 : vector<128x8xi32>
    %sign3A_21 = arith.constant 0 : i32
    %sign3A_22 = arith.cmpi sgt, %jit3A, %sign3A_21 : i32
    %sign3A_23 = arith.extui %sign3A_22 : i1 to i32
    %sign3A_24 = arith.constant 0 : i32
    %sign3A_25 = arith.cmpi slt, %jit3A, %sign3A_24 : i32
    %sign3A_26 = arith.extui %sign3A_25 : i1 to i32
    %sign3A_27 = arith.subi %sign3A_23, %sign3A_26 : i32
    %ne3A = vector.broadcast %sign3A_27 : i32 to vector<128x8xi32>
    %ne3A_28 = arith.cmpi ne, %sign3A_20, %ne3A : vector<128x8xi32>
    %rem3A = vector.broadcast %jit3A : i32 to vector<128x8xi32>
    %rem3A_29 = arith.remsi %iota3A, %rem3A : vector<128x8xi32>
    %ne3A_30 = arith.constant 0 : i32
    %ne3A_31 = vector.broadcast %ne3A_30 : i32 to vector<128x8xi32>
    %ne3A_32 = arith.cmpi ne, %rem3A_29, %ne3A_31 : vector<128x8xi32>
    %and3A = arith.andi %ne3A_28, %ne3A_32 : vector<128x8xi1>
    %sub3A = arith.constant 1 : i32
    %sub3A_33 = vector.broadcast %sub3A : i32 to vector<128x8xi32>
    %sub3A_34 = arith.subi %div3A_12, %sub3A_33 : vector<128x8xi32>
    %select_n3A = arith.select %and3A, %sub3A_34, %div3A_12 : vector<128x8xi1>, vector<128x8xi32>
    %iota3A_35 = tpu.iota {dimensions = array<i32: 1>} : vector<128x8xi32>
    %eq3A = arith.cmpi eq, %select_n3A, %iota3A_35 : vector<128x8xi32>
    %convert_element_type3A = arith.extui %eq3A : vector<128x8xi1> to vector<128x8xi32>
    %convert_element_type3A_36 = arith.sitofp %convert_element_type3A : vector<128x8xi32> to vector<128x8xf32>
    %iota3A_37 = tpu.iota {dimensions = array<i32: 0>} : vector<8x128xi32>
    %iota3A_38 = tpu.iota {dimensions = array<i32: 1>} : vector<8x128xi32>
    %jit3A_39 = arith.constant 16 : i32
    %div3A_40 = vector.broadcast %jit3A_39 : i32 to vector<8x128xi32>
    %div3A_41 = arith.divsi %iota3A_38, %div3A_40 : vector<8x128xi32>
    %sign3A_42 = arith.constant 0 : i32
    %sign3A_43 = vector.broadcast %sign3A_42 : i32 to vector<8x128xi32>
    %sign3A_44 = arith.cmpi sgt, %iota3A_38, %sign3A_43 : vector<8x128xi32>
    %sign3A_45 = arith.extui %sign3A_44 : vector<8x128xi1> to vector<8x128xi32>
    %sign3A_46 = arith.constant 0 : i32
    %sign3A_47 = vector.broadcast %sign3A_46 : i32 to vector<8x128xi32>
    %sign3A_48 = arith.cmpi slt, %iota3A_38, %sign3A_47 : vector<8x128xi32>
    %sign3A_49 = arith.extui %sign3A_48 : vector<8x128xi1> to vector<8x128xi32>
    %sign3A_50 = arith.subi %sign3A_45, %sign3A_49 : vector<8x128xi32>
    %sign3A_51 = arith.constant 0 : i32
    %sign3A_52 = arith.cmpi sgt, %jit3A_39, %sign3A_51 : i32
    %sign3A_53 = arith.extui %sign3A_52 : i1 to i32
    %sign3A_54 = arith.constant 0 : i32
    %sign3A_55 = arith.cmpi slt, %jit3A_39, %sign3A_54 : i32
    %sign3A_56 = arith.extui %sign3A_55 : i1 to i32
    %sign3A_57 = arith.subi %sign3A_53, %sign3A_56 : i32
    %ne3A_58 = vector.broadcast %sign3A_57 : i32 to vector<8x128xi32>
    %ne3A_59 = arith.cmpi ne, %sign3A_50, %ne3A_58 : vector<8x128xi32>
    %rem3A_60 = vector.broadcast %jit3A_39 : i32 to vector<8x128xi32>
    %rem3A_61 = arith.remsi %iota3A_38, %rem3A_60 : vector<8x128xi32>
    %ne3A_62 = arith.constant 0 : i32
    %ne3A_63 = vector.broadcast %ne3A_62 : i32 to vector<8x128xi32>
    %ne3A_64 = arith.cmpi ne, %rem3A_61, %ne3A_63 : vector<8x128xi32>
    %and3A_65 = arith.andi %ne3A_59, %ne3A_64 : vector<8x128xi1>
    %sub3A_66 = arith.constant 1 : i32
    %sub3A_67 = vector.broadcast %sub3A_66 : i32 to vector<8x128xi32>
    %sub3A_68 = arith.subi %div3A_41, %sub3A_67 : vector<8x128xi32>
    %select_n3A_69 = arith.select %and3A_65, %sub3A_68, %div3A_41 : vector<8x128xi1>, vector<8x128xi32>
    %eq3A_70 = arith.cmpi eq, %iota3A_37, %select_n3A_69 : vector<8x128xi32>
    %convert_element_type3A_71 = arith.extui %eq3A_70 : vector<8x128xi1> to vector<8x128xi32>
    %convert_element_type3A_72 = arith.sitofp %convert_element_type3A_71 : vector<8x128xi32> to vector<8x128xf32>
    %dot_general3A_73 = arith.constant dense<0.000000e+00> : vector<400x8xf32>
    %dot_general3A_74 = tpu.matmul %dot_general3A_5, %convert_element_type3A_36, %dot_general3A_73 {dimension_numbers = #tpu.dot_dimension_numbers<[1], [0], [0], [1], [0, 0, 1, 1], [], []>, transpose_lhs_hint = false} : vector<400x128xf32>, vector<128x8xf32>, vector<400x8xf32> -> vector<400x8xf32>
    %mul3A = arith.constant 6.250000e-02 : f32
    %mul3A_75 = vector.broadcast %mul3A : f32 to vector<400x8xf32>
    %mul3A_76 = arith.mulf %dot_general3A_74, %mul3A_75 : vector<400x8xf32>
    %mul3A_77 = arith.mulf %dot_general3A_5, %dot_general3A_5 : vector<400x128xf32>
    %dot_general3A_78 = arith.constant dense<0.000000e+00> : vector<400x8xf32>
    %dot_general3A_79 = tpu.matmul %mul3A_77, %convert_element_type3A_36, %dot_general3A_78 {dimension_numbers = #tpu.dot_dimension_numbers<[1], [0], [0], [1], [0, 0, 1, 1], [], []>, transpose_lhs_hint = false} : vector<400x128xf32>, vector<128x8xf32>, vector<400x8xf32> -> vector<400x8xf32>
    %mul3A_80 = arith.constant 6.250000e-02 : f32
    %mul3A_81 = vector.broadcast %mul3A_80 : f32 to vector<400x8xf32>
    %mul3A_82 = arith.mulf %dot_general3A_79, %mul3A_81 : vector<400x8xf32>
    %mul3A_83 = arith.mulf %mul3A_76, %mul3A_76 : vector<400x8xf32>
    %sub3A_84 = arith.subf %mul3A_82, %mul3A_83 : vector<400x8xf32>
    %add3A = arith.constant 9.99999974E-6 : f32
    %add3A_85 = vector.broadcast %add3A : f32 to vector<400x8xf32>
    %add3A_86 = arith.addf %sub3A_84, %add3A_85 : vector<400x8xf32>
    %rsqrt3A = math.rsqrt %add3A_86 : vector<400x8xf32>
    %dot_general3A_87 = arith.constant dense<0.000000e+00> : vector<400x128xf32>
    %dot_general3A_88 = tpu.matmul %mul3A_76, %convert_element_type3A_72, %dot_general3A_87 {dimension_numbers = #tpu.dot_dimension_numbers<[1], [0], [0], [1], [0, 0, 1, 1], [], []>, transpose_lhs_hint = false} : vector<400x8xf32>, vector<8x128xf32>, vector<400x128xf32> -> vector<400x128xf32>
    %dot_general3A_89 = arith.constant dense<0.000000e+00> : vector<400x128xf32>
    %dot_general3A_90 = tpu.matmul %rsqrt3A, %convert_element_type3A_72, %dot_general3A_89 {dimension_numbers = #tpu.dot_dimension_numbers<[1], [0], [0], [1], [0, 0, 1, 1], [], []>, transpose_lhs_hint = false} : vector<400x8xf32>, vector<8x128xf32>, vector<400x128xf32> -> vector<400x128xf32>
    %sub3A_91 = arith.subf %dot_general3A_5, %dot_general3A_88 : vector<400x128xf32>
    %mul3A_92 = arith.mulf %sub3A_91, %dot_general3A_90 : vector<400x128xf32>
    %mul3A_93 = vector.broadcast %get3A_8 : vector<1x128xf32> to vector<400x128xf32>
    %mul3A_94 = arith.mulf %mul3A_92, %mul3A_93 : vector<400x128xf32>
    %add3A_95 = vector.broadcast %get3A_11 : vector<1x128xf32> to vector<400x128xf32>
    %add3A_96 = arith.addf %mul3A_94, %add3A_95 : vector<400x128xf32>
    %ge3A = arith.constant 0.000000e+00 : f32
    %ge3A_97 = vector.broadcast %ge3A : f32 to vector<400x128xf32>
    %ge3A_98 = arith.cmpf oge, %add3A_96, %ge3A_97 : vector<400x128xf32>
    %mul3A_99 = arith.constant 0.00999999977 : f32
    %mul3A_100 = vector.broadcast %mul3A_99 : f32 to vector<400x128xf32>
    %mul3A_101 = arith.mulf %mul3A_100, %add3A_96 : vector<400x128xf32>
    %select_n3A_102 = arith.select %ge3A_98, %add3A_96, %mul3A_101 : vector<400x128xi1>, vector<400x128xf32>
    %get3A_103 = arith.constant 0 : index
    %get3A_104 = arith.constant 0 : index
    %get3A_105 = arith.constant 0 : index
    %get3A_106 = vector.load %arg5[%get3A_103, %get3A_104, %get3A_105] : memref<27x128x128xf32, #tpu.memory_space<vmem>>, vector<1x128x128xf32>
    %get3A_107 = vector.shape_cast %get3A_106 : vector<1x128x128xf32> to vector<128x128xf32>
    %dot_general3A_108 = arith.constant dense<0.000000e+00> : vector<400x128xf32>
    %dot_general3A_109 = tpu.matmul %select_n3A_102, %get3A_107, %dot_general3A_108 {dimension_numbers = #tpu.dot_dimension_numbers<[1], [0], [0], [1], [0, 0, 1, 1], [], []>, transpose_lhs_hint = false} : vector<400x128xf32>, vector<128x128xf32>, vector<400x128xf32> -> vector<400x128xf32>
    %swap3A = arith.constant 0 : index
    %swap3A_110 = arith.constant 0 : index
    %swap3A_111 = arith.constant 0 : index
    %swap3A_112 = vector.load %arg6[%swap3A, %swap3A_110, %swap3A_111] : memref<27x400x128xf32, #tpu.memory_space<vmem>>, vector<1x400x128xf32>
    %swap3A_113 = vector.shape_cast %swap3A_112 : vector<1x400x128xf32> to vector<400x128xf32>
    %swap3A_114 = vector.shape_cast %dot_general3A_109 : vector<400x128xf32> to vector<1x400x128xf32>
    tpu.vector_store %arg6[%swap3A, %swap3A_110, %swap3A_111], %swap3A_114 {strides = array<i32>} : memref<27x400x128xf32, #tpu.memory_space<vmem>>, vector<1x400x128xf32>,
    %get3A_115 = arith.constant 1 : index
    %get3A_116 = arith.constant 0 : index
    %get3A_117 = arith.constant 0 : index
    %get3A_118 = vector.load %arg5[%get3A_115, %get3A_116, %get3A_117] : memref<27x128x128xf32, #tpu.memory_space<vmem>>, vector<1x128x128xf32>
    %get3A_119 = vector.shape_cast %get3A_118 : vector<1x128x128xf32> to vector<128x128xf32>
    %dot_general3A_120 = arith.constant dense<0.000000e+00> : vector<400x128xf32>
    %dot_general3A_121 = tpu.matmul %select_n3A_102, %get3A_119, %dot_general3A_120 {dimension_numbers = #tpu.dot_dimension_numbers<[1], [0], [0], [1], [0, 0, 1, 1], [], []>, transpose_lhs_hint = false} : vector<400x128xf32>, vector<128x128xf32>, vector<400x128xf32> -> vector<400x128xf32>
    %swap3A_122 = arith.constant 1 : index
    %swap3A_123 = arith.constant 0 : index
    %swap3A_124 = arith.constant 0 : index
    %swap3A_125 = vector.load %arg6[%swap3A_122, %swap3A_123, %swap3A_124] : memref<27x400x128xf32, #tpu.memory_space<vmem>>, vector<1x400x128xf32>
    %swap3A_126 = vector.shape_cast %swap3A_125 : vector<1x400x128xf32> to vector<400x128xf32>
    %swap3A_127 = vector.shape_cast %dot_general3A_121 : vector<400x128xf32> to vector<1x400x128xf32>
    tpu.vector_store %arg6[%swap3A_122, %swap3A_123, %swap3A_124], %swap3A_127 {strides = array<i32>} : memref<27x400x128xf32, #tpu.memory_space<vmem>>, vector<1x400x128xf32>,
    %get3A_128 = arith.constant 2 : index
    %get3A_129 = arith.constant 0 : index
    %get3A_130 = arith.constant 0 : index
    %get3A_131 = vector.load %arg5[%get3A_128, %get3A_129, %get3A_130] : memref<27x128x128xf32, #tpu.memory_space<vmem>>, vector<1x128x128xf32>
    %get3A_132 = vector.shape_cast %get3A_131 : vector<1x128x128xf32> to vector<128x128xf32>
    %dot_general3A_133 = arith.constant dense<0.000000e+00> : vector<400x128xf32>
    %dot_general3A_134 = tpu.matmul %select_n3A_102, %get3A_132, %dot_general3A_133 {dimension_numbers = #tpu.dot_dimension_numbers<[1], [0], [0], [1], [0, 0, 1, 1], [], []>, transpose_lhs_hint = false} : vector<400x128xf32>, vector<128x128xf32>, vector<400x128xf32> -> vector<400x128xf32>
    %swap3A_135 = arith.constant 2 : index
    %swap3A_136 = arith.constant 0 : index
    %swap3A_137 = arith.constant 0 : index
    %swap3A_138 = vector.load %arg6[%swap3A_135, %swap3A_136, %swap3A_137] : memref<27x400x128xf32, #tpu.memory_space<vmem>>, vector<1x400x128xf32>
    %swap3A_139 = vector.shape_cast %swap3A_138 : vector<1x400x128xf32> to vector<400x128xf32>
    %swap3A_140 = vector.shape_cast %dot_general3A_134 : vector<400x128xf32> to vector<1x400x128xf32>
    tpu.vector_store %arg6[%swap3A_135, %swap3A_136, %swap3A_137], %swap3A_140 {strides = array<i32>} : memref<27x400x128xf32, #tpu.memory_space<vmem>>, vector<1x400x128xf32>,
    %get3A_141 = arith.constant 3 : index
    %get3A_142 = arith.constant 0 : index
    %get3A_143 = arith.constant 0 : index
    %get3A_144 = vector.load %arg5[%get3A_141, %get3A_142, %get3A_143] : memref<27x128x128xf32, #tpu.memory_space<vmem>>, vector<1x128x128xf32>
    %get3A_145 = vector.shape_cast %get3A_144 : vector<1x128x128xf32> to vector<128x128xf32>
    %dot_general3A_146 = arith.constant dense<0.000000e+00> : vector<400x128xf32>
    %dot_general3A_147 = tpu.matmul %select_n3A_102, %get3A_145, %dot_general3A_146 {dimension_numbers = #tpu.dot_dimension_numbers<[1], [0], [0], [1], [0, 0, 1, 1], [], []>, transpose_lhs_hint = false} : vector<400x128xf32>, vector<128x128xf32>, vector<400x128xf32> -> vector<400x128xf32>
    %swap3A_148 = arith.constant 3 : index
    %swap3A_149 = arith.constant 0 : index
    %swap3A_150 = arith.constant 0 : index
    %swap3A_151 = vector.load %arg6[%swap3A_148, %swap3A_149, %swap3A_150] : memref<27x400x128xf32, #tpu.memory_space<vmem>>, vector<1x400x128xf32>
    %swap3A_152 = vector.shape_cast %swap3A_151 : vector<1x400x128xf32> to vector<400x128xf32>
    %swap3A_153 = vector.shape_cast %dot_general3A_147 : vector<400x128xf32> to vector<1x400x128xf32>
    tpu.vector_store %arg6[%swap3A_148, %swap3A_149, %swap3A_150], %swap3A_153 {strides = array<i32>} : memref<27x400x128xf32, #tpu.memory_space<vmem>>, vector<1x400x128xf32>,
    %get3A_154 = arith.constant 4 : index
    %get3A_155 = arith.constant 0 : index
    %get3A_156 = arith.constant 0 : index
    %get3A_157 = vector.load %arg5[%get3A_154, %get3A_155, %get3A_156] : memref<27x128x128xf32, #tpu.memory_space<vmem>>, vector<1x128x128xf32>
    %get3A_158 = vector.shape_cast %get3A_157 : vector<1x128x128xf32> to vector<128x128xf32>
    %dot_general3A_159 = arith.constant dense<0.000000e+00> : vector<400x128xf32>
    %dot_general3A_160 = tpu.matmul %select_n3A_102, %get3A_158, %dot_general3A_159 {dimension_numbers = #tpu.dot_dimension_numbers<[1], [0], [0], [1], [0, 0, 1, 1], [], []>, transpose_lhs_hint = false} : vector<400x128xf32>, vector<128x128xf32>, vector<400x128xf32> -> vector<400x128xf32>
    %swap3A_161 = arith.constant 4 : index
    %swap3A_162 = arith.constant 0 : index
    %swap3A_163 = arith.constant 0 : index
    %swap3A_164 = vector.load %arg6[%swap3A_161, %swap3A_162, %swap3A_163] : memref<27x400x128xf32, #tpu.memory_space<vmem>>, vector<1x400x128xf32>
    %swap3A_165 = vector.shape_cast %swap3A_164 : vector<1x400x128xf32> to vector<400x128xf32>
    %swap3A_166 = vector.shape_cast %dot_general3A_160 : vector<400x128xf32> to vector<1x400x128xf32>
    tpu.vector_store %arg6[%swap3A_161, %swap3A_162, %swap3A_163], %swap3A_166 {strides = array<i32>} : memref<27x400x128xf32, #tpu.memory_space<vmem>>, vector<1x400x128xf32>,
    %get3A_167 = arith.constant 5 : index
    %get3A_168 = arith.constant 0 : index
    %get3A_169 = arith.constant 0 : index
    %get3A_170 = vector.load %arg5[%get3A_167, %get3A_168, %get3A_169] : memref<27x128x128xf32, #tpu.memory_space<vmem>>, vector<1x128x128xf32>
    %get3A_171 = vector.shape_cast %get3A_170 : vector<1x128x128xf32> to vector<128x128xf32>
    %dot_general3A_172 = arith.constant dense<0.000000e+00> : vector<400x128xf32>
    %dot_general3A_173 = tpu.matmul %select_n3A_102, %get3A_171, %dot_general3A_172 {dimension_numbers = #tpu.dot_dimension_numbers<[1], [0], [0], [1], [0, 0, 1, 1], [], []>, transpose_lhs_hint = false} : vector<400x128xf32>, vector<128x128xf32>, vector<400x128xf32> -> vector<400x128xf32>
    %swap3A_174 = arith.constant 5 : index
    %swap3A_175 = arith.constant 0 : index
    %swap3A_176 = arith.constant 0 : index
    %swap3A_177 = vector.load %arg6[%swap3A_174, %swap3A_175, %swap3A_176] : memref<27x400x128xf32, #tpu.memory_space<vmem>>, vector<1x400x128xf32>
    %swap3A_178 = vector.shape_cast %swap3A_177 : vector<1x400x128xf32> to vector<400x128xf32>
    %swap3A_179 = vector.shape_cast %dot_general3A_173 : vector<400x128xf32> to vector<1x400x128xf32>
    tpu.vector_store %arg6[%swap3A_174, %swap3A_175, %swap3A_176], %swap3A_179 {strides = array<i32>} : memref<27x400x128xf32, #tpu.memory_space<vmem>>, vector<1x400x128xf32>,
    %get3A_180 = arith.constant 6 : index
    %get3A_181 = arith.constant 0 : index
    %get3A_182 = arith.constant 0 : index
    %get3A_183 = vector.load %arg5[%get3A_180, %get3A_181, %get3A_182] : memref<27x128x128xf32, #tpu.memory_space<vmem>>, vector<1x128x128xf32>
    %get3A_184 = vector.shape_cast %get3A_183 : vector<1x128x128xf32> to vector<128x128xf32>
    %dot_general3A_185 = arith.constant dense<0.000000e+00> : vector<400x128xf32>
    %dot_general3A_186 = tpu.matmul %select_n3A_102, %get3A_184, %dot_general3A_185 {dimension_numbers = #tpu.dot_dimension_numbers<[1], [0], [0], [1], [0, 0, 1, 1], [], []>, transpose_lhs_hint = false} : vector<400x128xf32>, vector<128x128xf32>, vector<400x128xf32> -> vector<400x128xf32>
    %swap3A_187 = arith.constant 6 : index
    %swap3A_188 = arith.constant 0 : index
    %swap3A_189 = arith.constant 0 : index
    %swap3A_190 = vector.load %arg6[%swap3A_187, %swap3A_188, %swap3A_189] : memref<27x400x128xf32, #tpu.memory_space<vmem>>, vector<1x400x128xf32>
    %swap3A_191 = vector.shape_cast %swap3A_190 : vector<1x400x128xf32> to vector<400x128xf32>
    %swap3A_192 = vector.shape_cast %dot_general3A_186 : vector<400x128xf32> to vector<1x400x128xf32>
    tpu.vector_store %arg6[%swap3A_187, %swap3A_188, %swap3A_189], %swap3A_192 {strides = array<i32>} : memref<27x400x128xf32, #tpu.memory_space<vmem>>, vector<1x400x128xf32>,
    %get3A_193 = arith.constant 7 : index
    %get3A_194 = arith.constant 0 : index
    %get3A_195 = arith.constant 0 : index
    %get3A_196 = vector.load %arg5[%get3A_193, %get3A_194, %get3A_195] : memref<27x128x128xf32, #tpu.memory_space<vmem>>, vector<1x128x128xf32>
    %get3A_197 = vector.shape_cast %get3A_196 : vector<1x128x128xf32> to vector<128x128xf32>
    %dot_general3A_198 = arith.constant dense<0.000000e+00> : vector<400x128xf32>
    %dot_general3A_199 = tpu.matmul %select_n3A_102, %get3A_197, %dot_general3A_198 {dimension_numbers = #tpu.dot_dimension_numbers<[1], [0], [0], [1], [0, 0, 1, 1], [], []>, transpose_lhs_hint = false} : vector<400x128xf32>, vector<128x128xf32>, vector<400x128xf32> -> vector<400x128xf32>
    %swap3A_200 = arith.constant 7 : index
    %swap3A_201 = arith.constant 0 : index
    %swap3A_202 = arith.constant 0 : index
    %swap3A_203 = vector.load %arg6[%swap3A_200, %swap3A_201, %swap3A_202] : memref<27x400x128xf32, #tpu.memory_space<vmem>>, vector<1x400x128xf32>
    %swap3A_204 = vector.shape_cast %swap3A_203 : vector<1x400x128xf32> to vector<400x128xf32>
    %swap3A_205 = vector.shape_cast %dot_general3A_199 : vector<400x128xf32> to vector<1x400x128xf32>
    tpu.vector_store %arg6[%swap3A_200, %swap3A_201, %swap3A_202], %swap3A_205 {strides = array<i32>} : memref<27x400x128xf32, #tpu.memory_space<vmem>>, vector<1x400x128xf32>,
    %get3A_206 = arith.constant 8 : index
    %get3A_207 = arith.constant 0 : index
    %get3A_208 = arith.constant 0 : index
    %get3A_209 = vector.load %arg5[%get3A_206, %get3A_207, %get3A_208] : memref<27x128x128xf32, #tpu.memory_space<vmem>>, vector<1x128x128xf32>
    %get3A_210 = vector.shape_cast %get3A_209 : vector<1x128x128xf32> to vector<128x128xf32>
    %dot_general3A_211 = arith.constant dense<0.000000e+00> : vector<400x128xf32>
    %dot_general3A_212 = tpu.matmul %select_n3A_102, %get3A_210, %dot_general3A_211 {dimension_numbers = #tpu.dot_dimension_numbers<[1], [0], [0], [1], [0, 0, 1, 1], [], []>, transpose_lhs_hint = false} : vector<400x128xf32>, vector<128x128xf32>, vector<400x128xf32> -> vector<400x128xf32>
    %swap3A_213 = arith.constant 8 : index
    %swap3A_214 = arith.constant 0 : index
    %swap3A_215 = arith.constant 0 : index
    %swap3A_216 = vector.load %arg6[%swap3A_213, %swap3A_214, %swap3A_215] : memref<27x400x128xf32, #tpu.memory_space<vmem>>, vector<1x400x128xf32>
    %swap3A_217 = vector.shape_cast %swap3A_216 : vector<1x400x128xf32> to vector<400x128xf32>
    %swap3A_218 = vector.shape_cast %dot_general3A_212 : vector<400x128xf32> to vector<1x400x128xf32>
    tpu.vector_store %arg6[%swap3A_213, %swap3A_214, %swap3A_215], %swap3A_218 {strides = array<i32>} : memref<27x400x128xf32, #tpu.memory_space<vmem>>, vector<1x400x128xf32>,
    %get3A_219 = arith.constant 9 : index
    %get3A_220 = arith.constant 0 : index
    %get3A_221 = arith.constant 0 : index
    %get3A_222 = vector.load %arg5[%get3A_219, %get3A_220, %get3A_221] : memref<27x128x128xf32, #tpu.memory_space<vmem>>, vector<1x128x128xf32>
    %get3A_223 = vector.shape_cast %get3A_222 : vector<1x128x128xf32> to vector<128x128xf32>
    %dot_general3A_224 = arith.constant dense<0.000000e+00> : vector<400x128xf32>
    %dot_general3A_225 = tpu.matmul %select_n3A_102, %get3A_223, %dot_general3A_224 {dimension_numbers = #tpu.dot_dimension_numbers<[1], [0], [0], [1], [0, 0, 1, 1], [], []>, transpose_lhs_hint = false} : vector<400x128xf32>, vector<128x128xf32>, vector<400x128xf32> -> vector<400x128xf32>
    %swap3A_226 = arith.constant 9 : index
    %swap3A_227 = arith.constant 0 : index
    %swap3A_228 = arith.constant 0 : index
    %swap3A_229 = vector.load %arg6[%swap3A_226, %swap3A_227, %swap3A_228] : memref<27x400x128xf32, #tpu.memory_space<vmem>>, vector<1x400x128xf32>
    %swap3A_230 = vector.shape_cast %swap3A_229 : vector<1x400x128xf32> to vector<400x128xf32>
    %swap3A_231 = vector.shape_cast %dot_general3A_225 : vector<400x128xf32> to vector<1x400x128xf32>
    tpu.vector_store %arg6[%swap3A_226, %swap3A_227, %swap3A_228], %swap3A_231 {strides = array<i32>} : memref<27x400x128xf32, #tpu.memory_space<vmem>>, vector<1x400x128xf32>,
    %get3A_232 = arith.constant 10 : index
    %get3A_233 = arith.constant 0 : index
    %get3A_234 = arith.constant 0 : index
    %get3A_235 = vector.load %arg5[%get3A_232, %get3A_233, %get3A_234] : memref<27x128x128xf32, #tpu.memory_space<vmem>>, vector<1x128x128xf32>
    %get3A_236 = vector.shape_cast %get3A_235 : vector<1x128x128xf32> to vector<128x128xf32>
    %dot_general3A_237 = arith.constant dense<0.000000e+00> : vector<400x128xf32>
    %dot_general3A_238 = tpu.matmul %select_n3A_102, %get3A_236, %dot_general3A_237 {dimension_numbers = #tpu.dot_dimension_numbers<[1], [0], [0], [1], [0, 0, 1, 1], [], []>, transpose_lhs_hint = false} : vector<400x128xf32>, vector<128x128xf32>, vector<400x128xf32> -> vector<400x128xf32>
    %swap3A_239 = arith.constant 10 : index
    %swap3A_240 = arith.constant 0 : index
    %swap3A_241 = arith.constant 0 : index
    %swap3A_242 = vector.load %arg6[%swap3A_239, %swap3A_240, %swap3A_241] : memref<27x400x128xf32, #tpu.memory_space<vmem>>, vector<1x400x128xf32>
    %swap3A_243 = vector.shape_cast %swap3A_242 : vector<1x400x128xf32> to vector<400x128xf32>
    %swap3A_244 = vector.shape_cast %dot_general3A_238 : vector<400x128xf32> to vector<1x400x128xf32>
    tpu.vector_store %arg6[%swap3A_239, %swap3A_240, %swap3A_241], %swap3A_244 {strides = array<i32>} : memref<27x400x128xf32, #tpu.memory_space<vmem>>, vector<1x400x128xf32>,
    %get3A_245 = arith.constant 11 : index
    %get3A_246 = arith.constant 0 : index
    %get3A_247 = arith.constant 0 : index
    %get3A_248 = vector.load %arg5[%get3A_245, %get3A_246, %get3A_247] : memref<27x128x128xf32, #tpu.memory_space<vmem>>, vector<1x128x128xf32>
    %get3A_249 = vector.shape_cast %get3A_248 : vector<1x128x128xf32> to vector<128x128xf32>
    %dot_general3A_250 = arith.constant dense<0.000000e+00> : vector<400x128xf32>
    %dot_general3A_251 = tpu.matmul %select_n3A_102, %get3A_249, %dot_general3A_250 {dimension_numbers = #tpu.dot_dimension_numbers<[1], [0], [0], [1], [0, 0, 1, 1], [], []>, transpose_lhs_hint = false} : vector<400x128xf32>, vector<128x128xf32>, vector<400x128xf32> -> vector<400x128xf32>
    %swap3A_252 = arith.constant 11 : index
    %swap3A_253 = arith.constant 0 : index
    %swap3A_254 = arith.constant 0 : index
    %swap3A_255 = vector.load %arg6[%swap3A_252, %swap3A_253, %swap3A_254] : memref<27x400x128xf32, #tpu.memory_space<vmem>>, vector<1x400x128xf32>
    %swap3A_256 = vector.shape_cast %swap3A_255 : vector<1x400x128xf32> to vector<400x128xf32>
    %swap3A_257 = vector.shape_cast %dot_general3A_251 : vector<400x128xf32> to vector<1x400x128xf32>
    tpu.vector_store %arg6[%swap3A_252, %swap3A_253, %swap3A_254], %swap3A_257 {strides = array<i32>} : memref<27x400x128xf32, #tpu.memory_space<vmem>>, vector<1x400x128xf32>,
    %get3A_258 = arith.constant 12 : index
    %get3A_259 = arith.constant 0 : index
    %get3A_260 = arith.constant 0 : index
    %get3A_261 = vector.load %arg5[%get3A_258, %get3A_259, %get3A_260] : memref<27x128x128xf32, #tpu.memory_space<vmem>>, vector<1x128x128xf32>
    %get3A_262 = vector.shape_cast %get3A_261 : vector<1x128x128xf32> to vector<128x128xf32>
    %dot_general3A_263 = arith.constant dense<0.000000e+00> : vector<400x128xf32>
    %dot_general3A_264 = tpu.matmul %select_n3A_102, %get3A_262, %dot_general3A_263 {dimension_numbers = #tpu.dot_dimension_numbers<[1], [0], [0], [1], [0, 0, 1, 1], [], []>, transpose_lhs_hint = false} : vector<400x128xf32>, vector<128x128xf32>, vector<400x128xf32> -> vector<400x128xf32>
    %swap3A_265 = arith.constant 12 : index
    %swap3A_266 = arith.constant 0 : index
    %swap3A_267 = arith.constant 0 : index
    %swap3A_268 = vector.load %arg6[%swap3A_265, %swap3A_266, %swap3A_267] : memref<27x400x128xf32, #tpu.memory_space<vmem>>, vector<1x400x128xf32>
    %swap3A_269 = vector.shape_cast %swap3A_268 : vector<1x400x128xf32> to vector<400x128xf32>
    %swap3A_270 = vector.shape_cast %dot_general3A_264 : vector<400x128xf32> to vector<1x400x128xf32>
    tpu.vector_store %arg6[%swap3A_265, %swap3A_266, %swap3A_267], %swap3A_270 {strides = array<i32>} : memref<27x400x128xf32, #tpu.memory_space<vmem>>, vector<1x400x128xf32>,
    %get3A_271 = arith.constant 13 : index
    %get3A_272 = arith.constant 0 : index
    %get3A_273 = arith.constant 0 : index
    %get3A_274 = vector.load %arg5[%get3A_271, %get3A_272, %get3A_273] : memref<27x128x128xf32, #tpu.memory_space<vmem>>, vector<1x128x128xf32>
    %get3A_275 = vector.shape_cast %get3A_274 : vector<1x128x128xf32> to vector<128x128xf32>
    %dot_general3A_276 = arith.constant dense<0.000000e+00> : vector<400x128xf32>
    %dot_general3A_277 = tpu.matmul %select_n3A_102, %get3A_275, %dot_general3A_276 {dimension_numbers = #tpu.dot_dimension_numbers<[1], [0], [0], [1], [0, 0, 1, 1], [], []>, transpose_lhs_hint = false} : vector<400x128xf32>, vector<128x128xf32>, vector<400x128xf32> -> vector<400x128xf32>
    %swap3A_278 = arith.constant 13 : index
    %swap3A_279 = arith.constant 0 : index
    %swap3A_280 = arith.constant 0 : index
    %swap3A_281 = vector.load %arg6[%swap3A_278, %swap3A_279, %swap3A_280] : memref<27x400x128xf32, #tpu.memory_space<vmem>>, vector<1x400x128xf32>
    %swap3A_282 = vector.shape_cast %swap3A_281 : vector<1x400x128xf32> to vector<400x128xf32>
    %swap3A_283 = vector.shape_cast %dot_general3A_277 : vector<400x128xf32> to vector<1x400x128xf32>
    tpu.vector_store %arg6[%swap3A_278, %swap3A_279, %swap3A_280], %swap3A_283 {strides = array<i32>} : memref<27x400x128xf32, #tpu.memory_space<vmem>>, vector<1x400x128xf32>,
    %get3A_284 = arith.constant 14 : index
    %get3A_285 = arith.constant 0 : index
    %get3A_286 = arith.constant 0 : index
    %get3A_287 = vector.load %arg5[%get3A_284, %get3A_285, %get3A_286] : memref<27x128x128xf32, #tpu.memory_space<vmem>>, vector<1x128x128xf32>
    %get3A_288 = vector.shape_cast %get3A_287 : vector<1x128x128xf32> to vector<128x128xf32>
    %dot_general3A_289 = arith.constant dense<0.000000e+00> : vector<400x128xf32>
    %dot_general3A_290 = tpu.matmul %select_n3A_102, %get3A_288, %dot_general3A_289 {dimension_numbers = #tpu.dot_dimension_numbers<[1], [0], [0], [1], [0, 0, 1, 1], [], []>, transpose_lhs_hint = false} : vector<400x128xf32>, vector<128x128xf32>, vector<400x128xf32> -> vector<400x128xf32>
    %swap3A_291 = arith.constant 14 : index
    %swap3A_292 = arith.constant 0 : index
    %swap3A_293 = arith.constant 0 : index
    %swap3A_294 = vector.load %arg6[%swap3A_291, %swap3A_292, %swap3A_293] : memref<27x400x128xf32, #tpu.memory_space<vmem>>, vector<1x400x128xf32>
    %swap3A_295 = vector.shape_cast %swap3A_294 : vector<1x400x128xf32> to vector<400x128xf32>
    %swap3A_296 = vector.shape_cast %dot_general3A_290 : vector<400x128xf32> to vector<1x400x128xf32>
    tpu.vector_store %arg6[%swap3A_291, %swap3A_292, %swap3A_293], %swap3A_296 {strides = array<i32>} : memref<27x400x128xf32, #tpu.memory_space<vmem>>, vector<1x400x128xf32>,
    %get3A_297 = arith.constant 15 : index
    %get3A_298 = arith.constant 0 : index
    %get3A_299 = arith.constant 0 : index
    %get3A_300 = vector.load %arg5[%get3A_297, %get3A_298, %get3A_299] : memref<27x128x128xf32, #tpu.memory_space<vmem>>, vector<1x128x128xf32>
    %get3A_301 = vector.shape_cast %get3A_300 : vector<1x128x128xf32> to vector<128x128xf32>
    %dot_general3A_302 = arith.constant dense<0.000000e+00> : vector<400x128xf32>
    %dot_general3A_303 = tpu.matmul %select_n3A_102, %get3A_301, %dot_general3A_302 {dimension_numbers = #tpu.dot_dimension_numbers<[1], [0], [0], [1], [0, 0, 1, 1], [], []>, transpose_lhs_hint = false} : vector<400x128xf32>, vector<128x128xf32>, vector<400x128xf32> -> vector<400x128xf32>
    %swap3A_304 = arith.constant 15 : index
    %swap3A_305 = arith.constant 0 : index
    %swap3A_306 = arith.constant 0 : index
    %swap3A_307 = vector.load %arg6[%swap3A_304, %swap3A_305, %swap3A_306] : memref<27x400x128xf32, #tpu.memory_space<vmem>>, vector<1x400x128xf32>
    %swap3A_308 = vector.shape_cast %swap3A_307 : vector<1x400x128xf32> to vector<400x128xf32>
    %swap3A_309 = vector.shape_cast %dot_general3A_303 : vector<400x128xf32> to vector<1x400x128xf32>
    tpu.vector_store %arg6[%swap3A_304, %swap3A_305, %swap3A_306], %swap3A_309 {strides = array<i32>} : memref<27x400x128xf32, #tpu.memory_space<vmem>>, vector<1x400x128xf32>,
    %get3A_310 = arith.constant 16 : index
    %get3A_311 = arith.constant 0 : index
    %get3A_312 = arith.constant 0 : index
    %get3A_313 = vector.load %arg5[%get3A_310, %get3A_311, %get3A_312] : memref<27x128x128xf32, #tpu.memory_space<vmem>>, vector<1x128x128xf32>
    %get3A_314 = vector.shape_cast %get3A_313 : vector<1x128x128xf32> to vector<128x128xf32>
    %dot_general3A_315 = arith.constant dense<0.000000e+00> : vector<400x128xf32>
    %dot_general3A_316 = tpu.matmul %select_n3A_102, %get3A_314, %dot_general3A_315 {dimension_numbers = #tpu.dot_dimension_numbers<[1], [0], [0], [1], [0, 0, 1, 1], [], []>, transpose_lhs_hint = false} : vector<400x128xf32>, vector<128x128xf32>, vector<400x128xf32> -> vector<400x128xf32>
    %swap3A_317 = arith.constant 16 : index
    %swap3A_318 = arith.constant 0 : index
    %swap3A_319 = arith.constant 0 : index
    %swap3A_320 = vector.load %arg6[%swap3A_317, %swap3A_318, %swap3A_319] : memref<27x400x128xf32, #tpu.memory_space<vmem>>, vector<1x400x128xf32>
    %swap3A_321 = vector.shape_cast %swap3A_320 : vector<1x400x128xf32> to vector<400x128xf32>
    %swap3A_322 = vector.shape_cast %dot_general3A_316 : vector<400x128xf32> to vector<1x400x128xf32>
    tpu.vector_store %arg6[%swap3A_317, %swap3A_318, %swap3A_319], %swap3A_322 {strides = array<i32>} : memref<27x400x128xf32, #tpu.memory_space<vmem>>, vector<1x400x128xf32>,
    %get3A_323 = arith.constant 17 : index
    %get3A_324 = arith.constant 0 : index
    %get3A_325 = arith.constant 0 : index
    %get3A_326 = vector.load %arg5[%get3A_323, %get3A_324, %get3A_325] : memref<27x128x128xf32, #tpu.memory_space<vmem>>, vector<1x128x128xf32>
    %get3A_327 = vector.shape_cast %get3A_326 : vector<1x128x128xf32> to vector<128x128xf32>
    %dot_general3A_328 = arith.constant dense<0.000000e+00> : vector<400x128xf32>
    %dot_general3A_329 = tpu.matmul %select_n3A_102, %get3A_327, %dot_general3A_328 {dimension_numbers = #tpu.dot_dimension_numbers<[1], [0], [0], [1], [0, 0, 1, 1], [], []>, transpose_lhs_hint = false} : vector<400x128xf32>, vector<128x128xf32>, vector<400x128xf32> -> vector<400x128xf32>
    %swap3A_330 = arith.constant 17 : index
    %swap3A_331 = arith.constant 0 : index
    %swap3A_332 = arith.constant 0 : index
    %swap3A_333 = vector.load %arg6[%swap3A_330, %swap3A_331, %swap3A_332] : memref<27x400x128xf32, #tpu.memory_space<vmem>>, vector<1x400x128xf32>
    %swap3A_334 = vector.shape_cast %swap3A_333 : vector<1x400x128xf32> to vector<400x128xf32>
    %swap3A_335 = vector.shape_cast %dot_general3A_329 : vector<400x128xf32> to vector<1x400x128xf32>
    tpu.vector_store %arg6[%swap3A_330, %swap3A_331, %swap3A_332], %swap3A_335 {strides = array<i32>} : memref<27x400x128xf32, #tpu.memory_space<vmem>>, vector<1x400x128xf32>,
    %get3A_336 = arith.constant 18 : index
    %get3A_337 = arith.constant 0 : index
    %get3A_338 = arith.constant 0 : index
    %get3A_339 = vector.load %arg5[%get3A_336, %get3A_337, %get3A_338] : memref<27x128x128xf32, #tpu.memory_space<vmem>>, vector<1x128x128xf32>
    %get3A_340 = vector.shape_cast %get3A_339 : vector<1x128x128xf32> to vector<128x128xf32>
    %dot_general3A_341 = arith.constant dense<0.000000e+00> : vector<400x128xf32>
    %dot_general3A_342 = tpu.matmul %select_n3A_102, %get3A_340, %dot_general3A_341 {dimension_numbers = #tpu.dot_dimension_numbers<[1], [0], [0], [1], [0, 0, 1, 1], [], []>, transpose_lhs_hint = false} : vector<400x128xf32>, vector<128x128xf32>, vector<400x128xf32> -> vector<400x128xf32>
    %swap3A_343 = arith.constant 18 : index
    %swap3A_344 = arith.constant 0 : index
    %swap3A_345 = arith.constant 0 : index
    %swap3A_346 = vector.load %arg6[%swap3A_343, %swap3A_344, %swap3A_345] : memref<27x400x128xf32, #tpu.memory_space<vmem>>, vector<1x400x128xf32>
    %swap3A_347 = vector.shape_cast %swap3A_346 : vector<1x400x128xf32> to vector<400x128xf32>
    %swap3A_348 = vector.shape_cast %dot_general3A_342 : vector<400x128xf32> to vector<1x400x128xf32>
    tpu.vector_store %arg6[%swap3A_343, %swap3A_344, %swap3A_345], %swap3A_348 {strides = array<i32>} : memref<27x400x128xf32, #tpu.memory_space<vmem>>, vector<1x400x128xf32>,
    %get3A_349 = arith.constant 19 : index
    %get3A_350 = arith.constant 0 : index
    %get3A_351 = arith.constant 0 : index
    %get3A_352 = vector.load %arg5[%get3A_349, %get3A_350, %get3A_351] : memref<27x128x128xf32, #tpu.memory_space<vmem>>, vector<1x128x128xf32>
    %get3A_353 = vector.shape_cast %get3A_352 : vector<1x128x128xf32> to vector<128x128xf32>
    %dot_general3A_354 = arith.constant dense<0.000000e+00> : vector<400x128xf32>
    %dot_general3A_355 = tpu.matmul %select_n3A_102, %get3A_353, %dot_general3A_354 {dimension_numbers = #tpu.dot_dimension_numbers<[1], [0], [0], [1], [0, 0, 1, 1], [], []>, transpose_lhs_hint = false} : vector<400x128xf32>, vector<128x128xf32>, vector<400x128xf32> -> vector<400x128xf32>
    %swap3A_356 = arith.constant 19 : index
    %swap3A_357 = arith.constant 0 : index
    %swap3A_358 = arith.constant 0 : index
    %swap3A_359 = vector.load %arg6[%swap3A_356, %swap3A_357, %swap3A_358] : memref<27x400x128xf32, #tpu.memory_space<vmem>>, vector<1x400x128xf32>
    %swap3A_360 = vector.shape_cast %swap3A_359 : vector<1x400x128xf32> to vector<400x128xf32>
    %swap3A_361 = vector.shape_cast %dot_general3A_355 : vector<400x128xf32> to vector<1x400x128xf32>
    tpu.vector_store %arg6[%swap3A_356, %swap3A_357, %swap3A_358], %swap3A_361 {strides = array<i32>} : memref<27x400x128xf32, #tpu.memory_space<vmem>>, vector<1x400x128xf32>,
    %get3A_362 = arith.constant 20 : index
    %get3A_363 = arith.constant 0 : index
    %get3A_364 = arith.constant 0 : index
    %get3A_365 = vector.load %arg5[%get3A_362, %get3A_363, %get3A_364] : memref<27x128x128xf32, #tpu.memory_space<vmem>>, vector<1x128x128xf32>
    %get3A_366 = vector.shape_cast %get3A_365 : vector<1x128x128xf32> to vector<128x128xf32>
    %dot_general3A_367 = arith.constant dense<0.000000e+00> : vector<400x128xf32>
    %dot_general3A_368 = tpu.matmul %select_n3A_102, %get3A_366, %dot_general3A_367 {dimension_numbers = #tpu.dot_dimension_numbers<[1], [0], [0], [1], [0, 0, 1, 1], [], []>, transpose_lhs_hint = false} : vector<400x128xf32>, vector<128x128xf32>, vector<400x128xf32> -> vector<400x128xf32>
    %swap3A_369 = arith.constant 20 : index
    %swap3A_370 = arith.constant 0 : index
    %swap3A_371 = arith.constant 0 : index
    %swap3A_372 = vector.load %arg6[%swap3A_369, %swap3A_370, %swap3A_371] : memref<27x400x128xf32, #tpu.memory_space<vmem>>, vector<1x400x128xf32>
    %swap3A_373 = vector.shape_cast %swap3A_372 : vector<1x400x128xf32> to vector<400x128xf32>
    %swap3A_374 = vector.shape_cast %dot_general3A_368 : vector<400x128xf32> to vector<1x400x128xf32>
    tpu.vector_store %arg6[%swap3A_369, %swap3A_370, %swap3A_371], %swap3A_374 {strides = array<i32>} : memref<27x400x128xf32, #tpu.memory_space<vmem>>, vector<1x400x128xf32>,
    %get3A_375 = arith.constant 21 : index
    %get3A_376 = arith.constant 0 : index
    %get3A_377 = arith.constant 0 : index
    %get3A_378 = vector.load %arg5[%get3A_375, %get3A_376, %get3A_377] : memref<27x128x128xf32, #tpu.memory_space<vmem>>, vector<1x128x128xf32>
    %get3A_379 = vector.shape_cast %get3A_378 : vector<1x128x128xf32> to vector<128x128xf32>
    %dot_general3A_380 = arith.constant dense<0.000000e+00> : vector<400x128xf32>
    %dot_general3A_381 = tpu.matmul %select_n3A_102, %get3A_379, %dot_general3A_380 {dimension_numbers = #tpu.dot_dimension_numbers<[1], [0], [0], [1], [0, 0, 1, 1], [], []>, transpose_lhs_hint = false} : vector<400x128xf32>, vector<128x128xf32>, vector<400x128xf32> -> vector<400x128xf32>
    %swap3A_382 = arith.constant 21 : index
    %swap3A_383 = arith.constant 0 : index
    %swap3A_384 = arith.constant 0 : index
    %swap3A_385 = vector.load %arg6[%swap3A_382, %swap3A_383, %swap3A_384] : memref<27x400x128xf32, #tpu.memory_space<vmem>>, vector<1x400x128xf32>
    %swap3A_386 = vector.shape_cast %swap3A_385 : vector<1x400x128xf32> to vector<400x128xf32>
    %swap3A_387 = vector.shape_cast %dot_general3A_381 : vector<400x128xf32> to vector<1x400x128xf32>
    tpu.vector_store %arg6[%swap3A_382, %swap3A_383, %swap3A_384], %swap3A_387 {strides = array<i32>} : memref<27x400x128xf32, #tpu.memory_space<vmem>>, vector<1x400x128xf32>,
    %get3A_388 = arith.constant 22 : index
    %get3A_389 = arith.constant 0 : index
    %get3A_390 = arith.constant 0 : index
    %get3A_391 = vector.load %arg5[%get3A_388, %get3A_389, %get3A_390] : memref<27x128x128xf32, #tpu.memory_space<vmem>>, vector<1x128x128xf32>
    %get3A_392 = vector.shape_cast %get3A_391 : vector<1x128x128xf32> to vector<128x128xf32>
    %dot_general3A_393 = arith.constant dense<0.000000e+00> : vector<400x128xf32>
    %dot_general3A_394 = tpu.matmul %select_n3A_102, %get3A_392, %dot_general3A_393 {dimension_numbers = #tpu.dot_dimension_numbers<[1], [0], [0], [1], [0, 0, 1, 1], [], []>, transpose_lhs_hint = false} : vector<400x128xf32>, vector<128x128xf32>, vector<400x128xf32> -> vector<400x128xf32>
    %swap3A_395 = arith.constant 22 : index
    %swap3A_396 = arith.constant 0 : index
    %swap3A_397 = arith.constant 0 : index
    %swap3A_398 = vector.load %arg6[%swap3A_395, %swap3A_396, %swap3A_397] : memref<27x400x128xf32, #tpu.memory_space<vmem>>, vector<1x400x128xf32>
    %swap3A_399 = vector.shape_cast %swap3A_398 : vector<1x400x128xf32> to vector<400x128xf32>
    %swap3A_400 = vector.shape_cast %dot_general3A_394 : vector<400x128xf32> to vector<1x400x128xf32>
    tpu.vector_store %arg6[%swap3A_395, %swap3A_396, %swap3A_397], %swap3A_400 {strides = array<i32>} : memref<27x400x128xf32, #tpu.memory_space<vmem>>, vector<1x400x128xf32>,
    %get3A_401 = arith.constant 23 : index
    %get3A_402 = arith.constant 0 : index
    %get3A_403 = arith.constant 0 : index
    %get3A_404 = vector.load %arg5[%get3A_401, %get3A_402, %get3A_403] : memref<27x128x128xf32, #tpu.memory_space<vmem>>, vector<1x128x128xf32>
    %get3A_405 = vector.shape_cast %get3A_404 : vector<1x128x128xf32> to vector<128x128xf32>
    %dot_general3A_406 = arith.constant dense<0.000000e+00> : vector<400x128xf32>
    %dot_general3A_407 = tpu.matmul %select_n3A_102, %get3A_405, %dot_general3A_406 {dimension_numbers = #tpu.dot_dimension_numbers<[1], [0], [0], [1], [0, 0, 1, 1], [], []>, transpose_lhs_hint = false} : vector<400x128xf32>, vector<128x128xf32>, vector<400x128xf32> -> vector<400x128xf32>
    %swap3A_408 = arith.constant 23 : index
    %swap3A_409 = arith.constant 0 : index
    %swap3A_410 = arith.constant 0 : index
    %swap3A_411 = vector.load %arg6[%swap3A_408, %swap3A_409, %swap3A_410] : memref<27x400x128xf32, #tpu.memory_space<vmem>>, vector<1x400x128xf32>
    %swap3A_412 = vector.shape_cast %swap3A_411 : vector<1x400x128xf32> to vector<400x128xf32>
    %swap3A_413 = vector.shape_cast %dot_general3A_407 : vector<400x128xf32> to vector<1x400x128xf32>
    tpu.vector_store %arg6[%swap3A_408, %swap3A_409, %swap3A_410], %swap3A_413 {strides = array<i32>} : memref<27x400x128xf32, #tpu.memory_space<vmem>>, vector<1x400x128xf32>,
    %get3A_414 = arith.constant 24 : index
    %get3A_415 = arith.constant 0 : index
    %get3A_416 = arith.constant 0 : index
    %get3A_417 = vector.load %arg5[%get3A_414, %get3A_415, %get3A_416] : memref<27x128x128xf32, #tpu.memory_space<vmem>>, vector<1x128x128xf32>
    %get3A_418 = vector.shape_cast %get3A_417 : vector<1x128x128xf32> to vector<128x128xf32>
    %dot_general3A_419 = arith.constant dense<0.000000e+00> : vector<400x128xf32>
    %dot_general3A_420 = tpu.matmul %select_n3A_102, %get3A_418, %dot_general3A_419 {dimension_numbers = #tpu.dot_dimension_numbers<[1], [0], [0], [1], [0, 0, 1, 1], [], []>, transpose_lhs_hint = false} : vector<400x128xf32>, vector<128x128xf32>, vector<400x128xf32> -> vector<400x128xf32>
    %swap3A_421 = arith.constant 24 : index
    %swap3A_422 = arith.constant 0 : index
    %swap3A_423 = arith.constant 0 : index
    %swap3A_424 = vector.load %arg6[%swap3A_421, %swap3A_422, %swap3A_423] : memref<27x400x128xf32, #tpu.memory_space<vmem>>, vector<1x400x128xf32>
    %swap3A_425 = vector.shape_cast %swap3A_424 : vector<1x400x128xf32> to vector<400x128xf32>
    %swap3A_426 = vector.shape_cast %dot_general3A_420 : vector<400x128xf32> to vector<1x400x128xf32>
    tpu.vector_store %arg6[%swap3A_421, %swap3A_422, %swap3A_423], %swap3A_426 {strides = array<i32>} : memref<27x400x128xf32, #tpu.memory_space<vmem>>, vector<1x400x128xf32>,
    %get3A_427 = arith.constant 25 : index
    %get3A_428 = arith.constant 0 : index
    %get3A_429 = arith.constant 0 : index
    %get3A_430 = vector.load %arg5[%get3A_427, %get3A_428, %get3A_429] : memref<27x128x128xf32, #tpu.memory_space<vmem>>, vector<1x128x128xf32>
    %get3A_431 = vector.shape_cast %get3A_430 : vector<1x128x128xf32> to vector<128x128xf32>
    %dot_general3A_432 = arith.constant dense<0.000000e+00> : vector<400x128xf32>
    %dot_general3A_433 = tpu.matmul %select_n3A_102, %get3A_431, %dot_general3A_432 {dimension_numbers = #tpu.dot_dimension_numbers<[1], [0], [0], [1], [0, 0, 1, 1], [], []>, transpose_lhs_hint = false} : vector<400x128xf32>, vector<128x128xf32>, vector<400x128xf32> -> vector<400x128xf32>
    %swap3A_434 = arith.constant 25 : index
    %swap3A_435 = arith.constant 0 : index
    %swap3A_436 = arith.constant 0 : index
    %swap3A_437 = vector.load %arg6[%swap3A_434, %swap3A_435, %swap3A_436] : memref<27x400x128xf32, #tpu.memory_space<vmem>>, vector<1x400x128xf32>
    %swap3A_438 = vector.shape_cast %swap3A_437 : vector<1x400x128xf32> to vector<400x128xf32>
    %swap3A_439 = vector.shape_cast %dot_general3A_433 : vector<400x128xf32> to vector<1x400x128xf32>
    tpu.vector_store %arg6[%swap3A_434, %swap3A_435, %swap3A_436], %swap3A_439 {strides = array<i32>} : memref<27x400x128xf32, #tpu.memory_space<vmem>>, vector<1x400x128xf32>,
    %get3A_440 = arith.constant 26 : index
    %get3A_441 = arith.constant 0 : index
    %get3A_442 = arith.constant 0 : index
    %get3A_443 = vector.load %arg5[%get3A_440, %get3A_441, %get3A_442] : memref<27x128x128xf32, #tpu.memory_space<vmem>>, vector<1x128x128xf32>
    %get3A_444 = vector.shape_cast %get3A_443 : vector<1x128x128xf32> to vector<128x128xf32>
    %dot_general3A_445 = arith.constant dense<0.000000e+00> : vector<400x128xf32>
    %dot_general3A_446 = tpu.matmul %select_n3A_102, %get3A_444, %dot_general3A_445 {dimension_numbers = #tpu.dot_dimension_numbers<[1], [0], [0], [1], [0, 0, 1, 1], [], []>, transpose_lhs_hint = false} : vector<400x128xf32>, vector<128x128xf32>, vector<400x128xf32> -> vector<400x128xf32>
    %swap3A_447 = arith.constant 26 : index
    %swap3A_448 = arith.constant 0 : index
    %swap3A_449 = arith.constant 0 : index
    %swap3A_450 = vector.load %arg6[%swap3A_447, %swap3A_448, %swap3A_449] : memref<27x400x128xf32, #tpu.memory_space<vmem>>, vector<1x400x128xf32>
    %swap3A_451 = vector.shape_cast %swap3A_450 : vector<1x400x128xf32> to vector<400x128xf32>
    %swap3A_452 = vector.shape_cast %dot_general3A_446 : vector<400x128xf32> to vector<1x400x128xf32>
    tpu.vector_store %arg6[%swap3A_447, %swap3A_448, %swap3A_449], %swap3A_452 {strides = array<i32>} : memref<27x400x128xf32, #tpu.memory_space<vmem>>, vector<1x400x128xf32>,
    return
  }
  func.func @transform_0(%arg0: i32) -> (i32, i32) {
    %c0_i32 = arith.constant 0 : i32
    %c0_i32_0 = arith.constant 0 : i32
    return %arg0, %c0_i32 : i32, i32
  }
  func.func @transform_1(%arg0: i32) -> (i32, i32) {
    %c0_i32 = arith.constant 0 : i32
    %c0_i32_0 = arith.constant 0 : i32
    %c0_i32_1 = arith.constant 0 : i32
    return %c0_i32, %c0_i32_0 : i32, i32
  }
  func.func @transform_2(%arg0: i32) -> (i32, i32) {
    %c0_i32 = arith.constant 0 : i32
    %c0_i32_0 = arith.constant 0 : i32
    %c0_i32_1 = arith.constant 0 : i32
    return %c0_i32, %c0_i32_0 : i32, i32
  }
  func.func @transform_3(%arg0: i32) -> (i32, i32) {
    %c0_i32 = arith.constant 0 : i32
    %c0_i32_0 = arith.constant 0 : i32
    %c0_i32_1 = arith.constant 0 : i32
    return %c0_i32, %c0_i32_0 : i32, i32
  }
  func.func @transform_4(%arg0: i32) -> (i32, i32, i32) {
    %c0_i32 = arith.constant 0 : i32
    %c0_i32_0 = arith.constant 0 : i32
    %c0_i32_1 = arith.constant 0 : i32
    %c0_i32_2 = arith.constant 0 : i32
    return %c0_i32, %c0_i32_0, %c0_i32_1 : i32, i32, i32
  }
  func.func @transform_5(%arg0: i32) -> (i32, i32, i32) {
    %c0_i32 = arith.constant 0 : i32
    %c0_i32_0 = arith.constant 0 : i32
    %c0_i32_1 = arith.constant 0 : i32
    return %c0_i32, %arg0, %c0_i32_0 : i32, i32, i32
  }
}

module attributes {stable_mosaic.version = 14 : i64} {
  func.func @_stage_c_body(%arg0: i32, %arg1: memref<1000x128xf32, #tpu.memory_space<vmem>>, %arg2: memref<1000x128xf32, #tpu.memory_space<vmem>>, %arg3: memref<128x128xf32, #tpu.memory_space<vmem>>, %arg4: memref<1x128xf32, #tpu.memory_space<vmem>>, %arg5: memref<1x128xf32, #tpu.memory_space<vmem>>, %arg6: memref<1x128xf32, #tpu.memory_space<vmem>>, %arg7: memref<1x128xf32, #tpu.memory_space<vmem>>, %arg8: memref<128x128xf32, #tpu.memory_space<vmem>>, %arg9: memref<1x128xf32, #tpu.memory_space<vmem>>, %arg10: memref<1x128xf32, #tpu.memory_space<vmem>>, %arg11: memref<1000x128xf32, #tpu.memory_space<vmem>>) attributes {dimension_semantics = [#tpu.dimension_semantics<arbitrary>], iteration_bounds = array<i64: 25>, scalar_prefetch = 0 : i64, scratch_operands = 0 : i64, tpu.core_type = #tpu.core_type<tc>, window_params = [{transform_indices = @transform_0, window_bounds = array<i64: 1000, 128>}, {transform_indices = @transform_1, window_bounds = array<i64: 1000, 128>}, {pipeline_mode = #tpu.pipeline_mode<synchronous>, transform_indices = @transform_2, window_bounds = array<i64: 128, 128>}, {pipeline_mode = #tpu.pipeline_mode<synchronous>, transform_indices = @transform_3, window_bounds = array<i64: 1, 128>}, {pipeline_mode = #tpu.pipeline_mode<synchronous>, transform_indices = @transform_4, window_bounds = array<i64: 1, 128>}, {pipeline_mode = #tpu.pipeline_mode<synchronous>, transform_indices = @transform_5, window_bounds = array<i64: 1, 128>}, {pipeline_mode = #tpu.pipeline_mode<synchronous>, transform_indices = @transform_6, window_bounds = array<i64: 1, 128>}, {pipeline_mode = #tpu.pipeline_mode<synchronous>, transform_indices = @transform_7, window_bounds = array<i64: 128, 128>}, {pipeline_mode = #tpu.pipeline_mode<synchronous>, transform_indices = @transform_8, window_bounds = array<i64: 1, 128>}, {pipeline_mode = #tpu.pipeline_mode<synchronous>, transform_indices = @transform_9, window_bounds = array<i64: 1, 128>}, {transform_indices = @transform_10, window_bounds = array<i64: 1000, 128>}]} {
    %get3A = arith.constant 0 : index
    %get3A_0 = arith.constant 0 : index
    %get3A_1 = vector.load %arg1[%get3A, %get3A_0] : memref<1000x128xf32, #tpu.memory_space<vmem>>, vector<1000x128xf32>
    %get3A_2 = arith.constant 0 : index
    %get3A_3 = arith.constant 0 : index
    %get3A_4 = vector.load %arg4[%get3A_2, %get3A_3] : memref<1x128xf32, #tpu.memory_space<vmem>>, vector<1x128xf32>
    %get3A_5 = arith.constant 0 : index
    %get3A_6 = arith.constant 0 : index
    %get3A_7 = vector.load %arg5[%get3A_5, %get3A_6] : memref<1x128xf32, #tpu.memory_space<vmem>>, vector<1x128xf32>
    %iota3A = tpu.iota {dimensions = array<i32: 0>} : vector<128x8xi32>
    %jit3A = arith.constant 16 : i32
    %div3A = vector.broadcast %jit3A : i32 to vector<128x8xi32>
    %div3A_8 = arith.divsi %iota3A, %div3A : vector<128x8xi32>
    %sign3A = arith.constant 0 : i32
    %sign3A_9 = vector.broadcast %sign3A : i32 to vector<128x8xi32>
    %sign3A_10 = arith.cmpi sgt, %iota3A, %sign3A_9 : vector<128x8xi32>
    %sign3A_11 = arith.extui %sign3A_10 : vector<128x8xi1> to vector<128x8xi32>
    %sign3A_12 = arith.constant 0 : i32
    %sign3A_13 = vector.broadcast %sign3A_12 : i32 to vector<128x8xi32>
    %sign3A_14 = arith.cmpi slt, %iota3A, %sign3A_13 : vector<128x8xi32>
    %sign3A_15 = arith.extui %sign3A_14 : vector<128x8xi1> to vector<128x8xi32>
    %sign3A_16 = arith.subi %sign3A_11, %sign3A_15 : vector<128x8xi32>
    %sign3A_17 = arith.constant 0 : i32
    %sign3A_18 = arith.cmpi sgt, %jit3A, %sign3A_17 : i32
    %sign3A_19 = arith.extui %sign3A_18 : i1 to i32
    %sign3A_20 = arith.constant 0 : i32
    %sign3A_21 = arith.cmpi slt, %jit3A, %sign3A_20 : i32
    %sign3A_22 = arith.extui %sign3A_21 : i1 to i32
    %sign3A_23 = arith.subi %sign3A_19, %sign3A_22 : i32
    %ne3A = vector.broadcast %sign3A_23 : i32 to vector<128x8xi32>
    %ne3A_24 = arith.cmpi ne, %sign3A_16, %ne3A : vector<128x8xi32>
    %rem3A = vector.broadcast %jit3A : i32 to vector<128x8xi32>
    %rem3A_25 = arith.remsi %iota3A, %rem3A : vector<128x8xi32>
    %ne3A_26 = arith.constant 0 : i32
    %ne3A_27 = vector.broadcast %ne3A_26 : i32 to vector<128x8xi32>
    %ne3A_28 = arith.cmpi ne, %rem3A_25, %ne3A_27 : vector<128x8xi32>
    %and3A = arith.andi %ne3A_24, %ne3A_28 : vector<128x8xi1>
    %sub3A = arith.constant 1 : i32
    %sub3A_29 = vector.broadcast %sub3A : i32 to vector<128x8xi32>
    %sub3A_30 = arith.subi %div3A_8, %sub3A_29 : vector<128x8xi32>
    %select_n3A = arith.select %and3A, %sub3A_30, %div3A_8 : vector<128x8xi1>, vector<128x8xi32>
    %iota3A_31 = tpu.iota {dimensions = array<i32: 1>} : vector<128x8xi32>
    %eq3A = arith.cmpi eq, %select_n3A, %iota3A_31 : vector<128x8xi32>
    %convert_element_type3A = arith.extui %eq3A : vector<128x8xi1> to vector<128x8xi32>
    %convert_element_type3A_32 = arith.sitofp %convert_element_type3A : vector<128x8xi32> to vector<128x8xf32>
    %iota3A_33 = tpu.iota {dimensions = array<i32: 0>} : vector<8x128xi32>
    %iota3A_34 = tpu.iota {dimensions = array<i32: 1>} : vector<8x128xi32>
    %jit3A_35 = arith.constant 16 : i32
    %div3A_36 = vector.broadcast %jit3A_35 : i32 to vector<8x128xi32>
    %div3A_37 = arith.divsi %iota3A_34, %div3A_36 : vector<8x128xi32>
    %sign3A_38 = arith.constant 0 : i32
    %sign3A_39 = vector.broadcast %sign3A_38 : i32 to vector<8x128xi32>
    %sign3A_40 = arith.cmpi sgt, %iota3A_34, %sign3A_39 : vector<8x128xi32>
    %sign3A_41 = arith.extui %sign3A_40 : vector<8x128xi1> to vector<8x128xi32>
    %sign3A_42 = arith.constant 0 : i32
    %sign3A_43 = vector.broadcast %sign3A_42 : i32 to vector<8x128xi32>
    %sign3A_44 = arith.cmpi slt, %iota3A_34, %sign3A_43 : vector<8x128xi32>
    %sign3A_45 = arith.extui %sign3A_44 : vector<8x128xi1> to vector<8x128xi32>
    %sign3A_46 = arith.subi %sign3A_41, %sign3A_45 : vector<8x128xi32>
    %sign3A_47 = arith.constant 0 : i32
    %sign3A_48 = arith.cmpi sgt, %jit3A_35, %sign3A_47 : i32
    %sign3A_49 = arith.extui %sign3A_48 : i1 to i32
    %sign3A_50 = arith.constant 0 : i32
    %sign3A_51 = arith.cmpi slt, %jit3A_35, %sign3A_50 : i32
    %sign3A_52 = arith.extui %sign3A_51 : i1 to i32
    %sign3A_53 = arith.subi %sign3A_49, %sign3A_52 : i32
    %ne3A_54 = vector.broadcast %sign3A_53 : i32 to vector<8x128xi32>
    %ne3A_55 = arith.cmpi ne, %sign3A_46, %ne3A_54 : vector<8x128xi32>
    %rem3A_56 = vector.broadcast %jit3A_35 : i32 to vector<8x128xi32>
    %rem3A_57 = arith.remsi %iota3A_34, %rem3A_56 : vector<8x128xi32>
    %ne3A_58 = arith.constant 0 : i32
    %ne3A_59 = vector.broadcast %ne3A_58 : i32 to vector<8x128xi32>
    %ne3A_60 = arith.cmpi ne, %rem3A_57, %ne3A_59 : vector<8x128xi32>
    %and3A_61 = arith.andi %ne3A_55, %ne3A_60 : vector<8x128xi1>
    %sub3A_62 = arith.constant 1 : i32
    %sub3A_63 = vector.broadcast %sub3A_62 : i32 to vector<8x128xi32>
    %sub3A_64 = arith.subi %div3A_37, %sub3A_63 : vector<8x128xi32>
    %select_n3A_65 = arith.select %and3A_61, %sub3A_64, %div3A_37 : vector<8x128xi1>, vector<8x128xi32>
    %eq3A_66 = arith.cmpi eq, %iota3A_33, %select_n3A_65 : vector<8x128xi32>
    %convert_element_type3A_67 = arith.extui %eq3A_66 : vector<8x128xi1> to vector<8x128xi32>
    %convert_element_type3A_68 = arith.sitofp %convert_element_type3A_67 : vector<8x128xi32> to vector<8x128xf32>
    %dot_general3A = arith.constant dense<0.000000e+00> : vector<1000x8xf32>
    %dot_general3A_69 = tpu.matmul %get3A_1, %convert_element_type3A_32, %dot_general3A {dimension_numbers = #tpu.dot_dimension_numbers<[1], [0], [0], [1], [0, 0, 1, 1], [], []>, transpose_lhs_hint = false} : vector<1000x128xf32>, vector<128x8xf32>, vector<1000x8xf32> -> vector<1000x8xf32>
    %mul3A = arith.constant 6.250000e-02 : f32
    %mul3A_70 = vector.broadcast %mul3A : f32 to vector<1000x8xf32>
    %mul3A_71 = arith.mulf %dot_general3A_69, %mul3A_70 : vector<1000x8xf32>
    %mul3A_72 = arith.mulf %get3A_1, %get3A_1 : vector<1000x128xf32>
    %dot_general3A_73 = arith.constant dense<0.000000e+00> : vector<1000x8xf32>
    %dot_general3A_74 = tpu.matmul %mul3A_72, %convert_element_type3A_32, %dot_general3A_73 {dimension_numbers = #tpu.dot_dimension_numbers<[1], [0], [0], [1], [0, 0, 1, 1], [], []>, transpose_lhs_hint = false} : vector<1000x128xf32>, vector<128x8xf32>, vector<1000x8xf32> -> vector<1000x8xf32>
    %mul3A_75 = arith.constant 6.250000e-02 : f32
    %mul3A_76 = vector.broadcast %mul3A_75 : f32 to vector<1000x8xf32>
    %mul3A_77 = arith.mulf %dot_general3A_74, %mul3A_76 : vector<1000x8xf32>
    %mul3A_78 = arith.mulf %mul3A_71, %mul3A_71 : vector<1000x8xf32>
    %sub3A_79 = arith.subf %mul3A_77, %mul3A_78 : vector<1000x8xf32>
    %add3A = arith.constant 9.99999974E-6 : f32
    %add3A_80 = vector.broadcast %add3A : f32 to vector<1000x8xf32>
    %add3A_81 = arith.addf %sub3A_79, %add3A_80 : vector<1000x8xf32>
    %rsqrt3A = math.rsqrt %add3A_81 : vector<1000x8xf32>
    %dot_general3A_82 = arith.constant dense<0.000000e+00> : vector<1000x128xf32>
    %dot_general3A_83 = tpu.matmul %mul3A_71, %convert_element_type3A_68, %dot_general3A_82 {dimension_numbers = #tpu.dot_dimension_numbers<[1], [0], [0], [1], [0, 0, 1, 1], [], []>, transpose_lhs_hint = false} : vector<1000x8xf32>, vector<8x128xf32>, vector<1000x128xf32> -> vector<1000x128xf32>
    %dot_general3A_84 = arith.constant dense<0.000000e+00> : vector<1000x128xf32>
    %dot_general3A_85 = tpu.matmul %rsqrt3A, %convert_element_type3A_68, %dot_general3A_84 {dimension_numbers = #tpu.dot_dimension_numbers<[1], [0], [0], [1], [0, 0, 1, 1], [], []>, transpose_lhs_hint = false} : vector<1000x8xf32>, vector<8x128xf32>, vector<1000x128xf32> -> vector<1000x128xf32>
    %sub3A_86 = arith.subf %get3A_1, %dot_general3A_83 : vector<1000x128xf32>
    %mul3A_87 = arith.mulf %sub3A_86, %dot_general3A_85 : vector<1000x128xf32>
    %mul3A_88 = vector.broadcast %get3A_4 : vector<1x128xf32> to vector<1000x128xf32>
    %mul3A_89 = arith.mulf %mul3A_87, %mul3A_88 : vector<1000x128xf32>
    %add3A_90 = vector.broadcast %get3A_7 : vector<1x128xf32> to vector<1000x128xf32>
    %add3A_91 = arith.addf %mul3A_89, %add3A_90 : vector<1000x128xf32>
    %get3A_92 = arith.constant 0 : index
    %get3A_93 = arith.constant 0 : index
    %get3A_94 = vector.load %arg3[%get3A_92, %get3A_93] : memref<128x128xf32, #tpu.memory_space<vmem>>, vector<128x128xf32>
    %dot_general3A_95 = arith.constant dense<0.000000e+00> : vector<1000x128xf32>
    %dot_general3A_96 = tpu.matmul %add3A_91, %get3A_94, %dot_general3A_95 {dimension_numbers = #tpu.dot_dimension_numbers<[1], [0], [0], [1], [0, 0, 1, 1], [], []>, transpose_lhs_hint = false} : vector<1000x128xf32>, vector<128x128xf32>, vector<1000x128xf32> -> vector<1000x128xf32>
    %get3A_97 = arith.constant 0 : index
    %get3A_98 = arith.constant 0 : index
    %get3A_99 = vector.load %arg6[%get3A_97, %get3A_98] : memref<1x128xf32, #tpu.memory_space<vmem>>, vector<1x128xf32>
    %get3A_100 = arith.constant 0 : index
    %get3A_101 = arith.constant 0 : index
    %get3A_102 = vector.load %arg7[%get3A_100, %get3A_101] : memref<1x128xf32, #tpu.memory_space<vmem>>, vector<1x128xf32>
    %iota3A_103 = tpu.iota {dimensions = array<i32: 0>} : vector<128x8xi32>
    %jit3A_104 = arith.constant 16 : i32
    %div3A_105 = vector.broadcast %jit3A_104 : i32 to vector<128x8xi32>
    %div3A_106 = arith.divsi %iota3A_103, %div3A_105 : vector<128x8xi32>
    %sign3A_107 = arith.constant 0 : i32
    %sign3A_108 = vector.broadcast %sign3A_107 : i32 to vector<128x8xi32>
    %sign3A_109 = arith.cmpi sgt, %iota3A_103, %sign3A_108 : vector<128x8xi32>
    %sign3A_110 = arith.extui %sign3A_109 : vector<128x8xi1> to vector<128x8xi32>
    %sign3A_111 = arith.constant 0 : i32
    %sign3A_112 = vector.broadcast %sign3A_111 : i32 to vector<128x8xi32>
    %sign3A_113 = arith.cmpi slt, %iota3A_103, %sign3A_112 : vector<128x8xi32>
    %sign3A_114 = arith.extui %sign3A_113 : vector<128x8xi1> to vector<128x8xi32>
    %sign3A_115 = arith.subi %sign3A_110, %sign3A_114 : vector<128x8xi32>
    %sign3A_116 = arith.constant 0 : i32
    %sign3A_117 = arith.cmpi sgt, %jit3A_104, %sign3A_116 : i32
    %sign3A_118 = arith.extui %sign3A_117 : i1 to i32
    %sign3A_119 = arith.constant 0 : i32
    %sign3A_120 = arith.cmpi slt, %jit3A_104, %sign3A_119 : i32
    %sign3A_121 = arith.extui %sign3A_120 : i1 to i32
    %sign3A_122 = arith.subi %sign3A_118, %sign3A_121 : i32
    %ne3A_123 = vector.broadcast %sign3A_122 : i32 to vector<128x8xi32>
    %ne3A_124 = arith.cmpi ne, %sign3A_115, %ne3A_123 : vector<128x8xi32>
    %rem3A_125 = vector.broadcast %jit3A_104 : i32 to vector<128x8xi32>
    %rem3A_126 = arith.remsi %iota3A_103, %rem3A_125 : vector<128x8xi32>
    %ne3A_127 = arith.constant 0 : i32
    %ne3A_128 = vector.broadcast %ne3A_127 : i32 to vector<128x8xi32>
    %ne3A_129 = arith.cmpi ne, %rem3A_126, %ne3A_128 : vector<128x8xi32>
    %and3A_130 = arith.andi %ne3A_124, %ne3A_129 : vector<128x8xi1>
    %sub3A_131 = arith.constant 1 : i32
    %sub3A_132 = vector.broadcast %sub3A_131 : i32 to vector<128x8xi32>
    %sub3A_133 = arith.subi %div3A_106, %sub3A_132 : vector<128x8xi32>
    %select_n3A_134 = arith.select %and3A_130, %sub3A_133, %div3A_106 : vector<128x8xi1>, vector<128x8xi32>
    %iota3A_135 = tpu.iota {dimensions = array<i32: 1>} : vector<128x8xi32>
    %eq3A_136 = arith.cmpi eq, %select_n3A_134, %iota3A_135 : vector<128x8xi32>
    %convert_element_type3A_137 = arith.extui %eq3A_136 : vector<128x8xi1> to vector<128x8xi32>
    %convert_element_type3A_138 = arith.sitofp %convert_element_type3A_137 : vector<128x8xi32> to vector<128x8xf32>
    %iota3A_139 = tpu.iota {dimensions = array<i32: 0>} : vector<8x128xi32>
    %iota3A_140 = tpu.iota {dimensions = array<i32: 1>} : vector<8x128xi32>
    %jit3A_141 = arith.constant 16 : i32
    %div3A_142 = vector.broadcast %jit3A_141 : i32 to vector<8x128xi32>
    %div3A_143 = arith.divsi %iota3A_140, %div3A_142 : vector<8x128xi32>
    %sign3A_144 = arith.constant 0 : i32
    %sign3A_145 = vector.broadcast %sign3A_144 : i32 to vector<8x128xi32>
    %sign3A_146 = arith.cmpi sgt, %iota3A_140, %sign3A_145 : vector<8x128xi32>
    %sign3A_147 = arith.extui %sign3A_146 : vector<8x128xi1> to vector<8x128xi32>
    %sign3A_148 = arith.constant 0 : i32
    %sign3A_149 = vector.broadcast %sign3A_148 : i32 to vector<8x128xi32>
    %sign3A_150 = arith.cmpi slt, %iota3A_140, %sign3A_149 : vector<8x128xi32>
    %sign3A_151 = arith.extui %sign3A_150 : vector<8x128xi1> to vector<8x128xi32>
    %sign3A_152 = arith.subi %sign3A_147, %sign3A_151 : vector<8x128xi32>
    %sign3A_153 = arith.constant 0 : i32
    %sign3A_154 = arith.cmpi sgt, %jit3A_141, %sign3A_153 : i32
    %sign3A_155 = arith.extui %sign3A_154 : i1 to i32
    %sign3A_156 = arith.constant 0 : i32
    %sign3A_157 = arith.cmpi slt, %jit3A_141, %sign3A_156 : i32
    %sign3A_158 = arith.extui %sign3A_157 : i1 to i32
    %sign3A_159 = arith.subi %sign3A_155, %sign3A_158 : i32
    %ne3A_160 = vector.broadcast %sign3A_159 : i32 to vector<8x128xi32>
    %ne3A_161 = arith.cmpi ne, %sign3A_152, %ne3A_160 : vector<8x128xi32>
    %rem3A_162 = vector.broadcast %jit3A_141 : i32 to vector<8x128xi32>
    %rem3A_163 = arith.remsi %iota3A_140, %rem3A_162 : vector<8x128xi32>
    %ne3A_164 = arith.constant 0 : i32
    %ne3A_165 = vector.broadcast %ne3A_164 : i32 to vector<8x128xi32>
    %ne3A_166 = arith.cmpi ne, %rem3A_163, %ne3A_165 : vector<8x128xi32>
    %and3A_167 = arith.andi %ne3A_161, %ne3A_166 : vector<8x128xi1>
    %sub3A_168 = arith.constant 1 : i32
    %sub3A_169 = vector.broadcast %sub3A_168 : i32 to vector<8x128xi32>
    %sub3A_170 = arith.subi %div3A_143, %sub3A_169 : vector<8x128xi32>
    %select_n3A_171 = arith.select %and3A_167, %sub3A_170, %div3A_143 : vector<8x128xi1>, vector<8x128xi32>
    %eq3A_172 = arith.cmpi eq, %iota3A_139, %select_n3A_171 : vector<8x128xi32>
    %convert_element_type3A_173 = arith.extui %eq3A_172 : vector<8x128xi1> to vector<8x128xi32>
    %convert_element_type3A_174 = arith.sitofp %convert_element_type3A_173 : vector<8x128xi32> to vector<8x128xf32>
    %dot_general3A_175 = arith.constant dense<0.000000e+00> : vector<1000x8xf32>
    %dot_general3A_176 = tpu.matmul %dot_general3A_96, %convert_element_type3A_138, %dot_general3A_175 {dimension_numbers = #tpu.dot_dimension_numbers<[1], [0], [0], [1], [0, 0, 1, 1], [], []>, transpose_lhs_hint = false} : vector<1000x128xf32>, vector<128x8xf32>, vector<1000x8xf32> -> vector<1000x8xf32>
    %mul3A_177 = arith.constant 6.250000e-02 : f32
    %mul3A_178 = vector.broadcast %mul3A_177 : f32 to vector<1000x8xf32>
    %mul3A_179 = arith.mulf %dot_general3A_176, %mul3A_178 : vector<1000x8xf32>
    %mul3A_180 = arith.mulf %dot_general3A_96, %dot_general3A_96 : vector<1000x128xf32>
    %dot_general3A_181 = arith.constant dense<0.000000e+00> : vector<1000x8xf32>
    %dot_general3A_182 = tpu.matmul %mul3A_180, %convert_element_type3A_138, %dot_general3A_181 {dimension_numbers = #tpu.dot_dimension_numbers<[1], [0], [0], [1], [0, 0, 1, 1], [], []>, transpose_lhs_hint = false} : vector<1000x128xf32>, vector<128x8xf32>, vector<1000x8xf32> -> vector<1000x8xf32>
    %mul3A_183 = arith.constant 6.250000e-02 : f32
    %mul3A_184 = vector.broadcast %mul3A_183 : f32 to vector<1000x8xf32>
    %mul3A_185 = arith.mulf %dot_general3A_182, %mul3A_184 : vector<1000x8xf32>
    %mul3A_186 = arith.mulf %mul3A_179, %mul3A_179 : vector<1000x8xf32>
    %sub3A_187 = arith.subf %mul3A_185, %mul3A_186 : vector<1000x8xf32>
    %add3A_188 = arith.constant 9.99999974E-6 : f32
    %add3A_189 = vector.broadcast %add3A_188 : f32 to vector<1000x8xf32>
    %add3A_190 = arith.addf %sub3A_187, %add3A_189 : vector<1000x8xf32>
    %rsqrt3A_191 = math.rsqrt %add3A_190 : vector<1000x8xf32>
    %dot_general3A_192 = arith.constant dense<0.000000e+00> : vector<1000x128xf32>
    %dot_general3A_193 = tpu.matmul %mul3A_179, %convert_element_type3A_174, %dot_general3A_192 {dimension_numbers = #tpu.dot_dimension_numbers<[1], [0], [0], [1], [0, 0, 1, 1], [], []>, transpose_lhs_hint = false} : vector<1000x8xf32>, vector<8x128xf32>, vector<1000x128xf32> -> vector<1000x128xf32>
    %dot_general3A_194 = arith.constant dense<0.000000e+00> : vector<1000x128xf32>
    %dot_general3A_195 = tpu.matmul %rsqrt3A_191, %convert_element_type3A_174, %dot_general3A_194 {dimension_numbers = #tpu.dot_dimension_numbers<[1], [0], [0], [1], [0, 0, 1, 1], [], []>, transpose_lhs_hint = false} : vector<1000x8xf32>, vector<8x128xf32>, vector<1000x128xf32> -> vector<1000x128xf32>
    %sub3A_196 = arith.subf %dot_general3A_96, %dot_general3A_193 : vector<1000x128xf32>
    %mul3A_197 = arith.mulf %sub3A_196, %dot_general3A_195 : vector<1000x128xf32>
    %mul3A_198 = vector.broadcast %get3A_99 : vector<1x128xf32> to vector<1000x128xf32>
    %mul3A_199 = arith.mulf %mul3A_197, %mul3A_198 : vector<1000x128xf32>
    %add3A_200 = vector.broadcast %get3A_102 : vector<1x128xf32> to vector<1000x128xf32>
    %add3A_201 = arith.addf %mul3A_199, %add3A_200 : vector<1000x128xf32>
    %get3A_202 = arith.constant 0 : index
    %get3A_203 = arith.constant 0 : index
    %get3A_204 = vector.load %arg2[%get3A_202, %get3A_203] : memref<1000x128xf32, #tpu.memory_space<vmem>>, vector<1000x128xf32>
    %get3A_205 = arith.constant 0 : index
    %get3A_206 = arith.constant 0 : index
    %get3A_207 = vector.load %arg8[%get3A_205, %get3A_206] : memref<128x128xf32, #tpu.memory_space<vmem>>, vector<128x128xf32>
    %dot_general3A_208 = arith.constant dense<0.000000e+00> : vector<1000x128xf32>
    %dot_general3A_209 = tpu.matmul %get3A_204, %get3A_207, %dot_general3A_208 {dimension_numbers = #tpu.dot_dimension_numbers<[1], [0], [0], [1], [0, 0, 1, 1], [], []>, transpose_lhs_hint = false} : vector<1000x128xf32>, vector<128x128xf32>, vector<1000x128xf32> -> vector<1000x128xf32>
    %get3A_210 = arith.constant 0 : index
    %get3A_211 = arith.constant 0 : index
    %get3A_212 = vector.load %arg9[%get3A_210, %get3A_211] : memref<1x128xf32, #tpu.memory_space<vmem>>, vector<1x128xf32>
    %get3A_213 = arith.constant 0 : index
    %get3A_214 = arith.constant 0 : index
    %get3A_215 = vector.load %arg10[%get3A_213, %get3A_214] : memref<1x128xf32, #tpu.memory_space<vmem>>, vector<1x128xf32>
    %iota3A_216 = tpu.iota {dimensions = array<i32: 0>} : vector<128x8xi32>
    %jit3A_217 = arith.constant 16 : i32
    %div3A_218 = vector.broadcast %jit3A_217 : i32 to vector<128x8xi32>
    %div3A_219 = arith.divsi %iota3A_216, %div3A_218 : vector<128x8xi32>
    %sign3A_220 = arith.constant 0 : i32
    %sign3A_221 = vector.broadcast %sign3A_220 : i32 to vector<128x8xi32>
    %sign3A_222 = arith.cmpi sgt, %iota3A_216, %sign3A_221 : vector<128x8xi32>
    %sign3A_223 = arith.extui %sign3A_222 : vector<128x8xi1> to vector<128x8xi32>
    %sign3A_224 = arith.constant 0 : i32
    %sign3A_225 = vector.broadcast %sign3A_224 : i32 to vector<128x8xi32>
    %sign3A_226 = arith.cmpi slt, %iota3A_216, %sign3A_225 : vector<128x8xi32>
    %sign3A_227 = arith.extui %sign3A_226 : vector<128x8xi1> to vector<128x8xi32>
    %sign3A_228 = arith.subi %sign3A_223, %sign3A_227 : vector<128x8xi32>
    %sign3A_229 = arith.constant 0 : i32
    %sign3A_230 = arith.cmpi sgt, %jit3A_217, %sign3A_229 : i32
    %sign3A_231 = arith.extui %sign3A_230 : i1 to i32
    %sign3A_232 = arith.constant 0 : i32
    %sign3A_233 = arith.cmpi slt, %jit3A_217, %sign3A_232 : i32
    %sign3A_234 = arith.extui %sign3A_233 : i1 to i32
    %sign3A_235 = arith.subi %sign3A_231, %sign3A_234 : i32
    %ne3A_236 = vector.broadcast %sign3A_235 : i32 to vector<128x8xi32>
    %ne3A_237 = arith.cmpi ne, %sign3A_228, %ne3A_236 : vector<128x8xi32>
    %rem3A_238 = vector.broadcast %jit3A_217 : i32 to vector<128x8xi32>
    %rem3A_239 = arith.remsi %iota3A_216, %rem3A_238 : vector<128x8xi32>
    %ne3A_240 = arith.constant 0 : i32
    %ne3A_241 = vector.broadcast %ne3A_240 : i32 to vector<128x8xi32>
    %ne3A_242 = arith.cmpi ne, %rem3A_239, %ne3A_241 : vector<128x8xi32>
    %and3A_243 = arith.andi %ne3A_237, %ne3A_242 : vector<128x8xi1>
    %sub3A_244 = arith.constant 1 : i32
    %sub3A_245 = vector.broadcast %sub3A_244 : i32 to vector<128x8xi32>
    %sub3A_246 = arith.subi %div3A_219, %sub3A_245 : vector<128x8xi32>
    %select_n3A_247 = arith.select %and3A_243, %sub3A_246, %div3A_219 : vector<128x8xi1>, vector<128x8xi32>
    %iota3A_248 = tpu.iota {dimensions = array<i32: 1>} : vector<128x8xi32>
    %eq3A_249 = arith.cmpi eq, %select_n3A_247, %iota3A_248 : vector<128x8xi32>
    %convert_element_type3A_250 = arith.extui %eq3A_249 : vector<128x8xi1> to vector<128x8xi32>
    %convert_element_type3A_251 = arith.sitofp %convert_element_type3A_250 : vector<128x8xi32> to vector<128x8xf32>
    %iota3A_252 = tpu.iota {dimensions = array<i32: 0>} : vector<8x128xi32>
    %iota3A_253 = tpu.iota {dimensions = array<i32: 1>} : vector<8x128xi32>
    %jit3A_254 = arith.constant 16 : i32
    %div3A_255 = vector.broadcast %jit3A_254 : i32 to vector<8x128xi32>
    %div3A_256 = arith.divsi %iota3A_253, %div3A_255 : vector<8x128xi32>
    %sign3A_257 = arith.constant 0 : i32
    %sign3A_258 = vector.broadcast %sign3A_257 : i32 to vector<8x128xi32>
    %sign3A_259 = arith.cmpi sgt, %iota3A_253, %sign3A_258 : vector<8x128xi32>
    %sign3A_260 = arith.extui %sign3A_259 : vector<8x128xi1> to vector<8x128xi32>
    %sign3A_261 = arith.constant 0 : i32
    %sign3A_262 = vector.broadcast %sign3A_261 : i32 to vector<8x128xi32>
    %sign3A_263 = arith.cmpi slt, %iota3A_253, %sign3A_262 : vector<8x128xi32>
    %sign3A_264 = arith.extui %sign3A_263 : vector<8x128xi1> to vector<8x128xi32>
    %sign3A_265 = arith.subi %sign3A_260, %sign3A_264 : vector<8x128xi32>
    %sign3A_266 = arith.constant 0 : i32
    %sign3A_267 = arith.cmpi sgt, %jit3A_254, %sign3A_266 : i32
    %sign3A_268 = arith.extui %sign3A_267 : i1 to i32
    %sign3A_269 = arith.constant 0 : i32
    %sign3A_270 = arith.cmpi slt, %jit3A_254, %sign3A_269 : i32
    %sign3A_271 = arith.extui %sign3A_270 : i1 to i32
    %sign3A_272 = arith.subi %sign3A_268, %sign3A_271 : i32
    %ne3A_273 = vector.broadcast %sign3A_272 : i32 to vector<8x128xi32>
    %ne3A_274 = arith.cmpi ne, %sign3A_265, %ne3A_273 : vector<8x128xi32>
    %rem3A_275 = vector.broadcast %jit3A_254 : i32 to vector<8x128xi32>
    %rem3A_276 = arith.remsi %iota3A_253, %rem3A_275 : vector<8x128xi32>
    %ne3A_277 = arith.constant 0 : i32
    %ne3A_278 = vector.broadcast %ne3A_277 : i32 to vector<8x128xi32>
    %ne3A_279 = arith.cmpi ne, %rem3A_276, %ne3A_278 : vector<8x128xi32>
    %and3A_280 = arith.andi %ne3A_274, %ne3A_279 : vector<8x128xi1>
    %sub3A_281 = arith.constant 1 : i32
    %sub3A_282 = vector.broadcast %sub3A_281 : i32 to vector<8x128xi32>
    %sub3A_283 = arith.subi %div3A_256, %sub3A_282 : vector<8x128xi32>
    %select_n3A_284 = arith.select %and3A_280, %sub3A_283, %div3A_256 : vector<8x128xi1>, vector<8x128xi32>
    %eq3A_285 = arith.cmpi eq, %iota3A_252, %select_n3A_284 : vector<8x128xi32>
    %convert_element_type3A_286 = arith.extui %eq3A_285 : vector<8x128xi1> to vector<8x128xi32>
    %convert_element_type3A_287 = arith.sitofp %convert_element_type3A_286 : vector<8x128xi32> to vector<8x128xf32>
    %dot_general3A_288 = arith.constant dense<0.000000e+00> : vector<1000x8xf32>
    %dot_general3A_289 = tpu.matmul %dot_general3A_209, %convert_element_type3A_251, %dot_general3A_288 {dimension_numbers = #tpu.dot_dimension_numbers<[1], [0], [0], [1], [0, 0, 1, 1], [], []>, transpose_lhs_hint = false} : vector<1000x128xf32>, vector<128x8xf32>, vector<1000x8xf32> -> vector<1000x8xf32>
    %mul3A_290 = arith.constant 6.250000e-02 : f32
    %mul3A_291 = vector.broadcast %mul3A_290 : f32 to vector<1000x8xf32>
    %mul3A_292 = arith.mulf %dot_general3A_289, %mul3A_291 : vector<1000x8xf32>
    %mul3A_293 = arith.mulf %dot_general3A_209, %dot_general3A_209 : vector<1000x128xf32>
    %dot_general3A_294 = arith.constant dense<0.000000e+00> : vector<1000x8xf32>
    %dot_general3A_295 = tpu.matmul %mul3A_293, %convert_element_type3A_251, %dot_general3A_294 {dimension_numbers = #tpu.dot_dimension_numbers<[1], [0], [0], [1], [0, 0, 1, 1], [], []>, transpose_lhs_hint = false} : vector<1000x128xf32>, vector<128x8xf32>, vector<1000x8xf32> -> vector<1000x8xf32>
    %mul3A_296 = arith.constant 6.250000e-02 : f32
    %mul3A_297 = vector.broadcast %mul3A_296 : f32 to vector<1000x8xf32>
    %mul3A_298 = arith.mulf %dot_general3A_295, %mul3A_297 : vector<1000x8xf32>
    %mul3A_299 = arith.mulf %mul3A_292, %mul3A_292 : vector<1000x8xf32>
    %sub3A_300 = arith.subf %mul3A_298, %mul3A_299 : vector<1000x8xf32>
    %add3A_301 = arith.constant 9.99999974E-6 : f32
    %add3A_302 = vector.broadcast %add3A_301 : f32 to vector<1000x8xf32>
    %add3A_303 = arith.addf %sub3A_300, %add3A_302 : vector<1000x8xf32>
    %rsqrt3A_304 = math.rsqrt %add3A_303 : vector<1000x8xf32>
    %dot_general3A_305 = arith.constant dense<0.000000e+00> : vector<1000x128xf32>
    %dot_general3A_306 = tpu.matmul %mul3A_292, %convert_element_type3A_287, %dot_general3A_305 {dimension_numbers = #tpu.dot_dimension_numbers<[1], [0], [0], [1], [0, 0, 1, 1], [], []>, transpose_lhs_hint = false} : vector<1000x8xf32>, vector<8x128xf32>, vector<1000x128xf32> -> vector<1000x128xf32>
    %dot_general3A_307 = arith.constant dense<0.000000e+00> : vector<1000x128xf32>
    %dot_general3A_308 = tpu.matmul %rsqrt3A_304, %convert_element_type3A_287, %dot_general3A_307 {dimension_numbers = #tpu.dot_dimension_numbers<[1], [0], [0], [1], [0, 0, 1, 1], [], []>, transpose_lhs_hint = false} : vector<1000x8xf32>, vector<8x128xf32>, vector<1000x128xf32> -> vector<1000x128xf32>
    %sub3A_309 = arith.subf %dot_general3A_209, %dot_general3A_306 : vector<1000x128xf32>
    %mul3A_310 = arith.mulf %sub3A_309, %dot_general3A_308 : vector<1000x128xf32>
    %mul3A_311 = vector.broadcast %get3A_212 : vector<1x128xf32> to vector<1000x128xf32>
    %mul3A_312 = arith.mulf %mul3A_310, %mul3A_311 : vector<1000x128xf32>
    %add3A_313 = vector.broadcast %get3A_215 : vector<1x128xf32> to vector<1000x128xf32>
    %add3A_314 = arith.addf %mul3A_312, %add3A_313 : vector<1000x128xf32>
    %add3A_315 = arith.addf %add3A_201, %add3A_314 : vector<1000x128xf32>
    %swap3A = arith.constant 0 : index
    %swap3A_316 = arith.constant 0 : index
    %swap3A_317 = vector.load %arg11[%swap3A, %swap3A_316] : memref<1000x128xf32, #tpu.memory_space<vmem>>, vector<1000x128xf32>
    tpu.vector_store %arg11[%swap3A, %swap3A_316], %add3A_315 {strides = array<i32>} : memref<1000x128xf32, #tpu.memory_space<vmem>>, vector<1000x128xf32>,
    return
  }
  func.func @transform_0(%arg0: i32) -> (i32, i32) {
    %c0_i32 = arith.constant 0 : i32
    %c0_i32_0 = arith.constant 0 : i32
    return %arg0, %c0_i32 : i32, i32
  }
  func.func @transform_1(%arg0: i32) -> (i32, i32) {
    %c0_i32 = arith.constant 0 : i32
    %c0_i32_0 = arith.constant 0 : i32
    return %arg0, %c0_i32 : i32, i32
  }
  func.func @transform_2(%arg0: i32) -> (i32, i32) {
    %c0_i32 = arith.constant 0 : i32
    %c0_i32_0 = arith.constant 0 : i32
    %c0_i32_1 = arith.constant 0 : i32
    return %c0_i32, %c0_i32_0 : i32, i32
  }
  func.func @transform_3(%arg0: i32) -> (i32, i32) {
    %c0_i32 = arith.constant 0 : i32
    %c0_i32_0 = arith.constant 0 : i32
    %c0_i32_1 = arith.constant 0 : i32
    return %c0_i32, %c0_i32_0 : i32, i32
  }
  func.func @transform_4(%arg0: i32) -> (i32, i32) {
    %c0_i32 = arith.constant 0 : i32
    %c0_i32_0 = arith.constant 0 : i32
    %c0_i32_1 = arith.constant 0 : i32
    return %c0_i32, %c0_i32_0 : i32, i32
  }
  func.func @transform_5(%arg0: i32) -> (i32, i32) {
    %c0_i32 = arith.constant 0 : i32
    %c0_i32_0 = arith.constant 0 : i32
    %c0_i32_1 = arith.constant 0 : i32
    return %c0_i32, %c0_i32_0 : i32, i32
  }
  func.func @transform_6(%arg0: i32) -> (i32, i32) {
    %c0_i32 = arith.constant 0 : i32
    %c0_i32_0 = arith.constant 0 : i32
    %c0_i32_1 = arith.constant 0 : i32
    return %c0_i32, %c0_i32_0 : i32, i32
  }
  func.func @transform_7(%arg0: i32) -> (i32, i32) {
    %c0_i32 = arith.constant 0 : i32
    %c0_i32_0 = arith.constant 0 : i32
    %c0_i32_1 = arith.constant 0 : i32
    return %c0_i32, %c0_i32_0 : i32, i32
  }
  func.func @transform_8(%arg0: i32) -> (i32, i32) {
    %c0_i32 = arith.constant 0 : i32
    %c0_i32_0 = arith.constant 0 : i32
    %c0_i32_1 = arith.constant 0 : i32
    return %c0_i32, %c0_i32_0 : i32, i32
  }
  func.func @transform_9(%arg0: i32) -> (i32, i32) {
    %c0_i32 = arith.constant 0 : i32
    %c0_i32_0 = arith.constant 0 : i32
    %c0_i32_1 = arith.constant 0 : i32
    return %c0_i32, %c0_i32_0 : i32, i32
  }
  func.func @transform_10(%arg0: i32) -> (i32, i32) {
    %c0_i32 = arith.constant 0 : i32
    %c0_i32_0 = arith.constant 0 : i32
    return %arg0, %c0_i32 : i32, i32
  }
}

</mosaic_0001>

<sc_bundles>
// kernel: kernel.11.cloned.1.call-start
scs
__scs_entry_jumppad:
0x0: {  	(pc) =	sbr.rel $0x88, $3  }
0x1: {  	(tag) =	ssettag $0x0;
	lr =	simm.s32 $0x1  }
0x2: {  	[smem:$0x3F90] =	sst lr;
	_ =	strace $0xD0000000  }
0x3: {  	_ = 	snop  }
0x4: {  	_ = 	snop  }
0x5: {  	_ = 	snop  }
0x6: {  	_ = 	snop  }
0x7: {  	_ = 	snop  }
__scs_overlays_trampoline_lowered:
0x8: {  	[smem:$0x3F9F] =	sst s0  }
0x9: {  	[smem:$0x3FA0] =	sst s1  }
0xa: {  	[smem:$0x3FA1] =	sst s2  }
0xb: {  	[smem:$0x3FA2] =	sst s3  }
0xc: {  	[smem:$0x3FA3] =	sst s4  }
0xd: {  	[smem:$0x3FA4] =	sst s5  }
0xe: {  	[smem:$0x3FA5] =	sst s6  }
0xf: {  	[smem:$0x3FA6] =	sst s7  }
0x10: {  	[smem:$0x3FA7] =	sst s8  }
0x11: {  	[smem:$0x3FA8] =	sst s9;
	s0 =	simm.s32 @!p0 $0x0  }
0x12: {  	s1 =	sld [smem:$0x3F8E];
	s0 =	simm.s32 @p0 $0x1  }
0x13: {  	[smem:$0x3FA9] =	sst s0;
	s0 =	simm.s32 @!p1 $0x0  }
0x14: {  	s2 =	sld [smem:$0x3F8D];
	s0 =	simm.s32 @p1 $0x1  }
0x15: {  	[smem:$0x3FAA] =	sst s0;
	s0 =	simm.s32 @!p2 $0x0  }
0x16: {  	s3 =	sld [smem:$0x3FDB];
	s0 =	simm.s32 @p2 $0x1  }
0x17: {  	s4 =	simm.s32 $0x1BF5;
	[smem:$0x3FAC] =	sst s0  }
0x18: {  	s0 =	sld [smem:$0x3F8F];
	_ =	swait.ge [sflag:s4], $0x0  }
0x19: {  	s7 =	sld [smem:$0x3F90]  }
0x1a: {  	s8 =	sadd.s32 $0xFFFFE003, lr  }
0x1b: {  	s9 =	sadd.s32 $0xFFFFFEF7, lr;
	s5 =	simm.s32 $0xFFFFFFFF;
	p2 =	slt.u32 s8, $0xFFFFF086  }
0x1c: {  	p1 =	slt.u32 s9, $0xF7A;
	s5 =	simm.s32 @!p2 $0x0  }
0x1d: {  	s5 =	simm.s32 @p1 $0x1;
	p0 =	seq.s32 s7, s2  }
0x1e: {  	s7 =	smul.u32 @!p0 $0xF7A, s2;
	p2 =	seq.s32 @!p0 s5, $0x0  }
0x1f: {  	s9 =	smul.u32 $0xF7A, s1;
	s8 =	simm.s32 @!p0 $0x1BF5;
	p2 =	por !p2, p0  }
0x20: {  	[sflag:s8] =	ssyncset.s32 @!p0 $0xFFFFF086;
	s6 =	sadd.s32 @!p0 s3, s7;
	s7 =	simm.s32 @!p0 $0x108  }
0x21: {  	s3 =	sadd.s32 s3, s9;
	s6 =	sadd.s32 @!p0 $0x88, s6;
	s7 =	simm.s32 @p2 $0x1082  }
0x22: {  	[simem:s7], [sflag:s8] =	dma.local @!p0 [hbm:s6], $0xF7A  }
0x23: {  	s9 =	sor.u32 $0xD0000000, s2;
	s6 =	simm.s32 $0x108;
	_ =	swait.ge @!p0 [sflag:s8], $0x0  }
0x24: {  	s3 =	sadd.s32 $0x88, s3;
	s6 =	simm.s32 @!p1 $0x1082;
	[sflag:s4] =	ssyncset.s32 $0xFFFFF086  }
0x25: {  	[simem:s6], [sflag:s4] =	dma.local [hbm:s3], $0xF7A  }
0x26: {  	[smem:$0x3F90] =	sst s1;
	(tag) =	ssettag s2;
	_ =	strace s9  }
0x27: {  	s1 =	sld [smem:$0x3FA0]  }
0x28: {  	s2 =	sld [smem:$0x3FA1]  }
0x29: {  	s4 =	sld [smem:$0x3FA3]  }
0x2a: {  	p0 =	seq.s32 s5, $0x0;
	s5 =	sld [smem:$0x3FA4]  }
0x2b: {  	s6 =	sld [smem:$0x3FA5]  }
0x2c: {  	s7 =	sld [smem:$0x3FA6]  }
0x2d: {  	s3 =	simm.s32 $0x108;
	s8 =	sld [smem:$0x3FA7]  }
0x2e: {  	s3 =	simm.s32 @!p0 $0x1082;
	s9 =	sld [smem:$0x3FA8]  }
0x2f: {  	lr =	sadd.s32 s0, s3;
	s0 =	sld [smem:$0x3F9F]  }
0x30: {  	s3 =	sld [smem:$0x3FA2]  }
0x31: {  	[smem:$0x3FAB] =	sst s10  }
0x32: {  	s10 =	sld [smem:$0x3FA9];
	_ =	sdelay $0x3  }
0x33: {  	p0 =	seq.s32 s10, $0x1;
	s10 =	sld [smem:$0x3FAB];
	_ =	sdelay $0x3  }
0x34: {  	[smem:$0x3FAB] =	sst s10  }
0x35: {  	s10 =	sld [smem:$0x3FAA];
	_ =	sdelay $0x3  }
0x36: {  	p1 =	seq.s32 s10, $0x1;
	s10 =	sld [smem:$0x3FAB];
	_ =	sdelay $0x3  }
0x37: {  	[smem:$0x3FAB] =	sst s10  }
0x38: {  	s10 =	sld [smem:$0x3FAC]  }
0x39: {  	_ = 	snop;
	(pc) =	sbr.ind lr, $3  }
0x3a: {  	_ = 	snop  }
0x3b: {  	_ = 	snop  }
0x3c: {  	p2 =	seq.s32 s10, $0x1;
	s10 =	sld [smem:$0x3FAB]  }
0x3d: {  	_ =	shalt  }
0x3e: {  	_ =	shalt  }
0x3f: {  	_ =	shalt  }
0x40: {  	_ =	shalt  }
0x41: {  	_ =	shalt  }
0x42: {  	_ =	shalt  }
0x43: {  	_ =	shalt  }
0x44: {  	_ =	shalt  }
0x45: {  	_ =	shalt  }
0x46: {  	_ =	shalt  }
0x47: {  	_ =	shalt  }
0x48: {  	_ =	shalt  }
0x49: {  	_ =	shalt  }
0x4a: {  	_ =	shalt  }
0x4b: {  	_ =	shalt  }
0x4c: {  	_ =	shalt  }
0x4d: {  	_ =	shalt  }
0x4e: {  	_ =	shalt  }
0x4f: {  	_ =	shalt  }
0x50: {  	_ =	shalt  }
0x51: {  	_ =	shalt  }
0x52: {  	_ =	shalt  }
0x53: {  	_ =	shalt  }
0x54: {  	_ =	shalt  }
0x55: {  	_ =	shalt  }
0x56: {  	_ =	shalt  }
0x57: {  	_ =	shalt  }
0x58: {  	_ =	shalt  }
0x59: {  	_ =	shalt  }
0x5a: {  	_ =	shalt  }
0x5b: {  	_ =	shalt  }
0x5c: {  	_ =	shalt  }
0x5d: {  	_ =	shalt  }
0x5e: {  	_ =	shalt  }
0x5f: {  	_ =	shalt  }
0x60: {  	_ =	shalt  }
0x61: {  	_ =	shalt  }
0x62: {  	_ =	shalt  }
0x63: {  	_ =	shalt  }
0x64: {  	_ =	shalt  }
0x65: {  	_ =	shalt  }
0x66: {  	_ =	shalt  }
0x67: {  	_ =	shalt  }
0x68: {  	_ =	shalt  }
0x69: {  	_ =	shalt  }
0x6a: {  	_ =	shalt  }
0x6b: {  	_ =	shalt  }
0x6c: {  	_ =	shalt  }
0x6d: {  	_ =	shalt  }
0x6e: {  	_ =	shalt  }
0x6f: {  	_ =	shalt  }
0x70: {  	_ =	shalt  }
0x71: {  	_ =	shalt  }
0x72: {  	_ =	shalt  }
0x73: {  	_ =	shalt  }
0x74: {  	_ =	shalt  }
0x75: {  	_ =	shalt  }
0x76: {  	_ =	shalt  }
0x77: {  	_ =	shalt  }
0x78: {  	_ =	shalt  }
0x79: {  	_ =	shalt  }
0x7a: {  	_ =	shalt  }
0x7b: {  	_ =	shalt  }
0x7c: {  	_ =	shalt  }
0x7d: {  	_ =	shalt  }
0x7e: {  	_ =	shalt  }
0x7f: {  	_ =	shalt  }
0x80: {  	_ =	shalt  }
0x81: {  	_ =	shalt  }
0x82: {  	_ =	shalt  }
0x83: {  	_ =	shalt  }
0x84: {  	_ =	shalt  }
0x85: {  	_ =	shalt  }
0x86: {  	_ =	shalt  }
0x87: {  	_ =	shalt  }
.Lfunc_end0:
.L_simem_size_0:
called_computation.1_lowered:
.L_overlay_start_0:
0x88: {  	s2 =	sld [smem:$0x3FD9]  }
0x89: {  	s3 =	sld [smem:$0x3FFE];
	_ =	sdelay $0x1  }
0x8a: {  	s1 =	srdreg.scid  }
0x8b: {  	s0 =	sand.u32 $0x1, s1  }
0x8c: {  	s18 =	sshll.u32 s0, $0xA;
	s2 =	sadd.s32 s3, s2  }
0x8d: {  	s2 =	sadd.s32 s2, s18  }
0x8e: {  	[smem:$0x3FB7] =	sst s2  }
0x8f: {  	_ = 	snop  }
0x90: {  	s19 =	sld [smem:$0x3FC9]  }
0x91: {  	s5 =	sld [smem:$0x3FB9]  }
0x92: {  	s4 =	sld [smem:$0x3FD0];
	(tm) =	ssettm $0x1  }
0x93: {  	s20 =	sld [smem:$0x3FFB];
	_ =	sdelay $0x3  }
0x94: {  	_ =	strace s20  }
0x95: {  	s2 =	sld [smem:$0x3FFC];
	_ =	sdelay $0x3  }
0x96: {  	_ =	strace s2  }
0x97: {  	s2 =	sld [smem:$0x3FFD];
	_ =	sdelay $0x3  }
0x98: {  	_ =	strace s2  }
0x99: {  	_ =	strace $0x8FFFFFFF  }
0x9a: {  	s21 =	sld [smem:$0x3FDB];
	_ =	sdelay $0x1  }
0x9b: {  	s6 =	simm.s32 $_scs_section_size  }
0x9c: {  	s7 =	simm.s32 $_size__tile_overlayer_lowered;
	s8 =	simm.s32 $_tile_overlayer_lowered  }
0x9d: {  	s9 =	simm.s32 $0x1BFF;
	s22 =	sshll.u32 s8, $0x1;
	s6 =	sadd.s32 s6, s21  }
0x9e: {  	s23 =	simm.s32 $0x0;
	s7 =	sshll.u32 s7, $0x1;
	s8 =	sadd.s32 s22, s6  }
0x9f: {  	[timem:s23], [sflag:s9] =	dma.local [hbm:s8], s7  }
0xa0: {  	_ =	swait.ge [sflag:s9], s7  }
0xa1: {  	s7 =	ssub.s32 $0x0, s7;
	[sflag:s9] =	ssyncset.done $0x0  }
0xa2: {  	[sflag:s9] =	ssyncadd.s32 s7;
	_ =	sdelay $0x1  }
0xa3: {  	s24 =	simm.s32 $0x1B8B  }
0xa4: {  	_ =	swait.ge [sflag:s24], $0x1  }
0xa5: {  	[sflag:s24] =	ssyncset.done $0x0  }
0xa6: {  	[sflag:s24] =	ssyncadd.s32 $0xFFFFFFFF  }
0xa7: {  	s7 =	sld [smem:$0x0]  }
0xa8: {  	s8 =	sand.u32 $0xFFFFFFFE, s1  }
0xa9: {  	p0 =	sne.s32 s1, s8  }
0xaa: {  	s8 =	sshll.u32 @p0 s8, $0xE  }
0xab: {  	s8 =	sadd.s32 @p0 $0x11B8D, s8;
	s9 =	sshll.u32 @p0 s7, $0x11  }
0xac: {  	s8 =	sor.u32 @p0 s9, s8  }
0xad: {  	[sflag:s8] =	ssyncadd.remote.s32 @p0 $0x1;
	_ =	sdelay $0x1  }
0xae: {  	s8 =	simm.s32 @p0 $0x1B8D  }
0xaf: {  	_ =	swait.eq @p0 [sflag:s8], $0x1  }
0xb0: {  	[sflag:s8] =	ssyncadd.s32 @p0 $0xFFFFFFFF  }
0xb1: {  	s9 =	sshll.u32 @!p0 s1, $0xE  }
0xb2: {  	s9 =	sor.u32 @!p0 $0x4000, s9;
	s8 =	simm.s32 @!p0 $0x1B8D  }
0xb3: {  	s7 =	sshll.u32 @!p0 s7, $0x11;
	s9 =	sadd.s32 @!p0 $0x11B8D, s9;
	_ =	swait.eq @!p0 [sflag:s8], $0x1  }
0xb4: {  	s7 =	sor.u32 @!p0 s7, s9;
	[sflag:s8] =	ssyncadd.s32 @!p0 $0xFFFFFFFF  }
0xb5: {  	s25 =	simm.s32 $0x1B8E;
	[sflag:s7] =	ssyncadd.remote.s32 @!p0 $0x1  }
0xb6: {  	s26 =	simm.s32 $execute0_lowered;
	[smem:$0x3FD2] =	sst s25  }
0xb7: {  	s7 =	sshll.u32 s26, $0x1;
	_ =	strace $0x80000049;
	[dreg:$0x1] =	wrdreg $0xFFFFFFFF  }
0xb8: {  	s28 =	simm.s32 $_size_execute0_lowered;
	s6 =	sadd.s32 s6, s7;
	[dreg:$0x0] =	wrdreg $0x0  }
0xb9: {  	s7 =	sshll.u32 s28, $0x1;
	[dreg:$0x2] =	wrdreg s6  }
0xba: {  	[dreg:$0x3] =	wrdreg s7  }
0xbb: {  	[dreg:$0x4] =	wrdreg $0xC0  }
0xbc: {  	_ =	task [dreg:s23], $0x5FFFF  }
0xbd: {  	[dreg:$0x1] =	wrdreg $0xFFFFFFFF  }
0xbe: {  	[dreg:$0x0] =	wrdreg $0x60  }
0xbf: {  	[dreg:$0x2] =	wrdreg s5  }
0xc0: {  	[dreg:$0x3] =	wrdreg s19  }
0xc1: {  	[dreg:$0x4] =	wrdreg s4  }
0xc2: {  	[dreg:$0x5] =	wrdreg $0x9  }
0xc3: {  	_ =	task.clear_ibuf [dreg:s23], $0x6FFFF;
	_ =	strace $0x90000049  }
0xc4: {  	s29 =	simm.s32 $0x9;
	_ =	strace $0x8000004B  }
0xc5: {  	_ =	swait.ge [sflag:s29], $0x1  }
0xc6: {  	[sflag:s29] =	ssyncadd.s32 $0xFFFFFFFF  }
0xc7: {  	_ =	strace $0x9000004B  }
0xc8: {  	_ =	sfence  }
0xc9: {  	s30 =	sld [smem:$0x0];
	_ =	sdelay $0x2  }
0xca: {  	s31 =	sshll.u32 s1, $0xD;
	s1 =	sshrl.u32 s1, $0x2  }
0xcb: {  	s4 =	sand.u32 $0x4000, s31;
	s1 =	sadd.s32 s1, s30  }
0xcc: {  	s0 =	sor.u32 s4, s0;
	s1 =	sshll.u32 s1, $0x11  }
0xcd: {  	s0 =	sor.u32 s1, s0  }
0xce: {  	s0 =	sadd.s32 $0x8F2B, s0  }
0xcf: {  	[sflag:s0] =	ssyncadd.remote.s32 $0x1  }
0xd0: {  	_ =	sfence.sel $0xFFFF  }
0xd1: {  	[dreg:$0x0] =	wrdreg $0xFFFFFFFF;
	(pc) =	sbr.abs _section_cstart, $3  }
0xd2: {  	[dreg:$0x1] =	wrdreg $0xFFFFFFFF  }
0xd3: {  	_ =	task.clear_ibuf [dreg:s23], $0x2FFFF;
	_ =	strace $0x9FFFFFFF  }
0xd4: {  	(tm) =	ssettm $0x7FFFFFFF  }
0xd5: {  	_ =	shalt  }
tec
execute0_lowered:
.L_overlay_start_1:
0x0: {  	(tag) =	ssettag $0x1  }
0x1: {  	s0 =	srdreg.scid;
	s4 =	rddreg [dreg:$0x0]  }
0x2: {  	s2 =	rddreg [dreg:$0x1];
	s7 =	sand.u32 $0x1, s0;
	s0 =	stileid.u32  }
0x3: {  	s5 =	rddreg [dreg:$0x2];
	s8 =	smul.u32 $0xA, s0  }
0x4: {  	s1 =	rddreg [dreg:$0x3];
	s9 =	smul.u32 $0x5, s7  }
0x5: {  	s3 =	ssub.s32 $0x2, s7;
	s30 =	smul.u32 $0x500, s0;
	s10 =	sshll.u32 s0, $0x1  }
0x6: {  	s31 =	smul.u32 $0x280, s7;
	s6 =	sshrl.u32 s3, $0x1;
	s7 =	sor.u32 s7, s10  }
0x7: {  	s6 =	ssub.s32 s3, s6;
	s3 =	simm.s32 $0x0;
	s4 =	sadd.s32 s8, s4  }
0x8: {  	s8 =	sadd.s32 s30, s5;
	[smem:$0x7FF] =	sst s3;
	s4 =	sadd.s32 s9, s4  }
0x9: {  	s5 =	smax.u32 s6, $0x1;
	s6 =	sadd.s32 s31, s8;
	_ =	strace $0x8000004A  }
.LBB2_1:
0xa: {  	s8 =	sadd.s32 $0x0, s7  }
0xb: {  	p0 =	sgt.u32 s8, $0x270  }
0xc: {  	s8 =	simm.s32 @!p0 $0x0;
	s10 =	simm.s32 @!p0 $0x2  }
0xd: {  	[tilespmem:s8], [sflag:$0x2] =	stream.linear.gather @!p0 [hbm4b:s4+s8], $0x28, $0x38;
	[tilespmem:$0x1480] =	vst v63  }
0xe: {  	_ =	swait.ge @!p0 [sflag:s10], $0x28  }
0xf: {  	[sflag:s10] =	ssyncset.done @!p0 $0x0;
	p0 =	por p0, p0  }
0x10: {  	[sflag:s10] =	ssyncadd.s32 @!p0 $0xFFFFFFD8;
	s9 =	simm.s32 @!p0 $0x28;
	s12 =	simm.s32 @!p0 $0x80  }
0x11: {  	[tilespmem:s12], [sflag:$0x2] =	stream.indirect.gather @!p0 [hbm4b:s2+s9], $0x80, s8, s9, $0xb8;
	[tilespmem:$0x1480] =	vst v63  }
0x12: {  	_ =	swait.ge @!p0 [sflag:s10], $0x1400  }
0x13: {  	[sflag:s10] =	ssyncset.done @!p0 $0x0  }
0x14: {  	s31 =	sadd.s32 $0x20, s7;
	s11 =	simm.s32 @!p0 $0x1;
	[sflag:s10] =	ssyncadd.s32 @!p0 $0xFFFFEC00  }
0x15: {  	[hbm4b:s6+s8] =	stream.linear.scatter @!p0 [tilespmem:s12], [sflag:$0x1], $0x1400, $0x38;
	[tilespmem:$0x1480] =	vst v63  }
0x16: {  	p1 =	sgt.u32 s31, $0x270;
	s9 =	simm.s32 $0x40;
	_ =	swait.ge @!p0 [sflag:s11], $0x1400  }
0x17: {  	s10 =	sadd.s32 $0xA0, s4;
	s8 =	sadd.s32 $0x5000, s6;
	[sflag:s11] =	ssyncset.done @!p0 $0x0  }
.LBB2_2:
0x18: {  	s12 =	simm.s32 @!p1 $0x0;
	s13 =	simm.s32 @!p1 $0x2;
	[sflag:s11] =	ssyncadd.s32 @!p0 $0xFFFFEC00  }
0x19: {  	[tilespmem:s12], [sflag:$0x2] =	stream.linear.gather @!p1 [hbm4b:s10+s12], $0x28, $0x38;
	[tilespmem:$0x1480] =	vst v63  }
0x1a: {  	s14 =	smov.u32 s9;
	s9 =	sadd.s32 $0x20, s9;
	_ =	swait.ge @!p1 [sflag:s13], $0x28  }
0x1b: {  	p0 =	por p1, p1;
	p2 =	sne.s32 s9, $0x280;
	[sflag:s13] =	ssyncset.done @!p1 $0x0  }
0x1c: {  	s11 =	simm.s32 @!p0 $0x28;
	s15 =	simm.s32 @!p0 $0x80;
	[sflag:s13] =	ssyncadd.s32 @!p0 $0xFFFFFFD8  }
0x1d: {  	[tilespmem:s15], [sflag:$0x2] =	stream.indirect.gather @!p0 [hbm4b:s2+s11], $0x80, s12, s11, $0xb8;
	[tilespmem:$0x1480] =	vst v63  }
0x1e: {  	_ =	swait.ge @!p0 [sflag:s13], $0x1400  }
.Ltmp0:
0x1f: {  	[sflag:s13] =	ssyncset.done @!p0 $0x0;
	(pc) =	sbr.rel @p2 .LBB2_2-.Ltmp0, $4  }
0x20: {  	s11 =	simm.s32 @!p0 $0x1;
	[sflag:s13] =	ssyncadd.s32 @!p0 $0xFFFFEC00  }
0x21: {  	[hbm4b:s8+s12] =	stream.linear.scatter @!p0 [tilespmem:s15], [sflag:$0x1], $0x1400, $0x38;
	[tilespmem:$0x1480] =	vst v63  }
0x22: {  	s12 =	sadd.s32 s14, s7;
	s8 =	sadd.s32 $0x5000, s8;
	_ =	swait.ge @!p0 [sflag:s11], $0x1400  }
0x23: {  	s10 =	sadd.s32 $0xA0, s10;
	p1 =	sgt.u32 s12, $0x270;
	[sflag:s11] =	ssyncset.done @!p0 $0x0  }
0x24: {  	s9 =	simm.s32 @!p1 $0x0;
	s12 =	simm.s32 @!p1 $0x2;
	[sflag:s11] =	ssyncadd.s32 @!p0 $0xFFFFEC00  }
0x25: {  	[tilespmem:s9], [sflag:$0x2] =	stream.linear.gather @!p1 [hbm4b:s10+s9], $0x28, $0x38;
	[tilespmem:$0x1480] =	vst v63  }
0x26: {  	_ =	swait.ge @!p1 [sflag:s12], $0x28  }
0x27: {  	p0 =	por p1, p1;
	[sflag:s12] =	ssyncset.done @!p1 $0x0  }
0x28: {  	s10 =	simm.s32 @!p0 $0x28;
	s11 =	simm.s32 @!p0 $0x80;
	[sflag:s12] =	ssyncadd.s32 @!p0 $0xFFFFFFD8  }
0x29: {  	[tilespmem:s11], [sflag:$0x2] =	stream.indirect.gather @!p0 [hbm4b:s2+s10], $0x80, s9, s10, $0xb8;
	[tilespmem:$0x1480] =	vst v63  }
0x2a: {  	s3 =	sadd.s32 $0x1, s3;
	_ =	swait.ge @!p0 [sflag:s12], $0x1400  }
0x2b: {  	p1 =	sne.s32 s3, s5;
	[sflag:s12] =	ssyncset.done @!p0 $0x0  }
.Ltmp1:
0x2c: {  	s10 =	simm.s32 @!p0 $0x1;
	[sflag:s12] =	ssyncadd.s32 @!p0 $0xFFFFEC00;
	(pc) =	sbr.rel @p1 .LBB2_1-.Ltmp1, $4  }
0x2d: {  	[hbm4b:s8+s9] =	stream.linear.scatter @!p0 [tilespmem:s11], [sflag:$0x1], $0x1400, $0x38;
	[tilespmem:$0x1480] =	vst v63  }
0x2e: {  	_ =	swait.ge @!p0 [sflag:s10], $0x1400  }
0x2f: {  	[sflag:s10] =	ssyncset.done @!p0 $0x0  }
0x30: {  	[sflag:s10] =	ssyncadd.s32 @!p0 $0xFFFFEC00  }
0x31: {  	_ =	sfence.sel $0x180000  }
0x32: {  	[bflag:$0x0] =	sbarrier.arrive $0xFFFF  }
0x33: {  	p0 =	sne.s32 s0, $0x0;
	_ =	strace $0x9000004A  }
0x34: {  	s0 =	sadd.s32 @!p0 $0x100000, s1;
	[bflag:$0x2] =	sbarrier.arrive $0xFFFF  }
0x35: {  	[sflag:s0] =	ssyncadd.tile.s32 @!p0 $0x1;
	_ =	shalt  }
.Lfunc_end2:
_tile_overlayer_lowered:
.L_overlay_start_2:
0x36: {  	(tag) =	ssettag $0x2  }
0x37: {  	s0 =	rddreg [dreg:$0x0];
	s2 =	stileid.u32  }
0x38: {  	s1 =	rddreg [dreg:$0x1];
	p0 =	sne.s32 s2, $0x0  }
0x39: {  	s3 =	rddreg [dreg:$0x2];
	[bflag:$0x3] =	sbarrier.arrive $0xFFFF;
	s2 =	simm.s32 @!p0 $0x1C01  }
0x3a: {  	[timem:s3], [sflag:s2] =	dma.local @!p0 [hbm:s0], s1  }
0x3b: {  	s0 =	simm.s32 @!p0 $0x1  }
0x3c: {  	_ =	swait.ge @!p0 [sflag:s0], s1  }
0x3d: {  	s1 =	ssub.s32 @!p0 $0x0, s1;
	[sflag:s0] =	ssyncset.done @!p0 $0x0  }
0x3e: {  	[sflag:s0] =	ssyncadd.s32 @!p0 s1  }
0x3f: {  	[bflag:$0x3] =	sbarrier.arrive $0xFFFF  }
0x40: {  	_ =	shalt  }

// kernel: kernel.14.cloned.1.call-start
scs
__scs_entry_jumppad:
0x0: {  	(pc) =	sbr.rel $0x88, $3  }
0x1: {  	(tag) =	ssettag $0x0;
	lr =	simm.s32 $0x1  }
0x2: {  	[smem:$0x3F90] =	sst lr;
	_ =	strace $0xD0000000  }
0x3: {  	_ = 	snop  }
0x4: {  	_ = 	snop  }
0x5: {  	_ = 	snop  }
0x6: {  	_ = 	snop  }
0x7: {  	_ = 	snop  }
__scs_overlays_trampoline_lowered:
0x8: {  	[smem:$0x3F9F] =	sst s0  }
0x9: {  	[smem:$0x3FA0] =	sst s1  }
0xa: {  	[smem:$0x3FA1] =	sst s2  }
0xb: {  	[smem:$0x3FA2] =	sst s3  }
0xc: {  	[smem:$0x3FA3] =	sst s4  }
0xd: {  	[smem:$0x3FA4] =	sst s5  }
0xe: {  	[smem:$0x3FA5] =	sst s6  }
0xf: {  	[smem:$0x3FA6] =	sst s7  }
0x10: {  	[smem:$0x3FA7] =	sst s8  }
0x11: {  	[smem:$0x3FA8] =	sst s9;
	s0 =	simm.s32 @!p0 $0x0  }
0x12: {  	s1 =	sld [smem:$0x3F8E];
	s0 =	simm.s32 @p0 $0x1  }
0x13: {  	[smem:$0x3FA9] =	sst s0;
	s0 =	simm.s32 @!p1 $0x0  }
0x14: {  	s2 =	sld [smem:$0x3F8D];
	s0 =	simm.s32 @p1 $0x1  }
0x15: {  	[smem:$0x3FAA] =	sst s0;
	s0 =	simm.s32 @!p2 $0x0  }
0x16: {  	s3 =	sld [smem:$0x3FDB];
	s0 =	simm.s32 @p2 $0x1  }
0x17: {  	s4 =	simm.s32 $0x1BF5;
	[smem:$0x3FAC] =	sst s0  }
0x18: {  	s0 =	sld [smem:$0x3F8F];
	_ =	swait.ge [sflag:s4], $0x0  }
0x19: {  	s7 =	sld [smem:$0x3F90]  }
0x1a: {  	s8 =	sadd.s32 $0xFFFFE003, lr  }
0x1b: {  	s9 =	sadd.s32 $0xFFFFFEF7, lr;
	s5 =	simm.s32 $0xFFFFFFFF;
	p2 =	slt.u32 s8, $0xFFFFF086  }
0x1c: {  	p1 =	slt.u32 s9, $0xF7A;
	s5 =	simm.s32 @!p2 $0x0  }
0x1d: {  	s5 =	simm.s32 @p1 $0x1;
	p0 =	seq.s32 s7, s2  }
0x1e: {  	s7 =	smul.u32 @!p0 $0xF7A, s2;
	p2 =	seq.s32 @!p0 s5, $0x0  }
0x1f: {  	s9 =	smul.u32 $0xF7A, s1;
	s8 =	simm.s32 @!p0 $0x1BF5;
	p2 =	por !p2, p0  }
0x20: {  	[sflag:s8] =	ssyncset.s32 @!p0 $0xFFFFF086;
	s6 =	sadd.s32 @!p0 s3, s7;
	s7 =	simm.s32 @!p0 $0x108  }
0x21: {  	s3 =	sadd.s32 s3, s9;
	s6 =	sadd.s32 @!p0 $0x88, s6;
	s7 =	simm.s32 @p2 $0x1082  }
0x22: {  	[simem:s7], [sflag:s8] =	dma.local @!p0 [hbm:s6], $0xF7A  }
0x23: {  	s9 =	sor.u32 $0xD0000000, s2;
	s6 =	simm.s32 $0x108;
	_ =	swait.ge @!p0 [sflag:s8], $0x0  }
0x24: {  	s3 =	sadd.s32 $0x88, s3;
	s6 =	simm.s32 @!p1 $0x1082;
	[sflag:s4] =	ssyncset.s32 $0xFFFFF086  }
0x25: {  	[simem:s6], [sflag:s4] =	dma.local [hbm:s3], $0xF7A  }
0x26: {  	[smem:$0x3F90] =	sst s1;
	(tag) =	ssettag s2;
	_ =	strace s9  }
0x27: {  	s1 =	sld [smem:$0x3FA0]  }
0x28: {  	s2 =	sld [smem:$0x3FA1]  }
0x29: {  	s4 =	sld [smem:$0x3FA3]  }
0x2a: {  	p0 =	seq.s32 s5, $0x0;
	s5 =	sld [smem:$0x3FA4]  }
0x2b: {  	s6 =	sld [smem:$0x3FA5]  }
0x2c: {  	s7 =	sld [smem:$0x3FA6]  }
0x2d: {  	s3 =	simm.s32 $0x108;
	s8 =	sld [smem:$0x3FA7]  }
0x2e: {  	s3 =	simm.s32 @!p0 $0x1082;
	s9 =	sld [smem:$0x3FA8]  }
0x2f: {  	lr =	sadd.s32 s0, s3;
	s0 =	sld [smem:$0x3F9F]  }
0x30: {  	s3 =	sld [smem:$0x3FA2]  }
0x31: {  	[smem:$0x3FAB] =	sst s10  }
0x32: {  	s10 =	sld [smem:$0x3FA9];
	_ =	sdelay $0x3  }
0x33: {  	p0 =	seq.s32 s10, $0x1;
	s10 =	sld [smem:$0x3FAB];
	_ =	sdelay $0x3  }
0x34: {  	[smem:$0x3FAB] =	sst s10  }
0x35: {  	s10 =	sld [smem:$0x3FAA];
	_ =	sdelay $0x3  }
0x36: {  	p1 =	seq.s32 s10, $0x1;
	s10 =	sld [smem:$0x3FAB];
	_ =	sdelay $0x3  }
0x37: {  	[smem:$0x3FAB] =	sst s10  }
0x38: {  	s10 =	sld [smem:$0x3FAC]  }
0x39: {  	_ = 	snop;
	(pc) =	sbr.ind lr, $3  }
0x3a: {  	_ = 	snop  }
0x3b: {  	_ = 	snop  }
0x3c: {  	p2 =	seq.s32 s10, $0x1;
	s10 =	sld [smem:$0x3FAB]  }
0x3d: {  	_ =	shalt  }
0x3e: {  	_ =	shalt  }
0x3f: {  	_ =	shalt  }
0x40: {  	_ =	shalt  }
0x41: {  	_ =	shalt  }
0x42: {  	_ =	shalt  }
0x43: {  	_ =	shalt  }
0x44: {  	_ =	shalt  }
0x45: {  	_ =	shalt  }
0x46: {  	_ =	shalt  }
0x47: {  	_ =	shalt  }
0x48: {  	_ =	shalt  }
0x49: {  	_ =	shalt  }
0x4a: {  	_ =	shalt  }
0x4b: {  	_ =	shalt  }
0x4c: {  	_ =	shalt  }
0x4d: {  	_ =	shalt  }
0x4e: {  	_ =	shalt  }
0x4f: {  	_ =	shalt  }
0x50: {  	_ =	shalt  }
0x51: {  	_ =	shalt  }
0x52: {  	_ =	shalt  }
0x53: {  	_ =	shalt  }
0x54: {  	_ =	shalt  }
0x55: {  	_ =	shalt  }
0x56: {  	_ =	shalt  }
0x57: {  	_ =	shalt  }
0x58: {  	_ =	shalt  }
0x59: {  	_ =	shalt  }
0x5a: {  	_ =	shalt  }
0x5b: {  	_ =	shalt  }
0x5c: {  	_ =	shalt  }
0x5d: {  	_ =	shalt  }
0x5e: {  	_ =	shalt  }
0x5f: {  	_ =	shalt  }
0x60: {  	_ =	shalt  }
0x61: {  	_ =	shalt  }
0x62: {  	_ =	shalt  }
0x63: {  	_ =	shalt  }
0x64: {  	_ =	shalt  }
0x65: {  	_ =	shalt  }
0x66: {  	_ =	shalt  }
0x67: {  	_ =	shalt  }
0x68: {  	_ =	shalt  }
0x69: {  	_ =	shalt  }
0x6a: {  	_ =	shalt  }
0x6b: {  	_ =	shalt  }
0x6c: {  	_ =	shalt  }
0x6d: {  	_ =	shalt  }
0x6e: {  	_ =	shalt  }
0x6f: {  	_ =	shalt  }
0x70: {  	_ =	shalt  }
0x71: {  	_ =	shalt  }
0x72: {  	_ =	shalt  }
0x73: {  	_ =	shalt  }
0x74: {  	_ =	shalt  }
0x75: {  	_ =	shalt  }
0x76: {  	_ =	shalt  }
0x77: {  	_ =	shalt  }
0x78: {  	_ =	shalt  }
0x79: {  	_ =	shalt  }
0x7a: {  	_ =	shalt  }
0x7b: {  	_ =	shalt  }
0x7c: {  	_ =	shalt  }
0x7d: {  	_ =	shalt  }
0x7e: {  	_ =	shalt  }
0x7f: {  	_ =	shalt  }
0x80: {  	_ =	shalt  }
0x81: {  	_ =	shalt  }
0x82: {  	_ =	shalt  }
0x83: {  	_ =	shalt  }
0x84: {  	_ =	shalt  }
0x85: {  	_ =	shalt  }
0x86: {  	_ =	shalt  }
0x87: {  	_ =	shalt  }
.Lfunc_end0:
.L_simem_size_0:
called_computation.2_lowered:
.L_overlay_start_0:
0x88: {  	s2 =	sld [smem:$0x3FD9]  }
0x89: {  	s3 =	sld [smem:$0x3FFE];
	_ =	sdelay $0x1  }
0x8a: {  	s1 =	srdreg.scid  }
0x8b: {  	s0 =	sand.u32 $0x1, s1  }
0x8c: {  	s17 =	sshll.u32 s0, $0xA;
	s2 =	sadd.s32 s3, s2  }
0x8d: {  	s2 =	sadd.s32 s2, s17  }
0x8e: {  	[smem:$0x3FB7] =	sst s2  }
0x8f: {  	_ = 	snop  }
0x90: {  	(tm) =	ssettm $0x1  }
0x91: {  	s18 =	sld [smem:$0x3FFB];
	_ =	sdelay $0x3  }
0x92: {  	_ =	strace s18  }
0x93: {  	s2 =	sld [smem:$0x3FFC];
	_ =	sdelay $0x3  }
0x94: {  	_ =	strace s2  }
0x95: {  	s2 =	sld [smem:$0x3FFD];
	_ =	sdelay $0x3  }
0x96: {  	_ =	strace s2  }
0x97: {  	_ =	strace $0x8FFFFFFF  }
0x98: {  	s19 =	sld [smem:$0x3FDB];
	_ =	sdelay $0x1  }
0x99: {  	s20 =	simm.s32 $_scs_section_size  }
0x9a: {  	s4 =	simm.s32 $_size__tile_overlayer_lowered;
	s5 =	simm.s32 $_tile_overlayer_lowered  }
0x9b: {  	s6 =	simm.s32 $0x1BFF;
	s21 =	sshll.u32 s5, $0x1;
	s3 =	sadd.s32 s20, s19  }
0x9c: {  	s22 =	simm.s32 $0x0;
	s4 =	sshll.u32 s4, $0x1;
	s5 =	sadd.s32 s21, s3  }
0x9d: {  	[timem:s22], [sflag:s6] =	dma.local [hbm:s5], s4  }
0x9e: {  	_ =	swait.ge [sflag:s6], s4  }
0x9f: {  	s4 =	ssub.s32 $0x0, s4;
	[sflag:s6] =	ssyncset.done $0x0  }
0xa0: {  	[sflag:s6] =	ssyncadd.s32 s4;
	_ =	sdelay $0x1  }
0xa1: {  	s23 =	simm.s32 $0x1B8B  }
0xa2: {  	_ =	swait.ge [sflag:s23], $0x1  }
0xa3: {  	[sflag:s23] =	ssyncset.done $0x0  }
0xa4: {  	[sflag:s23] =	ssyncadd.s32 $0xFFFFFFFF  }
0xa5: {  	s4 =	sld [smem:$0x0]  }
0xa6: {  	s5 =	sand.u32 $0xFFFFFFFE, s1  }
0xa7: {  	p0 =	sne.s32 s1, s5  }
0xa8: {  	s5 =	sshll.u32 @p0 s5, $0xE  }
0xa9: {  	s5 =	sadd.s32 @p0 $0x11B8D, s5;
	s6 =	sshll.u32 @p0 s4, $0x11  }
0xaa: {  	s5 =	sor.u32 @p0 s6, s5  }
0xab: {  	[sflag:s5] =	ssyncadd.remote.s32 @p0 $0x1;
	_ =	sdelay $0x1  }
0xac: {  	s5 =	simm.s32 @p0 $0x1B8D  }
0xad: {  	_ =	swait.eq @p0 [sflag:s5], $0x1  }
0xae: {  	[sflag:s5] =	ssyncadd.s32 @p0 $0xFFFFFFFF  }
0xaf: {  	s6 =	sshll.u32 @!p0 s1, $0xE  }
0xb0: {  	s6 =	sor.u32 @!p0 $0x4000, s6;
	s5 =	simm.s32 @!p0 $0x1B8D  }
0xb1: {  	s4 =	sshll.u32 @!p0 s4, $0x11;
	s6 =	sadd.s32 @!p0 $0x11B8D, s6;
	_ =	swait.eq @!p0 [sflag:s5], $0x1  }
0xb2: {  	s4 =	sor.u32 @!p0 s4, s6;
	[sflag:s5] =	ssyncadd.s32 @!p0 $0xFFFFFFFF  }
0xb3: {  	s25 =	simm.s32 $0x1B8E;
	s24 =	sld [smem:$0x3FFE];
	[sflag:s4] =	ssyncadd.remote.s32 @!p0 $0x1  }
0xb4: {  	s26 =	simm.s32 $execute0_lowered;
	[smem:$0x3FD2] =	sst s25  }
0xb5: {  	s5 =	sshll.u32 s26, $0x1;
	_ =	strace $0x8000004C;
	[dreg:$0x1] =	wrdreg $0xFFFFFFFF  }
0xb6: {  	s28 =	simm.s32 $_size_execute0_lowered;
	s3 =	sadd.s32 s3, s5;
	[dreg:$0x0] =	wrdreg $0x0  }
0xb7: {  	s5 =	sshll.u32 s28, $0x1;
	[dreg:$0x2] =	wrdreg s3  }
0xb8: {  	[dreg:$0x3] =	wrdreg s5  }
0xb9: {  	[dreg:$0x4] =	wrdreg $0xC0  }
0xba: {  	_ =	task [dreg:s22], $0x5FFFF  }
0xbb: {  	[dreg:$0x1] =	wrdreg $0xFFFFFFFF  }
0xbc: {  	[dreg:$0x0] =	wrdreg $0x60  }
0xbd: {  	[dreg:$0x2] =	wrdreg s24  }
0xbe: {  	[dreg:$0x3] =	wrdreg $0x6D900  }
0xbf: {  	[dreg:$0x4] =	wrdreg $0xA  }
0xc0: {  	_ =	task.clear_ibuf [dreg:s22], $0x5FFFF;
	_ =	strace $0x9000004C  }
0xc1: {  	s29 =	simm.s32 $0xA;
	_ =	strace $0x8000004E  }
0xc2: {  	_ =	swait.ge [sflag:s29], $0x1  }
0xc3: {  	[sflag:s29] =	ssyncadd.s32 $0xFFFFFFFF  }
0xc4: {  	_ =	strace $0x9000004E  }
0xc5: {  	_ =	sfence  }
0xc6: {  	s30 =	sld [smem:$0x0];
	_ =	sdelay $0x2  }
0xc7: {  	s31 =	sshll.u32 s1, $0xD;
	s1 =	sshrl.u32 s1, $0x2  }
0xc8: {  	s4 =	sand.u32 $0x4000, s31;
	s1 =	sadd.s32 s1, s30  }
0xc9: {  	s0 =	sor.u32 s4, s0;
	s1 =	sshll.u32 s1, $0x11  }
0xca: {  	s0 =	sor.u32 s1, s0  }
0xcb: {  	s0 =	sadd.s32 $0x8F2B, s0  }
0xcc: {  	[sflag:s0] =	ssyncadd.remote.s32 $0x1  }
0xcd: {  	_ =	sfence.sel $0xFFFF  }
0xce: {  	[dreg:$0x0] =	wrdreg $0xFFFFFFFF;
	(pc) =	sbr.abs _section_cstart, $3  }
0xcf: {  	[dreg:$0x1] =	wrdreg $0xFFFFFFFF  }
0xd0: {  	_ =	task.clear_ibuf [dreg:s22], $0x2FFFF;
	_ =	strace $0x9FFFFFFF  }
0xd1: {  	(tm) =	ssettm $0x7FFFFFFF  }
tec
execute0_lowered:
.L_overlay_start_1:
0x0: {  	(tag) =	ssettag $0x1  }
0x1: {  	s0 =	rddreg [dreg:$0x0]  }
0x2: {  	s1 =	rddreg [dreg:$0x1]  }
0x3: {  	s2 =	simm.s32 $0x0;
	s25 =	srdreg.scid;
	s5 =	stileid.u32  }
0x4: {  	s16 =	simm.s32 $0xA;
	s19 =	simm.s32 $0x0;
	[smem:$0x7FF] =	sst s2  }
0x5: {  	s4 =	sadd.s32 $0x28000, s0;
	s3 =	sadd.s32 $0x27E00, s0;
	s6 =	sand.u32 $0x1, s25  }
0x6: {  	s7 =	sadd.s32 $0xEC000, s0;
	s10 =	smul.u32 $0x64800, s5;
	s8 =	sadd.s32 $0x3200, s0  }
0x7: {  	s14 =	sshll.u32 s5, $0x6;
	s12 =	smul.u32 $0x19000, s5;
	s30 =	sor.u32 $0x10, s5  }
0x8: {  	s11 =	sor.u32 $0x20, s5;
	_ =	strace $0x8000004D;
	[dreg:$0x3] =	wrdreg s3  }
0x9: {  	s2 =	smul.u32 $0x32000, s6;
	s26 =	ssub.s32 $0x2, s6;
	[dreg:$0x4] =	wrdreg s8  }
0xa: {  	[dreg:$0x5] =	wrdreg s30;
	s13 =	ssub.s32 $0x0, s14;
	s9 =	sshrl.u32 s26, $0x1  }
0xb: {  	s29 =	sshrl.u32 s10, $0x2;
	s17 =	sshrl.u32 s12, $0x3;
	s18 =	sadd.s32 s12, s1  }
0xc: {  	s0 =	sadd.s32 s2, s0;
	s28 =	ssub.s32 s26, s9;
	s3 =	sadd.s32 s29, s1  }
0xd: {  	s9 =	sor.u32 $0x1C0A, s14;
	s14 =	sor.u32 $0x800, s14;
	s2 =	smax.u32 s28, $0x1  }
0xe: {  	v1 =	vlaneseq.u32;
	v0 =	vmov s6;
	s0 =	sadd.s32 $0x1585800, s0;
	s31 =	sshrl.u32 s3, $0x3;
	[dreg:$0x6] =	wrdreg s2  }
0xf: {  	vm0 =	veq.s32 v0, v1;
	s18 =	sshrl.u32 s18, $0x3;
	[dreg:$0x7] =	wrdreg s31;
	s17 =	sadd.s32 s17, s0  }
.LBB2_1:
0x10: {  	s0 =	rddreg [dreg:$0x4]  }
0x11: {  	s2 =	rddreg [dreg:$0x7]  }
0x12: {  	[spmem:s2], [sflag:s9] =	dma.local [hbm:s0], $0x3240  }
0x13: {  	_ =	swait.ge [sflag:s16], $0x3240  }
0x14: {  	[sflag:s16] =	ssyncset.done $0x0  }
0x15: {  	s23 =	simm.s32 $0x0;
	s24 =	rddreg [dreg:$0x3];
	[sflag:s16] =	ssyncadd.s32 $0xFFFFCDC0  }
0x16: {  	[tilespmem:s23], [sflag:$0xA] =	stream.linear.gather [hbm4b:s24+s23], $0x10, $0x38;
	[tilespmem:$0x1FF90] =	vst v63  }
0x17: {  	_ =	swait.ge [sflag:s16], $0x10  }
0x18: {  	[sflag:s16] =	ssyncset.done $0x0  }
0x19: {  	[sflag:s16] =	ssyncadd.s32 $0xFFFFFFF0  }
0x1a: {  	v0 =	vld [tilespmem:$0x0];
	_ =	sdelay $0x4  }
0x1b: {  	v0 =	vnsel vm0, $0x0, v0  }
0x1c: {  	(xrf0) =	vadd.scan.msk.s32 $0xffff, v0;
	_ =	sdelay $0x5  }
0x1d: {  	v0, _, _ =	vpop (xrf0)  }
0x1e: {  	(v2sf) =	vpush v0, $0xF;
	_ =	sdelay $0xe  }
0x1f: {  	s25 =	sadd.s32 $0xFFFFFFE0, s11;
	s20 =	spop (v2sf)  }
0x20: {  	s26 =	sadd.s32 $0xFFFFFFF0, s11;
	p2 =	sge.s32 s25, s20  }
0x21: {  	[bflag:$0x0] =	sbarrier.arrive $0xFFFF;
	p6 =	sge.s32 s11, s20;
	p0 =	seq.s32 @!p2 s6, $0x0  }
0x22: {  	s0 =	sadd.s32 @!p2 $0x0, s13;
	s2 =	sadd.s32 @!p2 $0xFFFFF800, s14;
	p1 =	por @!p2 $0x1, $0x1  }
0x23: {  	s22 =	simm.s32 @!p2 $0x0;
	s23 =	sadd.s32 @!p6 $0x0, s13;
	s25 =	simm.s32 @!p6 $0x810  }
0x24: {  	s0 =	sadd.s32 @!p2 $0x61FC0, s0;
	p0 =	por !p0, p2;
	p5 =	por p1, p2  }
0x25: {  	p1 =	por @!p6 $0x1, $0x1;
	s2 =	smov.u32 @p0 s0;
	p0 =	sge.s32 s26, s20  }
0x26: {  	s21 =	simm.s32 @!p5 $0x7;
	p1 =	por p1, p6;
	s0 =	sshll.u32 @!p2 s2, $0x1  }
0x27: {  	p3 =	seq.s32 @!p0 s6, $0x0;
	s2 =	sadd.s32 @!p0 $0x0, s13;
	s3 =	sadd.s32 @!p0 $0xFFFFFC00, s14  }
0x28: {  	p4 =	por @!p0 $0x1, $0x1;
	_ =	swait.ge @!p5 [sflag:s21], $0x2000;
	s24 =	simm.s32 @!p0 $0x0  }
0x29: {  	s0 =	sand.u32 @!p2 $0x1FFFFF80, s0;
	s2 =	sadd.s32 @!p0 $0x61BC0, s2;
	p3 =	por !p3, p0  }
0x2a: {  	[sflag:s21] =	ssyncset.done @!p5 $0x0;
	s0 =	sadd.s32 @!p2 s4, s0;
	s3 =	smov.u32 @p3 s2  }
0x2b: {  	s2 =	simm.s32 @!p2 $0x10;
	p3 =	por p4, p0;
	p4 =	seq.s32 @!p6 s6, $0x0  }
0x2c: {  	[sflag:s21] =	ssyncadd.s32 @!p5 $0xFFFFE000;
	s3 =	sshll.u32 @!p0 s3, $0x1;
	s21 =	simm.s32 @!p3 $0x8  }
0x2d: {  	[tilespmem:s2], [sflag:$0x1] =	stream.linear.gather @!p2 [hbm4b:s0+s22], $0x400, $0x38;
	[tilespmem:$0x1FF90] =	vst v63  }
0x2e: {  	p4 =	por !p4, p6;
	s22 =	sadd.s32 @!p6 $0x617C0, s23;
	s23 =	smov.u32 s14  }
0x2f: {  	s0 =	simm.s32 @!p0 $0x410;
	s3 =	sand.u32 @!p0 $0x1FFFFF80, s3;
	_ =	swait.ge @!p3 [sflag:s21], $0x2000  }
0x30: {  	s23 =	smov.u32 @p4 s22;
	[sflag:s21] =	ssyncset.done @!p3 $0x0;
	s3 =	sadd.s32 @!p0 s4, s3  }
0x31: {  	s22 =	sshll.u32 @!p6 s23, $0x1;
	[sflag:s21] =	ssyncadd.s32 @!p3 $0xFFFFE000;
	s21 =	simm.s32 @!p1 $0x9  }
0x32: {  	[tilespmem:s0], [sflag:$0x2] =	stream.linear.gather @!p0 [hbm4b:s3+s24], $0x400, $0x38;
	[tilespmem:$0x1FF90] =	vst v63  }
0x33: {  	v0 =	vlaneseq.u32 @!p2;
	p4 =	por p6, p6;
	s22 =	sand.u32 @!p6 $0x1FFFFF80, s22;
	_ =	swait.ge @!p1 [sflag:s21], $0x2000  }
0x34: {  	v0 =	vmul.u32 @!p2 $0x10, v0;
	p3 =	por p2, p2;
	s3 =	sadd.s32 @!p6 s4, s22;
	[sflag:s21] =	ssyncset.done @!p1 $0x0  }
0x35: {  	s22 =	simm.s32 @!p6 $0x0;
	[sflag:s21] =	ssyncadd.s32 @!p1 $0xFFFFE000;
	s21 =	simm.s32 @!p2 $0x1  }
0x36: {  	[tilespmem:s25], [sflag:$0x3] =	stream.linear.gather @!p4 [hbm4b:s3+s22], $0x400, $0x38;
	[tilespmem:$0x1FF90] =	vst v63  }
0x37: {  	_ =	swait.ge @!p3 [sflag:s21], $0x400  }
0x38: {  	[sflag:s21] =	ssyncset.done @!p3 $0x0  }
0x39: {  	[sflag:s21] =	ssyncadd.s32 @!p3 $0xFFFFFC00  }
0x3a: {  	v1 =	vld.idx.msk @!p3 [tilespmem:v0+s2+$0x0], $0xffff  }
0x3b: {  	v2 =	vor.u32 @!p2 $0x1, v0;
	_ =	sdelay $0x3  }
0x3c: {  	[tilespmem:$0xC10] =	vst @!p3 v1  }
0x3d: {  	v1 =	vld.idx.msk @!p3 [tilespmem:v2+s2+$0x0], $0xffff  }
0x3e: {  	v2 =	vor.u32 @!p2 $0x100, v0;
	_ =	sdelay $0x3  }
0x3f: {  	[tilespmem:$0xCD0] =	vst @!p3 v1  }
0x40: {  	v1 =	vld.idx.msk @!p3 [tilespmem:v2+s2+$0x0], $0xffff  }
0x41: {  	v2 =	vor.u32 @!p2 $0x101, v0;
	_ =	sdelay $0x3  }
0x42: {  	[tilespmem:$0xC20] =	vst @!p3 v1  }
0x43: {  	v1 =	vld.idx.msk @!p3 [tilespmem:v2+s2+$0x0], $0xffff  }
0x44: {  	v2 =	vor.u32 @!p2 $0x200, v0;
	_ =	sdelay $0x3  }
0x45: {  	[tilespmem:$0xCE0] =	vst @!p3 v1  }
0x46: {  	v1 =	vld.idx.msk @!p3 [tilespmem:v2+s2+$0x0], $0xffff  }
0x47: {  	v2 =	vor.u32 @!p2 $0x201, v0;
	_ =	sdelay $0x3  }
0x48: {  	[tilespmem:$0xC30] =	vst @!p3 v1  }
0x49: {  	v1 =	vld.idx.msk @!p3 [tilespmem:v2+s2+$0x0], $0xffff  }
0x4a: {  	v2 =	vor.u32 @!p2 $0x300, v0;
	_ =	sdelay $0x3  }
0x4b: {  	[tilespmem:$0xCF0] =	vst @!p3 v1  }
0x4c: {  	v1 =	vld.idx.msk @!p3 [tilespmem:v2+s2+$0x0], $0xffff  }
0x4d: {  	v0 =	vor.u32 @!p2 $0x301, v0;
	_ =	sdelay $0x3  }
0x4e: {  	[tilespmem:$0xC40] =	vst @!p3 v1  }
0x4f: {  	v0 =	vld.idx.msk @!p3 [tilespmem:v0+s2+$0x0], $0xffff;
	_ =	sdelay $0x2  }
0x50: {  	v1 =	vlaneseq.u32 @!p0  }
0x51: {  	s26 =	simm.s32 @!p3 $0x40;
	p2 =	por p0, p0;
	v1 =	vmul.u32 @!p0 $0x10, v1  }
0x52: {  	s28 =	simm.s32 @!p3 $0xD90;
	s3 =	simm.s32 @!p2 $0x2;
	s2 =	simm.s32 @!p3 $0xC10;
	[tilespmem:$0xD00] =	vst @!p3 v0  }
0x53: {  	[tilespmem:s28], [sflag:$0x4] =	stream.indirect.gather @!p3 [hbm4b:s7+s26], $0x80, s2, s26, $0xb8;
	[tilespmem:$0x1FF90] =	vst v63  }
0x54: {  	_ =	swait.ge @!p2 [sflag:s3], $0x400  }
0x55: {  	[sflag:s3] =	ssyncset.done @!p2 $0x0  }
0x56: {  	[sflag:s3] =	ssyncadd.s32 @!p2 $0xFFFFFC00  }
0x57: {  	v0 =	vld.idx.msk @!p2 [tilespmem:v1+s0+$0x0], $0xffff  }
0x58: {  	v2 =	vor.u32 @!p0 $0x1, v1;
	_ =	sdelay $0x3  }
0x59: {  	[tilespmem:$0xC50] =	vst @!p2 v0  }
0x5a: {  	v0 =	vld.idx.msk @!p2 [tilespmem:v2+s0+$0x0], $0xffff  }
0x5b: {  	v2 =	vor.u32 @!p0 $0x100, v1;
	_ =	sdelay $0x3  }
0x5c: {  	[tilespmem:$0xD10] =	vst @!p2 v0  }
0x5d: {  	v0 =	vld.idx.msk @!p2 [tilespmem:v2+s0+$0x0], $0xffff  }
0x5e: {  	v2 =	vor.u32 @!p0 $0x101, v1;
	_ =	sdelay $0x3  }
0x5f: {  	[tilespmem:$0xC60] =	vst @!p2 v0  }
0x60: {  	v0 =	vld.idx.msk @!p2 [tilespmem:v2+s0+$0x0], $0xffff  }
0x61: {  	v2 =	vor.u32 @!p0 $0x200, v1;
	_ =	sdelay $0x3  }
0x62: {  	[tilespmem:$0xD20] =	vst @!p2 v0  }
0x63: {  	v0 =	vld.idx.msk @!p2 [tilespmem:v2+s0+$0x0], $0xffff  }
0x64: {  	v2 =	vor.u32 @!p0 $0x201, v1;
	_ =	sdelay $0x3  }
0x65: {  	[tilespmem:$0xC70] =	vst @!p2 v0  }
0x66: {  	v0 =	vld.idx.msk @!p2 [tilespmem:v2+s0+$0x0], $0xffff  }
0x67: {  	v2 =	vor.u32 @!p0 $0x300, v1;
	_ =	sdelay $0x3  }
0x68: {  	[tilespmem:$0xD30] =	vst @!p2 v0  }
0x69: {  	v0 =	vld.idx.msk @!p2 [tilespmem:v2+s0+$0x0], $0xffff  }
0x6a: {  	v1 =	vor.u32 @!p0 $0x301, v1;
	_ =	sdelay $0x3  }
0x6b: {  	[tilespmem:$0xC80] =	vst @!p2 v0  }
0x6c: {  	v0 =	vld.idx.msk @!p2 [tilespmem:v1+s0+$0x0], $0xffff;
	_ =	sdelay $0x2  }
0x6d: {  	v1 =	vlaneseq.u32 @!p6  }
0x6e: {  	s29 =	simm.s32 @!p2 $0x40;
	v2 =	vmul.u32 @!p6 $0x10, v1  }
0x6f: {  	s30 =	simm.s32 @!p2 $0x2D90;
	s2 =	simm.s32 @!p4 $0x3;
	s0 =	simm.s32 @!p2 $0xC50;
	[tilespmem:$0xD40] =	vst @!p2 v0  }
0x70: {  	[tilespmem:s30], [sflag:$0x5] =	stream.indirect.gather @!p2 [hbm4b:s7+s29], $0x80, s0, s29, $0xb8;
	[tilespmem:$0x1FF90] =	vst v63  }
0x71: {  	_ =	swait.ge @!p4 [sflag:s2], $0x400  }
0x72: {  	[sflag:s2] =	ssyncset.done @!p4 $0x0  }
0x73: {  	[sflag:s2] =	ssyncadd.s32 @!p4 $0xFFFFFC00  }
0x74: {  	v0 =	vld.idx.msk @!p4 [tilespmem:v2+s25+$0x0], $0xffff  }
0x75: {  	v1 =	vor.u32 @!p6 $0x1, v2;
	_ =	sdelay $0x3  }
0x76: {  	[tilespmem:$0xC90] =	vst @!p4 v0  }
0x77: {  	v0 =	vld.idx.msk @!p4 [tilespmem:v1+s25+$0x0], $0xffff  }
0x78: {  	v1 =	vor.u32 @!p6 $0x100, v2;
	_ =	sdelay $0x3  }
0x79: {  	[tilespmem:$0xD50] =	vst @!p4 v0  }
0x7a: {  	v0 =	vld.idx.msk @!p4 [tilespmem:v1+s25+$0x0], $0xffff  }
0x7b: {  	v1 =	vor.u32 @!p6 $0x101, v2;
	_ =	sdelay $0x3  }
0x7c: {  	[tilespmem:$0xCA0] =	vst @!p4 v0  }
0x7d: {  	v0 =	vld.idx.msk @!p4 [tilespmem:v1+s25+$0x0], $0xffff  }
0x7e: {  	v1 =	vor.u32 @!p6 $0x200, v2;
	_ =	sdelay $0x3  }
0x7f: {  	[tilespmem:$0xD60] =	vst @!p4 v0  }
0x80: {  	v0 =	vld.idx.msk @!p4 [tilespmem:v1+s25+$0x0], $0xffff  }
0x81: {  	v3 =	vor.u32 @!p6 $0x201, v2;
	_ =	sdelay $0x2  }
0x82: {  	s23 =	simm.s32 $0xFFFFF400;
	s22 =	sadd.s32 $0x30, s11;
	s2 =	simm.s32 @!p6 $0x0  }
0x83: {  	s24 =	simm.s32 $0xFFFFE800;
	s31 =	sadd.s32 $0xFFFFFFE0, s22;
	s2 =	simm.s32 @p6 $0x1;
	[tilespmem:$0xCB0] =	vst @!p4 v0  }
0x84: {  	p5 =	sge.s32 s31, s20;
	s21 =	sadd.s32 $0xC00, s14;
	[smem:$0x7FD] =	sst s2;
	v1 =	vor.u32 @!p6 $0x300, v2;
	v0 =	vor.u32 @!p6 $0x301, v2;
	v2 =	vld.idx.msk @!p4 [tilespmem:v3+s25+$0x0], $0xffff  }
.LBB2_2:
0x85: {  	_ =	sdelay $0x3  }
0x86: {  	[tilespmem:$0xD70] =	vst @!p4 v2  }
0x87: {  	v1 =	vld.idx.msk @!p4 [tilespmem:v1+s25+$0x0], $0xffff  }
0x88: {  	s2 =	smov.u32 s24;
	s24 =	sadd.s32 $0xFFFFF400, s24  }
0x89: {  	p6 =	sne.s32 s24, $0xFFF9DC00  }
0x8a: {  	s3 =	simm.s32 @!p6 $0x0  }
0x8b: {  	p1 =	seq.s32 @!p5 s6, $0x0;
	s3 =	simm.s32 @p6 $0x1  }
0x8c: {  	s31 =	sadd.s32 @!p5 $0xFFFFF800, s21;
	[smem:$0x7FC] =	sst s3;
	s3 =	sadd.s32 @!p5 s23, s13;
	[tilespmem:$0xCC0] =	vst @!p4 v1  }
0x8d: {  	s15 =	sadd.s32 $0xFFFFFFF0, s22;
	p1 =	por !p1, p5;
	s3 =	sadd.s32 @!p5 $0x61FC0, s3;
	v0 =	vld.idx.msk @!p4 [tilespmem:v0+s25+$0x0], $0xffff  }
0x8e: {  	p6 =	sge.s32 s15, s20;
	s31 =	smov.u32 @p1 s3  }
0x8f: {  	p1 =	seq.s32 @!p6 s23, $0x0;
	s3 =	sshll.u32 @!p5 s31, $0x1  }
0x90: {  	s0 =	simm.s32 @!p3 $0x4;
	s12 =	simm.s32 @!p1 $0x0;
	s3 =	sand.u32 @!p5 $0x1FFFFF80, s3  }
0x91: {  	s10 =	simm.s32 @!p4 $0xC90;
	s12 =	simm.s32 @p1 $0x1;
	s31 =	sadd.s32 @!p5 s4, s3  }
0x92: {  	s3 =	simm.s32 @!p4 $0x40;
	[smem:$0x7F9] =	sst s12;
	s25 =	simm.s32 @!p4 $0x4D90;
	[tilespmem:$0xD80] =	vst @!p4 v0  }
0x93: {  	[tilespmem:s25], [sflag:$0x6] =	stream.indirect.gather @!p4 [hbm4b:s7+s3], $0x80, s10, s3, $0xb8;
	[tilespmem:$0x1FF90] =	vst v63  }
0x94: {  	p0 =	seq.s32 @!p5 s23, $0x0;
	_ =	swait.ge @!p3 [sflag:s0], $0x2000  }
0x95: {  	s5 =	simm.s32 @!p3 $0xCD0;
	s8 =	simm.s32 @!p2 $0x5;
	[sflag:s0] =	ssyncset.done @!p3 $0x0  }
0x96: {  	s15 =	simm.s32 @!p2 $0xD10;
	p1 =	seq.s32 @!p6 s6, $0x0;
	[sflag:s0] =	ssyncadd.s32 @!p3 $0xFFFFE000  }
0x97: {  	[spmem:s1] =	stream.indirect.scatter.add.f32 @!p3 [tilespmem:s28], [sflag:$0x7], $0x80, s5, s26, $0xb8;
	[tilespmem:$0x1FF90] =	vst v63  }
0x98: {  	s12 =	sadd.s32 @!p6 s23, s13;
	p1 =	por !p1, p6;
	_ =	swait.ge @!p2 [sflag:s8], $0x2000  }
0x99: {  	s12 =	sadd.s32 @!p6 $0x61BC0, s12;
	s10 =	sadd.s32 @!p6 $0xFFFFFC00, s21;
	[sflag:s8] =	ssyncset.done @!p2 $0x0  }
0x9a: {  	s10 =	smov.u32 @p1 s12;
	s12 =	simm.s32 @!p4 $0x6;
	[sflag:s8] =	ssyncadd.s32 @!p2 $0xFFFFE000  }
0x9b: {  	[spmem:s1] =	stream.indirect.scatter.add.f32 @!p2 [tilespmem:s30], [sflag:$0x8], $0x80, s15, s29, $0xb8;
	[tilespmem:$0x1FF90] =	vst v63  }
0x9c: {  	p1 =	por p0, p5;
	_ =	swait.ge @!p4 [sflag:s12], $0x2000  }
0x9d: {  	p0 =	sge.s32 s22, s20;
	[sflag:s12] =	ssyncset.done @!p4 $0x0;
	s26 =	sld [smem:$0x7F9]  }
0x9e: {  	s5 =	simm.s32 @!p4 $0xD50;
	p2 =	seq.s32 @!p0 s23, $0x0;
	[sflag:s12] =	ssyncadd.s32 @!p4 $0xFFFFE000  }
0x9f: {  	[spmem:s1] =	stream.indirect.scatter.add.f32 @!p4 [tilespmem:s25], [sflag:$0x9], $0x80, s5, s3, $0xb8;
	[tilespmem:$0x1FF90] =	vst v63  }
0xa0: {  	s15 =	simm.s32 @!p2 $0x0;
	p3 =	seq.s32 s26, $0x1  }
0xa1: {  	s15 =	simm.s32 @p2 $0x1;
	p2 =	por p3, p6;
	p3 =	seq.s32 @!p0 s6, $0x0  }
0xa2: {  	s10 =	sshll.u32 @!p6 s10, $0x1;
	[smem:$0x7FA] =	sst s15;
	s15 =	simm.s32 @!p3 $0x0  }
0xa3: {  	s0 =	simm.s32 @!p5 $0x10;
	s10 =	sand.u32 @!p6 $0x1FFFFF80, s10;
	s15 =	simm.s32 @p3 $0x1  }
0xa4: {  	s10 =	sadd.s32 @!p6 s4, s10;
	s8 =	simm.s32 @!p1 $0x7;
	[smem:$0x7FB] =	sst s15  }
0xa5: {  	s12 =	smov.u32 s21;
	s3 =	simm.s32 @!p5 $0x0;
	_ =	swait.ge @!p1 [sflag:s8], $0x2000  }
0xa6: {  	s5 =	sadd.s32 @!p0 s23, s13;
	s25 =	sld [smem:$0x7FA];
	[sflag:s8] =	ssyncset.done @!p1 $0x0  }
0xa7: {  	s23 =	smov.u32 s2;
	s26 =	sld [smem:$0x7FB];
	[sflag:s8] =	ssyncadd.s32 @!p1 $0xFFFFE000  }
0xa8: {  	[tilespmem:s0], [sflag:$0x1] =	stream.linear.gather @!p5 [hbm4b:s31+s3], $0x400, $0x38;
	[tilespmem:$0x1FF90] =	vst v63  }
0xa9: {  	s5 =	sadd.s32 @!p0 $0x617C0, s5;
	s8 =	simm.s32 @!p2 $0x8;
	p4 =	seq.s32 s25, $0x1  }
0xaa: {  	_ =	swait.ge @!p2 [sflag:s8], $0x2000;
	p3 =	por p4, p0;
	p4 =	seq.s32 s26, $0x1  }
0xab: {  	s3 =	simm.s32 @!p6 $0x0;
	[sflag:s8] =	ssyncset.done @!p2 $0x0;
	p4 =	por !p4, p0  }
0xac: {  	s31 =	simm.s32 @!p6 $0x410;
	[sflag:s8] =	ssyncadd.s32 @!p2 $0xFFFFE000;
	s12 =	smov.u32 @p4 s5  }
0xad: {  	[tilespmem:s31], [sflag:$0x2] =	stream.linear.gather @!p6 [hbm4b:s10+s3], $0x400, $0x38;
	[tilespmem:$0x1FF90] =	vst v63  }
0xae: {  	s25 =	simm.s32 @!p0 $0x810;
	s5 =	simm.s32 @!p3 $0x9;
	s8 =	sshll.u32 @!p0 s12, $0x1  }
0xaf: {  	v0 =	vlaneseq.u32 @!p5;
	s3 =	simm.s32 @!p0 $0x0;
	_ =	swait.ge @!p3 [sflag:s5], $0x2000;
	s8 =	sand.u32 @!p0 $0x1FFFFF80, s8  }
0xb0: {  	v18 =	vmul.u32 @!p5 $0x10, v0;
	p4 =	por p0, p0;
	[sflag:s5] =	ssyncset.done @!p3 $0x0;
	s2 =	sadd.s32 @!p0 s4, s8  }
0xb1: {  	[sflag:s5] =	ssyncadd.s32 @!p3 $0xFFFFE000;
	s5 =	simm.s32 @!p5 $0x1;
	p3 =	por p5, p5  }
0xb2: {  	[tilespmem:s25], [sflag:$0x3] =	stream.linear.gather @!p4 [hbm4b:s2+s3], $0x400, $0x38;
	[tilespmem:$0x1FF90] =	vst v63  }
0xb3: {  	_ =	swait.ge @!p3 [sflag:s5], $0x400  }
0xb4: {  	v19 =	vor.u32 @!p5 $0x1, v18;
	[sflag:s5] =	ssyncset.done @!p3 $0x0  }
0xb5: {  	v20 =	vor.u32 @!p5 $0x100, v18;
	v21 =	vor.u32 @!p5 $0x101, v18;
	v22 =	vor.u32 @!p5 $0x200, v18;
	[sflag:s5] =	ssyncadd.s32 @!p3 $0xFFFFFC00  }
0xb6: {  	v23 =	vor.u32 @!p5 $0x201, v18;
	v17 =	vor.u32 @!p5 $0x300, v18;
	v16 =	vor.u32 @!p5 $0x301, v18;
	v18 =	vld.idx.msk @!p3 [tilespmem:v18+s0+$0x0], $0xffff;
	_ =	sdelay $0x4  }
0xb7: {  	[tilespmem:$0xC10] =	vst @!p3 v18  }
0xb8: {  	v18 =	vld.idx.msk @!p3 [tilespmem:v19+s0+$0x0], $0xffff;
	_ =	sdelay $0x4  }
0xb9: {  	[tilespmem:$0xCD0] =	vst @!p3 v18  }
0xba: {  	v18 =	vld.idx.msk @!p3 [tilespmem:v20+s0+$0x0], $0xffff;
	_ =	sdelay $0x4  }
0xbb: {  	[tilespmem:$0xC20] =	vst @!p3 v18  }
0xbc: {  	v18 =	vld.idx.msk @!p3 [tilespmem:v21+s0+$0x0], $0xffff;
	_ =	sdelay $0x4  }
0xbd: {  	[tilespmem:$0xCE0] =	vst @!p3 v18  }
0xbe: {  	v18 =	vld.idx.msk @!p3 [tilespmem:v22+s0+$0x0], $0xffff;
	_ =	sdelay $0x4  }
0xbf: {  	[tilespmem:$0xC30] =	vst @!p3 v18  }
0xc0: {  	v18 =	vld.idx.msk @!p3 [tilespmem:v23+s0+$0x0], $0xffff;
	_ =	sdelay $0x4  }
0xc1: {  	[tilespmem:$0xCF0] =	vst @!p3 v18  }
0xc2: {  	v17 =	vld.idx.msk @!p3 [tilespmem:v17+s0+$0x0], $0xffff;
	_ =	sdelay $0x4  }
0xc3: {  	[tilespmem:$0xC40] =	vst @!p3 v17  }
0xc4: {  	v16 =	vld.idx.msk @!p3 [tilespmem:v16+s0+$0x0], $0xffff;
	_ =	sdelay $0x2  }
0xc5: {  	v1 =	vlaneseq.u32 @!p6  }
0xc6: {  	v15 =	vmul.u32 @!p6 $0x10, v1;
	p2 =	por p6, p6;
	s26 =	simm.s32 @!p3 $0x40  }
0xc7: {  	s2 =	simm.s32 @!p3 $0xC10;
	s28 =	simm.s32 @!p3 $0xD90;
	s3 =	simm.s32 @!p2 $0x2;
	[tilespmem:$0xD00] =	vst @!p3 v16  }
0xc8: {  	[tilespmem:s28], [sflag:$0x4] =	stream.indirect.gather @!p3 [hbm4b:s7+s26], $0x80, s2, s26, $0xb8;
	[tilespmem:$0x1FF90] =	vst v63  }
0xc9: {  	_ =	swait.ge @!p2 [sflag:s3], $0x400  }
0xca: {  	v14 =	vor.u32 @!p6 $0x1, v15;
	[sflag:s3] =	ssyncset.done @!p2 $0x0  }
0xcb: {  	v13 =	vor.u32 @!p6 $0x100, v15;
	v12 =	vor.u32 @!p6 $0x101, v15;
	v11 =	vor.u32 @!p6 $0x200, v15;
	[sflag:s3] =	ssyncadd.s32 @!p2 $0xFFFFFC00  }
0xcc: {  	v8 =	vor.u32 @!p6 $0x201, v15;
	v6 =	vor.u32 @!p6 $0x300, v15;
	v3 =	vor.u32 @!p6 $0x301, v15;
	v15 =	vld.idx.msk @!p2 [tilespmem:v15+s31+$0x0], $0xffff;
	_ =	sdelay $0x4  }
0xcd: {  	[tilespmem:$0xC50] =	vst @!p2 v15  }
0xce: {  	v14 =	vld.idx.msk @!p2 [tilespmem:v14+s31+$0x0], $0xffff;
	_ =	sdelay $0x4  }
0xcf: {  	[tilespmem:$0xD10] =	vst @!p2 v14  }
0xd0: {  	v13 =	vld.idx.msk @!p2 [tilespmem:v13+s31+$0x0], $0xffff;
	_ =	sdelay $0x4  }
0xd1: {  	[tilespmem:$0xC60] =	vst @!p2 v13  }
0xd2: {  	v12 =	vld.idx.msk @!p2 [tilespmem:v12+s31+$0x0], $0xffff;
	_ =	sdelay $0x4  }
0xd3: {  	[tilespmem:$0xD20] =	vst @!p2 v12  }
0xd4: {  	v11 =	vld.idx.msk @!p2 [tilespmem:v11+s31+$0x0], $0xffff;
	_ =	sdelay $0x4  }
0xd5: {  	[tilespmem:$0xC70] =	vst @!p2 v11  }
0xd6: {  	v8 =	vld.idx.msk @!p2 [tilespmem:v8+s31+$0x0], $0xffff;
	_ =	sdelay $0x4  }
0xd7: {  	[tilespmem:$0xD30] =	vst @!p2 v8  }
0xd8: {  	v6 =	vld.idx.msk @!p2 [tilespmem:v6+s31+$0x0], $0xffff;
	_ =	sdelay $0x4  }
0xd9: {  	[tilespmem:$0xC80] =	vst @!p2 v6  }
0xda: {  	v3 =	vld.idx.msk @!p2 [tilespmem:v3+s31+$0x0], $0xffff;
	_ =	sdelay $0x2  }
0xdb: {  	v0 =	vlaneseq.u32 @!p0  }
0xdc: {  	v10 =	vmul.u32 @!p0 $0x10, v0;
	s29 =	simm.s32 @!p2 $0x40  }
0xdd: {  	s30 =	simm.s32 @!p2 $0x2D90;
	s0 =	simm.s32 @!p2 $0xC50;
	s2 =	simm.s32 @!p4 $0x3;
	[tilespmem:$0xD40] =	vst @!p2 v3  }
0xde: {  	[tilespmem:s30], [sflag:$0x5] =	stream.indirect.gather @!p2 [hbm4b:s7+s29], $0x80, s0, s29, $0xb8;
	[tilespmem:$0x1FF90] =	vst v63  }
0xdf: {  	_ =	swait.ge @!p4 [sflag:s2], $0x400  }
0xe0: {  	[sflag:s2] =	ssyncset.done @!p4 $0x0  }
0xe1: {  	[sflag:s2] =	ssyncadd.s32 @!p4 $0xFFFFFC00  }
0xe2: {  	v3 =	vld.idx.msk @!p4 [tilespmem:v10+s25+$0x0], $0xffff  }
0xe3: {  	v9 =	vor.u32 @!p0 $0x1, v10;
	_ =	sdelay $0x3  }
0xe4: {  	[tilespmem:$0xC90] =	vst @!p4 v3  }
0xe5: {  	v3 =	vld.idx.msk @!p4 [tilespmem:v9+s25+$0x0], $0xffff  }
0xe6: {  	v7 =	vor.u32 @!p0 $0x100, v10;
	_ =	sdelay $0x3  }
0xe7: {  	[tilespmem:$0xD50] =	vst @!p4 v3  }
0xe8: {  	v3 =	vld.idx.msk @!p4 [tilespmem:v7+s25+$0x0], $0xffff  }
0xe9: {  	v5 =	vor.u32 @!p0 $0x101, v10;
	_ =	sdelay $0x3  }
0xea: {  	[tilespmem:$0xCA0] =	vst @!p4 v3  }
0xeb: {  	v3 =	vld.idx.msk @!p4 [tilespmem:v5+s25+$0x0], $0xffff  }
0xec: {  	v4 =	vor.u32 @!p0 $0x200, v10;
	_ =	sdelay $0x2  }
0xed: {  	s31 =	sld [smem:$0x7FC]  }
0xee: {  	[tilespmem:$0xD60] =	vst @!p4 v3  }
0xef: {  	v3 =	vld.idx.msk @!p4 [tilespmem:v4+s25+$0x0], $0xffff  }
0xf0: {  	v2 =	vor.u32 @!p0 $0x201, v10;
	v1 =	vor.u32 @!p0 $0x300, v10;
	v0 =	vor.u32 @!p0 $0x301, v10;
	p0 =	seq.s32 s31, $0x1  }
.Ltmp0:
0xf1: {  	_ = 	snop;
	(pc) =	sbr.rel @p0 .LBB2_2-.Ltmp0, $4  }
0xf2: {  	_ = 	snop  }
0xf3: {  	s22 =	sadd.s32 $0x30, s22  }
0xf4: {  	s15 =	sadd.s32 $0xFFFFFFE0, s22;
	[tilespmem:$0xCB0] =	vst @!p4 v3  }
0xf5: {  	s21 =	sadd.s32 $0xC00, s21;
	p5 =	sge.s32 s15, s20;
	v2 =	vld.idx.msk @!p4 [tilespmem:v2+s25+$0x0], $0xffff  }
0xf6: {  	_ =	sdelay $0x3  }
0xf7: {  	[tilespmem:$0xD70] =	vst @!p4 v2  }
0xf8: {  	v1 =	vld.idx.msk @!p4 [tilespmem:v1+s25+$0x0], $0xffff;
	_ =	sdelay $0x4  }
0xf9: {  	[tilespmem:$0xCC0] =	vst @!p4 v1  }
0xfa: {  	v0 =	vld.idx.msk @!p4 [tilespmem:v0+s25+$0x0], $0xffff;
	_ =	sdelay $0x4  }
0xfb: {  	s0 =	simm.s32 @!p4 $0x4D90;
	s2 =	simm.s32 @!p4 $0x40;
	s3 =	simm.s32 @!p4 $0xC90;
	[tilespmem:$0xD80] =	vst @!p4 v0  }
0xfc: {  	[tilespmem:s0], [sflag:$0x6] =	stream.indirect.gather @!p4 [hbm4b:s7+s2], $0x80, s3, s2, $0xb8;
	[tilespmem:$0x1FF90] =	vst v63  }
0xfd: {  	s3 =	simm.s32 @!p3 $0x4  }
0xfe: {  	_ =	swait.ge @!p3 [sflag:s3], $0x2000  }
0xff: {  	[sflag:s3] =	ssyncset.done @!p3 $0x0  }
0x100: {  	[sflag:s3] =	ssyncadd.s32 @!p3 $0xFFFFE000;
	s3 =	simm.s32 @!p3 $0xCD0  }
0x101: {  	[spmem:s1] =	stream.indirect.scatter.add.f32 @!p3 [tilespmem:s28], [sflag:$0x7], $0x80, s3, s26, $0xb8;
	[tilespmem:$0x1FF90] =	vst v63  }
0x102: {  	s3 =	simm.s32 @!p2 $0x5  }
0x103: {  	s5 =	sadd.s32 @!p5 s23, s13;
	_ =	swait.ge @!p2 [sflag:s3], $0x2000  }
0x104: {  	p0 =	seq.s32 @!p5 s6, $0x0;
	s8 =	sadd.s32 $0xFFFFFFF0, s22;
	[sflag:s3] =	ssyncset.done @!p2 $0x0  }
0x105: {  	s10 =	simm.s32 @!p4 $0x6;
	[sflag:s3] =	ssyncadd.s32 @!p2 $0xFFFFE000;
	s3 =	simm.s32 @!p2 $0xD10  }
0x106: {  	[spmem:s1] =	stream.indirect.scatter.add.f32 @!p2 [tilespmem:s30], [sflag:$0x8], $0x80, s3, s29, $0xb8;
	[tilespmem:$0x1FF90] =	vst v63  }
0x107: {  	s5 =	sadd.s32 @!p5 $0x61FC0, s5;
	p0 =	por !p0, p5;
	s3 =	sadd.s32 @!p5 $0xFFFFF800, s21  }
0x108: {  	p1 =	seq.s32 @!p5 s23, $0x0;
	s3 =	smov.u32 @p0 s5;
	_ =	swait.ge @!p4 [sflag:s10], $0x2000  }
0x109: {  	p3 =	sge.s32 s8, s20;
	s3 =	sshll.u32 @!p5 s3, $0x1;
	[sflag:s10] =	ssyncset.done @!p4 $0x0  }
0x10a: {  	s5 =	simm.s32 @!p4 $0xD50;
	s3 =	sand.u32 @!p5 $0x1FFFFF80, s3;
	[sflag:s10] =	ssyncadd.s32 @!p4 $0xFFFFE000  }
0x10b: {  	[spmem:s1] =	stream.indirect.scatter.add.f32 @!p4 [tilespmem:s0], [sflag:$0x9], $0x80, s5, s2, $0xb8;
	[tilespmem:$0x1FF90] =	vst v63  }
0x10c: {  	p2 =	seq.s32 @!p3 s6, $0x0;
	p0 =	seq.s32 @!p3 s23, $0x0;
	s0 =	sadd.s32 @!p5 s4, s3  }
0x10d: {  	s2 =	sadd.s32 @!p3 $0xFFFFFC00, s21;
	s3 =	sadd.s32 @!p3 s23, s13;
	p4 =	por p1, p5  }
0x10e: {  	p1 =	por !p2, p3;
	s3 =	sadd.s32 @!p3 $0x61BC0, s3;
	s5 =	simm.s32 @!p4 $0x7  }
0x10f: {  	s2 =	smov.u32 @p1 s3;
	s3 =	simm.s32 @!p5 $0x10;
	_ =	swait.ge @!p4 [sflag:s5], $0x2000  }
0x110: {  	p1 =	sge.s32 s22, s20;
	s2 =	sshll.u32 @!p3 s2, $0x1;
	[sflag:s5] =	ssyncset.done @!p4 $0x0  }
0x111: {  	p2 =	seq.s32 @!p1 s6, $0x0;
	[sflag:s5] =	ssyncadd.s32 @!p4 $0xFFFFE000;
	s5 =	sadd.s32 @!p1 s23, s13  }
0x112: {  	s8 =	sand.u32 @!p3 $0x1FFFFF80, s2;
	p2 =	por !p2, p1;
	p4 =	por p0, p3  }
0x113: {  	s2 =	sadd.s32 @!p1 $0x617C0, s5;
	s5 =	simm.s32 @!p4 $0x8;
	s8 =	sadd.s32 @!p3 s4, s8  }
0x114: {  	s21 =	smov.u32 @p2 s2;
	p2 =	seq.s32 @!p1 s23, $0x0;
	s2 =	simm.s32 @!p5 $0x0  }
0x115: {  	[tilespmem:s3], [sflag:$0x1] =	stream.linear.gather @!p5 [hbm4b:s0+s2], $0x400, $0x38;
	[tilespmem:$0x1FF90] =	vst v63  }
0x116: {  	p0 =	por p2, p1;
	s0 =	simm.s32 @!p3 $0x0;
	_ =	swait.ge @!p4 [sflag:s5], $0x2000  }
0x117: {  	s2 =	simm.s32 @!p3 $0x410;
	s10 =	sshll.u32 @!p1 s21, $0x1;
	[sflag:s5] =	ssyncset.done @!p4 $0x0  }
0x118: {  	p2 =	por p1, p1;
	[sflag:s5] =	ssyncadd.s32 @!p4 $0xFFFFE000;
	s5 =	simm.s32 @!p0 $0x9  }
0x119: {  	[tilespmem:s2], [sflag:$0x2] =	stream.linear.gather @!p3 [hbm4b:s8+s0], $0x400, $0x38;
	[tilespmem:$0x1FF90] =	vst v63  }
0x11a: {  	v0 =	vlaneseq.u32 @!p5;
	s10 =	sand.u32 @!p1 $0x1FFFFF80, s10;
	p4 =	por p5, p5;
	_ =	swait.ge @!p0 [sflag:s5], $0x2000  }
0x11b: {  	v0 =	vmul.u32 @!p5 $0x10, v0;
	s0 =	simm.s32 @!p1 $0x810;
	s8 =	sadd.s32 @!p1 s4, s10;
	[sflag:s5] =	ssyncset.done @!p0 $0x0  }
0x11c: {  	s10 =	simm.s32 @!p1 $0x0;
	[sflag:s5] =	ssyncadd.s32 @!p0 $0xFFFFE000;
	s5 =	simm.s32 @!p5 $0x1  }
0x11d: {  	[tilespmem:s0], [sflag:$0x3] =	stream.linear.gather @!p2 [hbm4b:s8+s10], $0x400, $0x38;
	[tilespmem:$0x1FF90] =	vst v63  }
0x11e: {  	_ =	swait.ge @!p4 [sflag:s5], $0x400  }
0x11f: {  	[sflag:s5] =	ssyncset.done @!p4 $0x0  }
0x120: {  	[sflag:s5] =	ssyncadd.s32 @!p4 $0xFFFFFC00  }
0x121: {  	v1 =	vld.idx.msk @!p4 [tilespmem:v0+s3+$0x0], $0xffff  }
0x122: {  	v2 =	vor.u32 @!p5 $0x1, v0;
	_ =	sdelay $0x3  }
0x123: {  	[tilespmem:$0xC10] =	vst @!p4 v1  }
0x124: {  	v1 =	vld.idx.msk @!p4 [tilespmem:v2+s3+$0x0], $0xffff  }
0x125: {  	v2 =	vor.u32 @!p5 $0x100, v0;
	_ =	sdelay $0x3  }
0x126: {  	[tilespmem:$0xCD0] =	vst @!p4 v1  }
0x127: {  	v1 =	vld.idx.msk @!p4 [tilespmem:v2+s3+$0x0], $0xffff  }
0x128: {  	v2 =	vor.u32 @!p5 $0x101, v0;
	_ =	sdelay $0x3  }
0x129: {  	[tilespmem:$0xC20] =	vst @!p4 v1  }
0x12a: {  	v1 =	vld.idx.msk @!p4 [tilespmem:v2+s3+$0x0], $0xffff  }
0x12b: {  	v2 =	vor.u32 @!p5 $0x200, v0;
	_ =	sdelay $0x3  }
0x12c: {  	[tilespmem:$0xCE0] =	vst @!p4 v1  }
0x12d: {  	v1 =	vld.idx.msk @!p4 [tilespmem:v2+s3+$0x0], $0xffff  }
0x12e: {  	v2 =	vor.u32 @!p5 $0x201, v0;
	_ =	sdelay $0x3  }
0x12f: {  	[tilespmem:$0xC30] =	vst @!p4 v1  }
0x130: {  	v1 =	vld.idx.msk @!p4 [tilespmem:v2+s3+$0x0], $0xffff  }
0x131: {  	v2 =	vor.u32 @!p5 $0x300, v0;
	_ =	sdelay $0x3  }
0x132: {  	[tilespmem:$0xCF0] =	vst @!p4 v1  }
0x133: {  	v1 =	vld.idx.msk @!p4 [tilespmem:v2+s3+$0x0], $0xffff  }
0x134: {  	v0 =	vor.u32 @!p5 $0x301, v0;
	_ =	sdelay $0x3  }
0x135: {  	[tilespmem:$0xC40] =	vst @!p4 v1  }
0x136: {  	v0 =	vld.idx.msk @!p4 [tilespmem:v0+s3+$0x0], $0xffff;
	_ =	sdelay $0x2  }
0x137: {  	v1 =	vlaneseq.u32 @!p3  }
0x138: {  	s21 =	simm.s32 @!p4 $0x40;
	p5 =	por p3, p3;
	v1 =	vmul.u32 @!p3 $0x10, v1  }
0x139: {  	s22 =	simm.s32 @!p4 $0xD90;
	s5 =	simm.s32 @!p5 $0x2;
	s3 =	simm.s32 @!p4 $0xC10;
	[tilespmem:$0xD00] =	vst @!p4 v0  }
0x13a: {  	[tilespmem:s22], [sflag:$0x4] =	stream.indirect.gather @!p4 [hbm4b:s7+s21], $0x80, s3, s21, $0xb8;
	[tilespmem:$0x1FF90] =	vst v63  }
0x13b: {  	_ =	swait.ge @!p5 [sflag:s5], $0x400  }
0x13c: {  	[sflag:s5] =	ssyncset.done @!p5 $0x0  }
0x13d: {  	[sflag:s5] =	ssyncadd.s32 @!p5 $0xFFFFFC00  }
0x13e: {  	v0 =	vld.idx.msk @!p5 [tilespmem:v1+s2+$0x0], $0xffff  }
0x13f: {  	v2 =	vor.u32 @!p3 $0x1, v1;
	_ =	sdelay $0x3  }
0x140: {  	[tilespmem:$0xC50] =	vst @!p5 v0  }
0x141: {  	v0 =	vld.idx.msk @!p5 [tilespmem:v2+s2+$0x0], $0xffff  }
0x142: {  	v2 =	vor.u32 @!p3 $0x100, v1;
	_ =	sdelay $0x3  }
0x143: {  	[tilespmem:$0xD10] =	vst @!p5 v0  }
0x144: {  	v0 =	vld.idx.msk @!p5 [tilespmem:v2+s2+$0x0], $0xffff  }
0x145: {  	v2 =	vor.u32 @!p3 $0x101, v1;
	_ =	sdelay $0x3  }
0x146: {  	[tilespmem:$0xC60] =	vst @!p5 v0  }
0x147: {  	v0 =	vld.idx.msk @!p5 [tilespmem:v2+s2+$0x0], $0xffff  }
0x148: {  	v2 =	vor.u32 @!p3 $0x200, v1;
	_ =	sdelay $0x3  }
0x149: {  	[tilespmem:$0xD20] =	vst @!p5 v0  }
0x14a: {  	v0 =	vld.idx.msk @!p5 [tilespmem:v2+s2+$0x0], $0xffff  }
0x14b: {  	v2 =	vor.u32 @!p3 $0x201, v1;
	_ =	sdelay $0x3  }
0x14c: {  	[tilespmem:$0xC70] =	vst @!p5 v0  }
0x14d: {  	v0 =	vld.idx.msk @!p5 [tilespmem:v2+s2+$0x0], $0xffff  }
0x14e: {  	v2 =	vor.u32 @!p3 $0x300, v1;
	_ =	sdelay $0x3  }
0x14f: {  	[tilespmem:$0xD30] =	vst @!p5 v0  }
0x150: {  	v0 =	vld.idx.msk @!p5 [tilespmem:v2+s2+$0x0], $0xffff  }
0x151: {  	v1 =	vor.u32 @!p3 $0x301, v1;
	_ =	sdelay $0x3  }
0x152: {  	[tilespmem:$0xC80] =	vst @!p5 v0  }
0x153: {  	v0 =	vld.idx.msk @!p5 [tilespmem:v1+s2+$0x0], $0xffff;
	_ =	sdelay $0x2  }
0x154: {  	v1 =	vlaneseq.u32 @!p1  }
0x155: {  	s8 =	simm.s32 @!p2 $0x3;
	v1 =	vmul.u32 @!p1 $0x10, v1  }
0x156: {  	s3 =	simm.s32 @!p5 $0xC50;
	s5 =	simm.s32 @!p5 $0x2D90;
	s2 =	simm.s32 @!p5 $0x40;
	[tilespmem:$0xD40] =	vst @!p5 v0  }
0x157: {  	[tilespmem:s5], [sflag:$0x5] =	stream.indirect.gather @!p5 [hbm4b:s7+s2], $0x80, s3, s2, $0xb8;
	[tilespmem:$0x1FF90] =	vst v63  }
0x158: {  	_ =	swait.ge @!p2 [sflag:s8], $0x400  }
0x159: {  	[sflag:s8] =	ssyncset.done @!p2 $0x0  }
0x15a: {  	[sflag:s8] =	ssyncadd.s32 @!p2 $0xFFFFFC00  }
0x15b: {  	v0 =	vld.idx.msk @!p2 [tilespmem:v1+s0+$0x0], $0xffff  }
0x15c: {  	v2 =	vor.u32 @!p1 $0x1, v1;
	_ =	sdelay $0x3  }
0x15d: {  	[tilespmem:$0xC90] =	vst @!p2 v0  }
0x15e: {  	v0 =	vld.idx.msk @!p2 [tilespmem:v2+s0+$0x0], $0xffff  }
0x15f: {  	v2 =	vor.u32 @!p1 $0x100, v1;
	_ =	sdelay $0x3  }
0x160: {  	[tilespmem:$0xD50] =	vst @!p2 v0  }
0x161: {  	v0 =	vld.idx.msk @!p2 [tilespmem:v2+s0+$0x0], $0xffff  }
0x162: {  	v2 =	vor.u32 @!p1 $0x101, v1;
	_ =	sdelay $0x3  }
0x163: {  	[tilespmem:$0xCA0] =	vst @!p2 v0  }
0x164: {  	v0 =	vld.idx.msk @!p2 [tilespmem:v2+s0+$0x0], $0xffff  }
0x165: {  	v2 =	vor.u32 @!p1 $0x200, v1;
	_ =	sdelay $0x3  }
0x166: {  	[tilespmem:$0xD60] =	vst @!p2 v0  }
0x167: {  	v0 =	vld.idx.msk @!p2 [tilespmem:v2+s0+$0x0], $0xffff  }
0x168: {  	v2 =	vor.u32 @!p1 $0x201, v1;
	_ =	sdelay $0x3  }
0x169: {  	[tilespmem:$0xCB0] =	vst @!p2 v0  }
0x16a: {  	v0 =	vld.idx.msk @!p2 [tilespmem:v2+s0+$0x0], $0xffff  }
0x16b: {  	v2 =	vor.u32 @!p1 $0x300, v1;
	_ =	sdelay $0x3  }
0x16c: {  	[tilespmem:$0xD70] =	vst @!p2 v0  }
0x16d: {  	v0 =	vld.idx.msk @!p2 [tilespmem:v2+s0+$0x0], $0xffff  }
0x16e: {  	v1 =	vor.u32 @!p1 $0x301, v1;
	_ =	sdelay $0x3  }
0x16f: {  	[tilespmem:$0xCC0] =	vst @!p2 v0  }
0x170: {  	v0 =	vld.idx.msk @!p2 [tilespmem:v1+s0+$0x0], $0xffff;
	_ =	sdelay $0x4  }
0x171: {  	s3 =	simm.s32 @!p2 $0x40;
	s8 =	simm.s32 @!p2 $0xC90;
	s0 =	simm.s32 @!p2 $0x4D90;
	[tilespmem:$0xD80] =	vst @!p2 v0  }
0x172: {  	[tilespmem:s0], [sflag:$0x6] =	stream.indirect.gather @!p2 [hbm4b:s7+s3], $0x80, s8, s3, $0xb8;
	[tilespmem:$0x1FF90] =	vst v63  }
0x173: {  	s8 =	simm.s32 @!p4 $0x4  }
0x174: {  	_ =	swait.ge @!p4 [sflag:s8], $0x2000  }
0x175: {  	[sflag:s8] =	ssyncset.done @!p4 $0x0  }
0x176: {  	[sflag:s8] =	ssyncadd.s32 @!p4 $0xFFFFE000;
	s8 =	simm.s32 @!p4 $0xCD0  }
0x177: {  	[spmem:s1] =	stream.indirect.scatter.add.f32 @!p4 [tilespmem:s22], [sflag:$0x7], $0x80, s8, s21, $0xb8;
	[tilespmem:$0x1FF90] =	vst v63  }
0x178: {  	s8 =	simm.s32 @!p5 $0x5  }
0x179: {  	_ =	swait.ge @!p5 [sflag:s8], $0x2000  }
0x17a: {  	[sflag:s8] =	ssyncset.done @!p5 $0x0  }
0x17b: {  	[sflag:s8] =	ssyncadd.s32 @!p5 $0xFFFFE000;
	s8 =	simm.s32 @!p5 $0xD10  }
0x17c: {  	[spmem:s1] =	stream.indirect.scatter.add.f32 @!p5 [tilespmem:s5], [sflag:$0x8], $0x80, s8, s2, $0xb8;
	[tilespmem:$0x1FF90] =	vst v63  }
0x17d: {  	s2 =	simm.s32 @!p2 $0x6  }
0x17e: {  	_ =	swait.ge @!p2 [sflag:s2], $0x2000  }
0x17f: {  	s28 =	stileid.u32;
	[sflag:s2] =	ssyncset.done @!p2 $0x0  }
0x180: {  	p0 =	sge.s32 s28, s20;
	[sflag:s2] =	ssyncadd.s32 @!p2 $0xFFFFE000;
	s2 =	simm.s32 @!p2 $0xD50  }
0x181: {  	[spmem:s1] =	stream.indirect.scatter.add.f32 @!p2 [tilespmem:s0], [sflag:$0x9], $0x80, s2, s3, $0xb8;
	[tilespmem:$0x1FF90] =	vst v63  }
0x182: {  	s0 =	simm.s32 @!p0 $0x7  }
0x183: {  	_ =	swait.ge @!p0 [sflag:s0], $0x2000  }
0x184: {  	s29 =	rddreg [dreg:$0x5]  }
0x185: {  	[sflag:s0] =	ssyncset.done @!p0 $0x0;
	p1 =	sge.s32 s29, s20  }
0x186: {  	[sflag:s0] =	ssyncadd.s32 @!p0 $0xFFFFE000;
	s0 =	simm.s32 @!p1 $0x8  }
0x187: {  	_ =	swait.ge @!p1 [sflag:s0], $0x2000  }
0x188: {  	s30 =	sld [smem:$0x7FD];
	_ =	sdelay $0x2  }
0x189: {  	[sflag:s0] =	ssyncset.done @!p1 $0x0;
	p0 =	seq.s32 s30, $0x1  }
0x18a: {  	[sflag:s0] =	ssyncadd.s32 @!p1 $0xFFFFE000;
	s0 =	simm.s32 @!p0 $0x9  }
0x18b: {  	_ =	swait.ge @!p0 [sflag:s0], $0x2000  }
0x18c: {  	[sflag:s0] =	ssyncset.done @!p0 $0x0  }
0x18d: {  	[sflag:s0] =	ssyncadd.s32 @!p0 $0xFFFFE000  }
0x18e: {  	[bflag:$0x0] =	sbarrier.arrive $0xFFFF  }
0x18f: {  	[hbm:s17], [sflag:s9] =	dma.local [spmem:s18], $0x3200  }
0x190: {  	_ =	swait.ge [sflag:s16], $0x3200  }
0x191: {  	s19 =	sadd.s32 $0x1, s19;
	s31 =	rddreg [dreg:$0x6]  }
0x192: {  	p0 =	sne.s32 s19, s31  }
.Ltmp1:
0x193: {  	_ = 	snop;
	(pc) =	sbr.rel @p0 .LBB2_1-.Ltmp1, $3  }
0x194: {  	_ =	sdelay $0x1  }
0x195: {  	[sflag:s16] =	ssyncset.done $0x0  }
0x196: {  	[sflag:s16] =	ssyncadd.s32 $0xFFFFCE00  }
0x197: {  	_ =	sfence.sel $0x180000  }
0x198: {  	[bflag:$0x0] =	sbarrier.arrive $0xFFFF  }
0x199: {  	_ =	strace $0x9000004D  }
0x19a: {  	s0 =	stileid.u32;
	[bflag:$0x2] =	sbarrier.arrive $0xFFFF  }
0x19b: {  	p0 =	sne.s32 s0, $0x0;
	s0 =	rddreg [dreg:$0x2]  }
0x19c: {  	s0 =	sadd.s32 @!p0 $0x100000, s0  }
0x19d: {  	[sflag:s0] =	ssyncadd.tile.s32 @!p0 $0x1;
	_ =	shalt  }
.Lfunc_end2:
_tile_overlayer_lowered:
.L_overlay_start_2:
0x19e: {  	(tag) =	ssettag $0x2  }
0x19f: {  	s0 =	rddreg [dreg:$0x0];
	s2 =	stileid.u32  }
0x1a0: {  	s1 =	rddreg [dreg:$0x1];
	p0 =	sne.s32 s2, $0x0  }
0x1a1: {  	s3 =	rddreg [dreg:$0x2];
	[bflag:$0x3] =	sbarrier.arrive $0xFFFF;
	s2 =	simm.s32 @!p0 $0x1C0A  }
0x1a2: {  	[timem:s3], [sflag:s2] =	dma.local @!p0 [hbm:s0], s1  }
0x1a3: {  	s0 =	simm.s32 @!p0 $0xA  }
0x1a4: {  	_ =	swait.ge @!p0 [sflag:s0], s1  }
0x1a5: {  	s1 =	ssub.s32 @!p0 $0x0, s1;
	[sflag:s0] =	ssyncset.done @!p0 $0x0  }
0x1a6: {  	[sflag:s0] =	ssyncadd.s32 @!p0 s1  }
0x1a7: {  	[bflag:$0x3] =	sbarrier.arrive $0xFFFF  }
0x1a8: {  	_ =	shalt  }

// kernel: kernel.8.cloned.1.call-start
scs
__scs_entry_jumppad:
0x0: {  	(pc) =	sbr.rel $0x88, $3  }
0x1: {  	(tag) =	ssettag $0x0;
	lr =	simm.s32 $0x1  }
0x2: {  	[smem:$0x3F90] =	sst lr;
	_ =	strace $0xD0000000  }
0x3: {  	_ = 	snop  }
0x4: {  	_ = 	snop  }
0x5: {  	_ = 	snop  }
0x6: {  	_ = 	snop  }
0x7: {  	_ = 	snop  }
__scs_overlays_trampoline_lowered:
0x8: {  	[smem:$0x3F9F] =	sst s0  }
0x9: {  	[smem:$0x3FA0] =	sst s1  }
0xa: {  	[smem:$0x3FA1] =	sst s2  }
0xb: {  	[smem:$0x3FA2] =	sst s3  }
0xc: {  	[smem:$0x3FA3] =	sst s4  }
0xd: {  	[smem:$0x3FA4] =	sst s5  }
0xe: {  	[smem:$0x3FA5] =	sst s6  }
0xf: {  	[smem:$0x3FA6] =	sst s7  }
0x10: {  	[smem:$0x3FA7] =	sst s8  }
0x11: {  	[smem:$0x3FA8] =	sst s9;
	s0 =	simm.s32 @!p0 $0x0  }
0x12: {  	s1 =	sld [smem:$0x3F8E];
	s0 =	simm.s32 @p0 $0x1  }
0x13: {  	[smem:$0x3FA9] =	sst s0;
	s0 =	simm.s32 @!p1 $0x0  }
0x14: {  	s2 =	sld [smem:$0x3F8D];
	s0 =	simm.s32 @p1 $0x1  }
0x15: {  	[smem:$0x3FAA] =	sst s0;
	s0 =	simm.s32 @!p2 $0x0  }
0x16: {  	s3 =	sld [smem:$0x3FDB];
	s0 =	simm.s32 @p2 $0x1  }
0x17: {  	s4 =	simm.s32 $0x1BF5;
	[smem:$0x3FAC] =	sst s0  }
0x18: {  	s0 =	sld [smem:$0x3F8F];
	_ =	swait.ge [sflag:s4], $0x0  }
0x19: {  	s7 =	sld [smem:$0x3F90]  }
0x1a: {  	s8 =	sadd.s32 $0xFFFFE003, lr  }
0x1b: {  	s9 =	sadd.s32 $0xFFFFFEF7, lr;
	s5 =	simm.s32 $0xFFFFFFFF;
	p2 =	slt.u32 s8, $0xFFFFF086  }
0x1c: {  	p1 =	slt.u32 s9, $0xF7A;
	s5 =	simm.s32 @!p2 $0x0  }
0x1d: {  	s5 =	simm.s32 @p1 $0x1;
	p0 =	seq.s32 s7, s2  }
0x1e: {  	s7 =	smul.u32 @!p0 $0xF7A, s2;
	p2 =	seq.s32 @!p0 s5, $0x0  }
0x1f: {  	s9 =	smul.u32 $0xF7A, s1;
	s8 =	simm.s32 @!p0 $0x1BF5;
	p2 =	por !p2, p0  }
0x20: {  	[sflag:s8] =	ssyncset.s32 @!p0 $0xFFFFF086;
	s6 =	sadd.s32 @!p0 s3, s7;
	s7 =	simm.s32 @!p0 $0x108  }
0x21: {  	s3 =	sadd.s32 s3, s9;
	s6 =	sadd.s32 @!p0 $0x88, s6;
	s7 =	simm.s32 @p2 $0x1082  }
0x22: {  	[simem:s7], [sflag:s8] =	dma.local @!p0 [hbm:s6], $0xF7A  }
0x23: {  	s9 =	sor.u32 $0xD0000000, s2;
	s6 =	simm.s32 $0x108;
	_ =	swait.ge @!p0 [sflag:s8], $0x0  }
0x24: {  	s3 =	sadd.s32 $0x88, s3;
	s6 =	simm.s32 @!p1 $0x1082;
	[sflag:s4] =	ssyncset.s32 $0xFFFFF086  }
0x25: {  	[simem:s6], [sflag:s4] =	dma.local [hbm:s3], $0xF7A  }
0x26: {  	[smem:$0x3F90] =	sst s1;
	(tag) =	ssettag s2;
	_ =	strace s9  }
0x27: {  	s1 =	sld [smem:$0x3FA0]  }
0x28: {  	s2 =	sld [smem:$0x3FA1]  }
0x29: {  	s4 =	sld [smem:$0x3FA3]  }
0x2a: {  	p0 =	seq.s32 s5, $0x0;
	s5 =	sld [smem:$0x3FA4]  }
0x2b: {  	s6 =	sld [smem:$0x3FA5]  }
0x2c: {  	s7 =	sld [smem:$0x3FA6]  }
0x2d: {  	s3 =	simm.s32 $0x108;
	s8 =	sld [smem:$0x3FA7]  }
0x2e: {  	s3 =	simm.s32 @!p0 $0x1082;
	s9 =	sld [smem:$0x3FA8]  }
0x2f: {  	lr =	sadd.s32 s0, s3;
	s0 =	sld [smem:$0x3F9F]  }
0x30: {  	s3 =	sld [smem:$0x3FA2]  }
0x31: {  	[smem:$0x3FAB] =	sst s10  }
0x32: {  	s10 =	sld [smem:$0x3FA9];
	_ =	sdelay $0x3  }
0x33: {  	p0 =	seq.s32 s10, $0x1;
	s10 =	sld [smem:$0x3FAB];
	_ =	sdelay $0x3  }
0x34: {  	[smem:$0x3FAB] =	sst s10  }
0x35: {  	s10 =	sld [smem:$0x3FAA];
	_ =	sdelay $0x3  }
0x36: {  	p1 =	seq.s32 s10, $0x1;
	s10 =	sld [smem:$0x3FAB];
	_ =	sdelay $0x3  }
0x37: {  	[smem:$0x3FAB] =	sst s10  }
0x38: {  	s10 =	sld [smem:$0x3FAC]  }
0x39: {  	_ = 	snop;
	(pc) =	sbr.ind lr, $3  }
0x3a: {  	_ = 	snop  }
0x3b: {  	_ = 	snop  }
0x3c: {  	p2 =	seq.s32 s10, $0x1;
	s10 =	sld [smem:$0x3FAB]  }
0x3d: {  	_ =	shalt  }
0x3e: {  	_ =	shalt  }
0x3f: {  	_ =	shalt  }
0x40: {  	_ =	shalt  }
0x41: {  	_ =	shalt  }
0x42: {  	_ =	shalt  }
0x43: {  	_ =	shalt  }
0x44: {  	_ =	shalt  }
0x45: {  	_ =	shalt  }
0x46: {  	_ =	shalt  }
0x47: {  	_ =	shalt  }
0x48: {  	_ =	shalt  }
0x49: {  	_ =	shalt  }
0x4a: {  	_ =	shalt  }
0x4b: {  	_ =	shalt  }
0x4c: {  	_ =	shalt  }
0x4d: {  	_ =	shalt  }
0x4e: {  	_ =	shalt  }
0x4f: {  	_ =	shalt  }
0x50: {  	_ =	shalt  }
0x51: {  	_ =	shalt  }
0x52: {  	_ =	shalt  }
0x53: {  	_ =	shalt  }
0x54: {  	_ =	shalt  }
0x55: {  	_ =	shalt  }
0x56: {  	_ =	shalt  }
0x57: {  	_ =	shalt  }
0x58: {  	_ =	shalt  }
0x59: {  	_ =	shalt  }
0x5a: {  	_ =	shalt  }
0x5b: {  	_ =	shalt  }
0x5c: {  	_ =	shalt  }
0x5d: {  	_ =	shalt  }
0x5e: {  	_ =	shalt  }
0x5f: {  	_ =	shalt  }
0x60: {  	_ =	shalt  }
0x61: {  	_ =	shalt  }
0x62: {  	_ =	shalt  }
0x63: {  	_ =	shalt  }
0x64: {  	_ =	shalt  }
0x65: {  	_ =	shalt  }
0x66: {  	_ =	shalt  }
0x67: {  	_ =	shalt  }
0x68: {  	_ =	shalt  }
0x69: {  	_ =	shalt  }
0x6a: {  	_ =	shalt  }
0x6b: {  	_ =	shalt  }
0x6c: {  	_ =	shalt  }
0x6d: {  	_ =	shalt  }
0x6e: {  	_ =	shalt  }
0x6f: {  	_ =	shalt  }
0x70: {  	_ =	shalt  }
0x71: {  	_ =	shalt  }
0x72: {  	_ =	shalt  }
0x73: {  	_ =	shalt  }
0x74: {  	_ =	shalt  }
0x75: {  	_ =	shalt  }
0x76: {  	_ =	shalt  }
0x77: {  	_ =	shalt  }
0x78: {  	_ =	shalt  }
0x79: {  	_ =	shalt  }
0x7a: {  	_ =	shalt  }
0x7b: {  	_ =	shalt  }
0x7c: {  	_ =	shalt  }
0x7d: {  	_ =	shalt  }
0x7e: {  	_ =	shalt  }
0x7f: {  	_ =	shalt  }
0x80: {  	_ =	shalt  }
0x81: {  	_ =	shalt  }
0x82: {  	_ =	shalt  }
0x83: {  	_ =	shalt  }
0x84: {  	_ =	shalt  }
0x85: {  	_ =	shalt  }
0x86: {  	_ =	shalt  }
0x87: {  	_ =	shalt  }
.Lfunc_end0:
.L_simem_size_0:
called_computation_lowered:
.L_overlay_start_0:
0x88: {  	s2 =	sld [smem:$0x3FD9]  }
0x89: {  	s3 =	sld [smem:$0x3FFE];
	_ =	sdelay $0x1  }
0x8a: {  	s1 =	srdreg.scid  }
0x8b: {  	s0 =	sand.u32 $0x1, s1  }
0x8c: {  	s16 =	sshll.u32 s0, $0xA;
	s2 =	sadd.s32 s3, s2  }
0x8d: {  	s2 =	sadd.s32 s2, s16  }
0x8e: {  	[smem:$0x3FB7] =	sst s2  }
0x8f: {  	_ = 	snop  }
0x90: {  	(tm) =	ssettm $0x1  }
0x91: {  	s17 =	sld [smem:$0x3FFB];
	_ =	sdelay $0x3  }
0x92: {  	_ =	strace s17  }
0x93: {  	s2 =	sld [smem:$0x3FFC];
	_ =	sdelay $0x3  }
0x94: {  	_ =	strace s2  }
0x95: {  	s2 =	sld [smem:$0x3FFD];
	_ =	sdelay $0x3  }
0x96: {  	_ =	strace s2  }
0x97: {  	_ =	strace $0x8FFFFFFF  }
0x98: {  	s18 =	sld [smem:$0x3FDB];
	_ =	sdelay $0x1  }
0x99: {  	s19 =	simm.s32 $_scs_section_size  }
0x9a: {  	s4 =	simm.s32 $_size__tile_overlayer_lowered;
	s5 =	simm.s32 $_tile_overlayer_lowered  }
0x9b: {  	s22 =	simm.s32 $0x1BFF;
	s21 =	sshll.u32 s5, $0x1;
	s2 =	sadd.s32 s19, s18  }
0x9c: {  	s6 =	simm.s32 $0x0;
	s20 =	sshll.u32 s4, $0x1;
	s4 =	sadd.s32 s21, s2  }
0x9d: {  	[timem:s6], [sflag:s22] =	dma.local [hbm:s4], s20  }
0x9e: {  	_ =	swait.ge [sflag:s22], s20  }
0x9f: {  	s3 =	ssub.s32 $0x0, s20;
	[sflag:s22] =	ssyncset.done $0x0  }
0xa0: {  	[sflag:s22] =	ssyncadd.s32 s3;
	_ =	sdelay $0x1  }
0xa1: {  	s23 =	simm.s32 $0x1B8B  }
0xa2: {  	_ =	swait.ge [sflag:s23], $0x1  }
0xa3: {  	[sflag:s23] =	ssyncset.done $0x0  }
0xa4: {  	s25 =	simm.s32 $0x1B8E;
	s24 =	sld [smem:$0x3FFE];
	[sflag:s23] =	ssyncadd.s32 $0xFFFFFFFF  }
0xa5: {  	s26 =	simm.s32 $execute0_lowered;
	[smem:$0x3FD2] =	sst s25  }
0xa6: {  	s4 =	sshll.u32 s26, $0x1;
	_ =	strace $0x80000046;
	[dreg:$0x1] =	wrdreg $0xFFFFFFFF  }
0xa7: {  	s28 =	simm.s32 $_size_execute0_lowered;
	s2 =	sadd.s32 s2, s4;
	[dreg:$0x0] =	wrdreg $0x0  }
0xa8: {  	s4 =	sshll.u32 s28, $0x1;
	[dreg:$0x2] =	wrdreg s2  }
0xa9: {  	[dreg:$0x3] =	wrdreg s4  }
0xaa: {  	[dreg:$0x4] =	wrdreg $0xC0  }
0xab: {  	_ =	task [dreg:s6], $0x5FFFF  }
0xac: {  	[dreg:$0x1] =	wrdreg $0xFFFFFFFF  }
0xad: {  	[dreg:$0x0] =	wrdreg $0x60  }
0xae: {  	[dreg:$0x2] =	wrdreg s24  }
0xaf: {  	[dreg:$0x3] =	wrdreg $0xA  }
0xb0: {  	_ =	task.clear_ibuf [dreg:s6], $0x4FFFF;
	_ =	strace $0x90000046  }
0xb1: {  	s29 =	simm.s32 $0xA;
	_ =	strace $0x80000048  }
0xb2: {  	_ =	swait.ge [sflag:s29], $0x1  }
0xb3: {  	[sflag:s29] =	ssyncadd.s32 $0xFFFFFFFF  }
0xb4: {  	_ =	strace $0x90000048  }
0xb5: {  	_ =	sfence  }
0xb6: {  	s30 =	sld [smem:$0x0];
	_ =	sdelay $0x2  }
0xb7: {  	s31 =	sshll.u32 s1, $0xD;
	s1 =	sshrl.u32 s1, $0x2  }
0xb8: {  	s3 =	sand.u32 $0x4000, s31;
	s1 =	sadd.s32 s1, s30  }
0xb9: {  	s0 =	sor.u32 s3, s0;
	s1 =	sshll.u32 s1, $0x11  }
0xba: {  	s0 =	sor.u32 s1, s0  }
0xbb: {  	s0 =	sadd.s32 $0x8F2B, s0  }
0xbc: {  	[sflag:s0] =	ssyncadd.remote.s32 $0x1  }
0xbd: {  	_ =	sfence.sel $0xFFFF  }
0xbe: {  	[dreg:$0x0] =	wrdreg $0xFFFFFFFF;
	(pc) =	sbr.abs _section_cstart, $3  }
0xbf: {  	[dreg:$0x1] =	wrdreg $0xFFFFFFFF  }
0xc0: {  	_ =	task.clear_ibuf [dreg:s6], $0x2FFFF;
	_ =	strace $0x9FFFFFFF  }
0xc1: {  	(tm) =	ssettm $0x7FFFFFFF  }
tec
execute0_lowered:
.L_overlay_start_1:
0x0: {  	(tag) =	ssettag $0x1  }
0x1: {  	s4 =	rddreg [dreg:$0x0];
	s1 =	srdreg.scid  }
0x2: {  	s0 =	rddreg [dreg:$0x1];
	s2 =	simm.s32 $0x0;
	s11 =	simm.s32 $0x180  }
0x3: {  	s12 =	simm.s32 $0x280;
	s13 =	simm.s32 $0x1;
	s14 =	simm.s32 $0x300  }
0x4: {  	s15 =	simm.s32 $0x2;
	s16 =	simm.s32 $0xB00;
	s17 =	simm.s32 $0x3  }
0x5: {  	v0 =	vlaneseq.u32;
	s18 =	simm.s32 $0x4;
	s19 =	simm.s32 $0x0;
	s5 =	sand.u32 $0x1, s1  }
0x6: {  	[smem:$0x7FF] =	sst s2;
	s1 =	stileid.u32;
	s3 =	sadd.s32 $0x28000, s4;
	v0 =	vmul.u32 $0x10, v0  }
0x7: {  	s29 =	sadd.s32 $0xF600, s4;
	s10 =	sadd.s32 $0x1BA00, s4;
	s6 =	ssub.s32 $0x2, s5  }
0x8: {  	_ =	strace $0x80000047;
	s7 =	sshll.u32 s1, $0x5;
	s5 =	sshll.u32 s5, $0x4;
	v1 =	vor.u32 $0x1, v0;
	v2 =	vor.u32 $0x100, v0;
	v15 =	vor.u32 $0x701, v0  }
0x9: {  	s8 =	sshrl.u32 s6, $0x1;
	s9 =	sadd.s32 s7, s4;
	s31 =	sor.u32 s5, s7;
	v3 =	vor.u32 $0x101, v0;
	v4 =	vor.u32 $0x200, v0;
	v5 =	vor.u32 $0x201, v0  }
0xa: {  	s7 =	simm.s32 $0x100;
	v6 =	vor.u32 $0x300, v0;
	v7 =	vor.u32 $0x301, v0;
	v8 =	vor.u32 $0x400, v0;
	s6 =	ssub.s32 s6, s8;
	s30 =	sadd.s32 s5, s9  }
0xb: {  	v9 =	vor.u32 $0x401, v0;
	v10 =	vor.u32 $0x500, v0;
	v11 =	vor.u32 $0x501, v0;
	s8 =	sadd.s32 s10, s31;
	s9 =	simm.s32 $0x200;
	s10 =	simm.s32 $0x80  }
0xc: {  	v12 =	vor.u32 $0x600, v0;
	v13 =	vor.u32 $0x601, v0;
	v14 =	vor.u32 $0x700, v0;
	s4 =	smax.u32 s6, $0x1;
	s5 =	sadd.s32 $0x3200, s30;
	s6 =	sadd.s32 s29, s31  }
.LBB2_1:
0xd: {  	p0 =	por $0x1, $0x1  }
0xe: {  	s20 =	simm.s32 @!p0 $0x3  }
0xf: {  	_ =	swait.ge @!p0 [sflag:s20], $0x800  }
0x10: {  	[sflag:s20] =	ssyncset.done @!p0 $0x0  }
0x11: {  	s29 =	sadd.s32 $0x0, s5;
	[sflag:s20] =	ssyncadd.s32 @!p0 $0xFFFFF800  }
0x12: {  	[tilespmem:s2], [sflag:$0x1] =	stream.linear.gather [hbm4b:s29+s2], $0x80, $0x38;
	[tilespmem:$0x1300] =	vst v63  }
0x13: {  	s21 =	sadd.s32 $0x0, s6  }
0x14: {  	[tilespmem:s7], [sflag:$0x1] =	stream.linear.gather [hbm4b:s21+s2], $0x80, $0x38;
	[tilespmem:$0x1300] =	vst v63  }
0x15: {  	s22 =	sadd.s32 $0x0, s8;
	s23 =	simm.s32 @!p0 $0x4  }
0x16: {  	[tilespmem:s9], [sflag:$0x1] =	stream.linear.gather [hbm4b:s22+s2], $0x80, $0x38;
	[tilespmem:$0x1300] =	vst v63  }
0x17: {  	_ =	swait.ge @!p0 [sflag:s23], $0x800  }
0x18: {  	[sflag:s23] =	ssyncset.done @!p0 $0x0  }
0x19: {  	s20 =	sadd.s32 $0x200, s29;
	[sflag:s23] =	ssyncadd.s32 @!p0 $0xFFFFF800  }
0x1a: {  	[tilespmem:s10], [sflag:$0x2] =	stream.linear.gather [hbm4b:s20+s2], $0x80, $0x38;
	[tilespmem:$0x1300] =	vst v63  }
0x1b: {  	s30 =	sadd.s32 $0x200, s21  }
0x1c: {  	[tilespmem:s11], [sflag:$0x2] =	stream.linear.gather [hbm4b:s30+s2], $0x80, $0x38;
	[tilespmem:$0x1300] =	vst v63  }
0x1d: {  	s31 =	sadd.s32 $0x200, s22  }
0x1e: {  	[tilespmem:s12], [sflag:$0x2] =	stream.linear.gather [hbm4b:s31+s2], $0x80, $0x38;
	[tilespmem:$0x1300] =	vst v63  }
0x1f: {  	_ =	swait.ge [sflag:s13], $0x80  }
0x20: {  	[sflag:s13] =	ssyncset.done $0x0  }
0x21: {  	[sflag:s13] =	ssyncadd.s32 $0xFFFFFF80  }
0x22: {  	_ =	swait.ge [sflag:s13], $0x80  }
0x23: {  	[sflag:s13] =	ssyncset.done $0x0  }
0x24: {  	[sflag:s13] =	ssyncadd.s32 $0xFFFFFF80  }
0x25: {  	_ =	swait.ge [sflag:s13], $0x80  }
0x26: {  	[sflag:s13] =	ssyncset.done $0x0  }
0x27: {  	[sflag:s13] =	ssyncadd.s32 $0xFFFFFF80  }
0x28: {  	v16 =	vld [tilespmem:$0x0];
	_ =	sdelay $0x4  }
0x29: {  	[tilespmem:v0+s14+$0x0] =	vst.idx.msk $0xffff, v16  }
0x2a: {  	v16 =	vld [tilespmem:$0x100];
	_ =	sdelay $0x4  }
0x2b: {  	[tilespmem:v1+s14+$0x0] =	vst.idx.msk $0xffff, v16  }
0x2c: {  	v16 =	vld [tilespmem:$0x10];
	_ =	sdelay $0x4  }
0x2d: {  	[tilespmem:v2+s14+$0x0] =	vst.idx.msk $0xffff, v16  }
0x2e: {  	v16 =	vld [tilespmem:$0x110];
	_ =	sdelay $0x4  }
0x2f: {  	[tilespmem:v3+s14+$0x0] =	vst.idx.msk $0xffff, v16  }
0x30: {  	v16 =	vld [tilespmem:$0x20];
	_ =	sdelay $0x4  }
0x31: {  	[tilespmem:v4+s14+$0x0] =	vst.idx.msk $0xffff, v16  }
0x32: {  	v16 =	vld [tilespmem:$0x120];
	_ =	sdelay $0x4  }
0x33: {  	[tilespmem:v5+s14+$0x0] =	vst.idx.msk $0xffff, v16  }
0x34: {  	v16 =	vld [tilespmem:$0x30];
	_ =	sdelay $0x4  }
0x35: {  	[tilespmem:v6+s14+$0x0] =	vst.idx.msk $0xffff, v16  }
0x36: {  	v16 =	vld [tilespmem:$0x130];
	_ =	sdelay $0x4  }
0x37: {  	[tilespmem:v7+s14+$0x0] =	vst.idx.msk $0xffff, v16  }
0x38: {  	v16 =	vld [tilespmem:$0x40];
	_ =	sdelay $0x4  }
0x39: {  	[tilespmem:v8+s14+$0x0] =	vst.idx.msk $0xffff, v16  }
0x3a: {  	v16 =	vld [tilespmem:$0x140];
	_ =	sdelay $0x4  }
0x3b: {  	[tilespmem:v9+s14+$0x0] =	vst.idx.msk $0xffff, v16  }
0x3c: {  	v16 =	vld [tilespmem:$0x50];
	_ =	sdelay $0x4  }
0x3d: {  	[tilespmem:v10+s14+$0x0] =	vst.idx.msk $0xffff, v16  }
0x3e: {  	v16 =	vld [tilespmem:$0x150];
	_ =	sdelay $0x4  }
0x3f: {  	[tilespmem:v11+s14+$0x0] =	vst.idx.msk $0xffff, v16  }
0x40: {  	v16 =	vld [tilespmem:$0x60];
	_ =	sdelay $0x4  }
0x41: {  	[tilespmem:v12+s14+$0x0] =	vst.idx.msk $0xffff, v16  }
0x42: {  	v16 =	vld [tilespmem:$0x160];
	_ =	sdelay $0x4  }
0x43: {  	[tilespmem:v13+s14+$0x0] =	vst.idx.msk $0xffff, v16  }
0x44: {  	v16 =	vld [tilespmem:$0x70];
	_ =	sdelay $0x4  }
0x45: {  	[tilespmem:v14+s14+$0x0] =	vst.idx.msk $0xffff, v16  }
0x46: {  	v16 =	vld [tilespmem:$0x170];
	_ =	sdelay $0x4  }
0x47: {  	[tilespmem:v15+s14+$0x0] =	vst.idx.msk $0xffff, v16  }
0x48: {  	[hbm4b:s3+s10] =	stream.indirect.scatter [tilespmem:s14], [sflag:$0x3], $0x10, s9, s10, $0xb8;
	[tilespmem:$0x1300] =	vst v63  }
0x49: {  	_ =	swait.ge [sflag:s15], $0x80  }
0x4a: {  	[sflag:s15] =	ssyncset.done $0x0  }
0x4b: {  	[sflag:s15] =	ssyncadd.s32 $0xFFFFFF80  }
0x4c: {  	_ =	swait.ge [sflag:s15], $0x80  }
0x4d: {  	[sflag:s15] =	ssyncset.done $0x0  }
0x4e: {  	[sflag:s15] =	ssyncadd.s32 $0xFFFFFF80  }
0x4f: {  	_ =	swait.ge [sflag:s15], $0x80  }
0x50: {  	[sflag:s15] =	ssyncset.done $0x0  }
0x51: {  	[sflag:s15] =	ssyncadd.s32 $0xFFFFFF80  }
0x52: {  	v16 =	vld [tilespmem:$0x80];
	_ =	sdelay $0x4  }
0x53: {  	[tilespmem:v0+s16+$0x0] =	vst.idx.msk $0xffff, v16  }
0x54: {  	v16 =	vld [tilespmem:$0x180];
	_ =	sdelay $0x4  }
0x55: {  	[tilespmem:v1+s16+$0x0] =	vst.idx.msk $0xffff, v16  }
0x56: {  	v16 =	vld [tilespmem:$0x90];
	_ =	sdelay $0x4  }
0x57: {  	[tilespmem:v2+s16+$0x0] =	vst.idx.msk $0xffff, v16  }
0x58: {  	v16 =	vld [tilespmem:$0x190];
	_ =	sdelay $0x4  }
0x59: {  	[tilespmem:v3+s16+$0x0] =	vst.idx.msk $0xffff, v16  }
0x5a: {  	v16 =	vld [tilespmem:$0xA0];
	_ =	sdelay $0x4  }
0x5b: {  	[tilespmem:v4+s16+$0x0] =	vst.idx.msk $0xffff, v16  }
0x5c: {  	v16 =	vld [tilespmem:$0x1A0];
	_ =	sdelay $0x4  }
0x5d: {  	[tilespmem:v5+s16+$0x0] =	vst.idx.msk $0xffff, v16  }
0x5e: {  	v16 =	vld [tilespmem:$0xB0];
	_ =	sdelay $0x4  }
0x5f: {  	[tilespmem:v6+s16+$0x0] =	vst.idx.msk $0xffff, v16  }
0x60: {  	v16 =	vld [tilespmem:$0x1B0];
	_ =	sdelay $0x4  }
0x61: {  	[tilespmem:v7+s16+$0x0] =	vst.idx.msk $0xffff, v16  }
0x62: {  	v16 =	vld [tilespmem:$0xC0];
	_ =	sdelay $0x4  }
0x63: {  	[tilespmem:v8+s16+$0x0] =	vst.idx.msk $0xffff, v16  }
0x64: {  	v16 =	vld [tilespmem:$0x1C0];
	_ =	sdelay $0x4  }
0x65: {  	[tilespmem:v9+s16+$0x0] =	vst.idx.msk $0xffff, v16  }
0x66: {  	v16 =	vld [tilespmem:$0xD0];
	_ =	sdelay $0x4  }
0x67: {  	[tilespmem:v10+s16+$0x0] =	vst.idx.msk $0xffff, v16  }
0x68: {  	v16 =	vld [tilespmem:$0x1D0];
	_ =	sdelay $0x4  }
0x69: {  	[tilespmem:v11+s16+$0x0] =	vst.idx.msk $0xffff, v16  }
0x6a: {  	v16 =	vld [tilespmem:$0xE0];
	_ =	sdelay $0x4  }
0x6b: {  	[tilespmem:v12+s16+$0x0] =	vst.idx.msk $0xffff, v16  }
0x6c: {  	v16 =	vld [tilespmem:$0x1E0];
	_ =	sdelay $0x4  }
0x6d: {  	[tilespmem:v13+s16+$0x0] =	vst.idx.msk $0xffff, v16  }
0x6e: {  	v16 =	vld [tilespmem:$0xF0];
	_ =	sdelay $0x4  }
0x6f: {  	[tilespmem:v14+s16+$0x0] =	vst.idx.msk $0xffff, v16  }
0x70: {  	v16 =	vld [tilespmem:$0x1F0];
	_ =	sdelay $0x3  }
0x71: {  	p1 =	por $0x0, $0x0;
	s21 =	simm.s32 $0x800;
	s20 =	simm.s32 $0x400  }
.LBB2_2:
0x72: {  	s22 =	simm.s32 @!p1 $0x3;
	[tilespmem:v15+s16+$0x0] =	vst.idx.msk $0xffff, v16;
	s23 =	smov.u32 s21;
	s21 =	sadd.s32 $0x400, s21  }
0x73: {  	[hbm4b:s3+s10] =	stream.indirect.scatter [tilespmem:s16], [sflag:$0x4], $0x10, s12, s10, $0xb8;
	[tilespmem:$0x1300] =	vst v63  }
0x74: {  	p0 =	sne.s32 s21, $0xC400;
	_ =	swait.ge @!p1 [sflag:s22], $0x800  }
0x75: {  	[sflag:s22] =	ssyncset.done @!p1 $0x0  }
0x76: {  	[sflag:s22] =	ssyncadd.s32 @!p1 $0xFFFFF800;
	s22 =	sadd.s32 s20, s5  }
0x77: {  	[tilespmem:s2], [sflag:$0x1] =	stream.linear.gather [hbm4b:s22+s2], $0x80, $0x38;
	[tilespmem:$0x1300] =	vst v63  }
0x78: {  	s24 =	sadd.s32 s20, s6  }
0x79: {  	[tilespmem:s7], [sflag:$0x1] =	stream.linear.gather [hbm4b:s24+s2], $0x80, $0x38;
	[tilespmem:$0x1300] =	vst v63  }
0x7a: {  	s25 =	sadd.s32 s20, s8;
	s26 =	simm.s32 @!p1 $0x4;
	s20 =	smov.u32 s23  }
0x7b: {  	[tilespmem:s9], [sflag:$0x1] =	stream.linear.gather [hbm4b:s25+s2], $0x80, $0x38;
	[tilespmem:$0x1300] =	vst v63  }
0x7c: {  	_ =	swait.ge @!p1 [sflag:s26], $0x800  }
0x7d: {  	[sflag:s26] =	ssyncset.done @!p1 $0x0  }
0x7e: {  	s22 =	sadd.s32 $0x200, s22;
	[sflag:s26] =	ssyncadd.s32 @!p1 $0xFFFFF800  }
0x7f: {  	[tilespmem:s10], [sflag:$0x2] =	stream.linear.gather [hbm4b:s22+s2], $0x80, $0x38;
	[tilespmem:$0x1300] =	vst v63  }
0x80: {  	s22 =	sadd.s32 $0x200, s24  }
0x81: {  	[tilespmem:s11], [sflag:$0x2] =	stream.linear.gather [hbm4b:s22+s2], $0x80, $0x38;
	[tilespmem:$0x1300] =	vst v63  }
0x82: {  	s22 =	sadd.s32 $0x200, s25  }
0x83: {  	[tilespmem:s12], [sflag:$0x2] =	stream.linear.gather [hbm4b:s22+s2], $0x80, $0x38;
	[tilespmem:$0x1300] =	vst v63  }
0x84: {  	_ =	swait.ge [sflag:s13], $0x80  }
0x85: {  	[sflag:s13] =	ssyncset.done $0x0  }
0x86: {  	[sflag:s13] =	ssyncadd.s32 $0xFFFFFF80  }
0x87: {  	_ =	swait.ge [sflag:s13], $0x80  }
0x88: {  	[sflag:s13] =	ssyncset.done $0x0  }
0x89: {  	[sflag:s13] =	ssyncadd.s32 $0xFFFFFF80  }
0x8a: {  	_ =	swait.ge [sflag:s13], $0x80  }
0x8b: {  	[sflag:s13] =	ssyncset.done $0x0  }
0x8c: {  	[sflag:s13] =	ssyncadd.s32 $0xFFFFFF80  }
0x8d: {  	v16 =	vld [tilespmem:$0x0];
	_ =	sdelay $0x4  }
0x8e: {  	[tilespmem:v0+s14+$0x0] =	vst.idx.msk $0xffff, v16  }
0x8f: {  	v16 =	vld [tilespmem:$0x100];
	_ =	sdelay $0x4  }
0x90: {  	[tilespmem:v1+s14+$0x0] =	vst.idx.msk $0xffff, v16  }
0x91: {  	v16 =	vld [tilespmem:$0x10];
	_ =	sdelay $0x4  }
0x92: {  	[tilespmem:v2+s14+$0x0] =	vst.idx.msk $0xffff, v16  }
0x93: {  	v16 =	vld [tilespmem:$0x110];
	_ =	sdelay $0x4  }
0x94: {  	[tilespmem:v3+s14+$0x0] =	vst.idx.msk $0xffff, v16  }
0x95: {  	v16 =	vld [tilespmem:$0x20];
	_ =	sdelay $0x4  }
0x96: {  	[tilespmem:v4+s14+$0x0] =	vst.idx.msk $0xffff, v16  }
0x97: {  	v16 =	vld [tilespmem:$0x120];
	_ =	sdelay $0x4  }
0x98: {  	[tilespmem:v5+s14+$0x0] =	vst.idx.msk $0xffff, v16  }
0x99: {  	v16 =	vld [tilespmem:$0x30];
	_ =	sdelay $0x4  }
0x9a: {  	[tilespmem:v6+s14+$0x0] =	vst.idx.msk $0xffff, v16  }
0x9b: {  	v16 =	vld [tilespmem:$0x130];
	_ =	sdelay $0x4  }
0x9c: {  	[tilespmem:v7+s14+$0x0] =	vst.idx.msk $0xffff, v16  }
0x9d: {  	v16 =	vld [tilespmem:$0x40];
	_ =	sdelay $0x4  }
0x9e: {  	[tilespmem:v8+s14+$0x0] =	vst.idx.msk $0xffff, v16  }
0x9f: {  	v16 =	vld [tilespmem:$0x140];
	_ =	sdelay $0x4  }
0xa0: {  	[tilespmem:v9+s14+$0x0] =	vst.idx.msk $0xffff, v16  }
0xa1: {  	v16 =	vld [tilespmem:$0x50];
	_ =	sdelay $0x4  }
0xa2: {  	[tilespmem:v10+s14+$0x0] =	vst.idx.msk $0xffff, v16  }
0xa3: {  	v16 =	vld [tilespmem:$0x150];
	_ =	sdelay $0x4  }
0xa4: {  	[tilespmem:v11+s14+$0x0] =	vst.idx.msk $0xffff, v16  }
0xa5: {  	v16 =	vld [tilespmem:$0x60];
	_ =	sdelay $0x4  }
0xa6: {  	[tilespmem:v12+s14+$0x0] =	vst.idx.msk $0xffff, v16  }
0xa7: {  	v16 =	vld [tilespmem:$0x160];
	_ =	sdelay $0x4  }
0xa8: {  	[tilespmem:v13+s14+$0x0] =	vst.idx.msk $0xffff, v16  }
0xa9: {  	v16 =	vld [tilespmem:$0x70];
	_ =	sdelay $0x4  }
0xaa: {  	[tilespmem:v14+s14+$0x0] =	vst.idx.msk $0xffff, v16  }
0xab: {  	v16 =	vld [tilespmem:$0x170];
	_ =	sdelay $0x4  }
0xac: {  	[tilespmem:v15+s14+$0x0] =	vst.idx.msk $0xffff, v16  }
0xad: {  	[hbm4b:s3+s10] =	stream.indirect.scatter [tilespmem:s14], [sflag:$0x3], $0x10, s9, s10, $0xb8;
	[tilespmem:$0x1300] =	vst v63  }
0xae: {  	_ =	swait.ge [sflag:s15], $0x80  }
0xaf: {  	[sflag:s15] =	ssyncset.done $0x0  }
0xb0: {  	[sflag:s15] =	ssyncadd.s32 $0xFFFFFF80  }
0xb1: {  	_ =	swait.ge [sflag:s15], $0x80  }
0xb2: {  	[sflag:s15] =	ssyncset.done $0x0  }
0xb3: {  	[sflag:s15] =	ssyncadd.s32 $0xFFFFFF80  }
0xb4: {  	_ =	swait.ge [sflag:s15], $0x80  }
0xb5: {  	[sflag:s15] =	ssyncset.done $0x0  }
0xb6: {  	[sflag:s15] =	ssyncadd.s32 $0xFFFFFF80  }
0xb7: {  	v16 =	vld [tilespmem:$0x80];
	_ =	sdelay $0x4  }
0xb8: {  	[tilespmem:v0+s16+$0x0] =	vst.idx.msk $0xffff, v16  }
0xb9: {  	v16 =	vld [tilespmem:$0x180];
	_ =	sdelay $0x4  }
0xba: {  	[tilespmem:v1+s16+$0x0] =	vst.idx.msk $0xffff, v16  }
0xbb: {  	v16 =	vld [tilespmem:$0x90];
	_ =	sdelay $0x4  }
0xbc: {  	[tilespmem:v2+s16+$0x0] =	vst.idx.msk $0xffff, v16  }
0xbd: {  	v16 =	vld [tilespmem:$0x190];
	_ =	sdelay $0x4  }
0xbe: {  	[tilespmem:v3+s16+$0x0] =	vst.idx.msk $0xffff, v16  }
0xbf: {  	v16 =	vld [tilespmem:$0xA0];
	_ =	sdelay $0x4  }
0xc0: {  	[tilespmem:v4+s16+$0x0] =	vst.idx.msk $0xffff, v16  }
0xc1: {  	v16 =	vld [tilespmem:$0x1A0];
	_ =	sdelay $0x4  }
0xc2: {  	[tilespmem:v5+s16+$0x0] =	vst.idx.msk $0xffff, v16  }
0xc3: {  	v16 =	vld [tilespmem:$0xB0];
	_ =	sdelay $0x4  }
0xc4: {  	[tilespmem:v6+s16+$0x0] =	vst.idx.msk $0xffff, v16  }
0xc5: {  	v16 =	vld [tilespmem:$0x1B0];
	_ =	sdelay $0x4  }
0xc6: {  	[tilespmem:v7+s16+$0x0] =	vst.idx.msk $0xffff, v16  }
0xc7: {  	v16 =	vld [tilespmem:$0xC0];
	_ =	sdelay $0x4  }
0xc8: {  	[tilespmem:v8+s16+$0x0] =	vst.idx.msk $0xffff, v16  }
0xc9: {  	v16 =	vld [tilespmem:$0x1C0];
	_ =	sdelay $0x4  }
0xca: {  	[tilespmem:v9+s16+$0x0] =	vst.idx.msk $0xffff, v16  }
0xcb: {  	v16 =	vld [tilespmem:$0xD0];
	_ =	sdelay $0x4  }
0xcc: {  	[tilespmem:v10+s16+$0x0] =	vst.idx.msk $0xffff, v16  }
0xcd: {  	v16 =	vld [tilespmem:$0x1D0];
	_ =	sdelay $0x4  }
0xce: {  	[tilespmem:v11+s16+$0x0] =	vst.idx.msk $0xffff, v16  }
0xcf: {  	v16 =	vld [tilespmem:$0xE0];
	_ =	sdelay $0x4  }
0xd0: {  	[tilespmem:v12+s16+$0x0] =	vst.idx.msk $0xffff, v16  }
0xd1: {  	v16 =	vld [tilespmem:$0x1E0];
	_ =	sdelay $0x4  }
0xd2: {  	[tilespmem:v13+s16+$0x0] =	vst.idx.msk $0xffff, v16  }
0xd3: {  	v16 =	vld [tilespmem:$0xF0];
	_ =	sdelay $0x4  }
0xd4: {  	[tilespmem:v14+s16+$0x0] =	vst.idx.msk $0xffff, v16  }
.Ltmp0:
0xd5: {  	v16 =	vld [tilespmem:$0x1F0];
	(pc) =	sbr.rel @p0 .LBB2_2-.Ltmp0, $2  }
0xd6: {  	_ =	sdelay $0x2  }
0xd7: {  	p1 =	seq.s32 s20, $0x0  }
0xd8: {  	_ =	sdelay $0x3  }
0xd9: {  	s21 =	simm.s32 @!p1 $0x3;
	[tilespmem:v15+s16+$0x0] =	vst.idx.msk $0xffff, v16  }
0xda: {  	[hbm4b:s3+s10] =	stream.indirect.scatter [tilespmem:s16], [sflag:$0x4], $0x10, s12, s10, $0xb8;
	[tilespmem:$0x1300] =	vst v63  }
0xdb: {  	_ =	swait.ge @!p1 [sflag:s21], $0x800  }
0xdc: {  	[sflag:s21] =	ssyncset.done @!p1 $0x0  }
0xdd: {  	s29 =	sadd.s32 s20, s5;
	[sflag:s21] =	ssyncadd.s32 @!p1 $0xFFFFF800  }
0xde: {  	[tilespmem:s2], [sflag:$0x1] =	stream.linear.gather [hbm4b:s29+s2], $0x80, $0x38;
	[tilespmem:$0x1300] =	vst v63  }
0xdf: {  	s22 =	sadd.s32 s20, s6  }
0xe0: {  	[tilespmem:s7], [sflag:$0x1] =	stream.linear.gather [hbm4b:s22+s2], $0x80, $0x38;
	[tilespmem:$0x1300] =	vst v63  }
0xe1: {  	s30 =	sadd.s32 s20, s8;
	s23 =	simm.s32 @!p1 $0x4  }
0xe2: {  	[tilespmem:s9], [sflag:$0x1] =	stream.linear.gather [hbm4b:s30+s2], $0x80, $0x38;
	[tilespmem:$0x1300] =	vst v63  }
0xe3: {  	_ =	swait.ge @!p1 [sflag:s23], $0x800  }
0xe4: {  	[sflag:s23] =	ssyncset.done @!p1 $0x0  }
0xe5: {  	s21 =	sadd.s32 $0x200, s29;
	[sflag:s23] =	ssyncadd.s32 @!p1 $0xFFFFF800  }
0xe6: {  	[tilespmem:s10], [sflag:$0x2] =	stream.linear.gather [hbm4b:s21+s2], $0x80, $0x38;
	[tilespmem:$0x1300] =	vst v63  }
0xe7: {  	s31 =	sadd.s32 $0x200, s22  }
0xe8: {  	[tilespmem:s11], [sflag:$0x2] =	stream.linear.gather [hbm4b:s31+s2], $0x80, $0x38;
	[tilespmem:$0x1300] =	vst v63  }
0xe9: {  	s20 =	sadd.s32 $0x200, s30  }
0xea: {  	[tilespmem:s12], [sflag:$0x2] =	stream.linear.gather [hbm4b:s20+s2], $0x80, $0x38;
	[tilespmem:$0x1300] =	vst v63  }
0xeb: {  	_ =	swait.ge [sflag:s13], $0x80  }
0xec: {  	[sflag:s13] =	ssyncset.done $0x0  }
0xed: {  	[sflag:s13] =	ssyncadd.s32 $0xFFFFFF80  }
0xee: {  	_ =	swait.ge [sflag:s13], $0x80  }
0xef: {  	[sflag:s13] =	ssyncset.done $0x0  }
0xf0: {  	[sflag:s13] =	ssyncadd.s32 $0xFFFFFF80  }
0xf1: {  	_ =	swait.ge [sflag:s13], $0x80  }
0xf2: {  	[sflag:s13] =	ssyncset.done $0x0  }
0xf3: {  	[sflag:s13] =	ssyncadd.s32 $0xFFFFFF80  }
0xf4: {  	v16 =	vld [tilespmem:$0x0];
	_ =	sdelay $0x4  }
0xf5: {  	[tilespmem:v0+s14+$0x0] =	vst.idx.msk $0xffff, v16  }
0xf6: {  	v16 =	vld [tilespmem:$0x100];
	_ =	sdelay $0x4  }
0xf7: {  	[tilespmem:v1+s14+$0x0] =	vst.idx.msk $0xffff, v16  }
0xf8: {  	v16 =	vld [tilespmem:$0x10];
	_ =	sdelay $0x4  }
0xf9: {  	[tilespmem:v2+s14+$0x0] =	vst.idx.msk $0xffff, v16  }
0xfa: {  	v16 =	vld [tilespmem:$0x110];
	_ =	sdelay $0x4  }
0xfb: {  	[tilespmem:v3+s14+$0x0] =	vst.idx.msk $0xffff, v16  }
0xfc: {  	v16 =	vld [tilespmem:$0x20];
	_ =	sdelay $0x4  }
0xfd: {  	[tilespmem:v4+s14+$0x0] =	vst.idx.msk $0xffff, v16  }
0xfe: {  	v16 =	vld [tilespmem:$0x120];
	_ =	sdelay $0x4  }
0xff: {  	[tilespmem:v5+s14+$0x0] =	vst.idx.msk $0xffff, v16  }
0x100: {  	v16 =	vld [tilespmem:$0x30];
	_ =	sdelay $0x4  }
0x101: {  	[tilespmem:v6+s14+$0x0] =	vst.idx.msk $0xffff, v16  }
0x102: {  	v16 =	vld [tilespmem:$0x130];
	_ =	sdelay $0x4  }
0x103: {  	[tilespmem:v7+s14+$0x0] =	vst.idx.msk $0xffff, v16  }
0x104: {  	v16 =	vld [tilespmem:$0x40];
	_ =	sdelay $0x4  }
0x105: {  	[tilespmem:v8+s14+$0x0] =	vst.idx.msk $0xffff, v16  }
0x106: {  	v16 =	vld [tilespmem:$0x140];
	_ =	sdelay $0x4  }
0x107: {  	[tilespmem:v9+s14+$0x0] =	vst.idx.msk $0xffff, v16  }
0x108: {  	v16 =	vld [tilespmem:$0x50];
	_ =	sdelay $0x4  }
0x109: {  	[tilespmem:v10+s14+$0x0] =	vst.idx.msk $0xffff, v16  }
0x10a: {  	v16 =	vld [tilespmem:$0x150];
	_ =	sdelay $0x4  }
0x10b: {  	[tilespmem:v11+s14+$0x0] =	vst.idx.msk $0xffff, v16  }
0x10c: {  	v16 =	vld [tilespmem:$0x60];
	_ =	sdelay $0x4  }
0x10d: {  	[tilespmem:v12+s14+$0x0] =	vst.idx.msk $0xffff, v16  }
0x10e: {  	v16 =	vld [tilespmem:$0x160];
	_ =	sdelay $0x4  }
0x10f: {  	[tilespmem:v13+s14+$0x0] =	vst.idx.msk $0xffff, v16  }
0x110: {  	v16 =	vld [tilespmem:$0x70];
	_ =	sdelay $0x4  }
0x111: {  	[tilespmem:v14+s14+$0x0] =	vst.idx.msk $0xffff, v16  }
0x112: {  	v16 =	vld [tilespmem:$0x170];
	_ =	sdelay $0x4  }
0x113: {  	[tilespmem:v15+s14+$0x0] =	vst.idx.msk $0xffff, v16  }
0x114: {  	[hbm4b:s3+s10] =	stream.indirect.scatter [tilespmem:s14], [sflag:$0x3], $0x10, s9, s10, $0xb8;
	[tilespmem:$0x1300] =	vst v63  }
0x115: {  	_ =	swait.ge [sflag:s15], $0x80  }
0x116: {  	[sflag:s15] =	ssyncset.done $0x0  }
0x117: {  	[sflag:s15] =	ssyncadd.s32 $0xFFFFFF80  }
0x118: {  	_ =	swait.ge [sflag:s15], $0x80  }
0x119: {  	[sflag:s15] =	ssyncset.done $0x0  }
0x11a: {  	[sflag:s15] =	ssyncadd.s32 $0xFFFFFF80  }
0x11b: {  	_ =	swait.ge [sflag:s15], $0x80  }
0x11c: {  	[sflag:s15] =	ssyncset.done $0x0  }
0x11d: {  	[sflag:s15] =	ssyncadd.s32 $0xFFFFFF80  }
0x11e: {  	v16 =	vld [tilespmem:$0x80];
	_ =	sdelay $0x4  }
0x11f: {  	[tilespmem:v0+s16+$0x0] =	vst.idx.msk $0xffff, v16  }
0x120: {  	v16 =	vld [tilespmem:$0x180];
	_ =	sdelay $0x4  }
0x121: {  	[tilespmem:v1+s16+$0x0] =	vst.idx.msk $0xffff, v16  }
0x122: {  	v16 =	vld [tilespmem:$0x90];
	_ =	sdelay $0x4  }
0x123: {  	[tilespmem:v2+s16+$0x0] =	vst.idx.msk $0xffff, v16  }
0x124: {  	v16 =	vld [tilespmem:$0x190];
	_ =	sdelay $0x4  }
0x125: {  	[tilespmem:v3+s16+$0x0] =	vst.idx.msk $0xffff, v16  }
0x126: {  	v16 =	vld [tilespmem:$0xA0];
	_ =	sdelay $0x4  }
0x127: {  	[tilespmem:v4+s16+$0x0] =	vst.idx.msk $0xffff, v16  }
0x128: {  	v16 =	vld [tilespmem:$0x1A0];
	_ =	sdelay $0x4  }
0x129: {  	[tilespmem:v5+s16+$0x0] =	vst.idx.msk $0xffff, v16  }
0x12a: {  	v16 =	vld [tilespmem:$0xB0];
	_ =	sdelay $0x4  }
0x12b: {  	[tilespmem:v6+s16+$0x0] =	vst.idx.msk $0xffff, v16  }
0x12c: {  	v16 =	vld [tilespmem:$0x1B0];
	_ =	sdelay $0x4  }
0x12d: {  	[tilespmem:v7+s16+$0x0] =	vst.idx.msk $0xffff, v16  }
0x12e: {  	v16 =	vld [tilespmem:$0xC0];
	_ =	sdelay $0x4  }
0x12f: {  	[tilespmem:v8+s16+$0x0] =	vst.idx.msk $0xffff, v16  }
0x130: {  	v16 =	vld [tilespmem:$0x1C0];
	_ =	sdelay $0x4  }
0x131: {  	[tilespmem:v9+s16+$0x0] =	vst.idx.msk $0xffff, v16  }
0x132: {  	v16 =	vld [tilespmem:$0xD0];
	_ =	sdelay $0x4  }
0x133: {  	[tilespmem:v10+s16+$0x0] =	vst.idx.msk $0xffff, v16  }
0x134: {  	v16 =	vld [tilespmem:$0x1D0];
	_ =	sdelay $0x4  }
0x135: {  	[tilespmem:v11+s16+$0x0] =	vst.idx.msk $0xffff, v16  }
0x136: {  	v16 =	vld [tilespmem:$0xE0];
	_ =	sdelay $0x4  }
0x137: {  	[tilespmem:v12+s16+$0x0] =	vst.idx.msk $0xffff, v16  }
0x138: {  	v16 =	vld [tilespmem:$0x1E0];
	_ =	sdelay $0x4  }
0x139: {  	[tilespmem:v13+s16+$0x0] =	vst.idx.msk $0xffff, v16  }
0x13a: {  	v16 =	vld [tilespmem:$0xF0];
	_ =	sdelay $0x4  }
0x13b: {  	[tilespmem:v14+s16+$0x0] =	vst.idx.msk $0xffff, v16  }
0x13c: {  	v16 =	vld [tilespmem:$0x1F0];
	_ =	sdelay $0x4  }
0x13d: {  	s19 =	sadd.s32 $0x1, s19;
	[tilespmem:v15+s16+$0x0] =	vst.idx.msk $0xffff, v16  }
0x13e: {  	[hbm4b:s3+s10] =	stream.indirect.scatter [tilespmem:s16], [sflag:$0x4], $0x10, s12, s10, $0xb8;
	[tilespmem:$0x1300] =	vst v63  }
0x13f: {  	p0 =	sne.s32 s19, s4;
	_ =	swait.ge [sflag:s17], $0x800  }
.Ltmp1:
0x140: {  	[sflag:s17] =	ssyncset.done $0x0;
	(pc) =	sbr.rel @p0 .LBB2_1-.Ltmp1, $4  }
0x141: {  	[sflag:s17] =	ssyncadd.s32 $0xFFFFF800  }
0x142: {  	_ =	swait.ge [sflag:s18], $0x800  }
0x143: {  	[sflag:s18] =	ssyncset.done $0x0  }
0x144: {  	[sflag:s18] =	ssyncadd.s32 $0xFFFFF800  }
0x145: {  	_ =	sfence.sel $0x180000  }
0x146: {  	[bflag:$0x0] =	sbarrier.arrive $0xFFFF  }
0x147: {  	p0 =	sne.s32 s1, $0x0;
	_ =	strace $0x90000047  }
0x148: {  	s0 =	sadd.s32 @!p0 $0x100000, s0;
	[bflag:$0x2] =	sbarrier.arrive $0xFFFF  }
0x149: {  	[sflag:s0] =	ssyncadd.tile.s32 @!p0 $0x1;
	_ =	shalt  }
.Lfunc_end2:
_tile_overlayer_lowered:
.L_overlay_start_2:
0x14a: {  	(tag) =	ssettag $0x2  }
0x14b: {  	s0 =	rddreg [dreg:$0x0];
	s2 =	stileid.u32  }
0x14c: {  	s1 =	rddreg [dreg:$0x1];
	p0 =	sne.s32 s2, $0x0  }
0x14d: {  	s3 =	rddreg [dreg:$0x2];
	[bflag:$0x3] =	sbarrier.arrive $0xFFFF;
	s2 =	simm.s32 @!p0 $0x1C05  }
0x14e: {  	[timem:s3], [sflag:s2] =	dma.local @!p0 [hbm:s0], s1  }
0x14f: {  	s0 =	simm.s32 @!p0 $0x5  }
0x150: {  	_ =	swait.ge @!p0 [sflag:s0], s1  }
0x151: {  	s1 =	ssub.s32 @!p0 $0x0, s1;
	[sflag:s0] =	ssyncset.done @!p0 $0x0  }
0x152: {  	[sflag:s0] =	ssyncadd.s32 @!p0 s1  }
0x153: {  	[bflag:$0x3] =	sbarrier.arrive $0xFFFF  }
0x154: {  	_ =	shalt  }

</sc_bundles>
